<compile_context>
chip_gen: v7x
topology: tpu7x:2x2x1
jax: 0.10.2.dev20260603
libtpu: 0.0.44.dev20260713+nightly
codegen_flags: <defaults>
</compile_context>

<pallas_src>
import functools

import jax
import jax.numpy as jnp
from jax import lax
from jax.experimental import pallas as pl
from jax.experimental.pallas import tpu as pltpu
from jax.experimental.pallas import tpu_sc as plsc

NC = 2
NS = 16
LANES = 16

F32 = jnp.float32
I32 = jnp.int32

_BCAST_DN = jax.lax.GatherDimensionNumbers(
    offset_dims=(), collapsed_slice_dims=(0,), start_index_map=(0,))
_PIB = jax.lax.GatherScatterMode.PROMISE_IN_BOUNDS


def _pq_body(x_ref, w_ref, out_ref):
    out_ref[...] = jnp.dot(x_ref[...], w_ref[...],
                           preferred_element_type=F32)


def _compute_pq(x, w12):
    n, f = x.shape
    bn = 2000
    assert n % bn == 0
    return pl.pallas_call(
        _pq_body,
        grid=(n // bn,),
        in_specs=[
            pl.BlockSpec((bn, f), lambda i: (i, 0)),
            pl.BlockSpec((f, 8), lambda i: (0, 0)),
        ],
        out_specs=pl.BlockSpec((bn, 8), lambda i: (i, 0)),
        out_shape=jax.ShapeDtypeStruct((n, 8), F32),
    )(x, w12)


def _alpha_kernel(n, e_total, bsz):
    mesh = plsc.VectorSubcoreMesh(
        core_axis_name="c", subcore_axis_name="s",
        num_cores=NC, num_subcores=NS)
    nw = NC * NS
    per_w = e_total // nw
    assert per_w % bsz == 0
    n_batches = per_w // bsz

    @functools.partial(
        pl.kernel, mesh=mesh,
        out_type=jax.ShapeDtypeStruct((4 * e_total,), F32),
        compiler_params=pltpu.CompilerParams(needs_layout_passes=False),
        scratch_types=[
            pltpu.VMEM((n * 8,), F32),
            pltpu.VMEM((bsz,), I32),
            pltpu.VMEM((bsz,), I32),
            pltpu.VMEM((bsz,), F32),
            pltpu.VMEM((bsz,), F32),
            pltpu.VMEM((bsz,), F32),
            pltpu.VMEM((bsz,), F32),
            pltpu.VMEM((16,), F32),
        ],
    )
    def body(pq_hbm, col_hbm, row_hbm, b2p_hbm, alpha_hbm,
             pqv, colv, rowv, a0, a1, a2, a3, b2v):
        aout = [a0, a1, a2, a3]
        wid = lax.axis_index("s") * NC + lax.axis_index("c")
        pltpu.sync_copy(b2p_hbm, b2v)
        pltpu.sync_copy(pq_hbm, pqv)
        b2c = [plsc.load_gather(b2v, [jnp.full((LANES,), c, I32)])
               for c in range(4)]

        def batch(t, _):
            base = wid * per_w + t * bsz
            pltpu.sync_copy(col_hbm.at[pl.ds(base, bsz)], colv)
            pltpu.sync_copy(row_hbm.at[pl.ds(base, bsz)], rowv)

            @plsc.parallel_loop(0, bsz // LANES, step=1, unroll=4)
            def _group(g):
                sl = pl.ds(g * LANES, LANES)
                cvec = colv[sl] * 8
                rvec = rowv[sl] * 8
                gs = []
                for c in range(4):
                    pc = plsc.load_gather(pqv, [cvec + c])
                    qc = plsc.load_gather(pqv, [rvec + (c + 4)])
                    gs.append(pc + qc + b2c[c])
                m = jnp.maximum(jnp.maximum(gs[0], gs[1]),
                                jnp.maximum(gs[2], gs[3]))
                es = [jnp.exp(gv - m) for gv in gs]
                inv = 1.0 / (es[0] + es[1] + es[2] + es[3])
                for c in range(4):
                    aout[c][sl] = es[c] * inv

            for c in range(4):
                pltpu.sync_copy(aout[c],
                                alpha_hbm.at[pl.ds(c * e_total + base,
                                                   bsz)])
            return ()

        lax.fori_loop(0, n_batches, batch, (), unroll=False)

    return body


def _scatter_kernel(n, feat, e_total, cb):
    mesh = plsc.VectorSubcoreMesh(
        core_axis_name="c", subcore_axis_name="s",
        num_cores=NC, num_subcores=NS)
    per_tile = e_total // NS
    assert per_tile % cb == 0
    n_chunks = per_tile // cb
    zrows = 40
    nz = n // zrows
    zfull, zrem = nz // NS, nz % NS
    drows = 200
    nd = n // drows
    dfull, drem = nd // NS, nd % NS
    nf = feat // LANES

    grp = 10
    assert n_chunks % grp == 0 and grp % 2 == 0
    n_groups = n_chunks // grp
    gsz = grp * cb

    @functools.partial(
        pl.kernel, mesh=mesh,
        out_type=jax.ShapeDtypeStruct((4, n, feat), F32),
        compiler_params=pltpu.CompilerParams(needs_layout_passes=False),
        scratch_types=[
            pltpu.VMEM_SHARED((n, feat), F32),
            pltpu.VMEM((2 * gsz,), I32),
            pltpu.VMEM((2 * gsz,), I32),
            pltpu.VMEM((2 * gsz,), F32),
            pltpu.VMEM((cb, feat), F32),
            pltpu.VMEM((cb, feat), F32),
            pltpu.VMEM((cb, feat), F32),
            pltpu.VMEM((cb, feat), F32),
            pltpu.VMEM((zrows, feat), F32),
            pltpu.SemaphoreType.DMA,
            pltpu.SemaphoreType.DMA,
            pltpu.SemaphoreType.DMA,
            pltpu.SemaphoreType.DMA,
        ],
    )
    def body(x_hbm, col_hbm, row_hbm, alpha_hbm, s_hbm,
             acc, colb, rowb, ab, rg0, rg1, rs0, rs1, zbuf,
             gs0, gs1, ss0, ss1):
        core = lax.axis_index("c")
        sid = lax.axis_index("s")
        zvec = jnp.zeros((LANES,), F32)
        rg = [rg0, rg1]
        rs = [rs0, rs1]
        gsem = [gs0, gs1]
        ssem = [ss0, ss1]
        tile_base = sid * per_tile

        def zrow(i, _):
            for j in range(nf):
                zbuf[i, pl.ds(j * LANES, LANES)] = zvec
            return ()
        lax.fori_loop(0, zrows, zrow, (), unroll=False)

        def start_gather(off, p):
            pltpu.async_copy(
                x_hbm.at[colb.at[pl.ds(off, cb)]], rg[p], gsem[p])

        def wait_gather(p):
            pltpu.make_async_copy(
                x_hbm.at[colb.at[pl.ds(0, cb)]], rg[p], gsem[p]).wait()

        def wait_scatter(p):
            pltpu.make_async_copy(
                rs[p], acc.at[rowb.at[pl.ds(0, cb)]], ssem[p]).wait()

        for kk in range(2):
            k = core * 2 + kk
            for r in range(zfull):
                off = (sid + r * NS) * zrows
                pltpu.sync_copy(zbuf, acc.at[pl.ds(off, zrows)])
            if zrem:
                @pl.when(sid < zrem)
                def _():
                    off = (zfull * NS + sid) * zrows
                    pltpu.sync_copy(zbuf, acc.at[pl.ds(off, zrows)])
            plsc.subcore_barrier()

            def load_idx(half_off, ebase):
                pltpu.sync_copy(col_hbm.at[pl.ds(ebase, gsz)],
                                colb.at[pl.ds(half_off, gsz)])
                pltpu.sync_copy(row_hbm.at[pl.ds(ebase, gsz)],
                                rowb.at[pl.ds(half_off, gsz)])
                pltpu.sync_copy(alpha_hbm.at[pl.ds(k * e_total + ebase,
                                                   gsz)],
                                ab.at[pl.ds(half_off, gsz)])

            load_idx(0, tile_base)
            start_gather(0, 0)
            start_gather(cb, 1)

            n_duos = grp // 2

            def group(g, _):
                sel = (g % 2) * gsz
                nxt = ((g + 1) % 2) * gsz

                def duo(d, _):
                    for u in range(2):
                        p = u
                        base = sel + (d * 2 + u) * cb
                        wait_gather(p)

                        @pl.when((g > 0) | (d > 0))
                        def _():
                            wait_scatter(p)

                        @plsc.parallel_loop(0, cb, step=1, unroll=8)
                        def _scale(i):
                            asp = plsc.load_gather(
                                ab, [jnp.full((LANES,), base, I32) + i])
                            for f in range(nf):
                                sl = pl.ds(f * LANES, LANES)
                                rs[p][i, sl] = rg[p][i, sl] * asp

                        pltpu.async_copy(
                            rs[p], acc.at[rowb.at[pl.ds(base, cb)]],
                            ssem[p], add=True)

                        if u == 0:
                            @pl.when((d == 1) & (g < n_groups - 1))
                            def _():
                                load_idx(nxt, tile_base + (g + 1) * gsz)

                        @pl.when(d < n_duos - 1)
                        def _():
                            start_gather(base + 2 * cb, p)

                        @pl.when((d == n_duos - 1) & (g < n_groups - 1))
                        def _():
                            start_gather(nxt + u * cb, p)
                    return ()

                lax.fori_loop(0, n_duos, duo, (), unroll=False)
                return ()

            lax.fori_loop(0, n_groups, group, (), unroll=False)
            for p in range(2):
                wait_scatter(p)
            plsc.subcore_barrier()
            for r in range(dfull):
                off = (sid + r * NS) * drows
                pltpu.sync_copy(acc.at[pl.ds(off, drows)],
                                s_hbm.at[k, pl.ds(off, drows)])
            if drem:
                @pl.when(sid < drem)
                def _():
                    off = (dfull * NS + sid) * drows
                    pltpu.sync_copy(acc.at[pl.ds(off, drows)],
                                    s_hbm.at[k, pl.ds(off, drows)])
            plsc.subcore_barrier()

    return body


def _head_body(s_ref, wc_ref, b_ref, y1_ref, y2_ref):
    t = jnp.dot(s_ref[0], wc_ref[0], preferred_element_type=F32)
    t = t + b_ref[0, 0]
    nrm = jnp.sqrt(jnp.sum(t * t, axis=1, keepdims=True))
    y = t / jnp.maximum(nrm, 1e-12)
    y1_ref[...] = y
    y2_ref[0] = y


def _head(s, wc, bias):
    ch, n, f = s.shape
    h = wc.shape[2]
    bn = 1000
    assert n % bn == 0
    return pl.pallas_call(
        _head_body,
        grid=(ch, n // bn),
        in_specs=[
            pl.BlockSpec((1, bn, f), lambda k, i: (k, i, 0)),
            pl.BlockSpec((1, f, h), lambda k, i: (k, 0, 0)),
            pl.BlockSpec((1, 1, h), lambda k, i: (k, 0, 0)),
        ],
        out_specs=[
            pl.BlockSpec((bn, h), lambda k, i: (i, k)),
            pl.BlockSpec((1, bn, h), lambda k, i: (k, i, 0)),
        ],
        out_shape=[
            jax.ShapeDtypeStruct((n, ch * h), F32),
            jax.ShapeDtypeStruct((ch, n, h), F32),
        ],
    )(s, wc, bias)


def kernel(x, edge_index, W1, b1, W2, b2, Wc, bias):
    n, feat = x.shape
    e_total = edge_index.shape[1]
    ch = Wc.shape[0]
    assert ch == 4

    row = edge_index[0]
    col = edge_index[1]

    b12 = W1 @ W2
    w12 = jnp.concatenate([b12[:feat], b12[feat:]], axis=1)
    b2p = jnp.zeros((16,), F32).at[:4].set(b1 @ W2 + b2)

    pq = _compute_pq(x, w12).reshape(n * 8)
    alpha = _alpha_kernel(n, e_total, 2000)(pq, col, row, b2p)
    s = _scatter_kernel(n, feat, e_total, 80)(x, col, row, alpha)
    y1, y2 = _head(s, Wc, bias.reshape(ch, 1, -1))

    output = y1
    outputs = y2[: ch // 2].reshape((ch // 2) * n, y2.shape[2])
    outputus = y2[ch // 2:].reshape((ch // 2) * n, y2.shape[2])
    return (output, outputs, outputus)

# --- scband reference (transcript-rebuilt; emitter-appended) ---
"""Pipeline reference for scband-dis-gcn-6296422056677 (READ-ONLY COPY).

The authoritative reference and input builder live on the scoring server;
editing this copy changes nothing except your own understanding.
"""

import jax, jax.numpy as jnp
import numpy as np

N = 10000
E = 320000
NFEAT = 128
NHID = 128
CH = 4

def setup_inputs(seed: int = 0) -> dict:
    key = jax.random.key(seed)
    ks = jax.random.split(key, 8)
    x = jax.random.normal(ks[0], (N, NFEAT), dtype=jnp.float32)
    edge_index = jax.random.randint(ks[1], (2, E), 0, N, dtype=jnp.int32)
    # NeiborAssigner params: Linear(2*nfeat -> channels), Linear(channels -> channels)
    W1 = jax.random.normal(ks[2], (2 * NFEAT, CH), dtype=jnp.float32) * 0.05
    b1 = jnp.zeros((CH,), dtype=jnp.float32)
    W2 = jax.random.normal(ks[3], (CH, CH), dtype=jnp.float32) * 0.05
    b2 = jnp.zeros((CH,), dtype=jnp.float32)
    # DisenLayer per-channel conv weights (Linear, no bias) + per-channel bias
    Wc = jax.random.normal(ks[4], (CH, NFEAT, NHID), dtype=jnp.float32) * 0.05
    bias = jax.random.normal(ks[5], (CH, NHID), dtype=jnp.float32) * 0.05
    return {"x": x, "edge_index": edge_index, "W1": W1, "b1": b1, "W2": W2, "b2": b2, "Wc": Wc, "bias": bias}

def reference(x, edge_index, W1, b1, W2, b2, Wc, bias):
    row = edge_index[0]
    col = edge_index[1]
    # assigner on detached features: feats_pair = [x[col], x[row]]
    xd = jax.lax.stop_gradient(x)
    feats_pair = jnp.concatenate([jnp.take(xd, col, axis=0), jnp.take(xd, row, axis=0)], axis=1)
    h = feats_pair @ W1 + b1
    alpha = jax.nn.softmax(h @ W2 + b2, axis=1)  # [E, CH] edge weights per channel
    # DisenLayer (reduce=False, aggr='add'), layer_num=2 -> single layer
    c_feats = []
    for k in range(CH):
        c = x @ Wc[k]  # [N, NHID]
        msg = alpha[:, k:k + 1] * jnp.take(c, col, axis=0)  # [E, NHID]
        out = jnp.zeros((N, NHID), dtype=x.dtype).at[row].add(msg)
        out = out + bias[k]
        nrm = jnp.maximum(jnp.linalg.norm(out, axis=1, keepdims=True), 1e-12)
        c_feats.append(out / nrm)
    output = jnp.concatenate(c_feats, axis=1)          # [N, CH*NHID]
    outputs = jnp.concatenate(c_feats[:CH // 2], axis=0)   # [(CH//2)*N, NHID]
    outputus = jnp.concatenate(c_feats[CH // 2:], axis=0)  # [(CH//2)*N, NHID]
    # dropout is identity in eval mode
    return (output, outputs, outputus)

if __name__ == "__main__":
    import jax
    _d = setup_inputs()
    print(jax.jit(kernel)(*tuple(_d.values())))

</pallas_src>

<mosaic_0001>
#map = affine_map<(d0, d1) -> (0)>
module attributes {stable_mosaic.version = 14 : i64} {
  func.func @body(%arg0: i32, %arg1: i32, %arg2: memref<80000xf32, #tpu.memory_space<hbm>>, %arg3: memref<320000xi32, #tpu.memory_space<hbm>>, %arg4: memref<320000xi32, #tpu.memory_space<hbm>>, %arg5: memref<16xf32, #tpu.memory_space<hbm>>, %arg6: memref<1280000xf32, #tpu.memory_space<hbm>>, %arg7: memref<80000xf32, #tpu.memory_space<vmem>>, %arg8: memref<2000xi32, #tpu.memory_space<vmem>>, %arg9: memref<2000xi32, #tpu.memory_space<vmem>>, %arg10: memref<2000xf32, #tpu.memory_space<vmem>>, %arg11: memref<2000xf32, #tpu.memory_space<vmem>>, %arg12: memref<2000xf32, #tpu.memory_space<vmem>>, %arg13: memref<2000xf32, #tpu.memory_space<vmem>>, %arg14: memref<16xf32, #tpu.memory_space<vmem>>) attributes {dimension_semantics = [#tpu.dimension_semantics<core_parallel>, #tpu.dimension_semantics<subcore_parallel>], iteration_bounds = array<i64: 2, 16>, scalar_prefetch = 0 : i64, scratch_operands = 8 : i64, tpu.core_type = #tpu.core_type<sc_vector_subcore>, window_params = [{transform_indices = #map}, {transform_indices = #map}, {transform_indices = #map}, {transform_indices = #map}, {transform_indices = #map}]} {
    %mul3A = arith.constant 2 : i32
    %mul3A_0 = arith.muli %arg1, %mul3A : i32
    %add3A = arith.addi %mul3A_0, %arg0 : i32
    "tpu.region"() ({
      %run_scoped3A = tpu.sem_alloc : memref<!tpu.dma_semaphore, #tpu.memory_space<semaphore_mem>>
      tpu.enqueue_dma source(%arg5 : memref<16xf32, #tpu.memory_space<hbm>>) target(%arg14 : memref<16xf32, #tpu.memory_space<vmem>>) target_semaphore(%run_scoped3A : memref<!tpu.dma_semaphore, #tpu.memory_space<semaphore_mem>>)
      tpu.wait_dma2 semaphore(%run_scoped3A : memref<!tpu.dma_semaphore, #tpu.memory_space<semaphore_mem>>) src(%arg5 : memref<16xf32, #tpu.memory_space<hbm>>) dst(%arg14 : memref<16xf32, #tpu.memory_space<vmem>>)
      tpu.yield
    }) : () -> ()
    "tpu.region"() ({
      %run_scoped3A = tpu.sem_alloc : memref<!tpu.dma_semaphore, #tpu.memory_space<semaphore_mem>>
      tpu.enqueue_dma source(%arg2 : memref<80000xf32, #tpu.memory_space<hbm>>) target(%arg7 : memref<80000xf32, #tpu.memory_space<vmem>>) target_semaphore(%run_scoped3A : memref<!tpu.dma_semaphore, #tpu.memory_space<semaphore_mem>>)
      tpu.wait_dma2 semaphore(%run_scoped3A : memref<!tpu.dma_semaphore, #tpu.memory_space<semaphore_mem>>) src(%arg2 : memref<80000xf32, #tpu.memory_space<hbm>>) dst(%arg7 : memref<80000xf32, #tpu.memory_space<vmem>>)
      tpu.yield
    }) : () -> ()
    %broadcast_in_dim3A = arith.constant 0 : i32
    %broadcast_in_dim3A_1 = vector.broadcast %broadcast_in_dim3A : i32 to vector<16xi32>
    %gather3A = tpu.vector_load_idx %arg14[%broadcast_in_dim3A_1] : memref<16xf32, #tpu.memory_space<vmem>>[vector<16xi32>], vector<16xf32>,
    %broadcast_in_dim3A_2 = arith.constant 1 : i32
    %broadcast_in_dim3A_3 = vector.broadcast %broadcast_in_dim3A_2 : i32 to vector<16xi32>
    %gather3A_4 = tpu.vector_load_idx %arg14[%broadcast_in_dim3A_3] : memref<16xf32, #tpu.memory_space<vmem>>[vector<16xi32>], vector<16xf32>,
    %broadcast_in_dim3A_5 = arith.constant 2 : i32
    %broadcast_in_dim3A_6 = vector.broadcast %broadcast_in_dim3A_5 : i32 to vector<16xi32>
    %gather3A_7 = tpu.vector_load_idx %arg14[%broadcast_in_dim3A_6] : memref<16xf32, #tpu.memory_space<vmem>>[vector<16xi32>], vector<16xf32>,
    %broadcast_in_dim3A_8 = arith.constant 3 : i32
    %broadcast_in_dim3A_9 = vector.broadcast %broadcast_in_dim3A_8 : i32 to vector<16xi32>
    %gather3A_10 = tpu.vector_load_idx %arg14[%broadcast_in_dim3A_9] : memref<16xf32, #tpu.memory_space<vmem>>[vector<16xi32>], vector<16xf32>,
    %scan3A = arith.constant 0 : i32
    %scan3A_11 = arith.constant 5 : i32
    %scan3A_12 = arith.addi %scan3A, %scan3A_11 : i32
    %scan3A_13 = arith.constant 1 : i32
    scf.for %scan3A_15 = %scan3A to %scan3A_12 step %scan3A_13  : i32 {
      %mul3A_16 = arith.constant 10000 : i32
      %mul3A_17 = arith.muli %add3A, %mul3A_16 : i32
      %mul3A_18 = arith.constant 2000 : i32
      %mul3A_19 = arith.muli %scan3A_15, %mul3A_18 : i32
      %add3A_20 = arith.addi %mul3A_17, %mul3A_19 : i32
      "tpu.region"() ({
        %run_scoped3A = tpu.sem_alloc : memref<!tpu.dma_semaphore, #tpu.memory_space<semaphore_mem>>
        %dma_start3A = tpu.memref_slice %arg3[%add3A_20] : memref<320000xi32, #tpu.memory_space<hbm>> -> memref<2000xi32, #tpu.memory_space<hbm>>
        %dma_start3A_31 = tpu.memref_slice %arg3[%add3A_20] : memref<320000xi32, #tpu.memory_space<hbm>> -> memref<2000xi32, #tpu.memory_space<hbm>>
        tpu.enqueue_dma source(%dma_start3A_31 : memref<2000xi32, #tpu.memory_space<hbm>>) target(%arg8 : memref<2000xi32, #tpu.memory_space<vmem>>) target_semaphore(%run_scoped3A : memref<!tpu.dma_semaphore, #tpu.memory_space<semaphore_mem>>)
        %dma_wait3A = tpu.memref_slice %arg3[%add3A_20] : memref<320000xi32, #tpu.memory_space<hbm>> -> memref<2000xi32, #tpu.memory_space<hbm>>
        %dma_wait3A_32 = tpu.memref_slice %arg3[%add3A_20] : memref<320000xi32, #tpu.memory_space<hbm>> -> memref<2000xi32, #tpu.memory_space<hbm>>
        tpu.wait_dma2 semaphore(%run_scoped3A : memref<!tpu.dma_semaphore, #tpu.memory_space<semaphore_mem>>) src(%dma_wait3A_32 : memref<2000xi32, #tpu.memory_space<hbm>>) dst(%arg8 : memref<2000xi32, #tpu.memory_space<vmem>>)
        tpu.yield
      }) : () -> ()
      "tpu.region"() ({
        %run_scoped3A = tpu.sem_alloc : memref<!tpu.dma_semaphore, #tpu.memory_space<semaphore_mem>>
        %dma_start3A = tpu.memref_slice %arg4[%add3A_20] : memref<320000xi32, #tpu.memory_space<hbm>> -> memref<2000xi32, #tpu.memory_space<hbm>>
        %dma_start3A_31 = tpu.memref_slice %arg4[%add3A_20] : memref<320000xi32, #tpu.memory_space<hbm>> -> memref<2000xi32, #tpu.memory_space<hbm>>
        tpu.enqueue_dma source(%dma_start3A_31 : memref<2000xi32, #tpu.memory_space<hbm>>) target(%arg9 : memref<2000xi32, #tpu.memory_space<vmem>>) target_semaphore(%run_scoped3A : memref<!tpu.dma_semaphore, #tpu.memory_space<semaphore_mem>>)
        %dma_wait3A = tpu.memref_slice %arg4[%add3A_20] : memref<320000xi32, #tpu.memory_space<hbm>> -> memref<2000xi32, #tpu.memory_space<hbm>>
        %dma_wait3A_32 = tpu.memref_slice %arg4[%add3A_20] : memref<320000xi32, #tpu.memory_space<hbm>> -> memref<2000xi32, #tpu.memory_space<hbm>>
        tpu.wait_dma2 semaphore(%run_scoped3A : memref<!tpu.dma_semaphore, #tpu.memory_space<semaphore_mem>>) src(%dma_wait3A_32 : memref<2000xi32, #tpu.memory_space<hbm>>) dst(%arg9 : memref<2000xi32, #tpu.memory_space<vmem>>)
        tpu.yield
      }) : () -> ()
      %parallel_loop3A = arith.constant 0 : i32
      %parallel_loop3A_21 = arith.constant 125 : i32
      %parallel_loop3A_22 = arith.constant 1 : i32
      scf.for %parallel_loop3A_31 = %parallel_loop3A to %parallel_loop3A_21 step %parallel_loop3A_22  : i32 {
        %parallel_loop3A_32 = arith.constant 16 : i32
        %parallel_loop3A_33 = arith.muli %parallel_loop3A_31, %parallel_loop3A_32 : i32
        %parallel_loop3A_34 = arith.index_cast %parallel_loop3A_33 : i32 to index
        %parallel_loop3A_35 = tpu.vector_load %arg8[%parallel_loop3A_34] {strides = array<i32>} : memref<2000xi32, #tpu.memory_space<vmem>>, vector<16xi32>,
        %parallel_loop3A_36 = arith.constant 8 : i32
        %parallel_loop3A_37 = vector.broadcast %parallel_loop3A_36 : i32 to vector<16xi32>
        %parallel_loop3A_38 = arith.muli %parallel_loop3A_35, %parallel_loop3A_37 : vector<16xi32>
        %parallel_loop3A_39 = arith.index_cast %parallel_loop3A_33 : i32 to index
        %parallel_loop3A_40 = tpu.vector_load %arg9[%parallel_loop3A_39] {strides = array<i32>} : memref<2000xi32, #tpu.memory_space<vmem>>, vector<16xi32>,
        %parallel_loop3A_41 = arith.constant 8 : i32
        %parallel_loop3A_42 = vector.broadcast %parallel_loop3A_41 : i32 to vector<16xi32>
        %parallel_loop3A_43 = arith.muli %parallel_loop3A_40, %parallel_loop3A_42 : vector<16xi32>
        %parallel_loop3A_44 = arith.constant 0 : i32
        %parallel_loop3A_45 = vector.broadcast %parallel_loop3A_44 : i32 to vector<16xi32>
        %parallel_loop3A_46 = arith.addi %parallel_loop3A_38, %parallel_loop3A_45 : vector<16xi32>
        %parallel_loop3A_47 = tpu.vector_load_idx %arg7[%parallel_loop3A_46] : memref<80000xf32, #tpu.memory_space<vmem>>[vector<16xi32>], vector<16xf32>,
        %parallel_loop3A_48 = arith.constant 4 : i32
        %parallel_loop3A_49 = vector.broadcast %parallel_loop3A_48 : i32 to vector<16xi32>
        %parallel_loop3A_50 = arith.addi %parallel_loop3A_43, %parallel_loop3A_49 : vector<16xi32>
        %parallel_loop3A_51 = tpu.vector_load_idx %arg7[%parallel_loop3A_50] : memref<80000xf32, #tpu.memory_space<vmem>>[vector<16xi32>], vector<16xf32>,
        %parallel_loop3A_52 = arith.addf %parallel_loop3A_47, %parallel_loop3A_51 : vector<16xf32>
        %parallel_loop3A_53 = arith.addf %parallel_loop3A_52, %gather3A : vector<16xf32>
        %parallel_loop3A_54 = arith.constant 1 : i32
        %parallel_loop3A_55 = vector.broadcast %parallel_loop3A_54 : i32 to vector<16xi32>
        %parallel_loop3A_56 = arith.addi %parallel_loop3A_38, %parallel_loop3A_55 : vector<16xi32>
        %parallel_loop3A_57 = tpu.vector_load_idx %arg7[%parallel_loop3A_56] : memref<80000xf32, #tpu.memory_space<vmem>>[vector<16xi32>], vector<16xf32>,
        %parallel_loop3A_58 = arith.constant 5 : i32
        %parallel_loop3A_59 = vector.broadcast %parallel_loop3A_58 : i32 to vector<16xi32>
        %parallel_loop3A_60 = arith.addi %parallel_loop3A_43, %parallel_loop3A_59 : vector<16xi32>
        %parallel_loop3A_61 = tpu.vector_load_idx %arg7[%parallel_loop3A_60] : memref<80000xf32, #tpu.memory_space<vmem>>[vector<16xi32>], vector<16xf32>,
        %parallel_loop3A_62 = arith.addf %parallel_loop3A_57, %parallel_loop3A_61 : vector<16xf32>
        %parallel_loop3A_63 = arith.addf %parallel_loop3A_62, %gather3A_4 : vector<16xf32>
        %parallel_loop3A_64 = arith.constant 2 : i32
        %parallel_loop3A_65 = vector.broadcast %parallel_loop3A_64 : i32 to vector<16xi32>
        %parallel_loop3A_66 = arith.addi %parallel_loop3A_38, %parallel_loop3A_65 : vector<16xi32>
        %parallel_loop3A_67 = tpu.vector_load_idx %arg7[%parallel_loop3A_66] : memref<80000xf32, #tpu.memory_space<vmem>>[vector<16xi32>], vector<16xf32>,
        %parallel_loop3A_68 = arith.constant 6 : i32
        %parallel_loop3A_69 = vector.broadcast %parallel_loop3A_68 : i32 to vector<16xi32>
        %parallel_loop3A_70 = arith.addi %parallel_loop3A_43, %parallel_loop3A_69 : vector<16xi32>
        %parallel_loop3A_71 = tpu.vector_load_idx %arg7[%parallel_loop3A_70] : memref<80000xf32, #tpu.memory_space<vmem>>[vector<16xi32>], vector<16xf32>,
        %parallel_loop3A_72 = arith.addf %parallel_loop3A_67, %parallel_loop3A_71 : vector<16xf32>
        %parallel_loop3A_73 = arith.addf %parallel_loop3A_72, %gather3A_7 : vector<16xf32>
        %parallel_loop3A_74 = arith.constant 3 : i32
        %parallel_loop3A_75 = vector.broadcast %parallel_loop3A_74 : i32 to vector<16xi32>
        %parallel_loop3A_76 = arith.addi %parallel_loop3A_38, %parallel_loop3A_75 : vector<16xi32>
        %parallel_loop3A_77 = tpu.vector_load_idx %arg7[%parallel_loop3A_76] : memref<80000xf32, #tpu.memory_space<vmem>>[vector<16xi32>], vector<16xf32>,
        %parallel_loop3A_78 = arith.constant 7 : i32
        %parallel_loop3A_79 = vector.broadcast %parallel_loop3A_78 : i32 to vector<16xi32>
        %parallel_loop3A_80 = arith.addi %parallel_loop3A_43, %parallel_loop3A_79 : vector<16xi32>
        %parallel_loop3A_81 = tpu.vector_load_idx %arg7[%parallel_loop3A_80] : memref<80000xf32, #tpu.memory_space<vmem>>[vector<16xi32>], vector<16xf32>,
        %parallel_loop3A_82 = arith.addf %parallel_loop3A_77, %parallel_loop3A_81 : vector<16xf32>
        %parallel_loop3A_83 = arith.addf %parallel_loop3A_82, %gather3A_10 : vector<16xf32>
        %parallel_loop3A_84 = arith.maximumf %parallel_loop3A_53, %parallel_loop3A_63 : vector<16xf32>
        %parallel_loop3A_85 = arith.maximumf %parallel_loop3A_73, %parallel_loop3A_83 : vector<16xf32>
        %parallel_loop3A_86 = arith.maximumf %parallel_loop3A_84, %parallel_loop3A_85 : vector<16xf32>
        %parallel_loop3A_87 = arith.subf %parallel_loop3A_53, %parallel_loop3A_86 : vector<16xf32>
        %parallel_loop3A_88 = math.exp %parallel_loop3A_87 : vector<16xf32>
        %parallel_loop3A_89 = arith.subf %parallel_loop3A_63, %parallel_loop3A_86 : vector<16xf32>
        %parallel_loop3A_90 = math.exp %parallel_loop3A_89 : vector<16xf32>
        %parallel_loop3A_91 = arith.subf %parallel_loop3A_73, %parallel_loop3A_86 : vector<16xf32>
        %parallel_loop3A_92 = math.exp %parallel_loop3A_91 : vector<16xf32>
        %parallel_loop3A_93 = arith.subf %parallel_loop3A_83, %parallel_loop3A_86 : vector<16xf32>
        %parallel_loop3A_94 = math.exp %parallel_loop3A_93 : vector<16xf32>
        %parallel_loop3A_95 = arith.addf %parallel_loop3A_88, %parallel_loop3A_90 : vector<16xf32>
        %parallel_loop3A_96 = arith.addf %parallel_loop3A_95, %parallel_loop3A_92 : vector<16xf32>
        %parallel_loop3A_97 = arith.addf %parallel_loop3A_96, %parallel_loop3A_94 : vector<16xf32>
        %parallel_loop3A_98 = arith.constant 1.000000e+00 : f32
        %parallel_loop3A_99 = vector.broadcast %parallel_loop3A_98 : f32 to vector<16xf32>
        %parallel_loop3A_100 = arith.divf %parallel_loop3A_99, %parallel_loop3A_97 : vector<16xf32>
        %parallel_loop3A_101 = arith.mulf %parallel_loop3A_88, %parallel_loop3A_100 : vector<16xf32>
        %parallel_loop3A_102 = arith.index_cast %parallel_loop3A_33 : i32 to index
        %parallel_loop3A_103 = tpu.vector_load %arg10[%parallel_loop3A_102] {strides = array<i32>} : memref<2000xf32, #tpu.memory_space<vmem>>, vector<16xf32>,
        tpu.vector_store %arg10[%parallel_loop3A_102], %parallel_loop3A_101 {strides = array<i32>} : memref<2000xf32, #tpu.memory_space<vmem>>, vector<16xf32>,
        %parallel_loop3A_104 = arith.mulf %parallel_loop3A_90, %parallel_loop3A_100 : vector<16xf32>
        %parallel_loop3A_105 = arith.index_cast %parallel_loop3A_33 : i32 to index
        %parallel_loop3A_106 = tpu.vector_load %arg11[%parallel_loop3A_105] {strides = array<i32>} : memref<2000xf32, #tpu.memory_space<vmem>>, vector<16xf32>,
        tpu.vector_store %arg11[%parallel_loop3A_105], %parallel_loop3A_104 {strides = array<i32>} : memref<2000xf32, #tpu.memory_space<vmem>>, vector<16xf32>,
        %parallel_loop3A_107 = arith.mulf %parallel_loop3A_92, %parallel_loop3A_100 : vector<16xf32>
        %parallel_loop3A_108 = arith.index_cast %parallel_loop3A_33 : i32 to index
        %parallel_loop3A_109 = tpu.vector_load %arg12[%parallel_loop3A_108] {strides = array<i32>} : memref<2000xf32, #tpu.memory_space<vmem>>, vector<16xf32>,
        tpu.vector_store %arg12[%parallel_loop3A_108], %parallel_loop3A_107 {strides = array<i32>} : memref<2000xf32, #tpu.memory_space<vmem>>, vector<16xf32>,
        %parallel_loop3A_110 = arith.mulf %parallel_loop3A_94, %parallel_loop3A_100 : vector<16xf32>
        %parallel_loop3A_111 = arith.index_cast %parallel_loop3A_33 : i32 to index
        %parallel_loop3A_112 = tpu.vector_load %arg13[%parallel_loop3A_111] {strides = array<i32>} : memref<2000xf32, #tpu.memory_space<vmem>>, vector<16xf32>,
        tpu.vector_store %arg13[%parallel_loop3A_111], %parallel_loop3A_110 {strides = array<i32>} : memref<2000xf32, #tpu.memory_space<vmem>>, vector<16xf32>,
      } {sc.loop_unroll_factor = 4 : i64, sc.parallel_access}
      %add3A_23 = arith.constant 0 : i32
      %add3A_24 = arith.addi %add3A_23, %add3A_20 : i32
      "tpu.region"() ({
        %run_scoped3A = tpu.sem_alloc : memref<!tpu.dma_semaphore, #tpu.memory_space<semaphore_mem>>
        %dma_start3A = tpu.memref_slice %arg6[%add3A_24] : memref<1280000xf32, #tpu.memory_space<hbm>> -> memref<2000xf32, #tpu.memory_space<hbm>>
        %dma_start3A_31 = tpu.memref_slice %arg6[%add3A_24] : memref<1280000xf32, #tpu.memory_space<hbm>> -> memref<2000xf32, #tpu.memory_space<hbm>>
        tpu.enqueue_dma source(%arg10 : memref<2000xf32, #tpu.memory_space<vmem>>) target(%dma_start3A_31 : memref<2000xf32, #tpu.memory_space<hbm>>) target_semaphore(%run_scoped3A : memref<!tpu.dma_semaphore, #tpu.memory_space<semaphore_mem>>)
        %dma_wait3A = tpu.memref_slice %arg6[%add3A_24] : memref<1280000xf32, #tpu.memory_space<hbm>> -> memref<2000xf32, #tpu.memory_space<hbm>>
        %dma_wait3A_32 = tpu.memref_slice %arg6[%add3A_24] : memref<1280000xf32, #tpu.memory_space<hbm>> -> memref<2000xf32, #tpu.memory_space<hbm>>
        tpu.wait_dma2 semaphore(%run_scoped3A : memref<!tpu.dma_semaphore, #tpu.memory_space<semaphore_mem>>) src(%arg10 : memref<2000xf32, #tpu.memory_space<vmem>>) dst(%dma_wait3A_32 : memref<2000xf32, #tpu.memory_space<hbm>>)
        tpu.yield
      }) : () -> ()
      %add3A_25 = arith.constant 320000 : i32
      %add3A_26 = arith.addi %add3A_25, %add3A_20 : i32
      "tpu.region"() ({
        %run_scoped3A = tpu.sem_alloc : memref<!tpu.dma_semaphore, #tpu.memory_space<semaphore_mem>>
        %dma_start3A = tpu.memref_slice %arg6[%add3A_26] : memref<1280000xf32, #tpu.memory_space<hbm>> -> memref<2000xf32, #tpu.memory_space<hbm>>
        %dma_start3A_31 = tpu.memref_slice %arg6[%add3A_26] : memref<1280000xf32, #tpu.memory_space<hbm>> -> memref<2000xf32, #tpu.memory_space<hbm>>
        tpu.enqueue_dma source(%arg11 : memref<2000xf32, #tpu.memory_space<vmem>>) target(%dma_start3A_31 : memref<2000xf32, #tpu.memory_space<hbm>>) target_semaphore(%run_scoped3A : memref<!tpu.dma_semaphore, #tpu.memory_space<semaphore_mem>>)
        %dma_wait3A = tpu.memref_slice %arg6[%add3A_26] : memref<1280000xf32, #tpu.memory_space<hbm>> -> memref<2000xf32, #tpu.memory_space<hbm>>
        %dma_wait3A_32 = tpu.memref_slice %arg6[%add3A_26] : memref<1280000xf32, #tpu.memory_space<hbm>> -> memref<2000xf32, #tpu.memory_space<hbm>>
        tpu.wait_dma2 semaphore(%run_scoped3A : memref<!tpu.dma_semaphore, #tpu.memory_space<semaphore_mem>>) src(%arg11 : memref<2000xf32, #tpu.memory_space<vmem>>) dst(%dma_wait3A_32 : memref<2000xf32, #tpu.memory_space<hbm>>)
        tpu.yield
      }) : () -> ()
      %add3A_27 = arith.constant 640000 : i32
      %add3A_28 = arith.addi %add3A_27, %add3A_20 : i32
      "tpu.region"() ({
        %run_scoped3A = tpu.sem_alloc : memref<!tpu.dma_semaphore, #tpu.memory_space<semaphore_mem>>
        %dma_start3A = tpu.memref_slice %arg6[%add3A_28] : memref<1280000xf32, #tpu.memory_space<hbm>> -> memref<2000xf32, #tpu.memory_space<hbm>>
        %dma_start3A_31 = tpu.memref_slice %arg6[%add3A_28] : memref<1280000xf32, #tpu.memory_space<hbm>> -> memref<2000xf32, #tpu.memory_space<hbm>>
        tpu.enqueue_dma source(%arg12 : memref<2000xf32, #tpu.memory_space<vmem>>) target(%dma_start3A_31 : memref<2000xf32, #tpu.memory_space<hbm>>) target_semaphore(%run_scoped3A : memref<!tpu.dma_semaphore, #tpu.memory_space<semaphore_mem>>)
        %dma_wait3A = tpu.memref_slice %arg6[%add3A_28] : memref<1280000xf32, #tpu.memory_space<hbm>> -> memref<2000xf32, #tpu.memory_space<hbm>>
        %dma_wait3A_32 = tpu.memref_slice %arg6[%add3A_28] : memref<1280000xf32, #tpu.memory_space<hbm>> -> memref<2000xf32, #tpu.memory_space<hbm>>
        tpu.wait_dma2 semaphore(%run_scoped3A : memref<!tpu.dma_semaphore, #tpu.memory_space<semaphore_mem>>) src(%arg12 : memref<2000xf32, #tpu.memory_space<vmem>>) dst(%dma_wait3A_32 : memref<2000xf32, #tpu.memory_space<hbm>>)
        tpu.yield
      }) : () -> ()
      %add3A_29 = arith.constant 960000 : i32
      %add3A_30 = arith.addi %add3A_29, %add3A_20 : i32
      "tpu.region"() ({
        %run_scoped3A = tpu.sem_alloc : memref<!tpu.dma_semaphore, #tpu.memory_space<semaphore_mem>>
        %dma_start3A = tpu.memref_slice %arg6[%add3A_30] : memref<1280000xf32, #tpu.memory_space<hbm>> -> memref<2000xf32, #tpu.memory_space<hbm>>
        %dma_start3A_31 = tpu.memref_slice %arg6[%add3A_30] : memref<1280000xf32, #tpu.memory_space<hbm>> -> memref<2000xf32, #tpu.memory_space<hbm>>
        tpu.enqueue_dma source(%arg13 : memref<2000xf32, #tpu.memory_space<vmem>>) target(%dma_start3A_31 : memref<2000xf32, #tpu.memory_space<hbm>>) target_semaphore(%run_scoped3A : memref<!tpu.dma_semaphore, #tpu.memory_space<semaphore_mem>>)
        %dma_wait3A = tpu.memref_slice %arg6[%add3A_30] : memref<1280000xf32, #tpu.memory_space<hbm>> -> memref<2000xf32, #tpu.memory_space<hbm>>
        %dma_wait3A_32 = tpu.memref_slice %arg6[%add3A_30] : memref<1280000xf32, #tpu.memory_space<hbm>> -> memref<2000xf32, #tpu.memory_space<hbm>>
        tpu.wait_dma2 semaphore(%run_scoped3A : memref<!tpu.dma_semaphore, #tpu.memory_space<semaphore_mem>>) src(%arg13 : memref<2000xf32, #tpu.memory_space<vmem>>) dst(%dma_wait3A_32 : memref<2000xf32, #tpu.memory_space<hbm>>)
        tpu.yield
      }) : () -> ()
    }
    %scan3A_14 = arith.constant 5 : i32
    return
  }
}

#map = affine_map<(d0, d1) -> (0, 0)>
#map1 = affine_map<(d0, d1) -> (0)>
#map2 = affine_map<(d0, d1) -> (0, 0, 0)>
module attributes {stable_mosaic.version = 14 : i64} {
  func.func @body(%arg0: i32, %arg1: i32, %arg2: memref<10000x128xf32, #tpu.memory_space<hbm>>, %arg3: memref<320000xi32, #tpu.memory_space<hbm>>, %arg4: memref<320000xi32, #tpu.memory_space<hbm>>, %arg5: memref<1280000xf32, #tpu.memory_space<hbm>>, %arg6: memref<4x10000x128xf32, #tpu.memory_space<hbm>>, %arg7: memref<10000x128xf32, #tpu.memory_space<vmem_shared>>, %arg8: memref<1600xi32, #tpu.memory_space<vmem>>, %arg9: memref<1600xi32, #tpu.memory_space<vmem>>, %arg10: memref<1600xf32, #tpu.memory_space<vmem>>, %arg11: memref<80x128xf32, #tpu.memory_space<vmem>>, %arg12: memref<80x128xf32, #tpu.memory_space<vmem>>, %arg13: memref<80x128xf32, #tpu.memory_space<vmem>>, %arg14: memref<80x128xf32, #tpu.memory_space<vmem>>, %arg15: memref<40x128xf32, #tpu.memory_space<vmem>>, %arg16: memref<!tpu.dma_semaphore, #tpu.memory_space<semaphore_mem>>, %arg17: memref<!tpu.dma_semaphore, #tpu.memory_space<semaphore_mem>>, %arg18: memref<!tpu.dma_semaphore, #tpu.memory_space<semaphore_mem>>, %arg19: memref<!tpu.dma_semaphore, #tpu.memory_space<semaphore_mem>>) attributes {dimension_semantics = [#tpu.dimension_semantics<core_parallel>, #tpu.dimension_semantics<subcore_parallel>], iteration_bounds = array<i64: 2, 16>, scalar_prefetch = 0 : i64, scratch_operands = 13 : i64, tpu.core_type = #tpu.core_type<sc_vector_subcore>, window_params = [{transform_indices = #map}, {transform_indices = #map1}, {transform_indices = #map1}, {transform_indices = #map1}, {transform_indices = #map2}]} {
    %broadcast_in_dim3A = arith.constant 0.000000e+00 : f32
    %broadcast_in_dim3A_0 = vector.broadcast %broadcast_in_dim3A : f32 to vector<16xf32>
    %mul3A = arith.constant 20000 : i32
    %mul3A_1 = arith.muli %arg1, %mul3A : i32
    %scan3A = arith.constant 0 : i32
    %scan3A_2 = arith.constant 40 : i32
    %scan3A_3 = arith.addi %scan3A, %scan3A_2 : i32
    %scan3A_4 = arith.constant 1 : i32
    scf.for %scan3A_233 = %scan3A to %scan3A_3 step %scan3A_4  : i32 {
      %swap3A = arith.index_cast %scan3A_233 : i32 to index
      %swap3A_234 = arith.constant 0 : index
      %swap3A_235 = tpu.vector_load %arg15[%swap3A, %swap3A_234] {strides = array<i32>} : memref<40x128xf32, #tpu.memory_space<vmem>>, vector<16xf32>,
      tpu.vector_store %arg15[%swap3A, %swap3A_234], %broadcast_in_dim3A_0 {strides = array<i32>} : memref<40x128xf32, #tpu.memory_space<vmem>>, vector<16xf32>,
      %swap3A_236 = arith.index_cast %scan3A_233 : i32 to index
      %swap3A_237 = arith.constant 16 : index
      %swap3A_238 = tpu.vector_load %arg15[%swap3A_236, %swap3A_237] {strides = array<i32>} : memref<40x128xf32, #tpu.memory_space<vmem>>, vector<16xf32>,
      tpu.vector_store %arg15[%swap3A_236, %swap3A_237], %broadcast_in_dim3A_0 {strides = array<i32>} : memref<40x128xf32, #tpu.memory_space<vmem>>, vector<16xf32>,
      %swap3A_239 = arith.index_cast %scan3A_233 : i32 to index
      %swap3A_240 = arith.constant 32 : index
      %swap3A_241 = tpu.vector_load %arg15[%swap3A_239, %swap3A_240] {strides = array<i32>} : memref<40x128xf32, #tpu.memory_space<vmem>>, vector<16xf32>,
      tpu.vector_store %arg15[%swap3A_239, %swap3A_240], %broadcast_in_dim3A_0 {strides = array<i32>} : memref<40x128xf32, #tpu.memory_space<vmem>>, vector<16xf32>,
      %swap3A_242 = arith.index_cast %scan3A_233 : i32 to index
      %swap3A_243 = arith.constant 48 : index
      %swap3A_244 = tpu.vector_load %arg15[%swap3A_242, %swap3A_243] {strides = array<i32>} : memref<40x128xf32, #tpu.memory_space<vmem>>, vector<16xf32>,
      tpu.vector_store %arg15[%swap3A_242, %swap3A_243], %broadcast_in_dim3A_0 {strides = array<i32>} : memref<40x128xf32, #tpu.memory_space<vmem>>, vector<16xf32>,
      %swap3A_245 = arith.index_cast %scan3A_233 : i32 to index
      %swap3A_246 = arith.constant 64 : index
      %swap3A_247 = tpu.vector_load %arg15[%swap3A_245, %swap3A_246] {strides = array<i32>} : memref<40x128xf32, #tpu.memory_space<vmem>>, vector<16xf32>,
      tpu.vector_store %arg15[%swap3A_245, %swap3A_246], %broadcast_in_dim3A_0 {strides = array<i32>} : memref<40x128xf32, #tpu.memory_space<vmem>>, vector<16xf32>,
      %swap3A_248 = arith.index_cast %scan3A_233 : i32 to index
      %swap3A_249 = arith.constant 80 : index
      %swap3A_250 = tpu.vector_load %arg15[%swap3A_248, %swap3A_249] {strides = array<i32>} : memref<40x128xf32, #tpu.memory_space<vmem>>, vector<16xf32>,
      tpu.vector_store %arg15[%swap3A_248, %swap3A_249], %broadcast_in_dim3A_0 {strides = array<i32>} : memref<40x128xf32, #tpu.memory_space<vmem>>, vector<16xf32>,
      %swap3A_251 = arith.index_cast %scan3A_233 : i32 to index
      %swap3A_252 = arith.constant 96 : index
      %swap3A_253 = tpu.vector_load %arg15[%swap3A_251, %swap3A_252] {strides = array<i32>} : memref<40x128xf32, #tpu.memory_space<vmem>>, vector<16xf32>,
      tpu.vector_store %arg15[%swap3A_251, %swap3A_252], %broadcast_in_dim3A_0 {strides = array<i32>} : memref<40x128xf32, #tpu.memory_space<vmem>>, vector<16xf32>,
      %swap3A_254 = arith.index_cast %scan3A_233 : i32 to index
      %swap3A_255 = arith.constant 112 : index
      %swap3A_256 = tpu.vector_load %arg15[%swap3A_254, %swap3A_255] {strides = array<i32>} : memref<40x128xf32, #tpu.memory_space<vmem>>, vector<16xf32>,
      tpu.vector_store %arg15[%swap3A_254, %swap3A_255], %broadcast_in_dim3A_0 {strides = array<i32>} : memref<40x128xf32, #tpu.memory_space<vmem>>, vector<16xf32>,
    }
    %scan3A_5 = arith.constant 40 : i32
    %mul3A_6 = arith.constant 2 : i32
    %mul3A_7 = arith.muli %arg0, %mul3A_6 : i32
    %add3A = arith.constant 0 : i32
    %add3A_8 = arith.addi %mul3A_7, %add3A : i32
    %add3A_9 = arith.constant 0 : i32
    %add3A_10 = arith.addi %arg1, %add3A_9 : i32
    %mul3A_11 = arith.constant 40 : i32
    %mul3A_12 = arith.muli %add3A_10, %mul3A_11 : i32
    "tpu.region"() ({
      %run_scoped3A = tpu.sem_alloc : memref<!tpu.dma_semaphore, #tpu.memory_space<semaphore_mem>>
      %dma_start3A_233 = arith.constant 0 : i32
      %dma_start3A_234 = tpu.memref_slice %arg7[%mul3A_12, %dma_start3A_233] : memref<10000x128xf32, #tpu.memory_space<vmem_shared>> -> memref<40x128xf32, #tpu.memory_space<vmem_shared>>
      %dma_start3A_235 = arith.constant 0 : i32
      %dma_start3A_236 = tpu.memref_slice %arg7[%mul3A_12, %dma_start3A_235] : memref<10000x128xf32, #tpu.memory_space<vmem_shared>> -> memref<40x128xf32, #tpu.memory_space<vmem_shared>>
      tpu.enqueue_dma source(%arg15 : memref<40x128xf32, #tpu.memory_space<vmem>>) target(%dma_start3A_236 : memref<40x128xf32, #tpu.memory_space<vmem_shared>>) target_semaphore(%run_scoped3A : memref<!tpu.dma_semaphore, #tpu.memory_space<semaphore_mem>>)
      %dma_wait3A_237 = arith.constant 0 : i32
      %dma_wait3A_238 = tpu.memref_slice %arg7[%mul3A_12, %dma_wait3A_237] : memref<10000x128xf32, #tpu.memory_space<vmem_shared>> -> memref<40x128xf32, #tpu.memory_space<vmem_shared>>
      %dma_wait3A_239 = arith.constant 0 : i32
      %dma_wait3A_240 = tpu.memref_slice %arg7[%mul3A_12, %dma_wait3A_239] : memref<10000x128xf32, #tpu.memory_space<vmem_shared>> -> memref<40x128xf32, #tpu.memory_space<vmem_shared>>
      tpu.wait_dma2 semaphore(%run_scoped3A : memref<!tpu.dma_semaphore, #tpu.memory_space<semaphore_mem>>) src(%arg15 : memref<40x128xf32, #tpu.memory_space<vmem>>) dst(%dma_wait3A_240 : memref<40x128xf32, #tpu.memory_space<vmem_shared>>)
      tpu.yield
    }) : () -> ()
    %add3A_13 = arith.constant 16 : i32
    %add3A_14 = arith.addi %arg1, %add3A_13 : i32
    %mul3A_15 = arith.constant 40 : i32
    %mul3A_16 = arith.muli %add3A_14, %mul3A_15 : i32
    "tpu.region"() ({
      %run_scoped3A = tpu.sem_alloc : memref<!tpu.dma_semaphore, #tpu.memory_space<semaphore_mem>>
      %dma_start3A_233 = arith.constant 0 : i32
      %dma_start3A_234 = tpu.memref_slice %arg7[%mul3A_16, %dma_start3A_233] : memref<10000x128xf32, #tpu.memory_space<vmem_shared>> -> memref<40x128xf32, #tpu.memory_space<vmem_shared>>
      %dma_start3A_235 = arith.constant 0 : i32
      %dma_start3A_236 = tpu.memref_slice %arg7[%mul3A_16, %dma_start3A_235] : memref<10000x128xf32, #tpu.memory_space<vmem_shared>> -> memref<40x128xf32, #tpu.memory_space<vmem_shared>>
      tpu.enqueue_dma source(%arg15 : memref<40x128xf32, #tpu.memory_space<vmem>>) target(%dma_start3A_236 : memref<40x128xf32, #tpu.memory_space<vmem_shared>>) target_semaphore(%run_scoped3A : memref<!tpu.dma_semaphore, #tpu.memory_space<semaphore_mem>>)
      %dma_wait3A_237 = arith.constant 0 : i32
      %dma_wait3A_238 = tpu.memref_slice %arg7[%mul3A_16, %dma_wait3A_237] : memref<10000x128xf32, #tpu.memory_space<vmem_shared>> -> memref<40x128xf32, #tpu.memory_space<vmem_shared>>
      %dma_wait3A_239 = arith.constant 0 : i32
      %dma_wait3A_240 = tpu.memref_slice %arg7[%mul3A_16, %dma_wait3A_239] : memref<10000x128xf32, #tpu.memory_space<vmem_shared>> -> memref<40x128xf32, #tpu.memory_space<vmem_shared>>
      tpu.wait_dma2 semaphore(%run_scoped3A : memref<!tpu.dma_semaphore, #tpu.memory_space<semaphore_mem>>) src(%arg15 : memref<40x128xf32, #tpu.memory_space<vmem>>) dst(%dma_wait3A_240 : memref<40x128xf32, #tpu.memory_space<vmem_shared>>)
      tpu.yield
    }) : () -> ()
    %add3A_17 = arith.constant 32 : i32
    %add3A_18 = arith.addi %arg1, %add3A_17 : i32
    %mul3A_19 = arith.constant 40 : i32
    %mul3A_20 = arith.muli %add3A_18, %mul3A_19 : i32
    "tpu.region"() ({
      %run_scoped3A = tpu.sem_alloc : memref<!tpu.dma_semaphore, #tpu.memory_space<semaphore_mem>>
      %dma_start3A_233 = arith.constant 0 : i32
      %dma_start3A_234 = tpu.memref_slice %arg7[%mul3A_20, %dma_start3A_233] : memref<10000x128xf32, #tpu.memory_space<vmem_shared>> -> memref<40x128xf32, #tpu.memory_space<vmem_shared>>
      %dma_start3A_235 = arith.constant 0 : i32
      %dma_start3A_236 = tpu.memref_slice %arg7[%mul3A_20, %dma_start3A_235] : memref<10000x128xf32, #tpu.memory_space<vmem_shared>> -> memref<40x128xf32, #tpu.memory_space<vmem_shared>>
      tpu.enqueue_dma source(%arg15 : memref<40x128xf32, #tpu.memory_space<vmem>>) target(%dma_start3A_236 : memref<40x128xf32, #tpu.memory_space<vmem_shared>>) target_semaphore(%run_scoped3A : memref<!tpu.dma_semaphore, #tpu.memory_space<semaphore_mem>>)
      %dma_wait3A_237 = arith.constant 0 : i32
      %dma_wait3A_238 = tpu.memref_slice %arg7[%mul3A_20, %dma_wait3A_237] : memref<10000x128xf32, #tpu.memory_space<vmem_shared>> -> memref<40x128xf32, #tpu.memory_space<vmem_shared>>
      %dma_wait3A_239 = arith.constant 0 : i32
      %dma_wait3A_240 = tpu.memref_slice %arg7[%mul3A_20, %dma_wait3A_239] : memref<10000x128xf32, #tpu.memory_space<vmem_shared>> -> memref<40x128xf32, #tpu.memory_space<vmem_shared>>
      tpu.wait_dma2 semaphore(%run_scoped3A : memref<!tpu.dma_semaphore, #tpu.memory_space<semaphore_mem>>) src(%arg15 : memref<40x128xf32, #tpu.memory_space<vmem>>) dst(%dma_wait3A_240 : memref<40x128xf32, #tpu.memory_space<vmem_shared>>)
      tpu.yield
    }) : () -> ()
    %add3A_21 = arith.constant 48 : i32
    %add3A_22 = arith.addi %arg1, %add3A_21 : i32
    %mul3A_23 = arith.constant 40 : i32
    %mul3A_24 = arith.muli %add3A_22, %mul3A_23 : i32
    "tpu.region"() ({
      %run_scoped3A = tpu.sem_alloc : memref<!tpu.dma_semaphore, #tpu.memory_space<semaphore_mem>>
      %dma_start3A_233 = arith.constant 0 : i32
      %dma_start3A_234 = tpu.memref_slice %arg7[%mul3A_24, %dma_start3A_233] : memref<10000x128xf32, #tpu.memory_space<vmem_shared>> -> memref<40x128xf32, #tpu.memory_space<vmem_shared>>
      %dma_start3A_235 = arith.constant 0 : i32
      %dma_start3A_236 = tpu.memref_slice %arg7[%mul3A_24, %dma_start3A_235] : memref<10000x128xf32, #tpu.memory_space<vmem_shared>> -> memref<40x128xf32, #tpu.memory_space<vmem_shared>>
      tpu.enqueue_dma source(%arg15 : memref<40x128xf32, #tpu.memory_space<vmem>>) target(%dma_start3A_236 : memref<40x128xf32, #tpu.memory_space<vmem_shared>>) target_semaphore(%run_scoped3A : memref<!tpu.dma_semaphore, #tpu.memory_space<semaphore_mem>>)
      %dma_wait3A_237 = arith.constant 0 : i32
      %dma_wait3A_238 = tpu.memref_slice %arg7[%mul3A_24, %dma_wait3A_237] : memref<10000x128xf32, #tpu.memory_space<vmem_shared>> -> memref<40x128xf32, #tpu.memory_space<vmem_shared>>
      %dma_wait3A_239 = arith.constant 0 : i32
      %dma_wait3A_240 = tpu.memref_slice %arg7[%mul3A_24, %dma_wait3A_239] : memref<10000x128xf32, #tpu.memory_space<vmem_shared>> -> memref<40x128xf32, #tpu.memory_space<vmem_shared>>
      tpu.wait_dma2 semaphore(%run_scoped3A : memref<!tpu.dma_semaphore, #tpu.memory_space<semaphore_mem>>) src(%arg15 : memref<40x128xf32, #tpu.memory_space<vmem>>) dst(%dma_wait3A_240 : memref<40x128xf32, #tpu.memory_space<vmem_shared>>)
      tpu.yield
    }) : () -> ()
    %add3A_25 = arith.constant 64 : i32
    %add3A_26 = arith.addi %arg1, %add3A_25 : i32
    %mul3A_27 = arith.constant 40 : i32
    %mul3A_28 = arith.muli %add3A_26, %mul3A_27 : i32
    "tpu.region"() ({
      %run_scoped3A = tpu.sem_alloc : memref<!tpu.dma_semaphore, #tpu.memory_space<semaphore_mem>>
      %dma_start3A_233 = arith.constant 0 : i32
      %dma_start3A_234 = tpu.memref_slice %arg7[%mul3A_28, %dma_start3A_233] : memref<10000x128xf32, #tpu.memory_space<vmem_shared>> -> memref<40x128xf32, #tpu.memory_space<vmem_shared>>
      %dma_start3A_235 = arith.constant 0 : i32
      %dma_start3A_236 = tpu.memref_slice %arg7[%mul3A_28, %dma_start3A_235] : memref<10000x128xf32, #tpu.memory_space<vmem_shared>> -> memref<40x128xf32, #tpu.memory_space<vmem_shared>>
      tpu.enqueue_dma source(%arg15 : memref<40x128xf32, #tpu.memory_space<vmem>>) target(%dma_start3A_236 : memref<40x128xf32, #tpu.memory_space<vmem_shared>>) target_semaphore(%run_scoped3A : memref<!tpu.dma_semaphore, #tpu.memory_space<semaphore_mem>>)
      %dma_wait3A_237 = arith.constant 0 : i32
      %dma_wait3A_238 = tpu.memref_slice %arg7[%mul3A_28, %dma_wait3A_237] : memref<10000x128xf32, #tpu.memory_space<vmem_shared>> -> memref<40x128xf32, #tpu.memory_space<vmem_shared>>
      %dma_wait3A_239 = arith.constant 0 : i32
      %dma_wait3A_240 = tpu.memref_slice %arg7[%mul3A_28, %dma_wait3A_239] : memref<10000x128xf32, #tpu.memory_space<vmem_shared>> -> memref<40x128xf32, #tpu.memory_space<vmem_shared>>
      tpu.wait_dma2 semaphore(%run_scoped3A : memref<!tpu.dma_semaphore, #tpu.memory_space<semaphore_mem>>) src(%arg15 : memref<40x128xf32, #tpu.memory_space<vmem>>) dst(%dma_wait3A_240 : memref<40x128xf32, #tpu.memory_space<vmem_shared>>)
      tpu.yield
    }) : () -> ()
    %add3A_29 = arith.constant 80 : i32
    %add3A_30 = arith.addi %arg1, %add3A_29 : i32
    %mul3A_31 = arith.constant 40 : i32
    %mul3A_32 = arith.muli %add3A_30, %mul3A_31 : i32
    "tpu.region"() ({
      %run_scoped3A = tpu.sem_alloc : memref<!tpu.dma_semaphore, #tpu.memory_space<semaphore_mem>>
      %dma_start3A_233 = arith.constant 0 : i32
      %dma_start3A_234 = tpu.memref_slice %arg7[%mul3A_32, %dma_start3A_233] : memref<10000x128xf32, #tpu.memory_space<vmem_shared>> -> memref<40x128xf32, #tpu.memory_space<vmem_shared>>
      %dma_start3A_235 = arith.constant 0 : i32
      %dma_start3A_236 = tpu.memref_slice %arg7[%mul3A_32, %dma_start3A_235] : memref<10000x128xf32, #tpu.memory_space<vmem_shared>> -> memref<40x128xf32, #tpu.memory_space<vmem_shared>>
      tpu.enqueue_dma source(%arg15 : memref<40x128xf32, #tpu.memory_space<vmem>>) target(%dma_start3A_236 : memref<40x128xf32, #tpu.memory_space<vmem_shared>>) target_semaphore(%run_scoped3A : memref<!tpu.dma_semaphore, #tpu.memory_space<semaphore_mem>>)
      %dma_wait3A_237 = arith.constant 0 : i32
      %dma_wait3A_238 = tpu.memref_slice %arg7[%mul3A_32, %dma_wait3A_237] : memref<10000x128xf32, #tpu.memory_space<vmem_shared>> -> memref<40x128xf32, #tpu.memory_space<vmem_shared>>
      %dma_wait3A_239 = arith.constant 0 : i32
      %dma_wait3A_240 = tpu.memref_slice %arg7[%mul3A_32, %dma_wait3A_239] : memref<10000x128xf32, #tpu.memory_space<vmem_shared>> -> memref<40x128xf32, #tpu.memory_space<vmem_shared>>
      tpu.wait_dma2 semaphore(%run_scoped3A : memref<!tpu.dma_semaphore, #tpu.memory_space<semaphore_mem>>) src(%arg15 : memref<40x128xf32, #tpu.memory_space<vmem>>) dst(%dma_wait3A_240 : memref<40x128xf32, #tpu.memory_space<vmem_shared>>)
      tpu.yield
    }) : () -> ()
    %add3A_33 = arith.constant 96 : i32
    %add3A_34 = arith.addi %arg1, %add3A_33 : i32
    %mul3A_35 = arith.constant 40 : i32
    %mul3A_36 = arith.muli %add3A_34, %mul3A_35 : i32
    "tpu.region"() ({
      %run_scoped3A = tpu.sem_alloc : memref<!tpu.dma_semaphore, #tpu.memory_space<semaphore_mem>>
      %dma_start3A_233 = arith.constant 0 : i32
      %dma_start3A_234 = tpu.memref_slice %arg7[%mul3A_36, %dma_start3A_233] : memref<10000x128xf32, #tpu.memory_space<vmem_shared>> -> memref<40x128xf32, #tpu.memory_space<vmem_shared>>
      %dma_start3A_235 = arith.constant 0 : i32
      %dma_start3A_236 = tpu.memref_slice %arg7[%mul3A_36, %dma_start3A_235] : memref<10000x128xf32, #tpu.memory_space<vmem_shared>> -> memref<40x128xf32, #tpu.memory_space<vmem_shared>>
      tpu.enqueue_dma source(%arg15 : memref<40x128xf32, #tpu.memory_space<vmem>>) target(%dma_start3A_236 : memref<40x128xf32, #tpu.memory_space<vmem_shared>>) target_semaphore(%run_scoped3A : memref<!tpu.dma_semaphore, #tpu.memory_space<semaphore_mem>>)
      %dma_wait3A_237 = arith.constant 0 : i32
      %dma_wait3A_238 = tpu.memref_slice %arg7[%mul3A_36, %dma_wait3A_237] : memref<10000x128xf32, #tpu.memory_space<vmem_shared>> -> memref<40x128xf32, #tpu.memory_space<vmem_shared>>
      %dma_wait3A_239 = arith.constant 0 : i32
      %dma_wait3A_240 = tpu.memref_slice %arg7[%mul3A_36, %dma_wait3A_239] : memref<10000x128xf32, #tpu.memory_space<vmem_shared>> -> memref<40x128xf32, #tpu.memory_space<vmem_shared>>
      tpu.wait_dma2 semaphore(%run_scoped3A : memref<!tpu.dma_semaphore, #tpu.memory_space<semaphore_mem>>) src(%arg15 : memref<40x128xf32, #tpu.memory_space<vmem>>) dst(%dma_wait3A_240 : memref<40x128xf32, #tpu.memory_space<vmem_shared>>)
      tpu.yield
    }) : () -> ()
    %add3A_37 = arith.constant 112 : i32
    %add3A_38 = arith.addi %arg1, %add3A_37 : i32
    %mul3A_39 = arith.constant 40 : i32
    %mul3A_40 = arith.muli %add3A_38, %mul3A_39 : i32
    "tpu.region"() ({
      %run_scoped3A = tpu.sem_alloc : memref<!tpu.dma_semaphore, #tpu.memory_space<semaphore_mem>>
      %dma_start3A_233 = arith.constant 0 : i32
      %dma_start3A_234 = tpu.memref_slice %arg7[%mul3A_40, %dma_start3A_233] : memref<10000x128xf32, #tpu.memory_space<vmem_shared>> -> memref<40x128xf32, #tpu.memory_space<vmem_shared>>
      %dma_start3A_235 = arith.constant 0 : i32
      %dma_start3A_236 = tpu.memref_slice %arg7[%mul3A_40, %dma_start3A_235] : memref<10000x128xf32, #tpu.memory_space<vmem_shared>> -> memref<40x128xf32, #tpu.memory_space<vmem_shared>>
      tpu.enqueue_dma source(%arg15 : memref<40x128xf32, #tpu.memory_space<vmem>>) target(%dma_start3A_236 : memref<40x128xf32, #tpu.memory_space<vmem_shared>>) target_semaphore(%run_scoped3A : memref<!tpu.dma_semaphore, #tpu.memory_space<semaphore_mem>>)
      %dma_wait3A_237 = arith.constant 0 : i32
      %dma_wait3A_238 = tpu.memref_slice %arg7[%mul3A_40, %dma_wait3A_237] : memref<10000x128xf32, #tpu.memory_space<vmem_shared>> -> memref<40x128xf32, #tpu.memory_space<vmem_shared>>
      %dma_wait3A_239 = arith.constant 0 : i32
      %dma_wait3A_240 = tpu.memref_slice %arg7[%mul3A_40, %dma_wait3A_239] : memref<10000x128xf32, #tpu.memory_space<vmem_shared>> -> memref<40x128xf32, #tpu.memory_space<vmem_shared>>
      tpu.wait_dma2 semaphore(%run_scoped3A : memref<!tpu.dma_semaphore, #tpu.memory_space<semaphore_mem>>) src(%arg15 : memref<40x128xf32, #tpu.memory_space<vmem>>) dst(%dma_wait3A_240 : memref<40x128xf32, #tpu.memory_space<vmem_shared>>)
      tpu.yield
    }) : () -> ()
    %add3A_41 = arith.constant 128 : i32
    %add3A_42 = arith.addi %arg1, %add3A_41 : i32
    %mul3A_43 = arith.constant 40 : i32
    %mul3A_44 = arith.muli %add3A_42, %mul3A_43 : i32
    "tpu.region"() ({
      %run_scoped3A = tpu.sem_alloc : memref<!tpu.dma_semaphore, #tpu.memory_space<semaphore_mem>>
      %dma_start3A_233 = arith.constant 0 : i32
      %dma_start3A_234 = tpu.memref_slice %arg7[%mul3A_44, %dma_start3A_233] : memref<10000x128xf32, #tpu.memory_space<vmem_shared>> -> memref<40x128xf32, #tpu.memory_space<vmem_shared>>
      %dma_start3A_235 = arith.constant 0 : i32
      %dma_start3A_236 = tpu.memref_slice %arg7[%mul3A_44, %dma_start3A_235] : memref<10000x128xf32, #tpu.memory_space<vmem_shared>> -> memref<40x128xf32, #tpu.memory_space<vmem_shared>>
      tpu.enqueue_dma source(%arg15 : memref<40x128xf32, #tpu.memory_space<vmem>>) target(%dma_start3A_236 : memref<40x128xf32, #tpu.memory_space<vmem_shared>>) target_semaphore(%run_scoped3A : memref<!tpu.dma_semaphore, #tpu.memory_space<semaphore_mem>>)
      %dma_wait3A_237 = arith.constant 0 : i32
      %dma_wait3A_238 = tpu.memref_slice %arg7[%mul3A_44, %dma_wait3A_237] : memref<10000x128xf32, #tpu.memory_space<vmem_shared>> -> memref<40x128xf32, #tpu.memory_space<vmem_shared>>
      %dma_wait3A_239 = arith.constant 0 : i32
      %dma_wait3A_240 = tpu.memref_slice %arg7[%mul3A_44, %dma_wait3A_239] : memref<10000x128xf32, #tpu.memory_space<vmem_shared>> -> memref<40x128xf32, #tpu.memory_space<vmem_shared>>
      tpu.wait_dma2 semaphore(%run_scoped3A : memref<!tpu.dma_semaphore, #tpu.memory_space<semaphore_mem>>) src(%arg15 : memref<40x128xf32, #tpu.memory_space<vmem>>) dst(%dma_wait3A_240 : memref<40x128xf32, #tpu.memory_space<vmem_shared>>)
      tpu.yield
    }) : () -> ()
    %add3A_45 = arith.constant 144 : i32
    %add3A_46 = arith.addi %arg1, %add3A_45 : i32
    %mul3A_47 = arith.constant 40 : i32
    %mul3A_48 = arith.muli %add3A_46, %mul3A_47 : i32
    "tpu.region"() ({
      %run_scoped3A = tpu.sem_alloc : memref<!tpu.dma_semaphore, #tpu.memory_space<semaphore_mem>>
      %dma_start3A_233 = arith.constant 0 : i32
      %dma_start3A_234 = tpu.memref_slice %arg7[%mul3A_48, %dma_start3A_233] : memref<10000x128xf32, #tpu.memory_space<vmem_shared>> -> memref<40x128xf32, #tpu.memory_space<vmem_shared>>
      %dma_start3A_235 = arith.constant 0 : i32
      %dma_start3A_236 = tpu.memref_slice %arg7[%mul3A_48, %dma_start3A_235] : memref<10000x128xf32, #tpu.memory_space<vmem_shared>> -> memref<40x128xf32, #tpu.memory_space<vmem_shared>>
      tpu.enqueue_dma source(%arg15 : memref<40x128xf32, #tpu.memory_space<vmem>>) target(%dma_start3A_236 : memref<40x128xf32, #tpu.memory_space<vmem_shared>>) target_semaphore(%run_scoped3A : memref<!tpu.dma_semaphore, #tpu.memory_space<semaphore_mem>>)
      %dma_wait3A_237 = arith.constant 0 : i32
      %dma_wait3A_238 = tpu.memref_slice %arg7[%mul3A_48, %dma_wait3A_237] : memref<10000x128xf32, #tpu.memory_space<vmem_shared>> -> memref<40x128xf32, #tpu.memory_space<vmem_shared>>
      %dma_wait3A_239 = arith.constant 0 : i32
      %dma_wait3A_240 = tpu.memref_slice %arg7[%mul3A_48, %dma_wait3A_239] : memref<10000x128xf32, #tpu.memory_space<vmem_shared>> -> memref<40x128xf32, #tpu.memory_space<vmem_shared>>
      tpu.wait_dma2 semaphore(%run_scoped3A : memref<!tpu.dma_semaphore, #tpu.memory_space<semaphore_mem>>) src(%arg15 : memref<40x128xf32, #tpu.memory_space<vmem>>) dst(%dma_wait3A_240 : memref<40x128xf32, #tpu.memory_space<vmem_shared>>)
      tpu.yield
    }) : () -> ()
    %add3A_49 = arith.constant 160 : i32
    %add3A_50 = arith.addi %arg1, %add3A_49 : i32
    %mul3A_51 = arith.constant 40 : i32
    %mul3A_52 = arith.muli %add3A_50, %mul3A_51 : i32
    "tpu.region"() ({
      %run_scoped3A = tpu.sem_alloc : memref<!tpu.dma_semaphore, #tpu.memory_space<semaphore_mem>>
      %dma_start3A_233 = arith.constant 0 : i32
      %dma_start3A_234 = tpu.memref_slice %arg7[%mul3A_52, %dma_start3A_233] : memref<10000x128xf32, #tpu.memory_space<vmem_shared>> -> memref<40x128xf32, #tpu.memory_space<vmem_shared>>
      %dma_start3A_235 = arith.constant 0 : i32
      %dma_start3A_236 = tpu.memref_slice %arg7[%mul3A_52, %dma_start3A_235] : memref<10000x128xf32, #tpu.memory_space<vmem_shared>> -> memref<40x128xf32, #tpu.memory_space<vmem_shared>>
      tpu.enqueue_dma source(%arg15 : memref<40x128xf32, #tpu.memory_space<vmem>>) target(%dma_start3A_236 : memref<40x128xf32, #tpu.memory_space<vmem_shared>>) target_semaphore(%run_scoped3A : memref<!tpu.dma_semaphore, #tpu.memory_space<semaphore_mem>>)
      %dma_wait3A_237 = arith.constant 0 : i32
      %dma_wait3A_238 = tpu.memref_slice %arg7[%mul3A_52, %dma_wait3A_237] : memref<10000x128xf32, #tpu.memory_space<vmem_shared>> -> memref<40x128xf32, #tpu.memory_space<vmem_shared>>
      %dma_wait3A_239 = arith.constant 0 : i32
      %dma_wait3A_240 = tpu.memref_slice %arg7[%mul3A_52, %dma_wait3A_239] : memref<10000x128xf32, #tpu.memory_space<vmem_shared>> -> memref<40x128xf32, #tpu.memory_space<vmem_shared>>
      tpu.wait_dma2 semaphore(%run_scoped3A : memref<!tpu.dma_semaphore, #tpu.memory_space<semaphore_mem>>) src(%arg15 : memref<40x128xf32, #tpu.memory_space<vmem>>) dst(%dma_wait3A_240 : memref<40x128xf32, #tpu.memory_space<vmem_shared>>)
      tpu.yield
    }) : () -> ()
    %add3A_53 = arith.constant 176 : i32
    %add3A_54 = arith.addi %arg1, %add3A_53 : i32
    %mul3A_55 = arith.constant 40 : i32
    %mul3A_56 = arith.muli %add3A_54, %mul3A_55 : i32
    "tpu.region"() ({
      %run_scoped3A = tpu.sem_alloc : memref<!tpu.dma_semaphore, #tpu.memory_space<semaphore_mem>>
      %dma_start3A_233 = arith.constant 0 : i32
      %dma_start3A_234 = tpu.memref_slice %arg7[%mul3A_56, %dma_start3A_233] : memref<10000x128xf32, #tpu.memory_space<vmem_shared>> -> memref<40x128xf32, #tpu.memory_space<vmem_shared>>
      %dma_start3A_235 = arith.constant 0 : i32
      %dma_start3A_236 = tpu.memref_slice %arg7[%mul3A_56, %dma_start3A_235] : memref<10000x128xf32, #tpu.memory_space<vmem_shared>> -> memref<40x128xf32, #tpu.memory_space<vmem_shared>>
      tpu.enqueue_dma source(%arg15 : memref<40x128xf32, #tpu.memory_space<vmem>>) target(%dma_start3A_236 : memref<40x128xf32, #tpu.memory_space<vmem_shared>>) target_semaphore(%run_scoped3A : memref<!tpu.dma_semaphore, #tpu.memory_space<semaphore_mem>>)
      %dma_wait3A_237 = arith.constant 0 : i32
      %dma_wait3A_238 = tpu.memref_slice %arg7[%mul3A_56, %dma_wait3A_237] : memref<10000x128xf32, #tpu.memory_space<vmem_shared>> -> memref<40x128xf32, #tpu.memory_space<vmem_shared>>
      %dma_wait3A_239 = arith.constant 0 : i32
      %dma_wait3A_240 = tpu.memref_slice %arg7[%mul3A_56, %dma_wait3A_239] : memref<10000x128xf32, #tpu.memory_space<vmem_shared>> -> memref<40x128xf32, #tpu.memory_space<vmem_shared>>
      tpu.wait_dma2 semaphore(%run_scoped3A : memref<!tpu.dma_semaphore, #tpu.memory_space<semaphore_mem>>) src(%arg15 : memref<40x128xf32, #tpu.memory_space<vmem>>) dst(%dma_wait3A_240 : memref<40x128xf32, #tpu.memory_space<vmem_shared>>)
      tpu.yield
    }) : () -> ()
    %add3A_57 = arith.constant 192 : i32
    %add3A_58 = arith.addi %arg1, %add3A_57 : i32
    %mul3A_59 = arith.constant 40 : i32
    %mul3A_60 = arith.muli %add3A_58, %mul3A_59 : i32
    "tpu.region"() ({
      %run_scoped3A = tpu.sem_alloc : memref<!tpu.dma_semaphore, #tpu.memory_space<semaphore_mem>>
      %dma_start3A_233 = arith.constant 0 : i32
      %dma_start3A_234 = tpu.memref_slice %arg7[%mul3A_60, %dma_start3A_233] : memref<10000x128xf32, #tpu.memory_space<vmem_shared>> -> memref<40x128xf32, #tpu.memory_space<vmem_shared>>
      %dma_start3A_235 = arith.constant 0 : i32
      %dma_start3A_236 = tpu.memref_slice %arg7[%mul3A_60, %dma_start3A_235] : memref<10000x128xf32, #tpu.memory_space<vmem_shared>> -> memref<40x128xf32, #tpu.memory_space<vmem_shared>>
      tpu.enqueue_dma source(%arg15 : memref<40x128xf32, #tpu.memory_space<vmem>>) target(%dma_start3A_236 : memref<40x128xf32, #tpu.memory_space<vmem_shared>>) target_semaphore(%run_scoped3A : memref<!tpu.dma_semaphore, #tpu.memory_space<semaphore_mem>>)
      %dma_wait3A_237 = arith.constant 0 : i32
      %dma_wait3A_238 = tpu.memref_slice %arg7[%mul3A_60, %dma_wait3A_237] : memref<10000x128xf32, #tpu.memory_space<vmem_shared>> -> memref<40x128xf32, #tpu.memory_space<vmem_shared>>
      %dma_wait3A_239 = arith.constant 0 : i32
      %dma_wait3A_240 = tpu.memref_slice %arg7[%mul3A_60, %dma_wait3A_239] : memref<10000x128xf32, #tpu.memory_space<vmem_shared>> -> memref<40x128xf32, #tpu.memory_space<vmem_shared>>
      tpu.wait_dma2 semaphore(%run_scoped3A : memref<!tpu.dma_semaphore, #tpu.memory_space<semaphore_mem>>) src(%arg15 : memref<40x128xf32, #tpu.memory_space<vmem>>) dst(%dma_wait3A_240 : memref<40x128xf32, #tpu.memory_space<vmem_shared>>)
      tpu.yield
    }) : () -> ()
    %add3A_61 = arith.constant 208 : i32
    %add3A_62 = arith.addi %arg1, %add3A_61 : i32
    %mul3A_63 = arith.constant 40 : i32
    %mul3A_64 = arith.muli %add3A_62, %mul3A_63 : i32
    "tpu.region"() ({
      %run_scoped3A = tpu.sem_alloc : memref<!tpu.dma_semaphore, #tpu.memory_space<semaphore_mem>>
      %dma_start3A_233 = arith.constant 0 : i32
      %dma_start3A_234 = tpu.memref_slice %arg7[%mul3A_64, %dma_start3A_233] : memref<10000x128xf32, #tpu.memory_space<vmem_shared>> -> memref<40x128xf32, #tpu.memory_space<vmem_shared>>
      %dma_start3A_235 = arith.constant 0 : i32
      %dma_start3A_236 = tpu.memref_slice %arg7[%mul3A_64, %dma_start3A_235] : memref<10000x128xf32, #tpu.memory_space<vmem_shared>> -> memref<40x128xf32, #tpu.memory_space<vmem_shared>>
      tpu.enqueue_dma source(%arg15 : memref<40x128xf32, #tpu.memory_space<vmem>>) target(%dma_start3A_236 : memref<40x128xf32, #tpu.memory_space<vmem_shared>>) target_semaphore(%run_scoped3A : memref<!tpu.dma_semaphore, #tpu.memory_space<semaphore_mem>>)
      %dma_wait3A_237 = arith.constant 0 : i32
      %dma_wait3A_238 = tpu.memref_slice %arg7[%mul3A_64, %dma_wait3A_237] : memref<10000x128xf32, #tpu.memory_space<vmem_shared>> -> memref<40x128xf32, #tpu.memory_space<vmem_shared>>
      %dma_wait3A_239 = arith.constant 0 : i32
      %dma_wait3A_240 = tpu.memref_slice %arg7[%mul3A_64, %dma_wait3A_239] : memref<10000x128xf32, #tpu.memory_space<vmem_shared>> -> memref<40x128xf32, #tpu.memory_space<vmem_shared>>
      tpu.wait_dma2 semaphore(%run_scoped3A : memref<!tpu.dma_semaphore, #tpu.memory_space<semaphore_mem>>) src(%arg15 : memref<40x128xf32, #tpu.memory_space<vmem>>) dst(%dma_wait3A_240 : memref<40x128xf32, #tpu.memory_space<vmem_shared>>)
      tpu.yield
    }) : () -> ()
    %add3A_65 = arith.constant 224 : i32
    %add3A_66 = arith.addi %arg1, %add3A_65 : i32
    %mul3A_67 = arith.constant 40 : i32
    %mul3A_68 = arith.muli %add3A_66, %mul3A_67 : i32
    "tpu.region"() ({
      %run_scoped3A = tpu.sem_alloc : memref<!tpu.dma_semaphore, #tpu.memory_space<semaphore_mem>>
      %dma_start3A_233 = arith.constant 0 : i32
      %dma_start3A_234 = tpu.memref_slice %arg7[%mul3A_68, %dma_start3A_233] : memref<10000x128xf32, #tpu.memory_space<vmem_shared>> -> memref<40x128xf32, #tpu.memory_space<vmem_shared>>
      %dma_start3A_235 = arith.constant 0 : i32
      %dma_start3A_236 = tpu.memref_slice %arg7[%mul3A_68, %dma_start3A_235] : memref<10000x128xf32, #tpu.memory_space<vmem_shared>> -> memref<40x128xf32, #tpu.memory_space<vmem_shared>>
      tpu.enqueue_dma source(%arg15 : memref<40x128xf32, #tpu.memory_space<vmem>>) target(%dma_start3A_236 : memref<40x128xf32, #tpu.memory_space<vmem_shared>>) target_semaphore(%run_scoped3A : memref<!tpu.dma_semaphore, #tpu.memory_space<semaphore_mem>>)
      %dma_wait3A_237 = arith.constant 0 : i32
      %dma_wait3A_238 = tpu.memref_slice %arg7[%mul3A_68, %dma_wait3A_237] : memref<10000x128xf32, #tpu.memory_space<vmem_shared>> -> memref<40x128xf32, #tpu.memory_space<vmem_shared>>
      %dma_wait3A_239 = arith.constant 0 : i32
      %dma_wait3A_240 = tpu.memref_slice %arg7[%mul3A_68, %dma_wait3A_239] : memref<10000x128xf32, #tpu.memory_space<vmem_shared>> -> memref<40x128xf32, #tpu.memory_space<vmem_shared>>
      tpu.wait_dma2 semaphore(%run_scoped3A : memref<!tpu.dma_semaphore, #tpu.memory_space<semaphore_mem>>) src(%arg15 : memref<40x128xf32, #tpu.memory_space<vmem>>) dst(%dma_wait3A_240 : memref<40x128xf32, #tpu.memory_space<vmem_shared>>)
      tpu.yield
    }) : () -> ()
    %lt3A = arith.constant 10 : i32
    %lt3A_69 = arith.cmpi slt, %arg1, %lt3A : i32
    %convert_element_type3A = arith.extui %lt3A_69 : i1 to i32
    %cond3A = arith.constant 0 : i32
    %cond3A_70 = arith.cmpi ne, %convert_element_type3A, %cond3A : i32
    scf.if %cond3A_70 {
      %add3A_233 = arith.constant 240 : i32
      %add3A_234 = arith.addi %add3A_233, %arg1 : i32
      %mul3A_235 = arith.constant 40 : i32
      %mul3A_236 = arith.muli %add3A_234, %mul3A_235 : i32
      "tpu.region"() ({
        %run_scoped3A = tpu.sem_alloc : memref<!tpu.dma_semaphore, #tpu.memory_space<semaphore_mem>>
        %dma_start3A_237 = arith.constant 0 : i32
        %dma_start3A_238 = tpu.memref_slice %arg7[%mul3A_236, %dma_start3A_237] : memref<10000x128xf32, #tpu.memory_space<vmem_shared>> -> memref<40x128xf32, #tpu.memory_space<vmem_shared>>
        %dma_start3A_239 = arith.constant 0 : i32
        %dma_start3A_240 = tpu.memref_slice %arg7[%mul3A_236, %dma_start3A_239] : memref<10000x128xf32, #tpu.memory_space<vmem_shared>> -> memref<40x128xf32, #tpu.memory_space<vmem_shared>>
        tpu.enqueue_dma source(%arg15 : memref<40x128xf32, #tpu.memory_space<vmem>>) target(%dma_start3A_240 : memref<40x128xf32, #tpu.memory_space<vmem_shared>>) target_semaphore(%run_scoped3A : memref<!tpu.dma_semaphore, #tpu.memory_space<semaphore_mem>>)
        %dma_wait3A_241 = arith.constant 0 : i32
        %dma_wait3A_242 = tpu.memref_slice %arg7[%mul3A_236, %dma_wait3A_241] : memref<10000x128xf32, #tpu.memory_space<vmem_shared>> -> memref<40x128xf32, #tpu.memory_space<vmem_shared>>
        %dma_wait3A_243 = arith.constant 0 : i32
        %dma_wait3A_244 = tpu.memref_slice %arg7[%mul3A_236, %dma_wait3A_243] : memref<10000x128xf32, #tpu.memory_space<vmem_shared>> -> memref<40x128xf32, #tpu.memory_space<vmem_shared>>
        tpu.wait_dma2 semaphore(%run_scoped3A : memref<!tpu.dma_semaphore, #tpu.memory_space<semaphore_mem>>) src(%arg15 : memref<40x128xf32, #tpu.memory_space<vmem>>) dst(%dma_wait3A_244 : memref<40x128xf32, #tpu.memory_space<vmem_shared>>)
        tpu.yield
      }) : () -> ()
    } else {
    }
    %barrier3A = arith.constant 0 : index
    tpu.barrier barrier_id(%barrier3A)
    "tpu.region"() ({
      %run_scoped3A = tpu.sem_alloc : memref<!tpu.dma_semaphore, #tpu.memory_space<semaphore_mem>>
      %dma_start3A_233 = arith.constant 0 : i32
      %dma_start3A_234 = tpu.memref_slice %arg8[%dma_start3A_233] : memref<1600xi32, #tpu.memory_space<vmem>> -> memref<800xi32, #tpu.memory_space<vmem>>
      %dma_start3A_235 = tpu.memref_slice %arg3[%mul3A_1] : memref<320000xi32, #tpu.memory_space<hbm>> -> memref<800xi32, #tpu.memory_space<hbm>>
      %dma_start3A_236 = arith.constant 0 : i32
      %dma_start3A_237 = tpu.memref_slice %arg8[%dma_start3A_236] : memref<1600xi32, #tpu.memory_space<vmem>> -> memref<800xi32, #tpu.memory_space<vmem>>
      %dma_start3A_238 = tpu.memref_slice %arg3[%mul3A_1] : memref<320000xi32, #tpu.memory_space<hbm>> -> memref<800xi32, #tpu.memory_space<hbm>>
      tpu.enqueue_dma source(%dma_start3A_238 : memref<800xi32, #tpu.memory_space<hbm>>) target(%dma_start3A_237 : memref<800xi32, #tpu.memory_space<vmem>>) target_semaphore(%run_scoped3A : memref<!tpu.dma_semaphore, #tpu.memory_space<semaphore_mem>>)
      %dma_wait3A_239 = arith.constant 0 : i32
      %dma_wait3A_240 = tpu.memref_slice %arg8[%dma_wait3A_239] : memref<1600xi32, #tpu.memory_space<vmem>> -> memref<800xi32, #tpu.memory_space<vmem>>
      %dma_wait3A_241 = tpu.memref_slice %arg3[%mul3A_1] : memref<320000xi32, #tpu.memory_space<hbm>> -> memref<800xi32, #tpu.memory_space<hbm>>
      %dma_wait3A_242 = arith.constant 0 : i32
      %dma_wait3A_243 = tpu.memref_slice %arg8[%dma_wait3A_242] : memref<1600xi32, #tpu.memory_space<vmem>> -> memref<800xi32, #tpu.memory_space<vmem>>
      %dma_wait3A_244 = tpu.memref_slice %arg3[%mul3A_1] : memref<320000xi32, #tpu.memory_space<hbm>> -> memref<800xi32, #tpu.memory_space<hbm>>
      tpu.wait_dma2 semaphore(%run_scoped3A : memref<!tpu.dma_semaphore, #tpu.memory_space<semaphore_mem>>) src(%dma_wait3A_244 : memref<800xi32, #tpu.memory_space<hbm>>) dst(%dma_wait3A_243 : memref<800xi32, #tpu.memory_space<vmem>>)
      tpu.yield
    }) : () -> ()
    "tpu.region"() ({
      %run_scoped3A = tpu.sem_alloc : memref<!tpu.dma_semaphore, #tpu.memory_space<semaphore_mem>>
      %dma_start3A_233 = arith.constant 0 : i32
      %dma_start3A_234 = tpu.memref_slice %arg9[%dma_start3A_233] : memref<1600xi32, #tpu.memory_space<vmem>> -> memref<800xi32, #tpu.memory_space<vmem>>
      %dma_start3A_235 = tpu.memref_slice %arg4[%mul3A_1] : memref<320000xi32, #tpu.memory_space<hbm>> -> memref<800xi32, #tpu.memory_space<hbm>>
      %dma_start3A_236 = arith.constant 0 : i32
      %dma_start3A_237 = tpu.memref_slice %arg9[%dma_start3A_236] : memref<1600xi32, #tpu.memory_space<vmem>> -> memref<800xi32, #tpu.memory_space<vmem>>
      %dma_start3A_238 = tpu.memref_slice %arg4[%mul3A_1] : memref<320000xi32, #tpu.memory_space<hbm>> -> memref<800xi32, #tpu.memory_space<hbm>>
      tpu.enqueue_dma source(%dma_start3A_238 : memref<800xi32, #tpu.memory_space<hbm>>) target(%dma_start3A_237 : memref<800xi32, #tpu.memory_space<vmem>>) target_semaphore(%run_scoped3A : memref<!tpu.dma_semaphore, #tpu.memory_space<semaphore_mem>>)
      %dma_wait3A_239 = arith.constant 0 : i32
      %dma_wait3A_240 = tpu.memref_slice %arg9[%dma_wait3A_239] : memref<1600xi32, #tpu.memory_space<vmem>> -> memref<800xi32, #tpu.memory_space<vmem>>
      %dma_wait3A_241 = tpu.memref_slice %arg4[%mul3A_1] : memref<320000xi32, #tpu.memory_space<hbm>> -> memref<800xi32, #tpu.memory_space<hbm>>
      %dma_wait3A_242 = arith.constant 0 : i32
      %dma_wait3A_243 = tpu.memref_slice %arg9[%dma_wait3A_242] : memref<1600xi32, #tpu.memory_space<vmem>> -> memref<800xi32, #tpu.memory_space<vmem>>
      %dma_wait3A_244 = tpu.memref_slice %arg4[%mul3A_1] : memref<320000xi32, #tpu.memory_space<hbm>> -> memref<800xi32, #tpu.memory_space<hbm>>
      tpu.wait_dma2 semaphore(%run_scoped3A : memref<!tpu.dma_semaphore, #tpu.memory_space<semaphore_mem>>) src(%dma_wait3A_244 : memref<800xi32, #tpu.memory_space<hbm>>) dst(%dma_wait3A_243 : memref<800xi32, #tpu.memory_space<vmem>>)
      tpu.yield
    }) : () -> ()
    %mul3A_71 = arith.constant 320000 : i32
    %mul3A_72 = arith.muli %add3A_8, %mul3A_71 : i32
    %add3A_73 = arith.addi %mul3A_72, %mul3A_1 : i32
    "tpu.region"() ({
      %run_scoped3A = tpu.sem_alloc : memref<!tpu.dma_semaphore, #tpu.memory_space<semaphore_mem>>
      %dma_start3A_233 = arith.constant 0 : i32
      %dma_start3A_234 = tpu.memref_slice %arg10[%dma_start3A_233] : memref<1600xf32, #tpu.memory_space<vmem>> -> memref<800xf32, #tpu.memory_space<vmem>>
      %dma_start3A_235 = tpu.memref_slice %arg5[%add3A_73] : memref<1280000xf32, #tpu.memory_space<hbm>> -> memref<800xf32, #tpu.memory_space<hbm>>
      %dma_start3A_236 = arith.constant 0 : i32
      %dma_start3A_237 = tpu.memref_slice %arg10[%dma_start3A_236] : memref<1600xf32, #tpu.memory_space<vmem>> -> memref<800xf32, #tpu.memory_space<vmem>>
      %dma_start3A_238 = tpu.memref_slice %arg5[%add3A_73] : memref<1280000xf32, #tpu.memory_space<hbm>> -> memref<800xf32, #tpu.memory_space<hbm>>
      tpu.enqueue_dma source(%dma_start3A_238 : memref<800xf32, #tpu.memory_space<hbm>>) target(%dma_start3A_237 : memref<800xf32, #tpu.memory_space<vmem>>) target_semaphore(%run_scoped3A : memref<!tpu.dma_semaphore, #tpu.memory_space<semaphore_mem>>)
      %dma_wait3A_239 = arith.constant 0 : i32
      %dma_wait3A_240 = tpu.memref_slice %arg10[%dma_wait3A_239] : memref<1600xf32, #tpu.memory_space<vmem>> -> memref<800xf32, #tpu.memory_space<vmem>>
      %dma_wait3A_241 = tpu.memref_slice %arg5[%add3A_73] : memref<1280000xf32, #tpu.memory_space<hbm>> -> memref<800xf32, #tpu.memory_space<hbm>>
      %dma_wait3A_242 = arith.constant 0 : i32
      %dma_wait3A_243 = tpu.memref_slice %arg10[%dma_wait3A_242] : memref<1600xf32, #tpu.memory_space<vmem>> -> memref<800xf32, #tpu.memory_space<vmem>>
      %dma_wait3A_244 = tpu.memref_slice %arg5[%add3A_73] : memref<1280000xf32, #tpu.memory_space<hbm>> -> memref<800xf32, #tpu.memory_space<hbm>>
      tpu.wait_dma2 semaphore(%run_scoped3A : memref<!tpu.dma_semaphore, #tpu.memory_space<semaphore_mem>>) src(%dma_wait3A_244 : memref<800xf32, #tpu.memory_space<hbm>>) dst(%dma_wait3A_243 : memref<800xf32, #tpu.memory_space<vmem>>)
      tpu.yield
    }) : () -> ()
    %dma_start3A = arith.constant 0 : i32
    %dma_start3A_74 = tpu.memref_slice %arg8[%dma_start3A] : memref<1600xi32, #tpu.memory_space<vmem>> -> memref<80xi32, #tpu.memory_space<vmem>>
    %dma_start3A_75 = arith.constant 0 : i32
    %dma_start3A_76 = arith.constant 0 : i32
    %dma_start3A_77 = tpu.memref_slice %arg2[%dma_start3A_75, %dma_start3A_76] : memref<10000x128xf32, #tpu.memory_space<hbm>> -> memref<10000x128xf32, #tpu.memory_space<hbm>>
    tpu.enqueue_indirect_dma source(%dma_start3A_77 : memref<10000x128xf32, #tpu.memory_space<hbm>>) target(%arg11 : memref<80x128xf32, #tpu.memory_space<vmem>>) offsets(%dma_start3A_74 : memref<80xi32, #tpu.memory_space<vmem>>) semaphore(%arg16 : memref<!tpu.dma_semaphore, #tpu.memory_space<semaphore_mem>>)
    %dma_start3A_78 = arith.constant 80 : i32
    %dma_start3A_79 = tpu.memref_slice %arg8[%dma_start3A_78] : memref<1600xi32, #tpu.memory_space<vmem>> -> memref<80xi32, #tpu.memory_space<vmem>>
    %dma_start3A_80 = arith.constant 0 : i32
    %dma_start3A_81 = arith.constant 0 : i32
    %dma_start3A_82 = tpu.memref_slice %arg2[%dma_start3A_80, %dma_start3A_81] : memref<10000x128xf32, #tpu.memory_space<hbm>> -> memref<10000x128xf32, #tpu.memory_space<hbm>>
    tpu.enqueue_indirect_dma source(%dma_start3A_82 : memref<10000x128xf32, #tpu.memory_space<hbm>>) target(%arg12 : memref<80x128xf32, #tpu.memory_space<vmem>>) offsets(%dma_start3A_79 : memref<80xi32, #tpu.memory_space<vmem>>) semaphore(%arg17 : memref<!tpu.dma_semaphore, #tpu.memory_space<semaphore_mem>>)
    %scan3A_83 = arith.constant 0 : i32
    %scan3A_84 = arith.constant 25 : i32
    %scan3A_85 = arith.addi %scan3A_83, %scan3A_84 : i32
    %scan3A_86 = arith.constant 1 : i32
    scf.for %scan3A_233 = %scan3A_83 to %scan3A_85 step %scan3A_86  : i32 {
      %jit3A = arith.constant 2 : i32
      %eq3A = arith.constant 0 : i32
      %eq3A_234 = arith.cmpi eq, %jit3A, %eq3A : i32
      %jit3A_235 = arith.constant 1 : i32
      %select_n3A = arith.select %eq3A_234, %jit3A_235, %jit3A : i32
      %rem3A = arith.remsi %scan3A_233, %select_n3A : i32
      %ne3A = arith.constant 0 : i32
      %ne3A_236 = arith.cmpi ne, %rem3A, %ne3A : i32
      %lt3A_237 = arith.constant 0 : i32
      %lt3A_238 = arith.cmpi slt, %rem3A, %lt3A_237 : i32
      %lt3A_239 = arith.constant 0 : i32
      %lt3A_240 = arith.cmpi slt, %select_n3A, %lt3A_239 : i32
      %ne3A_241 = arith.xori %lt3A_238, %lt3A_240 : i1
      %and3A = arith.andi %ne3A_241, %ne3A_236 : i1
      %add3A_242 = arith.addi %rem3A, %select_n3A : i32
      %select_n3A_243 = arith.select %and3A, %add3A_242, %rem3A : i32
      %mul3A_244 = arith.constant 800 : i32
      %mul3A_245 = arith.muli %select_n3A_243, %mul3A_244 : i32
      %add3A_246 = arith.constant 1 : i32
      %add3A_247 = arith.addi %scan3A_233, %add3A_246 : i32
      %jit3A_248 = arith.constant 2 : i32
      %eq3A_249 = arith.constant 0 : i32
      %eq3A_250 = arith.cmpi eq, %jit3A_248, %eq3A_249 : i32
      %jit3A_251 = arith.constant 1 : i32
      %select_n3A_252 = arith.select %eq3A_250, %jit3A_251, %jit3A_248 : i32
      %rem3A_253 = arith.remsi %add3A_247, %select_n3A_252 : i32
      %ne3A_254 = arith.constant 0 : i32
      %ne3A_255 = arith.cmpi ne, %rem3A_253, %ne3A_254 : i32
      %lt3A_256 = arith.constant 0 : i32
      %lt3A_257 = arith.cmpi slt, %rem3A_253, %lt3A_256 : i32
      %lt3A_258 = arith.constant 0 : i32
      %lt3A_259 = arith.cmpi slt, %select_n3A_252, %lt3A_258 : i32
      %ne3A_260 = arith.xori %lt3A_257, %lt3A_259 : i1
      %and3A_261 = arith.andi %ne3A_260, %ne3A_255 : i1
      %add3A_262 = arith.addi %rem3A_253, %select_n3A_252 : i32
      %select_n3A_263 = arith.select %and3A_261, %add3A_262, %rem3A_253 : i32
      %mul3A_264 = arith.constant 800 : i32
      %mul3A_265 = arith.muli %select_n3A_263, %mul3A_264 : i32
      %scan3A_266 = arith.constant 0 : i32
      %scan3A_267 = arith.constant 5 : i32
      %scan3A_268 = arith.addi %scan3A_266, %scan3A_267 : i32
      %scan3A_269 = arith.constant 1 : i32
      scf.for %scan3A_271 = %scan3A_266 to %scan3A_268 step %scan3A_269  : i32 {
        %mul3A_272 = arith.constant 2 : i32
        %mul3A_273 = arith.muli %scan3A_271, %mul3A_272 : i32
        %add3A_274 = arith.constant 0 : i32
        %add3A_275 = arith.addi %mul3A_273, %add3A_274 : i32
        %mul3A_276 = arith.constant 80 : i32
        %mul3A_277 = arith.muli %add3A_275, %mul3A_276 : i32
        %add3A_278 = arith.addi %mul3A_245, %mul3A_277 : i32
        %dma_wait3A_279 = arith.constant 0 : i32
        %dma_wait3A_280 = tpu.memref_slice %arg8[%dma_wait3A_279] : memref<1600xi32, #tpu.memory_space<vmem>> -> memref<80xi32, #tpu.memory_space<vmem>>
        %dma_wait3A_281 = arith.constant 0 : i32
        %dma_wait3A_282 = arith.constant 0 : i32
        %dma_wait3A_283 = tpu.memref_slice %arg2[%dma_wait3A_281, %dma_wait3A_282] : memref<10000x128xf32, #tpu.memory_space<hbm>> -> memref<10000x128xf32, #tpu.memory_space<hbm>>
        tpu.wait_indirect_dma semaphore(%arg16 : memref<!tpu.dma_semaphore, #tpu.memory_space<semaphore_mem>>) src(%dma_wait3A_283 : memref<10000x128xf32, #tpu.memory_space<hbm>>) dst(%arg11 : memref<80x128xf32, #tpu.memory_space<vmem>>)
        %gt3A = arith.constant 0 : i32
        %gt3A_284 = arith.cmpi sgt, %scan3A_233, %gt3A : i32
        %gt3A_285 = arith.constant 0 : i32
        %gt3A_286 = arith.cmpi sgt, %scan3A_271, %gt3A_285 : i32
        %or3A = arith.ori %gt3A_284, %gt3A_286 : i1
        %convert_element_type3A_287 = arith.extui %or3A : i1 to i32
        %cond3A_288 = arith.constant 0 : i32
        %cond3A_289 = arith.cmpi ne, %convert_element_type3A_287, %cond3A_288 : i32
        scf.if %cond3A_289 {
          %dma_wait3A_357 = arith.constant 0 : i32
          %dma_wait3A_358 = tpu.memref_slice %arg9[%dma_wait3A_357] : memref<1600xi32, #tpu.memory_space<vmem>> -> memref<80xi32, #tpu.memory_space<vmem>>
          %dma_wait3A_359 = arith.constant 0 : i32
          %dma_wait3A_360 = arith.constant 0 : i32
          %dma_wait3A_361 = tpu.memref_slice %arg7[%dma_wait3A_359, %dma_wait3A_360] : memref<10000x128xf32, #tpu.memory_space<vmem_shared>> -> memref<10000x128xf32, #tpu.memory_space<vmem_shared>>
          tpu.wait_indirect_dma semaphore(%arg18 : memref<!tpu.dma_semaphore, #tpu.memory_space<semaphore_mem>>) src(%arg13 : memref<80x128xf32, #tpu.memory_space<vmem>>) dst(%dma_wait3A_361 : memref<10000x128xf32, #tpu.memory_space<vmem_shared>>)
        } else {
        }
        %parallel_loop3A = arith.constant 0 : i32
        %parallel_loop3A_290 = arith.constant 80 : i32
        %parallel_loop3A_291 = arith.constant 1 : i32
        scf.for %parallel_loop3A_357 = %parallel_loop3A to %parallel_loop3A_290 step %parallel_loop3A_291  : i32 {
          %parallel_loop3A_358 = vector.broadcast %add3A_278 : i32 to vector<16xi32>
          %parallel_loop3A_359 = vector.broadcast %parallel_loop3A_357 : i32 to vector<16xi32>
          %parallel_loop3A_360 = arith.addi %parallel_loop3A_358, %parallel_loop3A_359 : vector<16xi32>
          %parallel_loop3A_361 = tpu.vector_load_idx %arg10[%parallel_loop3A_360] : memref<1600xf32, #tpu.memory_space<vmem>>[vector<16xi32>], vector<16xf32>,
          %parallel_loop3A_362 = arith.index_cast %parallel_loop3A_357 : i32 to index
          %parallel_loop3A_363 = arith.constant 0 : index
          %parallel_loop3A_364 = tpu.vector_load %arg11[%parallel_loop3A_362, %parallel_loop3A_363] {strides = array<i32>} : memref<80x128xf32, #tpu.memory_space<vmem>>, vector<16xf32>,
          %parallel_loop3A_365 = arith.mulf %parallel_loop3A_364, %parallel_loop3A_361 : vector<16xf32>
          %parallel_loop3A_366 = arith.index_cast %parallel_loop3A_357 : i32 to index
          %parallel_loop3A_367 = arith.constant 0 : index
          %parallel_loop3A_368 = tpu.vector_load %arg13[%parallel_loop3A_366, %parallel_loop3A_367] {strides = array<i32>} : memref<80x128xf32, #tpu.memory_space<vmem>>, vector<16xf32>,
          tpu.vector_store %arg13[%parallel_loop3A_366, %parallel_loop3A_367], %parallel_loop3A_365 {strides = array<i32>} : memref<80x128xf32, #tpu.memory_space<vmem>>, vector<16xf32>,
          %parallel_loop3A_369 = arith.index_cast %parallel_loop3A_357 : i32 to index
          %parallel_loop3A_370 = arith.constant 16 : index
          %parallel_loop3A_371 = tpu.vector_load %arg11[%parallel_loop3A_369, %parallel_loop3A_370] {strides = array<i32>} : memref<80x128xf32, #tpu.memory_space<vmem>>, vector<16xf32>,
          %parallel_loop3A_372 = arith.mulf %parallel_loop3A_371, %parallel_loop3A_361 : vector<16xf32>
          %parallel_loop3A_373 = arith.index_cast %parallel_loop3A_357 : i32 to index
          %parallel_loop3A_374 = arith.constant 16 : index
          %parallel_loop3A_375 = tpu.vector_load %arg13[%parallel_loop3A_373, %parallel_loop3A_374] {strides = array<i32>} : memref<80x128xf32, #tpu.memory_space<vmem>>, vector<16xf32>,
          tpu.vector_store %arg13[%parallel_loop3A_373, %parallel_loop3A_374], %parallel_loop3A_372 {strides = array<i32>} : memref<80x128xf32, #tpu.memory_space<vmem>>, vector<16xf32>,
          %parallel_loop3A_376 = arith.index_cast %parallel_loop3A_357 : i32 to index
          %parallel_loop3A_377 = arith.constant 32 : index
          %parallel_loop3A_378 = tpu.vector_load %arg11[%parallel_loop3A_376, %parallel_loop3A_377] {strides = array<i32>} : memref<80x128xf32, #tpu.memory_space<vmem>>, vector<16xf32>,
          %parallel_loop3A_379 = arith.mulf %parallel_loop3A_378, %parallel_loop3A_361 : vector<16xf32>
          %parallel_loop3A_380 = arith.index_cast %parallel_loop3A_357 : i32 to index
          %parallel_loop3A_381 = arith.constant 32 : index
          %parallel_loop3A_382 = tpu.vector_load %arg13[%parallel_loop3A_380, %parallel_loop3A_381] {strides = array<i32>} : memref<80x128xf32, #tpu.memory_space<vmem>>, vector<16xf32>,
          tpu.vector_store %arg13[%parallel_loop3A_380, %parallel_loop3A_381], %parallel_loop3A_379 {strides = array<i32>} : memref<80x128xf32, #tpu.memory_space<vmem>>, vector<16xf32>,
          %parallel_loop3A_383 = arith.index_cast %parallel_loop3A_357 : i32 to index
          %parallel_loop3A_384 = arith.constant 48 : index
          %parallel_loop3A_385 = tpu.vector_load %arg11[%parallel_loop3A_383, %parallel_loop3A_384] {strides = array<i32>} : memref<80x128xf32, #tpu.memory_space<vmem>>, vector<16xf32>,
          %parallel_loop3A_386 = arith.mulf %parallel_loop3A_385, %parallel_loop3A_361 : vector<16xf32>
          %parallel_loop3A_387 = arith.index_cast %parallel_loop3A_357 : i32 to index
          %parallel_loop3A_388 = arith.constant 48 : index
          %parallel_loop3A_389 = tpu.vector_load %arg13[%parallel_loop3A_387, %parallel_loop3A_388] {strides = array<i32>} : memref<80x128xf32, #tpu.memory_space<vmem>>, vector<16xf32>,
          tpu.vector_store %arg13[%parallel_loop3A_387, %parallel_loop3A_388], %parallel_loop3A_386 {strides = array<i32>} : memref<80x128xf32, #tpu.memory_space<vmem>>, vector<16xf32>,
          %parallel_loop3A_390 = arith.index_cast %parallel_loop3A_357 : i32 to index
          %parallel_loop3A_391 = arith.constant 64 : index
          %parallel_loop3A_392 = tpu.vector_load %arg11[%parallel_loop3A_390, %parallel_loop3A_391] {strides = array<i32>} : memref<80x128xf32, #tpu.memory_space<vmem>>, vector<16xf32>,
          %parallel_loop3A_393 = arith.mulf %parallel_loop3A_392, %parallel_loop3A_361 : vector<16xf32>
          %parallel_loop3A_394 = arith.index_cast %parallel_loop3A_357 : i32 to index
          %parallel_loop3A_395 = arith.constant 64 : index
          %parallel_loop3A_396 = tpu.vector_load %arg13[%parallel_loop3A_394, %parallel_loop3A_395] {strides = array<i32>} : memref<80x128xf32, #tpu.memory_space<vmem>>, vector<16xf32>,
          tpu.vector_store %arg13[%parallel_loop3A_394, %parallel_loop3A_395], %parallel_loop3A_393 {strides = array<i32>} : memref<80x128xf32, #tpu.memory_space<vmem>>, vector<16xf32>,
          %parallel_loop3A_397 = arith.index_cast %parallel_loop3A_357 : i32 to index
          %parallel_loop3A_398 = arith.constant 80 : index
          %parallel_loop3A_399 = tpu.vector_load %arg11[%parallel_loop3A_397, %parallel_loop3A_398] {strides = array<i32>} : memref<80x128xf32, #tpu.memory_space<vmem>>, vector<16xf32>,
          %parallel_loop3A_400 = arith.mulf %parallel_loop3A_399, %parallel_loop3A_361 : vector<16xf32>
          %parallel_loop3A_401 = arith.index_cast %parallel_loop3A_357 : i32 to index
          %parallel_loop3A_402 = arith.constant 80 : index
          %parallel_loop3A_403 = tpu.vector_load %arg13[%parallel_loop3A_401, %parallel_loop3A_402] {strides = array<i32>} : memref<80x128xf32, #tpu.memory_space<vmem>>, vector<16xf32>,
          tpu.vector_store %arg13[%parallel_loop3A_401, %parallel_loop3A_402], %parallel_loop3A_400 {strides = array<i32>} : memref<80x128xf32, #tpu.memory_space<vmem>>, vector<16xf32>,
          %parallel_loop3A_404 = arith.index_cast %parallel_loop3A_357 : i32 to index
          %parallel_loop3A_405 = arith.constant 96 : index
          %parallel_loop3A_406 = tpu.vector_load %arg11[%parallel_loop3A_404, %parallel_loop3A_405] {strides = array<i32>} : memref<80x128xf32, #tpu.memory_space<vmem>>, vector<16xf32>,
          %parallel_loop3A_407 = arith.mulf %parallel_loop3A_406, %parallel_loop3A_361 : vector<16xf32>
          %parallel_loop3A_408 = arith.index_cast %parallel_loop3A_357 : i32 to index
          %parallel_loop3A_409 = arith.constant 96 : index
          %parallel_loop3A_410 = tpu.vector_load %arg13[%parallel_loop3A_408, %parallel_loop3A_409] {strides = array<i32>} : memref<80x128xf32, #tpu.memory_space<vmem>>, vector<16xf32>,
          tpu.vector_store %arg13[%parallel_loop3A_408, %parallel_loop3A_409], %parallel_loop3A_407 {strides = array<i32>} : memref<80x128xf32, #tpu.memory_space<vmem>>, vector<16xf32>,
          %parallel_loop3A_411 = arith.index_cast %parallel_loop3A_357 : i32 to index
          %parallel_loop3A_412 = arith.constant 112 : index
          %parallel_loop3A_413 = tpu.vector_load %arg11[%parallel_loop3A_411, %parallel_loop3A_412] {strides = array<i32>} : memref<80x128xf32, #tpu.memory_space<vmem>>, vector<16xf32>,
          %parallel_loop3A_414 = arith.mulf %parallel_loop3A_413, %parallel_loop3A_361 : vector<16xf32>
          %parallel_loop3A_415 = arith.index_cast %parallel_loop3A_357 : i32 to index
          %parallel_loop3A_416 = arith.constant 112 : index
          %parallel_loop3A_417 = tpu.vector_load %arg13[%parallel_loop3A_415, %parallel_loop3A_416] {strides = array<i32>} : memref<80x128xf32, #tpu.memory_space<vmem>>, vector<16xf32>,
          tpu.vector_store %arg13[%parallel_loop3A_415, %parallel_loop3A_416], %parallel_loop3A_414 {strides = array<i32>} : memref<80x128xf32, #tpu.memory_space<vmem>>, vector<16xf32>,
        } {sc.loop_unroll_factor = 8 : i64, sc.parallel_access}
        %dma_start3A_292 = tpu.memref_slice %arg9[%add3A_278] : memref<1600xi32, #tpu.memory_space<vmem>> -> memref<80xi32, #tpu.memory_space<vmem>>
        %dma_start3A_293 = arith.constant 0 : i32
        %dma_start3A_294 = arith.constant 0 : i32
        %dma_start3A_295 = tpu.memref_slice %arg7[%dma_start3A_293, %dma_start3A_294] : memref<10000x128xf32, #tpu.memory_space<vmem_shared>> -> memref<10000x128xf32, #tpu.memory_space<vmem_shared>>
        tpu.enqueue_indirect_dma source(%arg13 : memref<80x128xf32, #tpu.memory_space<vmem>>) target(%dma_start3A_295 : memref<10000x128xf32, #tpu.memory_space<vmem_shared>>) offsets(%dma_start3A_292 : memref<80xi32, #tpu.memory_space<vmem>>) semaphore(%arg18 : memref<!tpu.dma_semaphore, #tpu.memory_space<semaphore_mem>>) {add = true}
        %eq3A_296 = arith.constant 1 : i32
        %eq3A_297 = arith.cmpi eq, %scan3A_271, %eq3A_296 : i32
        %lt3A_298 = arith.constant 24 : i32
        %lt3A_299 = arith.cmpi slt, %scan3A_233, %lt3A_298 : i32
        %and3A_300 = arith.andi %eq3A_297, %lt3A_299 : i1
        %convert_element_type3A_301 = arith.extui %and3A_300 : i1 to i32
        %cond3A_302 = arith.constant 0 : i32
        %cond3A_303 = arith.cmpi ne, %convert_element_type3A_301, %cond3A_302 : i32
        scf.if %cond3A_303 {
          %add3A_357 = arith.constant 1 : i32
          %add3A_358 = arith.addi %scan3A_233, %add3A_357 : i32
          %mul3A_359 = arith.constant 800 : i32
          %mul3A_360 = arith.muli %add3A_358, %mul3A_359 : i32
          %add3A_361 = arith.addi %mul3A_1, %mul3A_360 : i32
          "tpu.region"() ({
            %run_scoped3A = tpu.sem_alloc : memref<!tpu.dma_semaphore, #tpu.memory_space<semaphore_mem>>
            %dma_start3A_365 = tpu.memref_slice %arg8[%mul3A_265] : memref<1600xi32, #tpu.memory_space<vmem>> -> memref<800xi32, #tpu.memory_space<vmem>>
            %dma_start3A_366 = tpu.memref_slice %arg3[%add3A_361] : memref<320000xi32, #tpu.memory_space<hbm>> -> memref<800xi32, #tpu.memory_space<hbm>>
            %dma_start3A_367 = tpu.memref_slice %arg8[%mul3A_265] : memref<1600xi32, #tpu.memory_space<vmem>> -> memref<800xi32, #tpu.memory_space<vmem>>
            %dma_start3A_368 = tpu.memref_slice %arg3[%add3A_361] : memref<320000xi32, #tpu.memory_space<hbm>> -> memref<800xi32, #tpu.memory_space<hbm>>
            tpu.enqueue_dma source(%dma_start3A_368 : memref<800xi32, #tpu.memory_space<hbm>>) target(%dma_start3A_367 : memref<800xi32, #tpu.memory_space<vmem>>) target_semaphore(%run_scoped3A : memref<!tpu.dma_semaphore, #tpu.memory_space<semaphore_mem>>)
            %dma_wait3A_369 = tpu.memref_slice %arg8[%mul3A_265] : memref<1600xi32, #tpu.memory_space<vmem>> -> memref<800xi32, #tpu.memory_space<vmem>>
            %dma_wait3A_370 = tpu.memref_slice %arg3[%add3A_361] : memref<320000xi32, #tpu.memory_space<hbm>> -> memref<800xi32, #tpu.memory_space<hbm>>
            %dma_wait3A_371 = tpu.memref_slice %arg8[%mul3A_265] : memref<1600xi32, #tpu.memory_space<vmem>> -> memref<800xi32, #tpu.memory_space<vmem>>
            %dma_wait3A_372 = tpu.memref_slice %arg3[%add3A_361] : memref<320000xi32, #tpu.memory_space<hbm>> -> memref<800xi32, #tpu.memory_space<hbm>>
            tpu.wait_dma2 semaphore(%run_scoped3A : memref<!tpu.dma_semaphore, #tpu.memory_space<semaphore_mem>>) src(%dma_wait3A_372 : memref<800xi32, #tpu.memory_space<hbm>>) dst(%dma_wait3A_371 : memref<800xi32, #tpu.memory_space<vmem>>)
            tpu.yield
          }) : () -> ()
          "tpu.region"() ({
            %run_scoped3A = tpu.sem_alloc : memref<!tpu.dma_semaphore, #tpu.memory_space<semaphore_mem>>
            %dma_start3A_365 = tpu.memref_slice %arg9[%mul3A_265] : memref<1600xi32, #tpu.memory_space<vmem>> -> memref<800xi32, #tpu.memory_space<vmem>>
            %dma_start3A_366 = tpu.memref_slice %arg4[%add3A_361] : memref<320000xi32, #tpu.memory_space<hbm>> -> memref<800xi32, #tpu.memory_space<hbm>>
            %dma_start3A_367 = tpu.memref_slice %arg9[%mul3A_265] : memref<1600xi32, #tpu.memory_space<vmem>> -> memref<800xi32, #tpu.memory_space<vmem>>
            %dma_start3A_368 = tpu.memref_slice %arg4[%add3A_361] : memref<320000xi32, #tpu.memory_space<hbm>> -> memref<800xi32, #tpu.memory_space<hbm>>
            tpu.enqueue_dma source(%dma_start3A_368 : memref<800xi32, #tpu.memory_space<hbm>>) target(%dma_start3A_367 : memref<800xi32, #tpu.memory_space<vmem>>) target_semaphore(%run_scoped3A : memref<!tpu.dma_semaphore, #tpu.memory_space<semaphore_mem>>)
            %dma_wait3A_369 = tpu.memref_slice %arg9[%mul3A_265] : memref<1600xi32, #tpu.memory_space<vmem>> -> memref<800xi32, #tpu.memory_space<vmem>>
            %dma_wait3A_370 = tpu.memref_slice %arg4[%add3A_361] : memref<320000xi32, #tpu.memory_space<hbm>> -> memref<800xi32, #tpu.memory_space<hbm>>
            %dma_wait3A_371 = tpu.memref_slice %arg9[%mul3A_265] : memref<1600xi32, #tpu.memory_space<vmem>> -> memref<800xi32, #tpu.memory_space<vmem>>
            %dma_wait3A_372 = tpu.memref_slice %arg4[%add3A_361] : memref<320000xi32, #tpu.memory_space<hbm>> -> memref<800xi32, #tpu.memory_space<hbm>>
            tpu.wait_dma2 semaphore(%run_scoped3A : memref<!tpu.dma_semaphore, #tpu.memory_space<semaphore_mem>>) src(%dma_wait3A_372 : memref<800xi32, #tpu.memory_space<hbm>>) dst(%dma_wait3A_371 : memref<800xi32, #tpu.memory_space<vmem>>)
            tpu.yield
          }) : () -> ()
          %mul3A_362 = arith.constant 320000 : i32
          %mul3A_363 = arith.muli %add3A_8, %mul3A_362 : i32
          %add3A_364 = arith.addi %mul3A_363, %add3A_361 : i32
          "tpu.region"() ({
            %run_scoped3A = tpu.sem_alloc : memref<!tpu.dma_semaphore, #tpu.memory_space<semaphore_mem>>
            %dma_start3A_365 = tpu.memref_slice %arg10[%mul3A_265] : memref<1600xf32, #tpu.memory_space<vmem>> -> memref<800xf32, #tpu.memory_space<vmem>>
            %dma_start3A_366 = tpu.memref_slice %arg5[%add3A_364] : memref<1280000xf32, #tpu.memory_space<hbm>> -> memref<800xf32, #tpu.memory_space<hbm>>
            %dma_start3A_367 = tpu.memref_slice %arg10[%mul3A_265] : memref<1600xf32, #tpu.memory_space<vmem>> -> memref<800xf32, #tpu.memory_space<vmem>>
            %dma_start3A_368 = tpu.memref_slice %arg5[%add3A_364] : memref<1280000xf32, #tpu.memory_space<hbm>> -> memref<800xf32, #tpu.memory_space<hbm>>
            tpu.enqueue_dma source(%dma_start3A_368 : memref<800xf32, #tpu.memory_space<hbm>>) target(%dma_start3A_367 : memref<800xf32, #tpu.memory_space<vmem>>) target_semaphore(%run_scoped3A : memref<!tpu.dma_semaphore, #tpu.memory_space<semaphore_mem>>)
            %dma_wait3A_369 = tpu.memref_slice %arg10[%mul3A_265] : memref<1600xf32, #tpu.memory_space<vmem>> -> memref<800xf32, #tpu.memory_space<vmem>>
            %dma_wait3A_370 = tpu.memref_slice %arg5[%add3A_364] : memref<1280000xf32, #tpu.memory_space<hbm>> -> memref<800xf32, #tpu.memory_space<hbm>>
            %dma_wait3A_371 = tpu.memref_slice %arg10[%mul3A_265] : memref<1600xf32, #tpu.memory_space<vmem>> -> memref<800xf32, #tpu.memory_space<vmem>>
            %dma_wait3A_372 = tpu.memref_slice %arg5[%add3A_364] : memref<1280000xf32, #tpu.memory_space<hbm>> -> memref<800xf32, #tpu.memory_space<hbm>>
            tpu.wait_dma2 semaphore(%run_scoped3A : memref<!tpu.dma_semaphore, #tpu.memory_space<semaphore_mem>>) src(%dma_wait3A_372 : memref<800xf32, #tpu.memory_space<hbm>>) dst(%dma_wait3A_371 : memref<800xf32, #tpu.memory_space<vmem>>)
            tpu.yield
          }) : () -> ()
        } else {
        }
        %lt3A_304 = arith.constant 4 : i32
        %lt3A_305 = arith.cmpi slt, %scan3A_271, %lt3A_304 : i32
        %convert_element_type3A_306 = arith.extui %lt3A_305 : i1 to i32
        %cond3A_307 = arith.constant 0 : i32
        %cond3A_308 = arith.cmpi ne, %convert_element_type3A_306, %cond3A_307 : i32
        scf.if %cond3A_308 {
          %add3A_357 = arith.constant 160 : i32
          %add3A_358 = arith.addi %add3A_278, %add3A_357 : i32
          %dma_start3A_359 = tpu.memref_slice %arg8[%add3A_358] : memref<1600xi32, #tpu.memory_space<vmem>> -> memref<80xi32, #tpu.memory_space<vmem>>
          %dma_start3A_360 = arith.constant 0 : i32
          %dma_start3A_361 = arith.constant 0 : i32
          %dma_start3A_362 = tpu.memref_slice %arg2[%dma_start3A_360, %dma_start3A_361] : memref<10000x128xf32, #tpu.memory_space<hbm>> -> memref<10000x128xf32, #tpu.memory_space<hbm>>
          tpu.enqueue_indirect_dma source(%dma_start3A_362 : memref<10000x128xf32, #tpu.memory_space<hbm>>) target(%arg11 : memref<80x128xf32, #tpu.memory_space<vmem>>) offsets(%dma_start3A_359 : memref<80xi32, #tpu.memory_space<vmem>>) semaphore(%arg16 : memref<!tpu.dma_semaphore, #tpu.memory_space<semaphore_mem>>)
        } else {
        }
        %eq3A_309 = arith.constant 4 : i32
        %eq3A_310 = arith.cmpi eq, %scan3A_271, %eq3A_309 : i32
        %lt3A_311 = arith.constant 24 : i32
        %lt3A_312 = arith.cmpi slt, %scan3A_233, %lt3A_311 : i32
        %and3A_313 = arith.andi %eq3A_310, %lt3A_312 : i1
        %convert_element_type3A_314 = arith.extui %and3A_313 : i1 to i32
        %cond3A_315 = arith.constant 0 : i32
        %cond3A_316 = arith.cmpi ne, %convert_element_type3A_314, %cond3A_315 : i32
        scf.if %cond3A_316 {
          %add3A_357 = arith.constant 0 : i32
          %add3A_358 = arith.addi %mul3A_265, %add3A_357 : i32
          %dma_start3A_359 = tpu.memref_slice %arg8[%add3A_358] : memref<1600xi32, #tpu.memory_space<vmem>> -> memref<80xi32, #tpu.memory_space<vmem>>
          %dma_start3A_360 = arith.constant 0 : i32
          %dma_start3A_361 = arith.constant 0 : i32
          %dma_start3A_362 = tpu.memref_slice %arg2[%dma_start3A_360, %dma_start3A_361] : memref<10000x128xf32, #tpu.memory_space<hbm>> -> memref<10000x128xf32, #tpu.memory_space<hbm>>
          tpu.enqueue_indirect_dma source(%dma_start3A_362 : memref<10000x128xf32, #tpu.memory_space<hbm>>) target(%arg11 : memref<80x128xf32, #tpu.memory_space<vmem>>) offsets(%dma_start3A_359 : memref<80xi32, #tpu.memory_space<vmem>>) semaphore(%arg16 : memref<!tpu.dma_semaphore, #tpu.memory_space<semaphore_mem>>)
        } else {
        }
        %mul3A_317 = arith.constant 2 : i32
        %mul3A_318 = arith.muli %scan3A_271, %mul3A_317 : i32
        %add3A_319 = arith.constant 1 : i32
        %add3A_320 = arith.addi %mul3A_318, %add3A_319 : i32
        %mul3A_321 = arith.constant 80 : i32
        %mul3A_322 = arith.muli %add3A_320, %mul3A_321 : i32
        %add3A_323 = arith.addi %mul3A_245, %mul3A_322 : i32
        %dma_wait3A_324 = arith.constant 0 : i32
        %dma_wait3A_325 = tpu.memref_slice %arg8[%dma_wait3A_324] : memref<1600xi32, #tpu.memory_space<vmem>> -> memref<80xi32, #tpu.memory_space<vmem>>
        %dma_wait3A_326 = arith.constant 0 : i32
        %dma_wait3A_327 = arith.constant 0 : i32
        %dma_wait3A_328 = tpu.memref_slice %arg2[%dma_wait3A_326, %dma_wait3A_327] : memref<10000x128xf32, #tpu.memory_space<hbm>> -> memref<10000x128xf32, #tpu.memory_space<hbm>>
        tpu.wait_indirect_dma semaphore(%arg17 : memref<!tpu.dma_semaphore, #tpu.memory_space<semaphore_mem>>) src(%dma_wait3A_328 : memref<10000x128xf32, #tpu.memory_space<hbm>>) dst(%arg12 : memref<80x128xf32, #tpu.memory_space<vmem>>)
        %gt3A_329 = arith.constant 0 : i32
        %gt3A_330 = arith.cmpi sgt, %scan3A_233, %gt3A_329 : i32
        %gt3A_331 = arith.constant 0 : i32
        %gt3A_332 = arith.cmpi sgt, %scan3A_271, %gt3A_331 : i32
        %or3A_333 = arith.ori %gt3A_330, %gt3A_332 : i1
        %convert_element_type3A_334 = arith.extui %or3A_333 : i1 to i32
        %cond3A_335 = arith.constant 0 : i32
        %cond3A_336 = arith.cmpi ne, %convert_element_type3A_334, %cond3A_335 : i32
        scf.if %cond3A_336 {
          %dma_wait3A_357 = arith.constant 0 : i32
          %dma_wait3A_358 = tpu.memref_slice %arg9[%dma_wait3A_357] : memref<1600xi32, #tpu.memory_space<vmem>> -> memref<80xi32, #tpu.memory_space<vmem>>
          %dma_wait3A_359 = arith.constant 0 : i32
          %dma_wait3A_360 = arith.constant 0 : i32
          %dma_wait3A_361 = tpu.memref_slice %arg7[%dma_wait3A_359, %dma_wait3A_360] : memref<10000x128xf32, #tpu.memory_space<vmem_shared>> -> memref<10000x128xf32, #tpu.memory_space<vmem_shared>>
          tpu.wait_indirect_dma semaphore(%arg19 : memref<!tpu.dma_semaphore, #tpu.memory_space<semaphore_mem>>) src(%arg14 : memref<80x128xf32, #tpu.memory_space<vmem>>) dst(%dma_wait3A_361 : memref<10000x128xf32, #tpu.memory_space<vmem_shared>>)
        } else {
        }
        %parallel_loop3A_337 = arith.constant 0 : i32
        %parallel_loop3A_338 = arith.constant 80 : i32
        %parallel_loop3A_339 = arith.constant 1 : i32
        scf.for %parallel_loop3A_357 = %parallel_loop3A_337 to %parallel_loop3A_338 step %parallel_loop3A_339  : i32 {
          %parallel_loop3A_358 = vector.broadcast %add3A_323 : i32 to vector<16xi32>
          %parallel_loop3A_359 = vector.broadcast %parallel_loop3A_357 : i32 to vector<16xi32>
          %parallel_loop3A_360 = arith.addi %parallel_loop3A_358, %parallel_loop3A_359 : vector<16xi32>
          %parallel_loop3A_361 = tpu.vector_load_idx %arg10[%parallel_loop3A_360] : memref<1600xf32, #tpu.memory_space<vmem>>[vector<16xi32>], vector<16xf32>,
          %parallel_loop3A_362 = arith.index_cast %parallel_loop3A_357 : i32 to index
          %parallel_loop3A_363 = arith.constant 0 : index
          %parallel_loop3A_364 = tpu.vector_load %arg12[%parallel_loop3A_362, %parallel_loop3A_363] {strides = array<i32>} : memref<80x128xf32, #tpu.memory_space<vmem>>, vector<16xf32>,
          %parallel_loop3A_365 = arith.mulf %parallel_loop3A_364, %parallel_loop3A_361 : vector<16xf32>
          %parallel_loop3A_366 = arith.index_cast %parallel_loop3A_357 : i32 to index
          %parallel_loop3A_367 = arith.constant 0 : index
          %parallel_loop3A_368 = tpu.vector_load %arg14[%parallel_loop3A_366, %parallel_loop3A_367] {strides = array<i32>} : memref<80x128xf32, #tpu.memory_space<vmem>>, vector<16xf32>,
          tpu.vector_store %arg14[%parallel_loop3A_366, %parallel_loop3A_367], %parallel_loop3A_365 {strides = array<i32>} : memref<80x128xf32, #tpu.memory_space<vmem>>, vector<16xf32>,
          %parallel_loop3A_369 = arith.index_cast %parallel_loop3A_357 : i32 to index
          %parallel_loop3A_370 = arith.constant 16 : index
          %parallel_loop3A_371 = tpu.vector_load %arg12[%parallel_loop3A_369, %parallel_loop3A_370] {strides = array<i32>} : memref<80x128xf32, #tpu.memory_space<vmem>>, vector<16xf32>,
          %parallel_loop3A_372 = arith.mulf %parallel_loop3A_371, %parallel_loop3A_361 : vector<16xf32>
          %parallel_loop3A_373 = arith.index_cast %parallel_loop3A_357 : i32 to index
          %parallel_loop3A_374 = arith.constant 16 : index
          %parallel_loop3A_375 = tpu.vector_load %arg14[%parallel_loop3A_373, %parallel_loop3A_374] {strides = array<i32>} : memref<80x128xf32, #tpu.memory_space<vmem>>, vector<16xf32>,
          tpu.vector_store %arg14[%parallel_loop3A_373, %parallel_loop3A_374], %parallel_loop3A_372 {strides = array<i32>} : memref<80x128xf32, #tpu.memory_space<vmem>>, vector<16xf32>,
          %parallel_loop3A_376 = arith.index_cast %parallel_loop3A_357 : i32 to index
          %parallel_loop3A_377 = arith.constant 32 : index
          %parallel_loop3A_378 = tpu.vector_load %arg12[%parallel_loop3A_376, %parallel_loop3A_377] {strides = array<i32>} : memref<80x128xf32, #tpu.memory_space<vmem>>, vector<16xf32>,
          %parallel_loop3A_379 = arith.mulf %parallel_loop3A_378, %parallel_loop3A_361 : vector<16xf32>
          %parallel_loop3A_380 = arith.index_cast %parallel_loop3A_357 : i32 to index
          %parallel_loop3A_381 = arith.constant 32 : index
          %parallel_loop3A_382 = tpu.vector_load %arg14[%parallel_loop3A_380, %parallel_loop3A_381] {strides = array<i32>} : memref<80x128xf32, #tpu.memory_space<vmem>>, vector<16xf32>,
          tpu.vector_store %arg14[%parallel_loop3A_380, %parallel_loop3A_381], %parallel_loop3A_379 {strides = array<i32>} : memref<80x128xf32, #tpu.memory_space<vmem>>, vector<16xf32>,
          %parallel_loop3A_383 = arith.index_cast %parallel_loop3A_357 : i32 to index
          %parallel_loop3A_384 = arith.constant 48 : index
          %parallel_loop3A_385 = tpu.vector_load %arg12[%parallel_loop3A_383, %parallel_loop3A_384] {strides = array<i32>} : memref<80x128xf32, #tpu.memory_space<vmem>>, vector<16xf32>,
          %parallel_loop3A_386 = arith.mulf %parallel_loop3A_385, %parallel_loop3A_361 : vector<16xf32>
          %parallel_loop3A_387 = arith.index_cast %parallel_loop3A_357 : i32 to index
          %parallel_loop3A_388 = arith.constant 48 : index
          %parallel_loop3A_389 = tpu.vector_load %arg14[%parallel_loop3A_387, %parallel_loop3A_388] {strides = array<i32>} : memref<80x128xf32, #tpu.memory_space<vmem>>, vector<16xf32>,
          tpu.vector_store %arg14[%parallel_loop3A_387, %parallel_loop3A_388], %parallel_loop3A_386 {strides = array<i32>} : memref<80x128xf32, #tpu.memory_space<vmem>>, vector<16xf32>,
          %parallel_loop3A_390 = arith.index_cast %parallel_loop3A_357 : i32 to index
          %parallel_loop3A_391 = arith.constant 64 : index
          %parallel_loop3A_392 = tpu.vector_load %arg12[%parallel_loop3A_390, %parallel_loop3A_391] {strides = array<i32>} : memref<80x128xf32, #tpu.memory_space<vmem>>, vector<16xf32>,
          %parallel_loop3A_393 = arith.mulf %parallel_loop3A_392, %parallel_loop3A_361 : vector<16xf32>
          %parallel_loop3A_394 = arith.index_cast %parallel_loop3A_357 : i32 to index
          %parallel_loop3A_395 = arith.constant 64 : index
          %parallel_loop3A_396 = tpu.vector_load %arg14[%parallel_loop3A_394, %parallel_loop3A_395] {strides = array<i32>} : memref<80x128xf32, #tpu.memory_space<vmem>>, vector<16xf32>,
          tpu.vector_store %arg14[%parallel_loop3A_394, %parallel_loop3A_395], %parallel_loop3A_393 {strides = array<i32>} : memref<80x128xf32, #tpu.memory_space<vmem>>, vector<16xf32>,
          %parallel_loop3A_397 = arith.index_cast %parallel_loop3A_357 : i32 to index
          %parallel_loop3A_398 = arith.constant 80 : index
          %parallel_loop3A_399 = tpu.vector_load %arg12[%parallel_loop3A_397, %parallel_loop3A_398] {strides = array<i32>} : memref<80x128xf32, #tpu.memory_space<vmem>>, vector<16xf32>,
          %parallel_loop3A_400 = arith.mulf %parallel_loop3A_399, %parallel_loop3A_361 : vector<16xf32>
          %parallel_loop3A_401 = arith.index_cast %parallel_loop3A_357 : i32 to index
          %parallel_loop3A_402 = arith.constant 80 : index
          %parallel_loop3A_403 = tpu.vector_load %arg14[%parallel_loop3A_401, %parallel_loop3A_402] {strides = array<i32>} : memref<80x128xf32, #tpu.memory_space<vmem>>, vector<16xf32>,
          tpu.vector_store %arg14[%parallel_loop3A_401, %parallel_loop3A_402], %parallel_loop3A_400 {strides = array<i32>} : memref<80x128xf32, #tpu.memory_space<vmem>>, vector<16xf32>,
          %parallel_loop3A_404 = arith.index_cast %parallel_loop3A_357 : i32 to index
          %parallel_loop3A_405 = arith.constant 96 : index
          %parallel_loop3A_406 = tpu.vector_load %arg12[%parallel_loop3A_404, %parallel_loop3A_405] {strides = array<i32>} : memref<80x128xf32, #tpu.memory_space<vmem>>, vector<16xf32>,
          %parallel_loop3A_407 = arith.mulf %parallel_loop3A_406, %parallel_loop3A_361 : vector<16xf32>
          %parallel_loop3A_408 = arith.index_cast %parallel_loop3A_357 : i32 to index
          %parallel_loop3A_409 = arith.constant 96 : index
          %parallel_loop3A_410 = tpu.vector_load %arg14[%parallel_loop3A_408, %parallel_loop3A_409] {strides = array<i32>} : memref<80x128xf32, #tpu.memory_space<vmem>>, vector<16xf32>,
          tpu.vector_store %arg14[%parallel_loop3A_408, %parallel_loop3A_409], %parallel_loop3A_407 {strides = array<i32>} : memref<80x128xf32, #tpu.memory_space<vmem>>, vector<16xf32>,
          %parallel_loop3A_411 = arith.index_cast %parallel_loop3A_357 : i32 to index
          %parallel_loop3A_412 = arith.constant 112 : index
          %parallel_loop3A_413 = tpu.vector_load %arg12[%parallel_loop3A_411, %parallel_loop3A_412] {strides = array<i32>} : memref<80x128xf32, #tpu.memory_space<vmem>>, vector<16xf32>,
          %parallel_loop3A_414 = arith.mulf %parallel_loop3A_413, %parallel_loop3A_361 : vector<16xf32>
          %parallel_loop3A_415 = arith.index_cast %parallel_loop3A_357 : i32 to index
          %parallel_loop3A_416 = arith.constant 112 : index
          %parallel_loop3A_417 = tpu.vector_load %arg14[%parallel_loop3A_415, %parallel_loop3A_416] {strides = array<i32>} : memref<80x128xf32, #tpu.memory_space<vmem>>, vector<16xf32>,
          tpu.vector_store %arg14[%parallel_loop3A_415, %parallel_loop3A_416], %parallel_loop3A_414 {strides = array<i32>} : memref<80x128xf32, #tpu.memory_space<vmem>>, vector<16xf32>,
        } {sc.loop_unroll_factor = 8 : i64, sc.parallel_access}
        %dma_start3A_340 = tpu.memref_slice %arg9[%add3A_323] : memref<1600xi32, #tpu.memory_space<vmem>> -> memref<80xi32, #tpu.memory_space<vmem>>
        %dma_start3A_341 = arith.constant 0 : i32
        %dma_start3A_342 = arith.constant 0 : i32
        %dma_start3A_343 = tpu.memref_slice %arg7[%dma_start3A_341, %dma_start3A_342] : memref<10000x128xf32, #tpu.memory_space<vmem_shared>> -> memref<10000x128xf32, #tpu.memory_space<vmem_shared>>
        tpu.enqueue_indirect_dma source(%arg14 : memref<80x128xf32, #tpu.memory_space<vmem>>) target(%dma_start3A_343 : memref<10000x128xf32, #tpu.memory_space<vmem_shared>>) offsets(%dma_start3A_340 : memref<80xi32, #tpu.memory_space<vmem>>) semaphore(%arg19 : memref<!tpu.dma_semaphore, #tpu.memory_space<semaphore_mem>>) {add = true}
        %lt3A_344 = arith.constant 4 : i32
        %lt3A_345 = arith.cmpi slt, %scan3A_271, %lt3A_344 : i32
        %convert_element_type3A_346 = arith.extui %lt3A_345 : i1 to i32
        %cond3A_347 = arith.constant 0 : i32
        %cond3A_348 = arith.cmpi ne, %convert_element_type3A_346, %cond3A_347 : i32
        scf.if %cond3A_348 {
          %add3A_357 = arith.constant 160 : i32
          %add3A_358 = arith.addi %add3A_323, %add3A_357 : i32
          %dma_start3A_359 = tpu.memref_slice %arg8[%add3A_358] : memref<1600xi32, #tpu.memory_space<vmem>> -> memref<80xi32, #tpu.memory_space<vmem>>
          %dma_start3A_360 = arith.constant 0 : i32
          %dma_start3A_361 = arith.constant 0 : i32
          %dma_start3A_362 = tpu.memref_slice %arg2[%dma_start3A_360, %dma_start3A_361] : memref<10000x128xf32, #tpu.memory_space<hbm>> -> memref<10000x128xf32, #tpu.memory_space<hbm>>
          tpu.enqueue_indirect_dma source(%dma_start3A_362 : memref<10000x128xf32, #tpu.memory_space<hbm>>) target(%arg12 : memref<80x128xf32, #tpu.memory_space<vmem>>) offsets(%dma_start3A_359 : memref<80xi32, #tpu.memory_space<vmem>>) semaphore(%arg17 : memref<!tpu.dma_semaphore, #tpu.memory_space<semaphore_mem>>)
        } else {
        }
        %eq3A_349 = arith.constant 4 : i32
        %eq3A_350 = arith.cmpi eq, %scan3A_271, %eq3A_349 : i32
        %lt3A_351 = arith.constant 24 : i32
        %lt3A_352 = arith.cmpi slt, %scan3A_233, %lt3A_351 : i32
        %and3A_353 = arith.andi %eq3A_350, %lt3A_352 : i1
        %convert_element_type3A_354 = arith.extui %and3A_353 : i1 to i32
        %cond3A_355 = arith.constant 0 : i32
        %cond3A_356 = arith.cmpi ne, %convert_element_type3A_354, %cond3A_355 : i32
        scf.if %cond3A_356 {
          %add3A_357 = arith.constant 80 : i32
          %add3A_358 = arith.addi %mul3A_265, %add3A_357 : i32
          %dma_start3A_359 = tpu.memref_slice %arg8[%add3A_358] : memref<1600xi32, #tpu.memory_space<vmem>> -> memref<80xi32, #tpu.memory_space<vmem>>
          %dma_start3A_360 = arith.constant 0 : i32
          %dma_start3A_361 = arith.constant 0 : i32
          %dma_start3A_362 = tpu.memref_slice %arg2[%dma_start3A_360, %dma_start3A_361] : memref<10000x128xf32, #tpu.memory_space<hbm>> -> memref<10000x128xf32, #tpu.memory_space<hbm>>
          tpu.enqueue_indirect_dma source(%dma_start3A_362 : memref<10000x128xf32, #tpu.memory_space<hbm>>) target(%arg12 : memref<80x128xf32, #tpu.memory_space<vmem>>) offsets(%dma_start3A_359 : memref<80xi32, #tpu.memory_space<vmem>>) semaphore(%arg17 : memref<!tpu.dma_semaphore, #tpu.memory_space<semaphore_mem>>)
        } else {
        }
      }
      %scan3A_270 = arith.constant 5 : i32
    }
    %scan3A_87 = arith.constant 25 : i32
    %dma_wait3A = arith.constant 0 : i32
    %dma_wait3A_88 = tpu.memref_slice %arg9[%dma_wait3A] : memref<1600xi32, #tpu.memory_space<vmem>> -> memref<80xi32, #tpu.memory_space<vmem>>
    %dma_wait3A_89 = arith.constant 0 : i32
    %dma_wait3A_90 = arith.constant 0 : i32
    %dma_wait3A_91 = tpu.memref_slice %arg7[%dma_wait3A_89, %dma_wait3A_90] : memref<10000x128xf32, #tpu.memory_space<vmem_shared>> -> memref<10000x128xf32, #tpu.memory_space<vmem_shared>>
    tpu.wait_indirect_dma semaphore(%arg18 : memref<!tpu.dma_semaphore, #tpu.memory_space<semaphore_mem>>) src(%arg13 : memref<80x128xf32, #tpu.memory_space<vmem>>) dst(%dma_wait3A_91 : memref<10000x128xf32, #tpu.memory_space<vmem_shared>>)
    %dma_wait3A_92 = arith.constant 0 : i32
    %dma_wait3A_93 = tpu.memref_slice %arg9[%dma_wait3A_92] : memref<1600xi32, #tpu.memory_space<vmem>> -> memref<80xi32, #tpu.memory_space<vmem>>
    %dma_wait3A_94 = arith.constant 0 : i32
    %dma_wait3A_95 = arith.constant 0 : i32
    %dma_wait3A_96 = tpu.memref_slice %arg7[%dma_wait3A_94, %dma_wait3A_95] : memref<10000x128xf32, #tpu.memory_space<vmem_shared>> -> memref<10000x128xf32, #tpu.memory_space<vmem_shared>>
    tpu.wait_indirect_dma semaphore(%arg19 : memref<!tpu.dma_semaphore, #tpu.memory_space<semaphore_mem>>) src(%arg14 : memref<80x128xf32, #tpu.memory_space<vmem>>) dst(%dma_wait3A_96 : memref<10000x128xf32, #tpu.memory_space<vmem_shared>>)
    %barrier3A_97 = arith.constant 0 : index
    tpu.barrier barrier_id(%barrier3A_97)
    %add3A_98 = arith.constant 0 : i32
    %add3A_99 = arith.addi %arg1, %add3A_98 : i32
    %mul3A_100 = arith.constant 200 : i32
    %mul3A_101 = arith.muli %add3A_99, %mul3A_100 : i32
    "tpu.region"() ({
      %run_scoped3A = tpu.sem_alloc : memref<!tpu.dma_semaphore, #tpu.memory_space<semaphore_mem>>
      %dma_start3A_233 = arith.constant 0 : i32
      %dma_start3A_234 = tpu.memref_slice %arg6[%add3A_8, %mul3A_101, %dma_start3A_233] : memref<4x10000x128xf32, #tpu.memory_space<hbm>> -> memref<1x200x128xf32, #tpu.memory_space<hbm>>
      %dma_start3A_235 = tpu.memref_squeeze %dma_start3A_234 : memref<1x200x128xf32, #tpu.memory_space<hbm>> -> memref<200x128xf32, #tpu.memory_space<hbm>>
      %dma_start3A_236 = arith.constant 0 : i32
      %dma_start3A_237 = tpu.memref_slice %arg7[%mul3A_101, %dma_start3A_236] : memref<10000x128xf32, #tpu.memory_space<vmem_shared>> -> memref<200x128xf32, #tpu.memory_space<vmem_shared>>
      tpu.enqueue_dma source(%dma_start3A_237 : memref<200x128xf32, #tpu.memory_space<vmem_shared>>) target(%dma_start3A_235 : memref<200x128xf32, #tpu.memory_space<hbm>>) target_semaphore(%run_scoped3A : memref<!tpu.dma_semaphore, #tpu.memory_space<semaphore_mem>>)
      %dma_wait3A_238 = arith.constant 0 : i32
      %dma_wait3A_239 = tpu.memref_slice %arg6[%add3A_8, %mul3A_101, %dma_wait3A_238] : memref<4x10000x128xf32, #tpu.memory_space<hbm>> -> memref<1x200x128xf32, #tpu.memory_space<hbm>>
      %dma_wait3A_240 = tpu.memref_squeeze %dma_wait3A_239 : memref<1x200x128xf32, #tpu.memory_space<hbm>> -> memref<200x128xf32, #tpu.memory_space<hbm>>
      %dma_wait3A_241 = arith.constant 0 : i32
      %dma_wait3A_242 = tpu.memref_slice %arg7[%mul3A_101, %dma_wait3A_241] : memref<10000x128xf32, #tpu.memory_space<vmem_shared>> -> memref<200x128xf32, #tpu.memory_space<vmem_shared>>
      tpu.wait_dma2 semaphore(%run_scoped3A : memref<!tpu.dma_semaphore, #tpu.memory_space<semaphore_mem>>) src(%dma_wait3A_242 : memref<200x128xf32, #tpu.memory_space<vmem_shared>>) dst(%dma_wait3A_240 : memref<200x128xf32, #tpu.memory_space<hbm>>)
      tpu.yield
    }) : () -> ()
    %add3A_102 = arith.constant 16 : i32
    %add3A_103 = arith.addi %arg1, %add3A_102 : i32
    %mul3A_104 = arith.constant 200 : i32
    %mul3A_105 = arith.muli %add3A_103, %mul3A_104 : i32
    "tpu.region"() ({
      %run_scoped3A = tpu.sem_alloc : memref<!tpu.dma_semaphore, #tpu.memory_space<semaphore_mem>>
      %dma_start3A_233 = arith.constant 0 : i32
      %dma_start3A_234 = tpu.memref_slice %arg6[%add3A_8, %mul3A_105, %dma_start3A_233] : memref<4x10000x128xf32, #tpu.memory_space<hbm>> -> memref<1x200x128xf32, #tpu.memory_space<hbm>>
      %dma_start3A_235 = tpu.memref_squeeze %dma_start3A_234 : memref<1x200x128xf32, #tpu.memory_space<hbm>> -> memref<200x128xf32, #tpu.memory_space<hbm>>
      %dma_start3A_236 = arith.constant 0 : i32
      %dma_start3A_237 = tpu.memref_slice %arg7[%mul3A_105, %dma_start3A_236] : memref<10000x128xf32, #tpu.memory_space<vmem_shared>> -> memref<200x128xf32, #tpu.memory_space<vmem_shared>>
      tpu.enqueue_dma source(%dma_start3A_237 : memref<200x128xf32, #tpu.memory_space<vmem_shared>>) target(%dma_start3A_235 : memref<200x128xf32, #tpu.memory_space<hbm>>) target_semaphore(%run_scoped3A : memref<!tpu.dma_semaphore, #tpu.memory_space<semaphore_mem>>)
      %dma_wait3A_238 = arith.constant 0 : i32
      %dma_wait3A_239 = tpu.memref_slice %arg6[%add3A_8, %mul3A_105, %dma_wait3A_238] : memref<4x10000x128xf32, #tpu.memory_space<hbm>> -> memref<1x200x128xf32, #tpu.memory_space<hbm>>
      %dma_wait3A_240 = tpu.memref_squeeze %dma_wait3A_239 : memref<1x200x128xf32, #tpu.memory_space<hbm>> -> memref<200x128xf32, #tpu.memory_space<hbm>>
      %dma_wait3A_241 = arith.constant 0 : i32
      %dma_wait3A_242 = tpu.memref_slice %arg7[%mul3A_105, %dma_wait3A_241] : memref<10000x128xf32, #tpu.memory_space<vmem_shared>> -> memref<200x128xf32, #tpu.memory_space<vmem_shared>>
      tpu.wait_dma2 semaphore(%run_scoped3A : memref<!tpu.dma_semaphore, #tpu.memory_space<semaphore_mem>>) src(%dma_wait3A_242 : memref<200x128xf32, #tpu.memory_space<vmem_shared>>) dst(%dma_wait3A_240 : memref<200x128xf32, #tpu.memory_space<hbm>>)
      tpu.yield
    }) : () -> ()
    %add3A_106 = arith.constant 32 : i32
    %add3A_107 = arith.addi %arg1, %add3A_106 : i32
    %mul3A_108 = arith.constant 200 : i32
    %mul3A_109 = arith.muli %add3A_107, %mul3A_108 : i32
    "tpu.region"() ({
      %run_scoped3A = tpu.sem_alloc : memref<!tpu.dma_semaphore, #tpu.memory_space<semaphore_mem>>
      %dma_start3A_233 = arith.constant 0 : i32
      %dma_start3A_234 = tpu.memref_slice %arg6[%add3A_8, %mul3A_109, %dma_start3A_233] : memref<4x10000x128xf32, #tpu.memory_space<hbm>> -> memref<1x200x128xf32, #tpu.memory_space<hbm>>
      %dma_start3A_235 = tpu.memref_squeeze %dma_start3A_234 : memref<1x200x128xf32, #tpu.memory_space<hbm>> -> memref<200x128xf32, #tpu.memory_space<hbm>>
      %dma_start3A_236 = arith.constant 0 : i32
      %dma_start3A_237 = tpu.memref_slice %arg7[%mul3A_109, %dma_start3A_236] : memref<10000x128xf32, #tpu.memory_space<vmem_shared>> -> memref<200x128xf32, #tpu.memory_space<vmem_shared>>
      tpu.enqueue_dma source(%dma_start3A_237 : memref<200x128xf32, #tpu.memory_space<vmem_shared>>) target(%dma_start3A_235 : memref<200x128xf32, #tpu.memory_space<hbm>>) target_semaphore(%run_scoped3A : memref<!tpu.dma_semaphore, #tpu.memory_space<semaphore_mem>>)
      %dma_wait3A_238 = arith.constant 0 : i32
      %dma_wait3A_239 = tpu.memref_slice %arg6[%add3A_8, %mul3A_109, %dma_wait3A_238] : memref<4x10000x128xf32, #tpu.memory_space<hbm>> -> memref<1x200x128xf32, #tpu.memory_space<hbm>>
      %dma_wait3A_240 = tpu.memref_squeeze %dma_wait3A_239 : memref<1x200x128xf32, #tpu.memory_space<hbm>> -> memref<200x128xf32, #tpu.memory_space<hbm>>
      %dma_wait3A_241 = arith.constant 0 : i32
      %dma_wait3A_242 = tpu.memref_slice %arg7[%mul3A_109, %dma_wait3A_241] : memref<10000x128xf32, #tpu.memory_space<vmem_shared>> -> memref<200x128xf32, #tpu.memory_space<vmem_shared>>
      tpu.wait_dma2 semaphore(%run_scoped3A : memref<!tpu.dma_semaphore, #tpu.memory_space<semaphore_mem>>) src(%dma_wait3A_242 : memref<200x128xf32, #tpu.memory_space<vmem_shared>>) dst(%dma_wait3A_240 : memref<200x128xf32, #tpu.memory_space<hbm>>)
      tpu.yield
    }) : () -> ()
    %lt3A_110 = arith.constant 2 : i32
    %lt3A_111 = arith.cmpi slt, %arg1, %lt3A_110 : i32
    %convert_element_type3A_112 = arith.extui %lt3A_111 : i1 to i32
    %cond3A_113 = arith.constant 0 : i32
    %cond3A_114 = arith.cmpi ne, %convert_element_type3A_112, %cond3A_113 : i32
    scf.if %cond3A_114 {
      %add3A_233 = arith.constant 48 : i32
      %add3A_234 = arith.addi %add3A_233, %arg1 : i32
      %mul3A_235 = arith.constant 200 : i32
      %mul3A_236 = arith.muli %add3A_234, %mul3A_235 : i32
      "tpu.region"() ({
        %run_scoped3A = tpu.sem_alloc : memref<!tpu.dma_semaphore, #tpu.memory_space<semaphore_mem>>
        %dma_start3A_237 = arith.constant 0 : i32
        %dma_start3A_238 = tpu.memref_slice %arg6[%add3A_8, %mul3A_236, %dma_start3A_237] : memref<4x10000x128xf32, #tpu.memory_space<hbm>> -> memref<1x200x128xf32, #tpu.memory_space<hbm>>
        %dma_start3A_239 = tpu.memref_squeeze %dma_start3A_238 : memref<1x200x128xf32, #tpu.memory_space<hbm>> -> memref<200x128xf32, #tpu.memory_space<hbm>>
        %dma_start3A_240 = arith.constant 0 : i32
        %dma_start3A_241 = tpu.memref_slice %arg7[%mul3A_236, %dma_start3A_240] : memref<10000x128xf32, #tpu.memory_space<vmem_shared>> -> memref<200x128xf32, #tpu.memory_space<vmem_shared>>
        tpu.enqueue_dma source(%dma_start3A_241 : memref<200x128xf32, #tpu.memory_space<vmem_shared>>) target(%dma_start3A_239 : memref<200x128xf32, #tpu.memory_space<hbm>>) target_semaphore(%run_scoped3A : memref<!tpu.dma_semaphore, #tpu.memory_space<semaphore_mem>>)
        %dma_wait3A_242 = arith.constant 0 : i32
        %dma_wait3A_243 = tpu.memref_slice %arg6[%add3A_8, %mul3A_236, %dma_wait3A_242] : memref<4x10000x128xf32, #tpu.memory_space<hbm>> -> memref<1x200x128xf32, #tpu.memory_space<hbm>>
        %dma_wait3A_244 = tpu.memref_squeeze %dma_wait3A_243 : memref<1x200x128xf32, #tpu.memory_space<hbm>> -> memref<200x128xf32, #tpu.memory_space<hbm>>
        %dma_wait3A_245 = arith.constant 0 : i32
        %dma_wait3A_246 = tpu.memref_slice %arg7[%mul3A_236, %dma_wait3A_245] : memref<10000x128xf32, #tpu.memory_space<vmem_shared>> -> memref<200x128xf32, #tpu.memory_space<vmem_shared>>
        tpu.wait_dma2 semaphore(%run_scoped3A : memref<!tpu.dma_semaphore, #tpu.memory_space<semaphore_mem>>) src(%dma_wait3A_246 : memref<200x128xf32, #tpu.memory_space<vmem_shared>>) dst(%dma_wait3A_244 : memref<200x128xf32, #tpu.memory_space<hbm>>)
        tpu.yield
      }) : () -> ()
    } else {
    }
    %barrier3A_115 = arith.constant 0 : index
    tpu.barrier barrier_id(%barrier3A_115)
    %mul3A_116 = arith.constant 2 : i32
    %mul3A_117 = arith.muli %arg0, %mul3A_116 : i32
    %add3A_118 = arith.constant 1 : i32
    %add3A_119 = arith.addi %mul3A_117, %add3A_118 : i32
    %add3A_120 = arith.constant 0 : i32
    %add3A_121 = arith.addi %arg1, %add3A_120 : i32
    %mul3A_122 = arith.constant 40 : i32
    %mul3A_123 = arith.muli %add3A_121, %mul3A_122 : i32
    "tpu.region"() ({
      %run_scoped3A = tpu.sem_alloc : memref<!tpu.dma_semaphore, #tpu.memory_space<semaphore_mem>>
      %dma_start3A_233 = arith.constant 0 : i32
      %dma_start3A_234 = tpu.memref_slice %arg7[%mul3A_123, %dma_start3A_233] : memref<10000x128xf32, #tpu.memory_space<vmem_shared>> -> memref<40x128xf32, #tpu.memory_space<vmem_shared>>
      %dma_start3A_235 = arith.constant 0 : i32
      %dma_start3A_236 = tpu.memref_slice %arg7[%mul3A_123, %dma_start3A_235] : memref<10000x128xf32, #tpu.memory_space<vmem_shared>> -> memref<40x128xf32, #tpu.memory_space<vmem_shared>>
      tpu.enqueue_dma source(%arg15 : memref<40x128xf32, #tpu.memory_space<vmem>>) target(%dma_start3A_236 : memref<40x128xf32, #tpu.memory_space<vmem_shared>>) target_semaphore(%run_scoped3A : memref<!tpu.dma_semaphore, #tpu.memory_space<semaphore_mem>>)
      %dma_wait3A_237 = arith.constant 0 : i32
      %dma_wait3A_238 = tpu.memref_slice %arg7[%mul3A_123, %dma_wait3A_237] : memref<10000x128xf32, #tpu.memory_space<vmem_shared>> -> memref<40x128xf32, #tpu.memory_space<vmem_shared>>
      %dma_wait3A_239 = arith.constant 0 : i32
      %dma_wait3A_240 = tpu.memref_slice %arg7[%mul3A_123, %dma_wait3A_239] : memref<10000x128xf32, #tpu.memory_space<vmem_shared>> -> memref<40x128xf32, #tpu.memory_space<vmem_shared>>
      tpu.wait_dma2 semaphore(%run_scoped3A : memref<!tpu.dma_semaphore, #tpu.memory_space<semaphore_mem>>) src(%arg15 : memref<40x128xf32, #tpu.memory_space<vmem>>) dst(%dma_wait3A_240 : memref<40x128xf32, #tpu.memory_space<vmem_shared>>)
      tpu.yield
    }) : () -> ()
    %add3A_124 = arith.constant 16 : i32
    %add3A_125 = arith.addi %arg1, %add3A_124 : i32
    %mul3A_126 = arith.constant 40 : i32
    %mul3A_127 = arith.muli %add3A_125, %mul3A_126 : i32
    "tpu.region"() ({
      %run_scoped3A = tpu.sem_alloc : memref<!tpu.dma_semaphore, #tpu.memory_space<semaphore_mem>>
      %dma_start3A_233 = arith.constant 0 : i32
      %dma_start3A_234 = tpu.memref_slice %arg7[%mul3A_127, %dma_start3A_233] : memref<10000x128xf32, #tpu.memory_space<vmem_shared>> -> memref<40x128xf32, #tpu.memory_space<vmem_shared>>
      %dma_start3A_235 = arith.constant 0 : i32
      %dma_start3A_236 = tpu.memref_slice %arg7[%mul3A_127, %dma_start3A_235] : memref<10000x128xf32, #tpu.memory_space<vmem_shared>> -> memref<40x128xf32, #tpu.memory_space<vmem_shared>>
      tpu.enqueue_dma source(%arg15 : memref<40x128xf32, #tpu.memory_space<vmem>>) target(%dma_start3A_236 : memref<40x128xf32, #tpu.memory_space<vmem_shared>>) target_semaphore(%run_scoped3A : memref<!tpu.dma_semaphore, #tpu.memory_space<semaphore_mem>>)
      %dma_wait3A_237 = arith.constant 0 : i32
      %dma_wait3A_238 = tpu.memref_slice %arg7[%mul3A_127, %dma_wait3A_237] : memref<10000x128xf32, #tpu.memory_space<vmem_shared>> -> memref<40x128xf32, #tpu.memory_space<vmem_shared>>
      %dma_wait3A_239 = arith.constant 0 : i32
      %dma_wait3A_240 = tpu.memref_slice %arg7[%mul3A_127, %dma_wait3A_239] : memref<10000x128xf32, #tpu.memory_space<vmem_shared>> -> memref<40x128xf32, #tpu.memory_space<vmem_shared>>
      tpu.wait_dma2 semaphore(%run_scoped3A : memref<!tpu.dma_semaphore, #tpu.memory_space<semaphore_mem>>) src(%arg15 : memref<40x128xf32, #tpu.memory_space<vmem>>) dst(%dma_wait3A_240 : memref<40x128xf32, #tpu.memory_space<vmem_shared>>)
      tpu.yield
    }) : () -> ()
    %add3A_128 = arith.constant 32 : i32
    %add3A_129 = arith.addi %arg1, %add3A_128 : i32
    %mul3A_130 = arith.constant 40 : i32
    %mul3A_131 = arith.muli %add3A_129, %mul3A_130 : i32
    "tpu.region"() ({
      %run_scoped3A = tpu.sem_alloc : memref<!tpu.dma_semaphore, #tpu.memory_space<semaphore_mem>>
      %dma_start3A_233 = arith.constant 0 : i32
      %dma_start3A_234 = tpu.memref_slice %arg7[%mul3A_131, %dma_start3A_233] : memref<10000x128xf32, #tpu.memory_space<vmem_shared>> -> memref<40x128xf32, #tpu.memory_space<vmem_shared>>
      %dma_start3A_235 = arith.constant 0 : i32
      %dma_start3A_236 = tpu.memref_slice %arg7[%mul3A_131, %dma_start3A_235] : memref<10000x128xf32, #tpu.memory_space<vmem_shared>> -> memref<40x128xf32, #tpu.memory_space<vmem_shared>>
      tpu.enqueue_dma source(%arg15 : memref<40x128xf32, #tpu.memory_space<vmem>>) target(%dma_start3A_236 : memref<40x128xf32, #tpu.memory_space<vmem_shared>>) target_semaphore(%run_scoped3A : memref<!tpu.dma_semaphore, #tpu.memory_space<semaphore_mem>>)
      %dma_wait3A_237 = arith.constant 0 : i32
      %dma_wait3A_238 = tpu.memref_slice %arg7[%mul3A_131, %dma_wait3A_237] : memref<10000x128xf32, #tpu.memory_space<vmem_shared>> -> memref<40x128xf32, #tpu.memory_space<vmem_shared>>
      %dma_wait3A_239 = arith.constant 0 : i32
      %dma_wait3A_240 = tpu.memref_slice %arg7[%mul3A_131, %dma_wait3A_239] : memref<10000x128xf32, #tpu.memory_space<vmem_shared>> -> memref<40x128xf32, #tpu.memory_space<vmem_shared>>
      tpu.wait_dma2 semaphore(%run_scoped3A : memref<!tpu.dma_semaphore, #tpu.memory_space<semaphore_mem>>) src(%arg15 : memref<40x128xf32, #tpu.memory_space<vmem>>) dst(%dma_wait3A_240 : memref<40x128xf32, #tpu.memory_space<vmem_shared>>)
      tpu.yield
    }) : () -> ()
    %add3A_132 = arith.constant 48 : i32
    %add3A_133 = arith.addi %arg1, %add3A_132 : i32
    %mul3A_134 = arith.constant 40 : i32
    %mul3A_135 = arith.muli %add3A_133, %mul3A_134 : i32
    "tpu.region"() ({
      %run_scoped3A = tpu.sem_alloc : memref<!tpu.dma_semaphore, #tpu.memory_space<semaphore_mem>>
      %dma_start3A_233 = arith.constant 0 : i32
      %dma_start3A_234 = tpu.memref_slice %arg7[%mul3A_135, %dma_start3A_233] : memref<10000x128xf32, #tpu.memory_space<vmem_shared>> -> memref<40x128xf32, #tpu.memory_space<vmem_shared>>
      %dma_start3A_235 = arith.constant 0 : i32
      %dma_start3A_236 = tpu.memref_slice %arg7[%mul3A_135, %dma_start3A_235] : memref<10000x128xf32, #tpu.memory_space<vmem_shared>> -> memref<40x128xf32, #tpu.memory_space<vmem_shared>>
      tpu.enqueue_dma source(%arg15 : memref<40x128xf32, #tpu.memory_space<vmem>>) target(%dma_start3A_236 : memref<40x128xf32, #tpu.memory_space<vmem_shared>>) target_semaphore(%run_scoped3A : memref<!tpu.dma_semaphore, #tpu.memory_space<semaphore_mem>>)
      %dma_wait3A_237 = arith.constant 0 : i32
      %dma_wait3A_238 = tpu.memref_slice %arg7[%mul3A_135, %dma_wait3A_237] : memref<10000x128xf32, #tpu.memory_space<vmem_shared>> -> memref<40x128xf32, #tpu.memory_space<vmem_shared>>
      %dma_wait3A_239 = arith.constant 0 : i32
      %dma_wait3A_240 = tpu.memref_slice %arg7[%mul3A_135, %dma_wait3A_239] : memref<10000x128xf32, #tpu.memory_space<vmem_shared>> -> memref<40x128xf32, #tpu.memory_space<vmem_shared>>
      tpu.wait_dma2 semaphore(%run_scoped3A : memref<!tpu.dma_semaphore, #tpu.memory_space<semaphore_mem>>) src(%arg15 : memref<40x128xf32, #tpu.memory_space<vmem>>) dst(%dma_wait3A_240 : memref<40x128xf32, #tpu.memory_space<vmem_shared>>)
      tpu.yield
    }) : () -> ()
    %add3A_136 = arith.constant 64 : i32
    %add3A_137 = arith.addi %arg1, %add3A_136 : i32
    %mul3A_138 = arith.constant 40 : i32
    %mul3A_139 = arith.muli %add3A_137, %mul3A_138 : i32
    "tpu.region"() ({
      %run_scoped3A = tpu.sem_alloc : memref<!tpu.dma_semaphore, #tpu.memory_space<semaphore_mem>>
      %dma_start3A_233 = arith.constant 0 : i32
      %dma_start3A_234 = tpu.memref_slice %arg7[%mul3A_139, %dma_start3A_233] : memref<10000x128xf32, #tpu.memory_space<vmem_shared>> -> memref<40x128xf32, #tpu.memory_space<vmem_shared>>
      %dma_start3A_235 = arith.constant 0 : i32
      %dma_start3A_236 = tpu.memref_slice %arg7[%mul3A_139, %dma_start3A_235] : memref<10000x128xf32, #tpu.memory_space<vmem_shared>> -> memref<40x128xf32, #tpu.memory_space<vmem_shared>>
      tpu.enqueue_dma source(%arg15 : memref<40x128xf32, #tpu.memory_space<vmem>>) target(%dma_start3A_236 : memref<40x128xf32, #tpu.memory_space<vmem_shared>>) target_semaphore(%run_scoped3A : memref<!tpu.dma_semaphore, #tpu.memory_space<semaphore_mem>>)
      %dma_wait3A_237 = arith.constant 0 : i32
      %dma_wait3A_238 = tpu.memref_slice %arg7[%mul3A_139, %dma_wait3A_237] : memref<10000x128xf32, #tpu.memory_space<vmem_shared>> -> memref<40x128xf32, #tpu.memory_space<vmem_shared>>
      %dma_wait3A_239 = arith.constant 0 : i32
      %dma_wait3A_240 = tpu.memref_slice %arg7[%mul3A_139, %dma_wait3A_239] : memref<10000x128xf32, #tpu.memory_space<vmem_shared>> -> memref<40x128xf32, #tpu.memory_space<vmem_shared>>
      tpu.wait_dma2 semaphore(%run_scoped3A : memref<!tpu.dma_semaphore, #tpu.memory_space<semaphore_mem>>) src(%arg15 : memref<40x128xf32, #tpu.memory_space<vmem>>) dst(%dma_wait3A_240 : memref<40x128xf32, #tpu.memory_space<vmem_shared>>)
      tpu.yield
    }) : () -> ()
    %add3A_140 = arith.constant 80 : i32
    %add3A_141 = arith.addi %arg1, %add3A_140 : i32
    %mul3A_142 = arith.constant 40 : i32
    %mul3A_143 = arith.muli %add3A_141, %mul3A_142 : i32
    "tpu.region"() ({
      %run_scoped3A = tpu.sem_alloc : memref<!tpu.dma_semaphore, #tpu.memory_space<semaphore_mem>>
      %dma_start3A_233 = arith.constant 0 : i32
      %dma_start3A_234 = tpu.memref_slice %arg7[%mul3A_143, %dma_start3A_233] : memref<10000x128xf32, #tpu.memory_space<vmem_shared>> -> memref<40x128xf32, #tpu.memory_space<vmem_shared>>
      %dma_start3A_235 = arith.constant 0 : i32
      %dma_start3A_236 = tpu.memref_slice %arg7[%mul3A_143, %dma_start3A_235] : memref<10000x128xf32, #tpu.memory_space<vmem_shared>> -> memref<40x128xf32, #tpu.memory_space<vmem_shared>>
      tpu.enqueue_dma source(%arg15 : memref<40x128xf32, #tpu.memory_space<vmem>>) target(%dma_start3A_236 : memref<40x128xf32, #tpu.memory_space<vmem_shared>>) target_semaphore(%run_scoped3A : memref<!tpu.dma_semaphore, #tpu.memory_space<semaphore_mem>>)
      %dma_wait3A_237 = arith.constant 0 : i32
      %dma_wait3A_238 = tpu.memref_slice %arg7[%mul3A_143, %dma_wait3A_237] : memref<10000x128xf32, #tpu.memory_space<vmem_shared>> -> memref<40x128xf32, #tpu.memory_space<vmem_shared>>
      %dma_wait3A_239 = arith.constant 0 : i32
      %dma_wait3A_240 = tpu.memref_slice %arg7[%mul3A_143, %dma_wait3A_239] : memref<10000x128xf32, #tpu.memory_space<vmem_shared>> -> memref<40x128xf32, #tpu.memory_space<vmem_shared>>
      tpu.wait_dma2 semaphore(%run_scoped3A : memref<!tpu.dma_semaphore, #tpu.memory_space<semaphore_mem>>) src(%arg15 : memref<40x128xf32, #tpu.memory_space<vmem>>) dst(%dma_wait3A_240 : memref<40x128xf32, #tpu.memory_space<vmem_shared>>)
      tpu.yield
    }) : () -> ()
    %add3A_144 = arith.constant 96 : i32
    %add3A_145 = arith.addi %arg1, %add3A_144 : i32
    %mul3A_146 = arith.constant 40 : i32
    %mul3A_147 = arith.muli %add3A_145, %mul3A_146 : i32
    "tpu.region"() ({
      %run_scoped3A = tpu.sem_alloc : memref<!tpu.dma_semaphore, #tpu.memory_space<semaphore_mem>>
      %dma_start3A_233 = arith.constant 0 : i32
      %dma_start3A_234 = tpu.memref_slice %arg7[%mul3A_147, %dma_start3A_233] : memref<10000x128xf32, #tpu.memory_space<vmem_shared>> -> memref<40x128xf32, #tpu.memory_space<vmem_shared>>
      %dma_start3A_235 = arith.constant 0 : i32
      %dma_start3A_236 = tpu.memref_slice %arg7[%mul3A_147, %dma_start3A_235] : memref<10000x128xf32, #tpu.memory_space<vmem_shared>> -> memref<40x128xf32, #tpu.memory_space<vmem_shared>>
      tpu.enqueue_dma source(%arg15 : memref<40x128xf32, #tpu.memory_space<vmem>>) target(%dma_start3A_236 : memref<40x128xf32, #tpu.memory_space<vmem_shared>>) target_semaphore(%run_scoped3A : memref<!tpu.dma_semaphore, #tpu.memory_space<semaphore_mem>>)
      %dma_wait3A_237 = arith.constant 0 : i32
      %dma_wait3A_238 = tpu.memref_slice %arg7[%mul3A_147, %dma_wait3A_237] : memref<10000x128xf32, #tpu.memory_space<vmem_shared>> -> memref<40x128xf32, #tpu.memory_space<vmem_shared>>
      %dma_wait3A_239 = arith.constant 0 : i32
      %dma_wait3A_240 = tpu.memref_slice %arg7[%mul3A_147, %dma_wait3A_239] : memref<10000x128xf32, #tpu.memory_space<vmem_shared>> -> memref<40x128xf32, #tpu.memory_space<vmem_shared>>
      tpu.wait_dma2 semaphore(%run_scoped3A : memref<!tpu.dma_semaphore, #tpu.memory_space<semaphore_mem>>) src(%arg15 : memref<40x128xf32, #tpu.memory_space<vmem>>) dst(%dma_wait3A_240 : memref<40x128xf32, #tpu.memory_space<vmem_shared>>)
      tpu.yield
    }) : () -> ()
    %add3A_148 = arith.constant 112 : i32
    %add3A_149 = arith.addi %arg1, %add3A_148 : i32
    %mul3A_150 = arith.constant 40 : i32
    %mul3A_151 = arith.muli %add3A_149, %mul3A_150 : i32
    "tpu.region"() ({
      %run_scoped3A = tpu.sem_alloc : memref<!tpu.dma_semaphore, #tpu.memory_space<semaphore_mem>>
      %dma_start3A_233 = arith.constant 0 : i32
      %dma_start3A_234 = tpu.memref_slice %arg7[%mul3A_151, %dma_start3A_233] : memref<10000x128xf32, #tpu.memory_space<vmem_shared>> -> memref<40x128xf32, #tpu.memory_space<vmem_shared>>
      %dma_start3A_235 = arith.constant 0 : i32
      %dma_start3A_236 = tpu.memref_slice %arg7[%mul3A_151, %dma_start3A_235] : memref<10000x128xf32, #tpu.memory_space<vmem_shared>> -> memref<40x128xf32, #tpu.memory_space<vmem_shared>>
      tpu.enqueue_dma source(%arg15 : memref<40x128xf32, #tpu.memory_space<vmem>>) target(%dma_start3A_236 : memref<40x128xf32, #tpu.memory_space<vmem_shared>>) target_semaphore(%run_scoped3A : memref<!tpu.dma_semaphore, #tpu.memory_space<semaphore_mem>>)
      %dma_wait3A_237 = arith.constant 0 : i32
      %dma_wait3A_238 = tpu.memref_slice %arg7[%mul3A_151, %dma_wait3A_237] : memref<10000x128xf32, #tpu.memory_space<vmem_shared>> -> memref<40x128xf32, #tpu.memory_space<vmem_shared>>
      %dma_wait3A_239 = arith.constant 0 : i32
      %dma_wait3A_240 = tpu.memref_slice %arg7[%mul3A_151, %dma_wait3A_239] : memref<10000x128xf32, #tpu.memory_space<vmem_shared>> -> memref<40x128xf32, #tpu.memory_space<vmem_shared>>
      tpu.wait_dma2 semaphore(%run_scoped3A : memref<!tpu.dma_semaphore, #tpu.memory_space<semaphore_mem>>) src(%arg15 : memref<40x128xf32, #tpu.memory_space<vmem>>) dst(%dma_wait3A_240 : memref<40x128xf32, #tpu.memory_space<vmem_shared>>)
      tpu.yield
    }) : () -> ()
    %add3A_152 = arith.constant 128 : i32
    %add3A_153 = arith.addi %arg1, %add3A_152 : i32
    %mul3A_154 = arith.constant 40 : i32
    %mul3A_155 = arith.muli %add3A_153, %mul3A_154 : i32
    "tpu.region"() ({
      %run_scoped3A = tpu.sem_alloc : memref<!tpu.dma_semaphore, #tpu.memory_space<semaphore_mem>>
      %dma_start3A_233 = arith.constant 0 : i32
      %dma_start3A_234 = tpu.memref_slice %arg7[%mul3A_155, %dma_start3A_233] : memref<10000x128xf32, #tpu.memory_space<vmem_shared>> -> memref<40x128xf32, #tpu.memory_space<vmem_shared>>
      %dma_start3A_235 = arith.constant 0 : i32
      %dma_start3A_236 = tpu.memref_slice %arg7[%mul3A_155, %dma_start3A_235] : memref<10000x128xf32, #tpu.memory_space<vmem_shared>> -> memref<40x128xf32, #tpu.memory_space<vmem_shared>>
      tpu.enqueue_dma source(%arg15 : memref<40x128xf32, #tpu.memory_space<vmem>>) target(%dma_start3A_236 : memref<40x128xf32, #tpu.memory_space<vmem_shared>>) target_semaphore(%run_scoped3A : memref<!tpu.dma_semaphore, #tpu.memory_space<semaphore_mem>>)
      %dma_wait3A_237 = arith.constant 0 : i32
      %dma_wait3A_238 = tpu.memref_slice %arg7[%mul3A_155, %dma_wait3A_237] : memref<10000x128xf32, #tpu.memory_space<vmem_shared>> -> memref<40x128xf32, #tpu.memory_space<vmem_shared>>
      %dma_wait3A_239 = arith.constant 0 : i32
      %dma_wait3A_240 = tpu.memref_slice %arg7[%mul3A_155, %dma_wait3A_239] : memref<10000x128xf32, #tpu.memory_space<vmem_shared>> -> memref<40x128xf32, #tpu.memory_space<vmem_shared>>
      tpu.wait_dma2 semaphore(%run_scoped3A : memref<!tpu.dma_semaphore, #tpu.memory_space<semaphore_mem>>) src(%arg15 : memref<40x128xf32, #tpu.memory_space<vmem>>) dst(%dma_wait3A_240 : memref<40x128xf32, #tpu.memory_space<vmem_shared>>)
      tpu.yield
    }) : () -> ()
    %add3A_156 = arith.constant 144 : i32
    %add3A_157 = arith.addi %arg1, %add3A_156 : i32
    %mul3A_158 = arith.constant 40 : i32
    %mul3A_159 = arith.muli %add3A_157, %mul3A_158 : i32
    "tpu.region"() ({
      %run_scoped3A = tpu.sem_alloc : memref<!tpu.dma_semaphore, #tpu.memory_space<semaphore_mem>>
      %dma_start3A_233 = arith.constant 0 : i32
      %dma_start3A_234 = tpu.memref_slice %arg7[%mul3A_159, %dma_start3A_233] : memref<10000x128xf32, #tpu.memory_space<vmem_shared>> -> memref<40x128xf32, #tpu.memory_space<vmem_shared>>
      %dma_start3A_235 = arith.constant 0 : i32
      %dma_start3A_236 = tpu.memref_slice %arg7[%mul3A_159, %dma_start3A_235] : memref<10000x128xf32, #tpu.memory_space<vmem_shared>> -> memref<40x128xf32, #tpu.memory_space<vmem_shared>>
      tpu.enqueue_dma source(%arg15 : memref<40x128xf32, #tpu.memory_space<vmem>>) target(%dma_start3A_236 : memref<40x128xf32, #tpu.memory_space<vmem_shared>>) target_semaphore(%run_scoped3A : memref<!tpu.dma_semaphore, #tpu.memory_space<semaphore_mem>>)
      %dma_wait3A_237 = arith.constant 0 : i32
      %dma_wait3A_238 = tpu.memref_slice %arg7[%mul3A_159, %dma_wait3A_237] : memref<10000x128xf32, #tpu.memory_space<vmem_shared>> -> memref<40x128xf32, #tpu.memory_space<vmem_shared>>
      %dma_wait3A_239 = arith.constant 0 : i32
      %dma_wait3A_240 = tpu.memref_slice %arg7[%mul3A_159, %dma_wait3A_239] : memref<10000x128xf32, #tpu.memory_space<vmem_shared>> -> memref<40x128xf32, #tpu.memory_space<vmem_shared>>
      tpu.wait_dma2 semaphore(%run_scoped3A : memref<!tpu.dma_semaphore, #tpu.memory_space<semaphore_mem>>) src(%arg15 : memref<40x128xf32, #tpu.memory_space<vmem>>) dst(%dma_wait3A_240 : memref<40x128xf32, #tpu.memory_space<vmem_shared>>)
      tpu.yield
    }) : () -> ()
    %add3A_160 = arith.constant 160 : i32
    %add3A_161 = arith.addi %arg1, %add3A_160 : i32
    %mul3A_162 = arith.constant 40 : i32
    %mul3A_163 = arith.muli %add3A_161, %mul3A_162 : i32
    "tpu.region"() ({
      %run_scoped3A = tpu.sem_alloc : memref<!tpu.dma_semaphore, #tpu.memory_space<semaphore_mem>>
      %dma_start3A_233 = arith.constant 0 : i32
      %dma_start3A_234 = tpu.memref_slice %arg7[%mul3A_163, %dma_start3A_233] : memref<10000x128xf32, #tpu.memory_space<vmem_shared>> -> memref<40x128xf32, #tpu.memory_space<vmem_shared>>
      %dma_start3A_235 = arith.constant 0 : i32
      %dma_start3A_236 = tpu.memref_slice %arg7[%mul3A_163, %dma_start3A_235] : memref<10000x128xf32, #tpu.memory_space<vmem_shared>> -> memref<40x128xf32, #tpu.memory_space<vmem_shared>>
      tpu.enqueue_dma source(%arg15 : memref<40x128xf32, #tpu.memory_space<vmem>>) target(%dma_start3A_236 : memref<40x128xf32, #tpu.memory_space<vmem_shared>>) target_semaphore(%run_scoped3A : memref<!tpu.dma_semaphore, #tpu.memory_space<semaphore_mem>>)
      %dma_wait3A_237 = arith.constant 0 : i32
      %dma_wait3A_238 = tpu.memref_slice %arg7[%mul3A_163, %dma_wait3A_237] : memref<10000x128xf32, #tpu.memory_space<vmem_shared>> -> memref<40x128xf32, #tpu.memory_space<vmem_shared>>
      %dma_wait3A_239 = arith.constant 0 : i32
      %dma_wait3A_240 = tpu.memref_slice %arg7[%mul3A_163, %dma_wait3A_239] : memref<10000x128xf32, #tpu.memory_space<vmem_shared>> -> memref<40x128xf32, #tpu.memory_space<vmem_shared>>
      tpu.wait_dma2 semaphore(%run_scoped3A : memref<!tpu.dma_semaphore, #tpu.memory_space<semaphore_mem>>) src(%arg15 : memref<40x128xf32, #tpu.memory_space<vmem>>) dst(%dma_wait3A_240 : memref<40x128xf32, #tpu.memory_space<vmem_shared>>)
      tpu.yield
    }) : () -> ()
    %add3A_164 = arith.constant 176 : i32
    %add3A_165 = arith.addi %arg1, %add3A_164 : i32
    %mul3A_166 = arith.constant 40 : i32
    %mul3A_167 = arith.muli %add3A_165, %mul3A_166 : i32
    "tpu.region"() ({
      %run_scoped3A = tpu.sem_alloc : memref<!tpu.dma_semaphore, #tpu.memory_space<semaphore_mem>>
      %dma_start3A_233 = arith.constant 0 : i32
      %dma_start3A_234 = tpu.memref_slice %arg7[%mul3A_167, %dma_start3A_233] : memref<10000x128xf32, #tpu.memory_space<vmem_shared>> -> memref<40x128xf32, #tpu.memory_space<vmem_shared>>
      %dma_start3A_235 = arith.constant 0 : i32
      %dma_start3A_236 = tpu.memref_slice %arg7[%mul3A_167, %dma_start3A_235] : memref<10000x128xf32, #tpu.memory_space<vmem_shared>> -> memref<40x128xf32, #tpu.memory_space<vmem_shared>>
      tpu.enqueue_dma source(%arg15 : memref<40x128xf32, #tpu.memory_space<vmem>>) target(%dma_start3A_236 : memref<40x128xf32, #tpu.memory_space<vmem_shared>>) target_semaphore(%run_scoped3A : memref<!tpu.dma_semaphore, #tpu.memory_space<semaphore_mem>>)
      %dma_wait3A_237 = arith.constant 0 : i32
      %dma_wait3A_238 = tpu.memref_slice %arg7[%mul3A_167, %dma_wait3A_237] : memref<10000x128xf32, #tpu.memory_space<vmem_shared>> -> memref<40x128xf32, #tpu.memory_space<vmem_shared>>
      %dma_wait3A_239 = arith.constant 0 : i32
      %dma_wait3A_240 = tpu.memref_slice %arg7[%mul3A_167, %dma_wait3A_239] : memref<10000x128xf32, #tpu.memory_space<vmem_shared>> -> memref<40x128xf32, #tpu.memory_space<vmem_shared>>
      tpu.wait_dma2 semaphore(%run_scoped3A : memref<!tpu.dma_semaphore, #tpu.memory_space<semaphore_mem>>) src(%arg15 : memref<40x128xf32, #tpu.memory_space<vmem>>) dst(%dma_wait3A_240 : memref<40x128xf32, #tpu.memory_space<vmem_shared>>)
      tpu.yield
    }) : () -> ()
    %add3A_168 = arith.constant 192 : i32
    %add3A_169 = arith.addi %arg1, %add3A_168 : i32
    %mul3A_170 = arith.constant 40 : i32
    %mul3A_171 = arith.muli %add3A_169, %mul3A_170 : i32
    "tpu.region"() ({
      %run_scoped3A = tpu.sem_alloc : memref<!tpu.dma_semaphore, #tpu.memory_space<semaphore_mem>>
      %dma_start3A_233 = arith.constant 0 : i32
      %dma_start3A_234 = tpu.memref_slice %arg7[%mul3A_171, %dma_start3A_233] : memref<10000x128xf32, #tpu.memory_space<vmem_shared>> -> memref<40x128xf32, #tpu.memory_space<vmem_shared>>
      %dma_start3A_235 = arith.constant 0 : i32
      %dma_start3A_236 = tpu.memref_slice %arg7[%mul3A_171, %dma_start3A_235] : memref<10000x128xf32, #tpu.memory_space<vmem_shared>> -> memref<40x128xf32, #tpu.memory_space<vmem_shared>>
      tpu.enqueue_dma source(%arg15 : memref<40x128xf32, #tpu.memory_space<vmem>>) target(%dma_start3A_236 : memref<40x128xf32, #tpu.memory_space<vmem_shared>>) target_semaphore(%run_scoped3A : memref<!tpu.dma_semaphore, #tpu.memory_space<semaphore_mem>>)
      %dma_wait3A_237 = arith.constant 0 : i32
      %dma_wait3A_238 = tpu.memref_slice %arg7[%mul3A_171, %dma_wait3A_237] : memref<10000x128xf32, #tpu.memory_space<vmem_shared>> -> memref<40x128xf32, #tpu.memory_space<vmem_shared>>
      %dma_wait3A_239 = arith.constant 0 : i32
      %dma_wait3A_240 = tpu.memref_slice %arg7[%mul3A_171, %dma_wait3A_239] : memref<10000x128xf32, #tpu.memory_space<vmem_shared>> -> memref<40x128xf32, #tpu.memory_space<vmem_shared>>
      tpu.wait_dma2 semaphore(%run_scoped3A : memref<!tpu.dma_semaphore, #tpu.memory_space<semaphore_mem>>) src(%arg15 : memref<40x128xf32, #tpu.memory_space<vmem>>) dst(%dma_wait3A_240 : memref<40x128xf32, #tpu.memory_space<vmem_shared>>)
      tpu.yield
    }) : () -> ()
    %add3A_172 = arith.constant 208 : i32
    %add3A_173 = arith.addi %arg1, %add3A_172 : i32
    %mul3A_174 = arith.constant 40 : i32
    %mul3A_175 = arith.muli %add3A_173, %mul3A_174 : i32
    "tpu.region"() ({
      %run_scoped3A = tpu.sem_alloc : memref<!tpu.dma_semaphore, #tpu.memory_space<semaphore_mem>>
      %dma_start3A_233 = arith.constant 0 : i32
      %dma_start3A_234 = tpu.memref_slice %arg7[%mul3A_175, %dma_start3A_233] : memref<10000x128xf32, #tpu.memory_space<vmem_shared>> -> memref<40x128xf32, #tpu.memory_space<vmem_shared>>
      %dma_start3A_235 = arith.constant 0 : i32
      %dma_start3A_236 = tpu.memref_slice %arg7[%mul3A_175, %dma_start3A_235] : memref<10000x128xf32, #tpu.memory_space<vmem_shared>> -> memref<40x128xf32, #tpu.memory_space<vmem_shared>>
      tpu.enqueue_dma source(%arg15 : memref<40x128xf32, #tpu.memory_space<vmem>>) target(%dma_start3A_236 : memref<40x128xf32, #tpu.memory_space<vmem_shared>>) target_semaphore(%run_scoped3A : memref<!tpu.dma_semaphore, #tpu.memory_space<semaphore_mem>>)
      %dma_wait3A_237 = arith.constant 0 : i32
      %dma_wait3A_238 = tpu.memref_slice %arg7[%mul3A_175, %dma_wait3A_237] : memref<10000x128xf32, #tpu.memory_space<vmem_shared>> -> memref<40x128xf32, #tpu.memory_space<vmem_shared>>
      %dma_wait3A_239 = arith.constant 0 : i32
      %dma_wait3A_240 = tpu.memref_slice %arg7[%mul3A_175, %dma_wait3A_239] : memref<10000x128xf32, #tpu.memory_space<vmem_shared>> -> memref<40x128xf32, #tpu.memory_space<vmem_shared>>
      tpu.wait_dma2 semaphore(%run_scoped3A : memref<!tpu.dma_semaphore, #tpu.memory_space<semaphore_mem>>) src(%arg15 : memref<40x128xf32, #tpu.memory_space<vmem>>) dst(%dma_wait3A_240 : memref<40x128xf32, #tpu.memory_space<vmem_shared>>)
      tpu.yield
    }) : () -> ()
    %add3A_176 = arith.constant 224 : i32
    %add3A_177 = arith.addi %arg1, %add3A_176 : i32
    %mul3A_178 = arith.constant 40 : i32
    %mul3A_179 = arith.muli %add3A_177, %mul3A_178 : i32
    "tpu.region"() ({
      %run_scoped3A = tpu.sem_alloc : memref<!tpu.dma_semaphore, #tpu.memory_space<semaphore_mem>>
      %dma_start3A_233 = arith.constant 0 : i32
      %dma_start3A_234 = tpu.memref_slice %arg7[%mul3A_179, %dma_start3A_233] : memref<10000x128xf32, #tpu.memory_space<vmem_shared>> -> memref<40x128xf32, #tpu.memory_space<vmem_shared>>
      %dma_start3A_235 = arith.constant 0 : i32
      %dma_start3A_236 = tpu.memref_slice %arg7[%mul3A_179, %dma_start3A_235] : memref<10000x128xf32, #tpu.memory_space<vmem_shared>> -> memref<40x128xf32, #tpu.memory_space<vmem_shared>>
      tpu.enqueue_dma source(%arg15 : memref<40x128xf32, #tpu.memory_space<vmem>>) target(%dma_start3A_236 : memref<40x128xf32, #tpu.memory_space<vmem_shared>>) target_semaphore(%run_scoped3A : memref<!tpu.dma_semaphore, #tpu.memory_space<semaphore_mem>>)
      %dma_wait3A_237 = arith.constant 0 : i32
      %dma_wait3A_238 = tpu.memref_slice %arg7[%mul3A_179, %dma_wait3A_237] : memref<10000x128xf32, #tpu.memory_space<vmem_shared>> -> memref<40x128xf32, #tpu.memory_space<vmem_shared>>
      %dma_wait3A_239 = arith.constant 0 : i32
      %dma_wait3A_240 = tpu.memref_slice %arg7[%mul3A_179, %dma_wait3A_239] : memref<10000x128xf32, #tpu.memory_space<vmem_shared>> -> memref<40x128xf32, #tpu.memory_space<vmem_shared>>
      tpu.wait_dma2 semaphore(%run_scoped3A : memref<!tpu.dma_semaphore, #tpu.memory_space<semaphore_mem>>) src(%arg15 : memref<40x128xf32, #tpu.memory_space<vmem>>) dst(%dma_wait3A_240 : memref<40x128xf32, #tpu.memory_space<vmem_shared>>)
      tpu.yield
    }) : () -> ()
    %lt3A_180 = arith.constant 10 : i32
    %lt3A_181 = arith.cmpi slt, %arg1, %lt3A_180 : i32
    %convert_element_type3A_182 = arith.extui %lt3A_181 : i1 to i32
    %cond3A_183 = arith.constant 0 : i32
    %cond3A_184 = arith.cmpi ne, %convert_element_type3A_182, %cond3A_183 : i32
    scf.if %cond3A_184 {
      %add3A_233 = arith.constant 240 : i32
      %add3A_234 = arith.addi %add3A_233, %arg1 : i32
      %mul3A_235 = arith.constant 40 : i32
      %mul3A_236 = arith.muli %add3A_234, %mul3A_235 : i32
      "tpu.region"() ({
        %run_scoped3A = tpu.sem_alloc : memref<!tpu.dma_semaphore, #tpu.memory_space<semaphore_mem>>
        %dma_start3A_237 = arith.constant 0 : i32
        %dma_start3A_238 = tpu.memref_slice %arg7[%mul3A_236, %dma_start3A_237] : memref<10000x128xf32, #tpu.memory_space<vmem_shared>> -> memref<40x128xf32, #tpu.memory_space<vmem_shared>>
        %dma_start3A_239 = arith.constant 0 : i32
        %dma_start3A_240 = tpu.memref_slice %arg7[%mul3A_236, %dma_start3A_239] : memref<10000x128xf32, #tpu.memory_space<vmem_shared>> -> memref<40x128xf32, #tpu.memory_space<vmem_shared>>
        tpu.enqueue_dma source(%arg15 : memref<40x128xf32, #tpu.memory_space<vmem>>) target(%dma_start3A_240 : memref<40x128xf32, #tpu.memory_space<vmem_shared>>) target_semaphore(%run_scoped3A : memref<!tpu.dma_semaphore, #tpu.memory_space<semaphore_mem>>)
        %dma_wait3A_241 = arith.constant 0 : i32
        %dma_wait3A_242 = tpu.memref_slice %arg7[%mul3A_236, %dma_wait3A_241] : memref<10000x128xf32, #tpu.memory_space<vmem_shared>> -> memref<40x128xf32, #tpu.memory_space<vmem_shared>>
        %dma_wait3A_243 = arith.constant 0 : i32
        %dma_wait3A_244 = tpu.memref_slice %arg7[%mul3A_236, %dma_wait3A_243] : memref<10000x128xf32, #tpu.memory_space<vmem_shared>> -> memref<40x128xf32, #tpu.memory_space<vmem_shared>>
        tpu.wait_dma2 semaphore(%run_scoped3A : memref<!tpu.dma_semaphore, #tpu.memory_space<semaphore_mem>>) src(%arg15 : memref<40x128xf32, #tpu.memory_space<vmem>>) dst(%dma_wait3A_244 : memref<40x128xf32, #tpu.memory_space<vmem_shared>>)
        tpu.yield
      }) : () -> ()
    } else {
    }
    %barrier3A_185 = arith.constant 0 : index
    tpu.barrier barrier_id(%barrier3A_185)
    "tpu.region"() ({
      %run_scoped3A = tpu.sem_alloc : memref<!tpu.dma_semaphore, #tpu.memory_space<semaphore_mem>>
      %dma_start3A_233 = arith.constant 0 : i32
      %dma_start3A_234 = tpu.memref_slice %arg8[%dma_start3A_233] : memref<1600xi32, #tpu.memory_space<vmem>> -> memref<800xi32, #tpu.memory_space<vmem>>
      %dma_start3A_235 = tpu.memref_slice %arg3[%mul3A_1] : memref<320000xi32, #tpu.memory_space<hbm>> -> memref<800xi32, #tpu.memory_space<hbm>>
      %dma_start3A_236 = arith.constant 0 : i32
      %dma_start3A_237 = tpu.memref_slice %arg8[%dma_start3A_236] : memref<1600xi32, #tpu.memory_space<vmem>> -> memref<800xi32, #tpu.memory_space<vmem>>
      %dma_start3A_238 = tpu.memref_slice %arg3[%mul3A_1] : memref<320000xi32, #tpu.memory_space<hbm>> -> memref<800xi32, #tpu.memory_space<hbm>>
      tpu.enqueue_dma source(%dma_start3A_238 : memref<800xi32, #tpu.memory_space<hbm>>) target(%dma_start3A_237 : memref<800xi32, #tpu.memory_space<vmem>>) target_semaphore(%run_scoped3A : memref<!tpu.dma_semaphore, #tpu.memory_space<semaphore_mem>>)
      %dma_wait3A_239 = arith.constant 0 : i32
      %dma_wait3A_240 = tpu.memref_slice %arg8[%dma_wait3A_239] : memref<1600xi32, #tpu.memory_space<vmem>> -> memref<800xi32, #tpu.memory_space<vmem>>
      %dma_wait3A_241 = tpu.memref_slice %arg3[%mul3A_1] : memref<320000xi32, #tpu.memory_space<hbm>> -> memref<800xi32, #tpu.memory_space<hbm>>
      %dma_wait3A_242 = arith.constant 0 : i32
      %dma_wait3A_243 = tpu.memref_slice %arg8[%dma_wait3A_242] : memref<1600xi32, #tpu.memory_space<vmem>> -> memref<800xi32, #tpu.memory_space<vmem>>
      %dma_wait3A_244 = tpu.memref_slice %arg3[%mul3A_1] : memref<320000xi32, #tpu.memory_space<hbm>> -> memref<800xi32, #tpu.memory_space<hbm>>
      tpu.wait_dma2 semaphore(%run_scoped3A : memref<!tpu.dma_semaphore, #tpu.memory_space<semaphore_mem>>) src(%dma_wait3A_244 : memref<800xi32, #tpu.memory_space<hbm>>) dst(%dma_wait3A_243 : memref<800xi32, #tpu.memory_space<vmem>>)
      tpu.yield
    }) : () -> ()
    "tpu.region"() ({
      %run_scoped3A = tpu.sem_alloc : memref<!tpu.dma_semaphore, #tpu.memory_space<semaphore_mem>>
      %dma_start3A_233 = arith.constant 0 : i32
      %dma_start3A_234 = tpu.memref_slice %arg9[%dma_start3A_233] : memref<1600xi32, #tpu.memory_space<vmem>> -> memref<800xi32, #tpu.memory_space<vmem>>
      %dma_start3A_235 = tpu.memref_slice %arg4[%mul3A_1] : memref<320000xi32, #tpu.memory_space<hbm>> -> memref<800xi32, #tpu.memory_space<hbm>>
      %dma_start3A_236 = arith.constant 0 : i32
      %dma_start3A_237 = tpu.memref_slice %arg9[%dma_start3A_236] : memref<1600xi32, #tpu.memory_space<vmem>> -> memref<800xi32, #tpu.memory_space<vmem>>
      %dma_start3A_238 = tpu.memref_slice %arg4[%mul3A_1] : memref<320000xi32, #tpu.memory_space<hbm>> -> memref<800xi32, #tpu.memory_space<hbm>>
      tpu.enqueue_dma source(%dma_start3A_238 : memref<800xi32, #tpu.memory_space<hbm>>) target(%dma_start3A_237 : memref<800xi32, #tpu.memory_space<vmem>>) target_semaphore(%run_scoped3A : memref<!tpu.dma_semaphore, #tpu.memory_space<semaphore_mem>>)
      %dma_wait3A_239 = arith.constant 0 : i32
      %dma_wait3A_240 = tpu.memref_slice %arg9[%dma_wait3A_239] : memref<1600xi32, #tpu.memory_space<vmem>> -> memref<800xi32, #tpu.memory_space<vmem>>
      %dma_wait3A_241 = tpu.memref_slice %arg4[%mul3A_1] : memref<320000xi32, #tpu.memory_space<hbm>> -> memref<800xi32, #tpu.memory_space<hbm>>
      %dma_wait3A_242 = arith.constant 0 : i32
      %dma_wait3A_243 = tpu.memref_slice %arg9[%dma_wait3A_242] : memref<1600xi32, #tpu.memory_space<vmem>> -> memref<800xi32, #tpu.memory_space<vmem>>
      %dma_wait3A_244 = tpu.memref_slice %arg4[%mul3A_1] : memref<320000xi32, #tpu.memory_space<hbm>> -> memref<800xi32, #tpu.memory_space<hbm>>
      tpu.wait_dma2 semaphore(%run_scoped3A : memref<!tpu.dma_semaphore, #tpu.memory_space<semaphore_mem>>) src(%dma_wait3A_244 : memref<800xi32, #tpu.memory_space<hbm>>) dst(%dma_wait3A_243 : memref<800xi32, #tpu.memory_space<vmem>>)
      tpu.yield
    }) : () -> ()
    %mul3A_186 = arith.constant 320000 : i32
    %mul3A_187 = arith.muli %add3A_119, %mul3A_186 : i32
    %add3A_188 = arith.addi %mul3A_187, %mul3A_1 : i32
    "tpu.region"() ({
      %run_scoped3A = tpu.sem_alloc : memref<!tpu.dma_semaphore, #tpu.memory_space<semaphore_mem>>
      %dma_start3A_233 = arith.constant 0 : i32
      %dma_start3A_234 = tpu.memref_slice %arg10[%dma_start3A_233] : memref<1600xf32, #tpu.memory_space<vmem>> -> memref<800xf32, #tpu.memory_space<vmem>>
      %dma_start3A_235 = tpu.memref_slice %arg5[%add3A_188] : memref<1280000xf32, #tpu.memory_space<hbm>> -> memref<800xf32, #tpu.memory_space<hbm>>
      %dma_start3A_236 = arith.constant 0 : i32
      %dma_start3A_237 = tpu.memref_slice %arg10[%dma_start3A_236] : memref<1600xf32, #tpu.memory_space<vmem>> -> memref<800xf32, #tpu.memory_space<vmem>>
      %dma_start3A_238 = tpu.memref_slice %arg5[%add3A_188] : memref<1280000xf32, #tpu.memory_space<hbm>> -> memref<800xf32, #tpu.memory_space<hbm>>
      tpu.enqueue_dma source(%dma_start3A_238 : memref<800xf32, #tpu.memory_space<hbm>>) target(%dma_start3A_237 : memref<800xf32, #tpu.memory_space<vmem>>) target_semaphore(%run_scoped3A : memref<!tpu.dma_semaphore, #tpu.memory_space<semaphore_mem>>)
      %dma_wait3A_239 = arith.constant 0 : i32
      %dma_wait3A_240 = tpu.memref_slice %arg10[%dma_wait3A_239] : memref<1600xf32, #tpu.memory_space<vmem>> -> memref<800xf32, #tpu.memory_space<vmem>>
      %dma_wait3A_241 = tpu.memref_slice %arg5[%add3A_188] : memref<1280000xf32, #tpu.memory_space<hbm>> -> memref<800xf32, #tpu.memory_space<hbm>>
      %dma_wait3A_242 = arith.constant 0 : i32
      %dma_wait3A_243 = tpu.memref_slice %arg10[%dma_wait3A_242] : memref<1600xf32, #tpu.memory_space<vmem>> -> memref<800xf32, #tpu.memory_space<vmem>>
      %dma_wait3A_244 = tpu.memref_slice %arg5[%add3A_188] : memref<1280000xf32, #tpu.memory_space<hbm>> -> memref<800xf32, #tpu.memory_space<hbm>>
      tpu.wait_dma2 semaphore(%run_scoped3A : memref<!tpu.dma_semaphore, #tpu.memory_space<semaphore_mem>>) src(%dma_wait3A_244 : memref<800xf32, #tpu.memory_space<hbm>>) dst(%dma_wait3A_243 : memref<800xf32, #tpu.memory_space<vmem>>)
      tpu.yield
    }) : () -> ()
    %dma_start3A_189 = arith.constant 0 : i32
    %dma_start3A_190 = tpu.memref_slice %arg8[%dma_start3A_189] : memref<1600xi32, #tpu.memory_space<vmem>> -> memref<80xi32, #tpu.memory_space<vmem>>
    %dma_start3A_191 = arith.constant 0 : i32
    %dma_start3A_192 = arith.constant 0 : i32
    %dma_start3A_193 = tpu.memref_slice %arg2[%dma_start3A_191, %dma_start3A_192] : memref<10000x128xf32, #tpu.memory_space<hbm>> -> memref<10000x128xf32, #tpu.memory_space<hbm>>
    tpu.enqueue_indirect_dma source(%dma_start3A_193 : memref<10000x128xf32, #tpu.memory_space<hbm>>) target(%arg11 : memref<80x128xf32, #tpu.memory_space<vmem>>) offsets(%dma_start3A_190 : memref<80xi32, #tpu.memory_space<vmem>>) semaphore(%arg16 : memref<!tpu.dma_semaphore, #tpu.memory_space<semaphore_mem>>)
    %dma_start3A_194 = arith.constant 80 : i32
    %dma_start3A_195 = tpu.memref_slice %arg8[%dma_start3A_194] : memref<1600xi32, #tpu.memory_space<vmem>> -> memref<80xi32, #tpu.memory_space<vmem>>
    %dma_start3A_196 = arith.constant 0 : i32
    %dma_start3A_197 = arith.constant 0 : i32
    %dma_start3A_198 = tpu.memref_slice %arg2[%dma_start3A_196, %dma_start3A_197] : memref<10000x128xf32, #tpu.memory_space<hbm>> -> memref<10000x128xf32, #tpu.memory_space<hbm>>
    tpu.enqueue_indirect_dma source(%dma_start3A_198 : memref<10000x128xf32, #tpu.memory_space<hbm>>) target(%arg12 : memref<80x128xf32, #tpu.memory_space<vmem>>) offsets(%dma_start3A_195 : memref<80xi32, #tpu.memory_space<vmem>>) semaphore(%arg17 : memref<!tpu.dma_semaphore, #tpu.memory_space<semaphore_mem>>)
    %scan3A_199 = arith.constant 0 : i32
    %scan3A_200 = arith.constant 25 : i32
    %scan3A_201 = arith.addi %scan3A_199, %scan3A_200 : i32
    %scan3A_202 = arith.constant 1 : i32
    scf.for %scan3A_233 = %scan3A_199 to %scan3A_201 step %scan3A_202  : i32 {
      %jit3A = arith.constant 2 : i32
      %eq3A = arith.constant 0 : i32
      %eq3A_234 = arith.cmpi eq, %jit3A, %eq3A : i32
      %jit3A_235 = arith.constant 1 : i32
      %select_n3A = arith.select %eq3A_234, %jit3A_235, %jit3A : i32
      %rem3A = arith.remsi %scan3A_233, %select_n3A : i32
      %ne3A = arith.constant 0 : i32
      %ne3A_236 = arith.cmpi ne, %rem3A, %ne3A : i32
      %lt3A_237 = arith.constant 0 : i32
      %lt3A_238 = arith.cmpi slt, %rem3A, %lt3A_237 : i32
      %lt3A_239 = arith.constant 0 : i32
      %lt3A_240 = arith.cmpi slt, %select_n3A, %lt3A_239 : i32
      %ne3A_241 = arith.xori %lt3A_238, %lt3A_240 : i1
      %and3A = arith.andi %ne3A_241, %ne3A_236 : i1
      %add3A_242 = arith.addi %rem3A, %select_n3A : i32
      %select_n3A_243 = arith.select %and3A, %add3A_242, %rem3A : i32
      %mul3A_244 = arith.constant 800 : i32
      %mul3A_245 = arith.muli %select_n3A_243, %mul3A_244 : i32
      %add3A_246 = arith.constant 1 : i32
      %add3A_247 = arith.addi %scan3A_233, %add3A_246 : i32
      %jit3A_248 = arith.constant 2 : i32
      %eq3A_249 = arith.constant 0 : i32
      %eq3A_250 = arith.cmpi eq, %jit3A_248, %eq3A_249 : i32
      %jit3A_251 = arith.constant 1 : i32
      %select_n3A_252 = arith.select %eq3A_250, %jit3A_251, %jit3A_248 : i32
      %rem3A_253 = arith.remsi %add3A_247, %select_n3A_252 : i32
      %ne3A_254 = arith.constant 0 : i32
      %ne3A_255 = arith.cmpi ne, %rem3A_253, %ne3A_254 : i32
      %lt3A_256 = arith.constant 0 : i32
      %lt3A_257 = arith.cmpi slt, %rem3A_253, %lt3A_256 : i32
      %lt3A_258 = arith.constant 0 : i32
      %lt3A_259 = arith.cmpi slt, %select_n3A_252, %lt3A_258 : i32
      %ne3A_260 = arith.xori %lt3A_257, %lt3A_259 : i1
      %and3A_261 = arith.andi %ne3A_260, %ne3A_255 : i1
      %add3A_262 = arith.addi %rem3A_253, %select_n3A_252 : i32
      %select_n3A_263 = arith.select %and3A_261, %add3A_262, %rem3A_253 : i32
      %mul3A_264 = arith.constant 800 : i32
      %mul3A_265 = arith.muli %select_n3A_263, %mul3A_264 : i32
      %scan3A_266 = arith.constant 0 : i32
      %scan3A_267 = arith.constant 5 : i32
      %scan3A_268 = arith.addi %scan3A_266, %scan3A_267 : i32
      %scan3A_269 = arith.constant 1 : i32
      scf.for %scan3A_271 = %scan3A_266 to %scan3A_268 step %scan3A_269  : i32 {
        %mul3A_272 = arith.constant 2 : i32
        %mul3A_273 = arith.muli %scan3A_271, %mul3A_272 : i32
        %add3A_274 = arith.constant 0 : i32
        %add3A_275 = arith.addi %mul3A_273, %add3A_274 : i32
        %mul3A_276 = arith.constant 80 : i32
        %mul3A_277 = arith.muli %add3A_275, %mul3A_276 : i32
        %add3A_278 = arith.addi %mul3A_245, %mul3A_277 : i32
        %dma_wait3A_279 = arith.constant 0 : i32
        %dma_wait3A_280 = tpu.memref_slice %arg8[%dma_wait3A_279] : memref<1600xi32, #tpu.memory_space<vmem>> -> memref<80xi32, #tpu.memory_space<vmem>>
        %dma_wait3A_281 = arith.constant 0 : i32
        %dma_wait3A_282 = arith.constant 0 : i32
        %dma_wait3A_283 = tpu.memref_slice %arg2[%dma_wait3A_281, %dma_wait3A_282] : memref<10000x128xf32, #tpu.memory_space<hbm>> -> memref<10000x128xf32, #tpu.memory_space<hbm>>
        tpu.wait_indirect_dma semaphore(%arg16 : memref<!tpu.dma_semaphore, #tpu.memory_space<semaphore_mem>>) src(%dma_wait3A_283 : memref<10000x128xf32, #tpu.memory_space<hbm>>) dst(%arg11 : memref<80x128xf32, #tpu.memory_space<vmem>>)
        %gt3A = arith.constant 0 : i32
        %gt3A_284 = arith.cmpi sgt, %scan3A_233, %gt3A : i32
        %gt3A_285 = arith.constant 0 : i32
        %gt3A_286 = arith.cmpi sgt, %scan3A_271, %gt3A_285 : i32
        %or3A = arith.ori %gt3A_284, %gt3A_286 : i1
        %convert_element_type3A_287 = arith.extui %or3A : i1 to i32
        %cond3A_288 = arith.constant 0 : i32
        %cond3A_289 = arith.cmpi ne, %convert_element_type3A_287, %cond3A_288 : i32
        scf.if %cond3A_289 {
          %dma_wait3A_357 = arith.constant 0 : i32
          %dma_wait3A_358 = tpu.memref_slice %arg9[%dma_wait3A_357] : memref<1600xi32, #tpu.memory_space<vmem>> -> memref<80xi32, #tpu.memory_space<vmem>>
          %dma_wait3A_359 = arith.constant 0 : i32
          %dma_wait3A_360 = arith.constant 0 : i32
          %dma_wait3A_361 = tpu.memref_slice %arg7[%dma_wait3A_359, %dma_wait3A_360] : memref<10000x128xf32, #tpu.memory_space<vmem_shared>> -> memref<10000x128xf32, #tpu.memory_space<vmem_shared>>
          tpu.wait_indirect_dma semaphore(%arg18 : memref<!tpu.dma_semaphore, #tpu.memory_space<semaphore_mem>>) src(%arg13 : memref<80x128xf32, #tpu.memory_space<vmem>>) dst(%dma_wait3A_361 : memref<10000x128xf32, #tpu.memory_space<vmem_shared>>)
        } else {
        }
        %parallel_loop3A = arith.constant 0 : i32
        %parallel_loop3A_290 = arith.constant 80 : i32
        %parallel_loop3A_291 = arith.constant 1 : i32
        scf.for %parallel_loop3A_357 = %parallel_loop3A to %parallel_loop3A_290 step %parallel_loop3A_291  : i32 {
          %parallel_loop3A_358 = vector.broadcast %add3A_278 : i32 to vector<16xi32>
          %parallel_loop3A_359 = vector.broadcast %parallel_loop3A_357 : i32 to vector<16xi32>
          %parallel_loop3A_360 = arith.addi %parallel_loop3A_358, %parallel_loop3A_359 : vector<16xi32>
          %parallel_loop3A_361 = tpu.vector_load_idx %arg10[%parallel_loop3A_360] : memref<1600xf32, #tpu.memory_space<vmem>>[vector<16xi32>], vector<16xf32>,
          %parallel_loop3A_362 = arith.index_cast %parallel_loop3A_357 : i32 to index
          %parallel_loop3A_363 = arith.constant 0 : index
          %parallel_loop3A_364 = tpu.vector_load %arg11[%parallel_loop3A_362, %parallel_loop3A_363] {strides = array<i32>} : memref<80x128xf32, #tpu.memory_space<vmem>>, vector<16xf32>,
          %parallel_loop3A_365 = arith.mulf %parallel_loop3A_364, %parallel_loop3A_361 : vector<16xf32>
          %parallel_loop3A_366 = arith.index_cast %parallel_loop3A_357 : i32 to index
          %parallel_loop3A_367 = arith.constant 0 : index
          %parallel_loop3A_368 = tpu.vector_load %arg13[%parallel_loop3A_366, %parallel_loop3A_367] {strides = array<i32>} : memref<80x128xf32, #tpu.memory_space<vmem>>, vector<16xf32>,
          tpu.vector_store %arg13[%parallel_loop3A_366, %parallel_loop3A_367], %parallel_loop3A_365 {strides = array<i32>} : memref<80x128xf32, #tpu.memory_space<vmem>>, vector<16xf32>,
          %parallel_loop3A_369 = arith.index_cast %parallel_loop3A_357 : i32 to index
          %parallel_loop3A_370 = arith.constant 16 : index
          %parallel_loop3A_371 = tpu.vector_load %arg11[%parallel_loop3A_369, %parallel_loop3A_370] {strides = array<i32>} : memref<80x128xf32, #tpu.memory_space<vmem>>, vector<16xf32>,
          %parallel_loop3A_372 = arith.mulf %parallel_loop3A_371, %parallel_loop3A_361 : vector<16xf32>
          %parallel_loop3A_373 = arith.index_cast %parallel_loop3A_357 : i32 to index
          %parallel_loop3A_374 = arith.constant 16 : index
          %parallel_loop3A_375 = tpu.vector_load %arg13[%parallel_loop3A_373, %parallel_loop3A_374] {strides = array<i32>} : memref<80x128xf32, #tpu.memory_space<vmem>>, vector<16xf32>,
          tpu.vector_store %arg13[%parallel_loop3A_373, %parallel_loop3A_374], %parallel_loop3A_372 {strides = array<i32>} : memref<80x128xf32, #tpu.memory_space<vmem>>, vector<16xf32>,
          %parallel_loop3A_376 = arith.index_cast %parallel_loop3A_357 : i32 to index
          %parallel_loop3A_377 = arith.constant 32 : index
          %parallel_loop3A_378 = tpu.vector_load %arg11[%parallel_loop3A_376, %parallel_loop3A_377] {strides = array<i32>} : memref<80x128xf32, #tpu.memory_space<vmem>>, vector<16xf32>,
          %parallel_loop3A_379 = arith.mulf %parallel_loop3A_378, %parallel_loop3A_361 : vector<16xf32>
          %parallel_loop3A_380 = arith.index_cast %parallel_loop3A_357 : i32 to index
          %parallel_loop3A_381 = arith.constant 32 : index
          %parallel_loop3A_382 = tpu.vector_load %arg13[%parallel_loop3A_380, %parallel_loop3A_381] {strides = array<i32>} : memref<80x128xf32, #tpu.memory_space<vmem>>, vector<16xf32>,
          tpu.vector_store %arg13[%parallel_loop3A_380, %parallel_loop3A_381], %parallel_loop3A_379 {strides = array<i32>} : memref<80x128xf32, #tpu.memory_space<vmem>>, vector<16xf32>,
          %parallel_loop3A_383 = arith.index_cast %parallel_loop3A_357 : i32 to index
          %parallel_loop3A_384 = arith.constant 48 : index
          %parallel_loop3A_385 = tpu.vector_load %arg11[%parallel_loop3A_383, %parallel_loop3A_384] {strides = array<i32>} : memref<80x128xf32, #tpu.memory_space<vmem>>, vector<16xf32>,
          %parallel_loop3A_386 = arith.mulf %parallel_loop3A_385, %parallel_loop3A_361 : vector<16xf32>
          %parallel_loop3A_387 = arith.index_cast %parallel_loop3A_357 : i32 to index
          %parallel_loop3A_388 = arith.constant 48 : index
          %parallel_loop3A_389 = tpu.vector_load %arg13[%parallel_loop3A_387, %parallel_loop3A_388] {strides = array<i32>} : memref<80x128xf32, #tpu.memory_space<vmem>>, vector<16xf32>,
          tpu.vector_store %arg13[%parallel_loop3A_387, %parallel_loop3A_388], %parallel_loop3A_386 {strides = array<i32>} : memref<80x128xf32, #tpu.memory_space<vmem>>, vector<16xf32>,
          %parallel_loop3A_390 = arith.index_cast %parallel_loop3A_357 : i32 to index
          %parallel_loop3A_391 = arith.constant 64 : index
          %parallel_loop3A_392 = tpu.vector_load %arg11[%parallel_loop3A_390, %parallel_loop3A_391] {strides = array<i32>} : memref<80x128xf32, #tpu.memory_space<vmem>>, vector<16xf32>,
          %parallel_loop3A_393 = arith.mulf %parallel_loop3A_392, %parallel_loop3A_361 : vector<16xf32>
          %parallel_loop3A_394 = arith.index_cast %parallel_loop3A_357 : i32 to index
          %parallel_loop3A_395 = arith.constant 64 : index
          %parallel_loop3A_396 = tpu.vector_load %arg13[%parallel_loop3A_394, %parallel_loop3A_395] {strides = array<i32>} : memref<80x128xf32, #tpu.memory_space<vmem>>, vector<16xf32>,
          tpu.vector_store %arg13[%parallel_loop3A_394, %parallel_loop3A_395], %parallel_loop3A_393 {strides = array<i32>} : memref<80x128xf32, #tpu.memory_space<vmem>>, vector<16xf32>,
          %parallel_loop3A_397 = arith.index_cast %parallel_loop3A_357 : i32 to index
          %parallel_loop3A_398 = arith.constant 80 : index
          %parallel_loop3A_399 = tpu.vector_load %arg11[%parallel_loop3A_397, %parallel_loop3A_398] {strides = array<i32>} : memref<80x128xf32, #tpu.memory_space<vmem>>, vector<16xf32>,
          %parallel_loop3A_400 = arith.mulf %parallel_loop3A_399, %parallel_loop3A_361 : vector<16xf32>
          %parallel_loop3A_401 = arith.index_cast %parallel_loop3A_357 : i32 to index
          %parallel_loop3A_402 = arith.constant 80 : index
          %parallel_loop3A_403 = tpu.vector_load %arg13[%parallel_loop3A_401, %parallel_loop3A_402] {strides = array<i32>} : memref<80x128xf32, #tpu.memory_space<vmem>>, vector<16xf32>,
          tpu.vector_store %arg13[%parallel_loop3A_401, %parallel_loop3A_402], %parallel_loop3A_400 {strides = array<i32>} : memref<80x128xf32, #tpu.memory_space<vmem>>, vector<16xf32>,
          %parallel_loop3A_404 = arith.index_cast %parallel_loop3A_357 : i32 to index
          %parallel_loop3A_405 = arith.constant 96 : index
          %parallel_loop3A_406 = tpu.vector_load %arg11[%parallel_loop3A_404, %parallel_loop3A_405] {strides = array<i32>} : memref<80x128xf32, #tpu.memory_space<vmem>>, vector<16xf32>,
          %parallel_loop3A_407 = arith.mulf %parallel_loop3A_406, %parallel_loop3A_361 : vector<16xf32>
          %parallel_loop3A_408 = arith.index_cast %parallel_loop3A_357 : i32 to index
          %parallel_loop3A_409 = arith.constant 96 : index
          %parallel_loop3A_410 = tpu.vector_load %arg13[%parallel_loop3A_408, %parallel_loop3A_409] {strides = array<i32>} : memref<80x128xf32, #tpu.memory_space<vmem>>, vector<16xf32>,
          tpu.vector_store %arg13[%parallel_loop3A_408, %parallel_loop3A_409], %parallel_loop3A_407 {strides = array<i32>} : memref<80x128xf32, #tpu.memory_space<vmem>>, vector<16xf32>,
          %parallel_loop3A_411 = arith.index_cast %parallel_loop3A_357 : i32 to index
          %parallel_loop3A_412 = arith.constant 112 : index
          %parallel_loop3A_413 = tpu.vector_load %arg11[%parallel_loop3A_411, %parallel_loop3A_412] {strides = array<i32>} : memref<80x128xf32, #tpu.memory_space<vmem>>, vector<16xf32>,
          %parallel_loop3A_414 = arith.mulf %parallel_loop3A_413, %parallel_loop3A_361 : vector<16xf32>
          %parallel_loop3A_415 = arith.index_cast %parallel_loop3A_357 : i32 to index
          %parallel_loop3A_416 = arith.constant 112 : index
          %parallel_loop3A_417 = tpu.vector_load %arg13[%parallel_loop3A_415, %parallel_loop3A_416] {strides = array<i32>} : memref<80x128xf32, #tpu.memory_space<vmem>>, vector<16xf32>,
          tpu.vector_store %arg13[%parallel_loop3A_415, %parallel_loop3A_416], %parallel_loop3A_414 {strides = array<i32>} : memref<80x128xf32, #tpu.memory_space<vmem>>, vector<16xf32>,
        } {sc.loop_unroll_factor = 8 : i64, sc.parallel_access}
        %dma_start3A_292 = tpu.memref_slice %arg9[%add3A_278] : memref<1600xi32, #tpu.memory_space<vmem>> -> memref<80xi32, #tpu.memory_space<vmem>>
        %dma_start3A_293 = arith.constant 0 : i32
        %dma_start3A_294 = arith.constant 0 : i32
        %dma_start3A_295 = tpu.memref_slice %arg7[%dma_start3A_293, %dma_start3A_294] : memref<10000x128xf32, #tpu.memory_space<vmem_shared>> -> memref<10000x128xf32, #tpu.memory_space<vmem_shared>>
        tpu.enqueue_indirect_dma source(%arg13 : memref<80x128xf32, #tpu.memory_space<vmem>>) target(%dma_start3A_295 : memref<10000x128xf32, #tpu.memory_space<vmem_shared>>) offsets(%dma_start3A_292 : memref<80xi32, #tpu.memory_space<vmem>>) semaphore(%arg18 : memref<!tpu.dma_semaphore, #tpu.memory_space<semaphore_mem>>) {add = true}
        %eq3A_296 = arith.constant 1 : i32
        %eq3A_297 = arith.cmpi eq, %scan3A_271, %eq3A_296 : i32
        %lt3A_298 = arith.constant 24 : i32
        %lt3A_299 = arith.cmpi slt, %scan3A_233, %lt3A_298 : i32
        %and3A_300 = arith.andi %eq3A_297, %lt3A_299 : i1
        %convert_element_type3A_301 = arith.extui %and3A_300 : i1 to i32
        %cond3A_302 = arith.constant 0 : i32
        %cond3A_303 = arith.cmpi ne, %convert_element_type3A_301, %cond3A_302 : i32
        scf.if %cond3A_303 {
          %add3A_357 = arith.constant 1 : i32
          %add3A_358 = arith.addi %scan3A_233, %add3A_357 : i32
          %mul3A_359 = arith.constant 800 : i32
          %mul3A_360 = arith.muli %add3A_358, %mul3A_359 : i32
          %add3A_361 = arith.addi %mul3A_1, %mul3A_360 : i32
          "tpu.region"() ({
            %run_scoped3A = tpu.sem_alloc : memref<!tpu.dma_semaphore, #tpu.memory_space<semaphore_mem>>
            %dma_start3A_365 = tpu.memref_slice %arg8[%mul3A_265] : memref<1600xi32, #tpu.memory_space<vmem>> -> memref<800xi32, #tpu.memory_space<vmem>>
            %dma_start3A_366 = tpu.memref_slice %arg3[%add3A_361] : memref<320000xi32, #tpu.memory_space<hbm>> -> memref<800xi32, #tpu.memory_space<hbm>>
            %dma_start3A_367 = tpu.memref_slice %arg8[%mul3A_265] : memref<1600xi32, #tpu.memory_space<vmem>> -> memref<800xi32, #tpu.memory_space<vmem>>
            %dma_start3A_368 = tpu.memref_slice %arg3[%add3A_361] : memref<320000xi32, #tpu.memory_space<hbm>> -> memref<800xi32, #tpu.memory_space<hbm>>
            tpu.enqueue_dma source(%dma_start3A_368 : memref<800xi32, #tpu.memory_space<hbm>>) target(%dma_start3A_367 : memref<800xi32, #tpu.memory_space<vmem>>) target_semaphore(%run_scoped3A : memref<!tpu.dma_semaphore, #tpu.memory_space<semaphore_mem>>)
            %dma_wait3A_369 = tpu.memref_slice %arg8[%mul3A_265] : memref<1600xi32, #tpu.memory_space<vmem>> -> memref<800xi32, #tpu.memory_space<vmem>>
            %dma_wait3A_370 = tpu.memref_slice %arg3[%add3A_361] : memref<320000xi32, #tpu.memory_space<hbm>> -> memref<800xi32, #tpu.memory_space<hbm>>
            %dma_wait3A_371 = tpu.memref_slice %arg8[%mul3A_265] : memref<1600xi32, #tpu.memory_space<vmem>> -> memref<800xi32, #tpu.memory_space<vmem>>
            %dma_wait3A_372 = tpu.memref_slice %arg3[%add3A_361] : memref<320000xi32, #tpu.memory_space<hbm>> -> memref<800xi32, #tpu.memory_space<hbm>>
            tpu.wait_dma2 semaphore(%run_scoped3A : memref<!tpu.dma_semaphore, #tpu.memory_space<semaphore_mem>>) src(%dma_wait3A_372 : memref<800xi32, #tpu.memory_space<hbm>>) dst(%dma_wait3A_371 : memref<800xi32, #tpu.memory_space<vmem>>)
            tpu.yield
          }) : () -> ()
          "tpu.region"() ({
            %run_scoped3A = tpu.sem_alloc : memref<!tpu.dma_semaphore, #tpu.memory_space<semaphore_mem>>
            %dma_start3A_365 = tpu.memref_slice %arg9[%mul3A_265] : memref<1600xi32, #tpu.memory_space<vmem>> -> memref<800xi32, #tpu.memory_space<vmem>>
            %dma_start3A_366 = tpu.memref_slice %arg4[%add3A_361] : memref<320000xi32, #tpu.memory_space<hbm>> -> memref<800xi32, #tpu.memory_space<hbm>>
            %dma_start3A_367 = tpu.memref_slice %arg9[%mul3A_265] : memref<1600xi32, #tpu.memory_space<vmem>> -> memref<800xi32, #tpu.memory_space<vmem>>
            %dma_start3A_368 = tpu.memref_slice %arg4[%add3A_361] : memref<320000xi32, #tpu.memory_space<hbm>> -> memref<800xi32, #tpu.memory_space<hbm>>
            tpu.enqueue_dma source(%dma_start3A_368 : memref<800xi32, #tpu.memory_space<hbm>>) target(%dma_start3A_367 : memref<800xi32, #tpu.memory_space<vmem>>) target_semaphore(%run_scoped3A : memref<!tpu.dma_semaphore, #tpu.memory_space<semaphore_mem>>)
            %dma_wait3A_369 = tpu.memref_slice %arg9[%mul3A_265] : memref<1600xi32, #tpu.memory_space<vmem>> -> memref<800xi32, #tpu.memory_space<vmem>>
            %dma_wait3A_370 = tpu.memref_slice %arg4[%add3A_361] : memref<320000xi32, #tpu.memory_space<hbm>> -> memref<800xi32, #tpu.memory_space<hbm>>
            %dma_wait3A_371 = tpu.memref_slice %arg9[%mul3A_265] : memref<1600xi32, #tpu.memory_space<vmem>> -> memref<800xi32, #tpu.memory_space<vmem>>
            %dma_wait3A_372 = tpu.memref_slice %arg4[%add3A_361] : memref<320000xi32, #tpu.memory_space<hbm>> -> memref<800xi32, #tpu.memory_space<hbm>>
            tpu.wait_dma2 semaphore(%run_scoped3A : memref<!tpu.dma_semaphore, #tpu.memory_space<semaphore_mem>>) src(%dma_wait3A_372 : memref<800xi32, #tpu.memory_space<hbm>>) dst(%dma_wait3A_371 : memref<800xi32, #tpu.memory_space<vmem>>)
            tpu.yield
          }) : () -> ()
          %mul3A_362 = arith.constant 320000 : i32
          %mul3A_363 = arith.muli %add3A_119, %mul3A_362 : i32
          %add3A_364 = arith.addi %mul3A_363, %add3A_361 : i32
          "tpu.region"() ({
            %run_scoped3A = tpu.sem_alloc : memref<!tpu.dma_semaphore, #tpu.memory_space<semaphore_mem>>
            %dma_start3A_365 = tpu.memref_slice %arg10[%mul3A_265] : memref<1600xf32, #tpu.memory_space<vmem>> -> memref<800xf32, #tpu.memory_space<vmem>>
            %dma_start3A_366 = tpu.memref_slice %arg5[%add3A_364] : memref<1280000xf32, #tpu.memory_space<hbm>> -> memref<800xf32, #tpu.memory_space<hbm>>
            %dma_start3A_367 = tpu.memref_slice %arg10[%mul3A_265] : memref<1600xf32, #tpu.memory_space<vmem>> -> memref<800xf32, #tpu.memory_space<vmem>>
            %dma_start3A_368 = tpu.memref_slice %arg5[%add3A_364] : memref<1280000xf32, #tpu.memory_space<hbm>> -> memref<800xf32, #tpu.memory_space<hbm>>
            tpu.enqueue_dma source(%dma_start3A_368 : memref<800xf32, #tpu.memory_space<hbm>>) target(%dma_start3A_367 : memref<800xf32, #tpu.memory_space<vmem>>) target_semaphore(%run_scoped3A : memref<!tpu.dma_semaphore, #tpu.memory_space<semaphore_mem>>)
            %dma_wait3A_369 = tpu.memref_slice %arg10[%mul3A_265] : memref<1600xf32, #tpu.memory_space<vmem>> -> memref<800xf32, #tpu.memory_space<vmem>>
            %dma_wait3A_370 = tpu.memref_slice %arg5[%add3A_364] : memref<1280000xf32, #tpu.memory_space<hbm>> -> memref<800xf32, #tpu.memory_space<hbm>>
            %dma_wait3A_371 = tpu.memref_slice %arg10[%mul3A_265] : memref<1600xf32, #tpu.memory_space<vmem>> -> memref<800xf32, #tpu.memory_space<vmem>>
            %dma_wait3A_372 = tpu.memref_slice %arg5[%add3A_364] : memref<1280000xf32, #tpu.memory_space<hbm>> -> memref<800xf32, #tpu.memory_space<hbm>>
            tpu.wait_dma2 semaphore(%run_scoped3A : memref<!tpu.dma_semaphore, #tpu.memory_space<semaphore_mem>>) src(%dma_wait3A_372 : memref<800xf32, #tpu.memory_space<hbm>>) dst(%dma_wait3A_371 : memref<800xf32, #tpu.memory_space<vmem>>)
            tpu.yield
          }) : () -> ()
        } else {
        }
        %lt3A_304 = arith.constant 4 : i32
        %lt3A_305 = arith.cmpi slt, %scan3A_271, %lt3A_304 : i32
        %convert_element_type3A_306 = arith.extui %lt3A_305 : i1 to i32
        %cond3A_307 = arith.constant 0 : i32
        %cond3A_308 = arith.cmpi ne, %convert_element_type3A_306, %cond3A_307 : i32
        scf.if %cond3A_308 {
          %add3A_357 = arith.constant 160 : i32
          %add3A_358 = arith.addi %add3A_278, %add3A_357 : i32
          %dma_start3A_359 = tpu.memref_slice %arg8[%add3A_358] : memref<1600xi32, #tpu.memory_space<vmem>> -> memref<80xi32, #tpu.memory_space<vmem>>
          %dma_start3A_360 = arith.constant 0 : i32
          %dma_start3A_361 = arith.constant 0 : i32
          %dma_start3A_362 = tpu.memref_slice %arg2[%dma_start3A_360, %dma_start3A_361] : memref<10000x128xf32, #tpu.memory_space<hbm>> -> memref<10000x128xf32, #tpu.memory_space<hbm>>
          tpu.enqueue_indirect_dma source(%dma_start3A_362 : memref<10000x128xf32, #tpu.memory_space<hbm>>) target(%arg11 : memref<80x128xf32, #tpu.memory_space<vmem>>) offsets(%dma_start3A_359 : memref<80xi32, #tpu.memory_space<vmem>>) semaphore(%arg16 : memref<!tpu.dma_semaphore, #tpu.memory_space<semaphore_mem>>)
        } else {
        }
        %eq3A_309 = arith.constant 4 : i32
        %eq3A_310 = arith.cmpi eq, %scan3A_271, %eq3A_309 : i32
        %lt3A_311 = arith.constant 24 : i32
        %lt3A_312 = arith.cmpi slt, %scan3A_233, %lt3A_311 : i32
        %and3A_313 = arith.andi %eq3A_310, %lt3A_312 : i1
        %convert_element_type3A_314 = arith.extui %and3A_313 : i1 to i32
        %cond3A_315 = arith.constant 0 : i32
        %cond3A_316 = arith.cmpi ne, %convert_element_type3A_314, %cond3A_315 : i32
        scf.if %cond3A_316 {
          %add3A_357 = arith.constant 0 : i32
          %add3A_358 = arith.addi %mul3A_265, %add3A_357 : i32
          %dma_start3A_359 = tpu.memref_slice %arg8[%add3A_358] : memref<1600xi32, #tpu.memory_space<vmem>> -> memref<80xi32, #tpu.memory_space<vmem>>
          %dma_start3A_360 = arith.constant 0 : i32
          %dma_start3A_361 = arith.constant 0 : i32
          %dma_start3A_362 = tpu.memref_slice %arg2[%dma_start3A_360, %dma_start3A_361] : memref<10000x128xf32, #tpu.memory_space<hbm>> -> memref<10000x128xf32, #tpu.memory_space<hbm>>
          tpu.enqueue_indirect_dma source(%dma_start3A_362 : memref<10000x128xf32, #tpu.memory_space<hbm>>) target(%arg11 : memref<80x128xf32, #tpu.memory_space<vmem>>) offsets(%dma_start3A_359 : memref<80xi32, #tpu.memory_space<vmem>>) semaphore(%arg16 : memref<!tpu.dma_semaphore, #tpu.memory_space<semaphore_mem>>)
        } else {
        }
        %mul3A_317 = arith.constant 2 : i32
        %mul3A_318 = arith.muli %scan3A_271, %mul3A_317 : i32
        %add3A_319 = arith.constant 1 : i32
        %add3A_320 = arith.addi %mul3A_318, %add3A_319 : i32
        %mul3A_321 = arith.constant 80 : i32
        %mul3A_322 = arith.muli %add3A_320, %mul3A_321 : i32
        %add3A_323 = arith.addi %mul3A_245, %mul3A_322 : i32
        %dma_wait3A_324 = arith.constant 0 : i32
        %dma_wait3A_325 = tpu.memref_slice %arg8[%dma_wait3A_324] : memref<1600xi32, #tpu.memory_space<vmem>> -> memref<80xi32, #tpu.memory_space<vmem>>
        %dma_wait3A_326 = arith.constant 0 : i32
        %dma_wait3A_327 = arith.constant 0 : i32
        %dma_wait3A_328 = tpu.memref_slice %arg2[%dma_wait3A_326, %dma_wait3A_327] : memref<10000x128xf32, #tpu.memory_space<hbm>> -> memref<10000x128xf32, #tpu.memory_space<hbm>>
        tpu.wait_indirect_dma semaphore(%arg17 : memref<!tpu.dma_semaphore, #tpu.memory_space<semaphore_mem>>) src(%dma_wait3A_328 : memref<10000x128xf32, #tpu.memory_space<hbm>>) dst(%arg12 : memref<80x128xf32, #tpu.memory_space<vmem>>)
        %gt3A_329 = arith.constant 0 : i32
        %gt3A_330 = arith.cmpi sgt, %scan3A_233, %gt3A_329 : i32
        %gt3A_331 = arith.constant 0 : i32
        %gt3A_332 = arith.cmpi sgt, %scan3A_271, %gt3A_331 : i32
        %or3A_333 = arith.ori %gt3A_330, %gt3A_332 : i1
        %convert_element_type3A_334 = arith.extui %or3A_333 : i1 to i32
        %cond3A_335 = arith.constant 0 : i32
        %cond3A_336 = arith.cmpi ne, %convert_element_type3A_334, %cond3A_335 : i32
        scf.if %cond3A_336 {
          %dma_wait3A_357 = arith.constant 0 : i32
          %dma_wait3A_358 = tpu.memref_slice %arg9[%dma_wait3A_357] : memref<1600xi32, #tpu.memory_space<vmem>> -> memref<80xi32, #tpu.memory_space<vmem>>
          %dma_wait3A_359 = arith.constant 0 : i32
          %dma_wait3A_360 = arith.constant 0 : i32
          %dma_wait3A_361 = tpu.memref_slice %arg7[%dma_wait3A_359, %dma_wait3A_360] : memref<10000x128xf32, #tpu.memory_space<vmem_shared>> -> memref<10000x128xf32, #tpu.memory_space<vmem_shared>>
          tpu.wait_indirect_dma semaphore(%arg19 : memref<!tpu.dma_semaphore, #tpu.memory_space<semaphore_mem>>) src(%arg14 : memref<80x128xf32, #tpu.memory_space<vmem>>) dst(%dma_wait3A_361 : memref<10000x128xf32, #tpu.memory_space<vmem_shared>>)
        } else {
        }
        %parallel_loop3A_337 = arith.constant 0 : i32
        %parallel_loop3A_338 = arith.constant 80 : i32
        %parallel_loop3A_339 = arith.constant 1 : i32
        scf.for %parallel_loop3A_357 = %parallel_loop3A_337 to %parallel_loop3A_338 step %parallel_loop3A_339  : i32 {
          %parallel_loop3A_358 = vector.broadcast %add3A_323 : i32 to vector<16xi32>
          %parallel_loop3A_359 = vector.broadcast %parallel_loop3A_357 : i32 to vector<16xi32>
          %parallel_loop3A_360 = arith.addi %parallel_loop3A_358, %parallel_loop3A_359 : vector<16xi32>
          %parallel_loop3A_361 = tpu.vector_load_idx %arg10[%parallel_loop3A_360] : memref<1600xf32, #tpu.memory_space<vmem>>[vector<16xi32>], vector<16xf32>,
          %parallel_loop3A_362 = arith.index_cast %parallel_loop3A_357 : i32 to index
          %parallel_loop3A_363 = arith.constant 0 : index
          %parallel_loop3A_364 = tpu.vector_load %arg12[%parallel_loop3A_362, %parallel_loop3A_363] {strides = array<i32>} : memref<80x128xf32, #tpu.memory_space<vmem>>, vector<16xf32>,
          %parallel_loop3A_365 = arith.mulf %parallel_loop3A_364, %parallel_loop3A_361 : vector<16xf32>
          %parallel_loop3A_366 = arith.index_cast %parallel_loop3A_357 : i32 to index
          %parallel_loop3A_367 = arith.constant 0 : index
          %parallel_loop3A_368 = tpu.vector_load %arg14[%parallel_loop3A_366, %parallel_loop3A_367] {strides = array<i32>} : memref<80x128xf32, #tpu.memory_space<vmem>>, vector<16xf32>,
          tpu.vector_store %arg14[%parallel_loop3A_366, %parallel_loop3A_367], %parallel_loop3A_365 {strides = array<i32>} : memref<80x128xf32, #tpu.memory_space<vmem>>, vector<16xf32>,
          %parallel_loop3A_369 = arith.index_cast %parallel_loop3A_357 : i32 to index
          %parallel_loop3A_370 = arith.constant 16 : index
          %parallel_loop3A_371 = tpu.vector_load %arg12[%parallel_loop3A_369, %parallel_loop3A_370] {strides = array<i32>} : memref<80x128xf32, #tpu.memory_space<vmem>>, vector<16xf32>,
          %parallel_loop3A_372 = arith.mulf %parallel_loop3A_371, %parallel_loop3A_361 : vector<16xf32>
          %parallel_loop3A_373 = arith.index_cast %parallel_loop3A_357 : i32 to index
          %parallel_loop3A_374 = arith.constant 16 : index
          %parallel_loop3A_375 = tpu.vector_load %arg14[%parallel_loop3A_373, %parallel_loop3A_374] {strides = array<i32>} : memref<80x128xf32, #tpu.memory_space<vmem>>, vector<16xf32>,
          tpu.vector_store %arg14[%parallel_loop3A_373, %parallel_loop3A_374], %parallel_loop3A_372 {strides = array<i32>} : memref<80x128xf32, #tpu.memory_space<vmem>>, vector<16xf32>,
          %parallel_loop3A_376 = arith.index_cast %parallel_loop3A_357 : i32 to index
          %parallel_loop3A_377 = arith.constant 32 : index
          %parallel_loop3A_378 = tpu.vector_load %arg12[%parallel_loop3A_376, %parallel_loop3A_377] {strides = array<i32>} : memref<80x128xf32, #tpu.memory_space<vmem>>, vector<16xf32>,
          %parallel_loop3A_379 = arith.mulf %parallel_loop3A_378, %parallel_loop3A_361 : vector<16xf32>
          %parallel_loop3A_380 = arith.index_cast %parallel_loop3A_357 : i32 to index
          %parallel_loop3A_381 = arith.constant 32 : index
          %parallel_loop3A_382 = tpu.vector_load %arg14[%parallel_loop3A_380, %parallel_loop3A_381] {strides = array<i32>} : memref<80x128xf32, #tpu.memory_space<vmem>>, vector<16xf32>,
          tpu.vector_store %arg14[%parallel_loop3A_380, %parallel_loop3A_381], %parallel_loop3A_379 {strides = array<i32>} : memref<80x128xf32, #tpu.memory_space<vmem>>, vector<16xf32>,
          %parallel_loop3A_383 = arith.index_cast %parallel_loop3A_357 : i32 to index
          %parallel_loop3A_384 = arith.constant 48 : index
          %parallel_loop3A_385 = tpu.vector_load %arg12[%parallel_loop3A_383, %parallel_loop3A_384] {strides = array<i32>} : memref<80x128xf32, #tpu.memory_space<vmem>>, vector<16xf32>,
          %parallel_loop3A_386 = arith.mulf %parallel_loop3A_385, %parallel_loop3A_361 : vector<16xf32>
          %parallel_loop3A_387 = arith.index_cast %parallel_loop3A_357 : i32 to index
          %parallel_loop3A_388 = arith.constant 48 : index
          %parallel_loop3A_389 = tpu.vector_load %arg14[%parallel_loop3A_387, %parallel_loop3A_388] {strides = array<i32>} : memref<80x128xf32, #tpu.memory_space<vmem>>, vector<16xf32>,
          tpu.vector_store %arg14[%parallel_loop3A_387, %parallel_loop3A_388], %parallel_loop3A_386 {strides = array<i32>} : memref<80x128xf32, #tpu.memory_space<vmem>>, vector<16xf32>,
          %parallel_loop3A_390 = arith.index_cast %parallel_loop3A_357 : i32 to index
          %parallel_loop3A_391 = arith.constant 64 : index
          %parallel_loop3A_392 = tpu.vector_load %arg12[%parallel_loop3A_390, %parallel_loop3A_391] {strides = array<i32>} : memref<80x128xf32, #tpu.memory_space<vmem>>, vector<16xf32>,
          %parallel_loop3A_393 = arith.mulf %parallel_loop3A_392, %parallel_loop3A_361 : vector<16xf32>
          %parallel_loop3A_394 = arith.index_cast %parallel_loop3A_357 : i32 to index
          %parallel_loop3A_395 = arith.constant 64 : index
          %parallel_loop3A_396 = tpu.vector_load %arg14[%parallel_loop3A_394, %parallel_loop3A_395] {strides = array<i32>} : memref<80x128xf32, #tpu.memory_space<vmem>>, vector<16xf32>,
          tpu.vector_store %arg14[%parallel_loop3A_394, %parallel_loop3A_395], %parallel_loop3A_393 {strides = array<i32>} : memref<80x128xf32, #tpu.memory_space<vmem>>, vector<16xf32>,
          %parallel_loop3A_397 = arith.index_cast %parallel_loop3A_357 : i32 to index
          %parallel_loop3A_398 = arith.constant 80 : index
          %parallel_loop3A_399 = tpu.vector_load %arg12[%parallel_loop3A_397, %parallel_loop3A_398] {strides = array<i32>} : memref<80x128xf32, #tpu.memory_space<vmem>>, vector<16xf32>,
          %parallel_loop3A_400 = arith.mulf %parallel_loop3A_399, %parallel_loop3A_361 : vector<16xf32>
          %parallel_loop3A_401 = arith.index_cast %parallel_loop3A_357 : i32 to index
          %parallel_loop3A_402 = arith.constant 80 : index
          %parallel_loop3A_403 = tpu.vector_load %arg14[%parallel_loop3A_401, %parallel_loop3A_402] {strides = array<i32>} : memref<80x128xf32, #tpu.memory_space<vmem>>, vector<16xf32>,
          tpu.vector_store %arg14[%parallel_loop3A_401, %parallel_loop3A_402], %parallel_loop3A_400 {strides = array<i32>} : memref<80x128xf32, #tpu.memory_space<vmem>>, vector<16xf32>,
          %parallel_loop3A_404 = arith.index_cast %parallel_loop3A_357 : i32 to index
          %parallel_loop3A_405 = arith.constant 96 : index
          %parallel_loop3A_406 = tpu.vector_load %arg12[%parallel_loop3A_404, %parallel_loop3A_405] {strides = array<i32>} : memref<80x128xf32, #tpu.memory_space<vmem>>, vector<16xf32>,
          %parallel_loop3A_407 = arith.mulf %parallel_loop3A_406, %parallel_loop3A_361 : vector<16xf32>
          %parallel_loop3A_408 = arith.index_cast %parallel_loop3A_357 : i32 to index
          %parallel_loop3A_409 = arith.constant 96 : index
          %parallel_loop3A_410 = tpu.vector_load %arg14[%parallel_loop3A_408, %parallel_loop3A_409] {strides = array<i32>} : memref<80x128xf32, #tpu.memory_space<vmem>>, vector<16xf32>,
          tpu.vector_store %arg14[%parallel_loop3A_408, %parallel_loop3A_409], %parallel_loop3A_407 {strides = array<i32>} : memref<80x128xf32, #tpu.memory_space<vmem>>, vector<16xf32>,
          %parallel_loop3A_411 = arith.index_cast %parallel_loop3A_357 : i32 to index
          %parallel_loop3A_412 = arith.constant 112 : index
          %parallel_loop3A_413 = tpu.vector_load %arg12[%parallel_loop3A_411, %parallel_loop3A_412] {strides = array<i32>} : memref<80x128xf32, #tpu.memory_space<vmem>>, vector<16xf32>,
          %parallel_loop3A_414 = arith.mulf %parallel_loop3A_413, %parallel_loop3A_361 : vector<16xf32>
          %parallel_loop3A_415 = arith.index_cast %parallel_loop3A_357 : i32 to index
          %parallel_loop3A_416 = arith.constant 112 : index
          %parallel_loop3A_417 = tpu.vector_load %arg14[%parallel_loop3A_415, %parallel_loop3A_416] {strides = array<i32>} : memref<80x128xf32, #tpu.memory_space<vmem>>, vector<16xf32>,
          tpu.vector_store %arg14[%parallel_loop3A_415, %parallel_loop3A_416], %parallel_loop3A_414 {strides = array<i32>} : memref<80x128xf32, #tpu.memory_space<vmem>>, vector<16xf32>,
        } {sc.loop_unroll_factor = 8 : i64, sc.parallel_access}
        %dma_start3A_340 = tpu.memref_slice %arg9[%add3A_323] : memref<1600xi32, #tpu.memory_space<vmem>> -> memref<80xi32, #tpu.memory_space<vmem>>
        %dma_start3A_341 = arith.constant 0 : i32
        %dma_start3A_342 = arith.constant 0 : i32
        %dma_start3A_343 = tpu.memref_slice %arg7[%dma_start3A_341, %dma_start3A_342] : memref<10000x128xf32, #tpu.memory_space<vmem_shared>> -> memref<10000x128xf32, #tpu.memory_space<vmem_shared>>
        tpu.enqueue_indirect_dma source(%arg14 : memref<80x128xf32, #tpu.memory_space<vmem>>) target(%dma_start3A_343 : memref<10000x128xf32, #tpu.memory_space<vmem_shared>>) offsets(%dma_start3A_340 : memref<80xi32, #tpu.memory_space<vmem>>) semaphore(%arg19 : memref<!tpu.dma_semaphore, #tpu.memory_space<semaphore_mem>>) {add = true}
        %lt3A_344 = arith.constant 4 : i32
        %lt3A_345 = arith.cmpi slt, %scan3A_271, %lt3A_344 : i32
        %convert_element_type3A_346 = arith.extui %lt3A_345 : i1 to i32
        %cond3A_347 = arith.constant 0 : i32
        %cond3A_348 = arith.cmpi ne, %convert_element_type3A_346, %cond3A_347 : i32
        scf.if %cond3A_348 {
          %add3A_357 = arith.constant 160 : i32
          %add3A_358 = arith.addi %add3A_323, %add3A_357 : i32
          %dma_start3A_359 = tpu.memref_slice %arg8[%add3A_358] : memref<1600xi32, #tpu.memory_space<vmem>> -> memref<80xi32, #tpu.memory_space<vmem>>
          %dma_start3A_360 = arith.constant 0 : i32
          %dma_start3A_361 = arith.constant 0 : i32
          %dma_start3A_362 = tpu.memref_slice %arg2[%dma_start3A_360, %dma_start3A_361] : memref<10000x128xf32, #tpu.memory_space<hbm>> -> memref<10000x128xf32, #tpu.memory_space<hbm>>
          tpu.enqueue_indirect_dma source(%dma_start3A_362 : memref<10000x128xf32, #tpu.memory_space<hbm>>) target(%arg12 : memref<80x128xf32, #tpu.memory_space<vmem>>) offsets(%dma_start3A_359 : memref<80xi32, #tpu.memory_space<vmem>>) semaphore(%arg17 : memref<!tpu.dma_semaphore, #tpu.memory_space<semaphore_mem>>)
        } else {
        }
        %eq3A_349 = arith.constant 4 : i32
        %eq3A_350 = arith.cmpi eq, %scan3A_271, %eq3A_349 : i32
        %lt3A_351 = arith.constant 24 : i32
        %lt3A_352 = arith.cmpi slt, %scan3A_233, %lt3A_351 : i32
        %and3A_353 = arith.andi %eq3A_350, %lt3A_352 : i1
        %convert_element_type3A_354 = arith.extui %and3A_353 : i1 to i32
        %cond3A_355 = arith.constant 0 : i32
        %cond3A_356 = arith.cmpi ne, %convert_element_type3A_354, %cond3A_355 : i32
        scf.if %cond3A_356 {
          %add3A_357 = arith.constant 80 : i32
          %add3A_358 = arith.addi %mul3A_265, %add3A_357 : i32
          %dma_start3A_359 = tpu.memref_slice %arg8[%add3A_358] : memref<1600xi32, #tpu.memory_space<vmem>> -> memref<80xi32, #tpu.memory_space<vmem>>
          %dma_start3A_360 = arith.constant 0 : i32
          %dma_start3A_361 = arith.constant 0 : i32
          %dma_start3A_362 = tpu.memref_slice %arg2[%dma_start3A_360, %dma_start3A_361] : memref<10000x128xf32, #tpu.memory_space<hbm>> -> memref<10000x128xf32, #tpu.memory_space<hbm>>
          tpu.enqueue_indirect_dma source(%dma_start3A_362 : memref<10000x128xf32, #tpu.memory_space<hbm>>) target(%arg12 : memref<80x128xf32, #tpu.memory_space<vmem>>) offsets(%dma_start3A_359 : memref<80xi32, #tpu.memory_space<vmem>>) semaphore(%arg17 : memref<!tpu.dma_semaphore, #tpu.memory_space<semaphore_mem>>)
        } else {
        }
      }
      %scan3A_270 = arith.constant 5 : i32
    }
    %scan3A_203 = arith.constant 25 : i32
    %dma_wait3A_204 = arith.constant 0 : i32
    %dma_wait3A_205 = tpu.memref_slice %arg9[%dma_wait3A_204] : memref<1600xi32, #tpu.memory_space<vmem>> -> memref<80xi32, #tpu.memory_space<vmem>>
    %dma_wait3A_206 = arith.constant 0 : i32
    %dma_wait3A_207 = arith.constant 0 : i32
    %dma_wait3A_208 = tpu.memref_slice %arg7[%dma_wait3A_206, %dma_wait3A_207] : memref<10000x128xf32, #tpu.memory_space<vmem_shared>> -> memref<10000x128xf32, #tpu.memory_space<vmem_shared>>
    tpu.wait_indirect_dma semaphore(%arg18 : memref<!tpu.dma_semaphore, #tpu.memory_space<semaphore_mem>>) src(%arg13 : memref<80x128xf32, #tpu.memory_space<vmem>>) dst(%dma_wait3A_208 : memref<10000x128xf32, #tpu.memory_space<vmem_shared>>)
    %dma_wait3A_209 = arith.constant 0 : i32
    %dma_wait3A_210 = tpu.memref_slice %arg9[%dma_wait3A_209] : memref<1600xi32, #tpu.memory_space<vmem>> -> memref<80xi32, #tpu.memory_space<vmem>>
    %dma_wait3A_211 = arith.constant 0 : i32
    %dma_wait3A_212 = arith.constant 0 : i32
    %dma_wait3A_213 = tpu.memref_slice %arg7[%dma_wait3A_211, %dma_wait3A_212] : memref<10000x128xf32, #tpu.memory_space<vmem_shared>> -> memref<10000x128xf32, #tpu.memory_space<vmem_shared>>
    tpu.wait_indirect_dma semaphore(%arg19 : memref<!tpu.dma_semaphore, #tpu.memory_space<semaphore_mem>>) src(%arg14 : memref<80x128xf32, #tpu.memory_space<vmem>>) dst(%dma_wait3A_213 : memref<10000x128xf32, #tpu.memory_space<vmem_shared>>)
    %barrier3A_214 = arith.constant 0 : index
    tpu.barrier barrier_id(%barrier3A_214)
    %add3A_215 = arith.constant 0 : i32
    %add3A_216 = arith.addi %arg1, %add3A_215 : i32
    %mul3A_217 = arith.constant 200 : i32
    %mul3A_218 = arith.muli %add3A_216, %mul3A_217 : i32
    "tpu.region"() ({
      %run_scoped3A = tpu.sem_alloc : memref<!tpu.dma_semaphore, #tpu.memory_space<semaphore_mem>>
      %dma_start3A_233 = arith.constant 0 : i32
      %dma_start3A_234 = tpu.memref_slice %arg6[%add3A_119, %mul3A_218, %dma_start3A_233] : memref<4x10000x128xf32, #tpu.memory_space<hbm>> -> memref<1x200x128xf32, #tpu.memory_space<hbm>>
      %dma_start3A_235 = tpu.memref_squeeze %dma_start3A_234 : memref<1x200x128xf32, #tpu.memory_space<hbm>> -> memref<200x128xf32, #tpu.memory_space<hbm>>
      %dma_start3A_236 = arith.constant 0 : i32
      %dma_start3A_237 = tpu.memref_slice %arg7[%mul3A_218, %dma_start3A_236] : memref<10000x128xf32, #tpu.memory_space<vmem_shared>> -> memref<200x128xf32, #tpu.memory_space<vmem_shared>>
      tpu.enqueue_dma source(%dma_start3A_237 : memref<200x128xf32, #tpu.memory_space<vmem_shared>>) target(%dma_start3A_235 : memref<200x128xf32, #tpu.memory_space<hbm>>) target_semaphore(%run_scoped3A : memref<!tpu.dma_semaphore, #tpu.memory_space<semaphore_mem>>)
      %dma_wait3A_238 = arith.constant 0 : i32
      %dma_wait3A_239 = tpu.memref_slice %arg6[%add3A_119, %mul3A_218, %dma_wait3A_238] : memref<4x10000x128xf32, #tpu.memory_space<hbm>> -> memref<1x200x128xf32, #tpu.memory_space<hbm>>
      %dma_wait3A_240 = tpu.memref_squeeze %dma_wait3A_239 : memref<1x200x128xf32, #tpu.memory_space<hbm>> -> memref<200x128xf32, #tpu.memory_space<hbm>>
      %dma_wait3A_241 = arith.constant 0 : i32
      %dma_wait3A_242 = tpu.memref_slice %arg7[%mul3A_218, %dma_wait3A_241] : memref<10000x128xf32, #tpu.memory_space<vmem_shared>> -> memref<200x128xf32, #tpu.memory_space<vmem_shared>>
      tpu.wait_dma2 semaphore(%run_scoped3A : memref<!tpu.dma_semaphore, #tpu.memory_space<semaphore_mem>>) src(%dma_wait3A_242 : memref<200x128xf32, #tpu.memory_space<vmem_shared>>) dst(%dma_wait3A_240 : memref<200x128xf32, #tpu.memory_space<hbm>>)
      tpu.yield
    }) : () -> ()
    %add3A_219 = arith.constant 16 : i32
    %add3A_220 = arith.addi %arg1, %add3A_219 : i32
    %mul3A_221 = arith.constant 200 : i32
    %mul3A_222 = arith.muli %add3A_220, %mul3A_221 : i32
    "tpu.region"() ({
      %run_scoped3A = tpu.sem_alloc : memref<!tpu.dma_semaphore, #tpu.memory_space<semaphore_mem>>
      %dma_start3A_233 = arith.constant 0 : i32
      %dma_start3A_234 = tpu.memref_slice %arg6[%add3A_119, %mul3A_222, %dma_start3A_233] : memref<4x10000x128xf32, #tpu.memory_space<hbm>> -> memref<1x200x128xf32, #tpu.memory_space<hbm>>
      %dma_start3A_235 = tpu.memref_squeeze %dma_start3A_234 : memref<1x200x128xf32, #tpu.memory_space<hbm>> -> memref<200x128xf32, #tpu.memory_space<hbm>>
      %dma_start3A_236 = arith.constant 0 : i32
      %dma_start3A_237 = tpu.memref_slice %arg7[%mul3A_222, %dma_start3A_236] : memref<10000x128xf32, #tpu.memory_space<vmem_shared>> -> memref<200x128xf32, #tpu.memory_space<vmem_shared>>
      tpu.enqueue_dma source(%dma_start3A_237 : memref<200x128xf32, #tpu.memory_space<vmem_shared>>) target(%dma_start3A_235 : memref<200x128xf32, #tpu.memory_space<hbm>>) target_semaphore(%run_scoped3A : memref<!tpu.dma_semaphore, #tpu.memory_space<semaphore_mem>>)
      %dma_wait3A_238 = arith.constant 0 : i32
      %dma_wait3A_239 = tpu.memref_slice %arg6[%add3A_119, %mul3A_222, %dma_wait3A_238] : memref<4x10000x128xf32, #tpu.memory_space<hbm>> -> memref<1x200x128xf32, #tpu.memory_space<hbm>>
      %dma_wait3A_240 = tpu.memref_squeeze %dma_wait3A_239 : memref<1x200x128xf32, #tpu.memory_space<hbm>> -> memref<200x128xf32, #tpu.memory_space<hbm>>
      %dma_wait3A_241 = arith.constant 0 : i32
      %dma_wait3A_242 = tpu.memref_slice %arg7[%mul3A_222, %dma_wait3A_241] : memref<10000x128xf32, #tpu.memory_space<vmem_shared>> -> memref<200x128xf32, #tpu.memory_space<vmem_shared>>
      tpu.wait_dma2 semaphore(%run_scoped3A : memref<!tpu.dma_semaphore, #tpu.memory_space<semaphore_mem>>) src(%dma_wait3A_242 : memref<200x128xf32, #tpu.memory_space<vmem_shared>>) dst(%dma_wait3A_240 : memref<200x128xf32, #tpu.memory_space<hbm>>)
      tpu.yield
    }) : () -> ()
    %add3A_223 = arith.constant 32 : i32
    %add3A_224 = arith.addi %arg1, %add3A_223 : i32
    %mul3A_225 = arith.constant 200 : i32
    %mul3A_226 = arith.muli %add3A_224, %mul3A_225 : i32
    "tpu.region"() ({
      %run_scoped3A = tpu.sem_alloc : memref<!tpu.dma_semaphore, #tpu.memory_space<semaphore_mem>>
      %dma_start3A_233 = arith.constant 0 : i32
      %dma_start3A_234 = tpu.memref_slice %arg6[%add3A_119, %mul3A_226, %dma_start3A_233] : memref<4x10000x128xf32, #tpu.memory_space<hbm>> -> memref<1x200x128xf32, #tpu.memory_space<hbm>>
      %dma_start3A_235 = tpu.memref_squeeze %dma_start3A_234 : memref<1x200x128xf32, #tpu.memory_space<hbm>> -> memref<200x128xf32, #tpu.memory_space<hbm>>
      %dma_start3A_236 = arith.constant 0 : i32
      %dma_start3A_237 = tpu.memref_slice %arg7[%mul3A_226, %dma_start3A_236] : memref<10000x128xf32, #tpu.memory_space<vmem_shared>> -> memref<200x128xf32, #tpu.memory_space<vmem_shared>>
      tpu.enqueue_dma source(%dma_start3A_237 : memref<200x128xf32, #tpu.memory_space<vmem_shared>>) target(%dma_start3A_235 : memref<200x128xf32, #tpu.memory_space<hbm>>) target_semaphore(%run_scoped3A : memref<!tpu.dma_semaphore, #tpu.memory_space<semaphore_mem>>)
      %dma_wait3A_238 = arith.constant 0 : i32
      %dma_wait3A_239 = tpu.memref_slice %arg6[%add3A_119, %mul3A_226, %dma_wait3A_238] : memref<4x10000x128xf32, #tpu.memory_space<hbm>> -> memref<1x200x128xf32, #tpu.memory_space<hbm>>
      %dma_wait3A_240 = tpu.memref_squeeze %dma_wait3A_239 : memref<1x200x128xf32, #tpu.memory_space<hbm>> -> memref<200x128xf32, #tpu.memory_space<hbm>>
      %dma_wait3A_241 = arith.constant 0 : i32
      %dma_wait3A_242 = tpu.memref_slice %arg7[%mul3A_226, %dma_wait3A_241] : memref<10000x128xf32, #tpu.memory_space<vmem_shared>> -> memref<200x128xf32, #tpu.memory_space<vmem_shared>>
      tpu.wait_dma2 semaphore(%run_scoped3A : memref<!tpu.dma_semaphore, #tpu.memory_space<semaphore_mem>>) src(%dma_wait3A_242 : memref<200x128xf32, #tpu.memory_space<vmem_shared>>) dst(%dma_wait3A_240 : memref<200x128xf32, #tpu.memory_space<hbm>>)
      tpu.yield
    }) : () -> ()
    %lt3A_227 = arith.constant 2 : i32
    %lt3A_228 = arith.cmpi slt, %arg1, %lt3A_227 : i32
    %convert_element_type3A_229 = arith.extui %lt3A_228 : i1 to i32
    %cond3A_230 = arith.constant 0 : i32
    %cond3A_231 = arith.cmpi ne, %convert_element_type3A_229, %cond3A_230 : i32
    scf.if %cond3A_231 {
      %add3A_233 = arith.constant 48 : i32
      %add3A_234 = arith.addi %add3A_233, %arg1 : i32
      %mul3A_235 = arith.constant 200 : i32
      %mul3A_236 = arith.muli %add3A_234, %mul3A_235 : i32
      "tpu.region"() ({
        %run_scoped3A = tpu.sem_alloc : memref<!tpu.dma_semaphore, #tpu.memory_space<semaphore_mem>>
        %dma_start3A_237 = arith.constant 0 : i32
        %dma_start3A_238 = tpu.memref_slice %arg6[%add3A_119, %mul3A_236, %dma_start3A_237] : memref<4x10000x128xf32, #tpu.memory_space<hbm>> -> memref<1x200x128xf32, #tpu.memory_space<hbm>>
        %dma_start3A_239 = tpu.memref_squeeze %dma_start3A_238 : memref<1x200x128xf32, #tpu.memory_space<hbm>> -> memref<200x128xf32, #tpu.memory_space<hbm>>
        %dma_start3A_240 = arith.constant 0 : i32
        %dma_start3A_241 = tpu.memref_slice %arg7[%mul3A_236, %dma_start3A_240] : memref<10000x128xf32, #tpu.memory_space<vmem_shared>> -> memref<200x128xf32, #tpu.memory_space<vmem_shared>>
        tpu.enqueue_dma source(%dma_start3A_241 : memref<200x128xf32, #tpu.memory_space<vmem_shared>>) target(%dma_start3A_239 : memref<200x128xf32, #tpu.memory_space<hbm>>) target_semaphore(%run_scoped3A : memref<!tpu.dma_semaphore, #tpu.memory_space<semaphore_mem>>)
        %dma_wait3A_242 = arith.constant 0 : i32
        %dma_wait3A_243 = tpu.memref_slice %arg6[%add3A_119, %mul3A_236, %dma_wait3A_242] : memref<4x10000x128xf32, #tpu.memory_space<hbm>> -> memref<1x200x128xf32, #tpu.memory_space<hbm>>
        %dma_wait3A_244 = tpu.memref_squeeze %dma_wait3A_243 : memref<1x200x128xf32, #tpu.memory_space<hbm>> -> memref<200x128xf32, #tpu.memory_space<hbm>>
        %dma_wait3A_245 = arith.constant 0 : i32
        %dma_wait3A_246 = tpu.memref_slice %arg7[%mul3A_236, %dma_wait3A_245] : memref<10000x128xf32, #tpu.memory_space<vmem_shared>> -> memref<200x128xf32, #tpu.memory_space<vmem_shared>>
        tpu.wait_dma2 semaphore(%run_scoped3A : memref<!tpu.dma_semaphore, #tpu.memory_space<semaphore_mem>>) src(%dma_wait3A_246 : memref<200x128xf32, #tpu.memory_space<vmem_shared>>) dst(%dma_wait3A_244 : memref<200x128xf32, #tpu.memory_space<hbm>>)
        tpu.yield
      }) : () -> ()
    } else {
    }
    %barrier3A_232 = arith.constant 0 : index
    tpu.barrier barrier_id(%barrier3A_232)
    return
  }
}

module attributes {stable_mosaic.version = 14 : i64} {
  func.func @_pq_body(%arg0: i32, %arg1: memref<2000x128xf32, #tpu.memory_space<vmem>>, %arg2: memref<128x8xf32, #tpu.memory_space<vmem>>, %arg3: memref<2000x8xf32, #tpu.memory_space<vmem>>) attributes {dimension_semantics = [#tpu.dimension_semantics<arbitrary>], iteration_bounds = array<i64: 5>, scalar_prefetch = 0 : i64, scratch_operands = 0 : i64, tpu.core_type = #tpu.core_type<tc>, window_params = [{transform_indices = @transform_0, window_bounds = array<i64: 2000, 128>}, {pipeline_mode = #tpu.pipeline_mode<synchronous>, transform_indices = @transform_1, window_bounds = array<i64: 128, 8>}, {transform_indices = @transform_2, window_bounds = array<i64: 2000, 8>}]} {
    %get3A = arith.constant 0 : index
    %get3A_0 = arith.constant 0 : index
    %get3A_1 = vector.load %arg1[%get3A, %get3A_0] : memref<2000x128xf32, #tpu.memory_space<vmem>>, vector<2000x128xf32>
    %get3A_2 = arith.constant 0 : index
    %get3A_3 = arith.constant 0 : index
    %get3A_4 = vector.load %arg2[%get3A_2, %get3A_3] : memref<128x8xf32, #tpu.memory_space<vmem>>, vector<128x8xf32>
    %dot_general3A = arith.constant dense<0.000000e+00> : vector<2000x8xf32>
    %dot_general3A_5 = tpu.matmul %get3A_1, %get3A_4, %dot_general3A {dimension_numbers = #tpu.dot_dimension_numbers<[1], [0], [0], [1], [0, 0, 1, 1], [], []>, transpose_lhs_hint = false} : vector<2000x128xf32>, vector<128x8xf32>, vector<2000x8xf32> -> vector<2000x8xf32>
    %swap3A = arith.constant 0 : index
    %swap3A_6 = arith.constant 0 : index
    %swap3A_7 = vector.load %arg3[%swap3A, %swap3A_6] : memref<2000x8xf32, #tpu.memory_space<vmem>>, vector<2000x8xf32>
    tpu.vector_store %arg3[%swap3A, %swap3A_6], %dot_general3A_5 {strides = array<i32>} : memref<2000x8xf32, #tpu.memory_space<vmem>>, vector<2000x8xf32>,
    return
  }
  func.func @transform_0(%arg0: i32) -> (i32, i32) {
    %c0_i32 = arith.constant 0 : i32
    %c0_i32_0 = arith.constant 0 : i32
    return %arg0, %c0_i32 : i32, i32
  }
  func.func @transform_1(%arg0: i32) -> (i32, i32) {
    %c0_i32 = arith.constant 0 : i32
    %c0_i32_0 = arith.constant 0 : i32
    %c0_i32_1 = arith.constant 0 : i32
    return %c0_i32, %c0_i32_0 : i32, i32
  }
  func.func @transform_2(%arg0: i32) -> (i32, i32) {
    %c0_i32 = arith.constant 0 : i32
    %c0_i32_0 = arith.constant 0 : i32
    return %arg0, %c0_i32 : i32, i32
  }
}

module attributes {stable_mosaic.version = 14 : i64} {
  func.func @_head_body(%arg0: i32, %arg1: i32, %arg2: memref<1x1000x128xf32, #tpu.memory_space<vmem>>, %arg3: memref<1x128x128xf32, #tpu.memory_space<vmem>>, %arg4: memref<1x1x128xf32, #tpu.memory_space<vmem>>, %arg5: memref<1000x128xf32, #tpu.memory_space<vmem>>, %arg6: memref<1x1000x128xf32, #tpu.memory_space<vmem>>) attributes {dimension_semantics = [#tpu.dimension_semantics<arbitrary>, #tpu.dimension_semantics<arbitrary>], iteration_bounds = array<i64: 4, 10>, scalar_prefetch = 0 : i64, scratch_operands = 0 : i64, tpu.core_type = #tpu.core_type<tc>, window_params = [{transform_indices = @transform_0, window_bounds = array<i64: 1, 1000, 128>}, {transform_indices = @transform_1, window_bounds = array<i64: 1, 128, 128>}, {transform_indices = @transform_2, window_bounds = array<i64: 1, 1, 128>}, {transform_indices = @transform_3, window_bounds = array<i64: 1000, 128>}, {transform_indices = @transform_4, window_bounds = array<i64: 1, 1000, 128>}]} {
    %get3A = arith.constant 0 : index
    %get3A_0 = arith.constant 0 : index
    %get3A_1 = arith.constant 0 : index
    %get3A_2 = vector.load %arg2[%get3A, %get3A_0, %get3A_1] : memref<1x1000x128xf32, #tpu.memory_space<vmem>>, vector<1x1000x128xf32>
    %get3A_3 = vector.shape_cast %get3A_2 : vector<1x1000x128xf32> to vector<1000x128xf32>
    %get3A_4 = arith.constant 0 : index
    %get3A_5 = arith.constant 0 : index
    %get3A_6 = arith.constant 0 : index
    %get3A_7 = vector.load %arg3[%get3A_4, %get3A_5, %get3A_6] : memref<1x128x128xf32, #tpu.memory_space<vmem>>, vector<1x128x128xf32>
    %get3A_8 = vector.shape_cast %get3A_7 : vector<1x128x128xf32> to vector<128x128xf32>
    %dot_general3A = arith.constant dense<0.000000e+00> : vector<1000x128xf32>
    %dot_general3A_9 = tpu.matmul %get3A_3, %get3A_8, %dot_general3A {dimension_numbers = #tpu.dot_dimension_numbers<[1], [0], [0], [1], [0, 0, 1, 1], [], []>, transpose_lhs_hint = false} : vector<1000x128xf32>, vector<128x128xf32>, vector<1000x128xf32> -> vector<1000x128xf32>
    %get3A_10 = arith.constant 0 : index
    %get3A_11 = arith.constant 0 : index
    %get3A_12 = arith.constant 0 : index
    %get3A_13 = vector.load %arg4[%get3A_10, %get3A_11, %get3A_12] : memref<1x1x128xf32, #tpu.memory_space<vmem>>, vector<1x1x128xf32>
    %get3A_14 = vector.shape_cast %get3A_13 : vector<1x1x128xf32> to vector<128xf32>
    %broadcast_in_dim3A = vector.shape_cast %get3A_14 : vector<128xf32> to vector<1x128xf32>
    %add3A = vector.broadcast %broadcast_in_dim3A : vector<1x128xf32> to vector<1000x128xf32>
    %add3A_15 = arith.addf %dot_general3A_9, %add3A : vector<1000x128xf32>
    %mul3A = arith.mulf %add3A_15, %add3A_15 : vector<1000x128xf32>
    %reduce_sum3A = arith.constant dense<0.000000e+00> : vector<1000xf32>
    %reduce_sum3A_16 = vector.multi_reduction <add>, %mul3A, %reduce_sum3A [1] : vector<1000x128xf32> to vector<1000xf32>
    %broadcast_in_dim3A_17 = vector.shape_cast %reduce_sum3A_16 : vector<1000xf32> to vector<1000x1xf32>
    %sqrt3A = math.sqrt %broadcast_in_dim3A_17 : vector<1000x1xf32>
    %max3A = arith.constant 9.99999996E-13 : f32
    %max3A_18 = vector.broadcast %max3A : f32 to vector<1000x1xf32>
    %max3A_19 = arith.maximumf %sqrt3A, %max3A_18 : vector<1000x1xf32>
    %div3A = vector.broadcast %max3A_19 : vector<1000x1xf32> to vector<1000x128xf32>
    %div3A_20 = arith.divf %add3A_15, %div3A : vector<1000x128xf32>
    %swap3A = arith.constant 0 : index
    %swap3A_21 = arith.constant 0 : index
    %swap3A_22 = vector.load %arg5[%swap3A, %swap3A_21] : memref<1000x128xf32, #tpu.memory_space<vmem>>, vector<1000x128xf32>
    tpu.vector_store %arg5[%swap3A, %swap3A_21], %div3A_20 {strides = array<i32>} : memref<1000x128xf32, #tpu.memory_space<vmem>>, vector<1000x128xf32>,
    %swap3A_23 = arith.constant 0 : index
    %swap3A_24 = arith.constant 0 : index
    %swap3A_25 = arith.constant 0 : index
    %swap3A_26 = vector.load %arg6[%swap3A_23, %swap3A_24, %swap3A_25] : memref<1x1000x128xf32, #tpu.memory_space<vmem>>, vector<1x1000x128xf32>
    %swap3A_27 = vector.shape_cast %swap3A_26 : vector<1x1000x128xf32> to vector<1000x128xf32>
    %swap3A_28 = vector.shape_cast %div3A_20 : vector<1000x128xf32> to vector<1x1000x128xf32>
    tpu.vector_store %arg6[%swap3A_23, %swap3A_24, %swap3A_25], %swap3A_28 {strides = array<i32>} : memref<1x1000x128xf32, #tpu.memory_space<vmem>>, vector<1x1000x128xf32>,
    return
  }
  func.func @transform_0(%arg0: i32, %arg1: i32) -> (i32, i32, i32) {
    %c0_i32 = arith.constant 0 : i32
    %c0_i32_0 = arith.constant 0 : i32
    return %arg0, %arg1, %c0_i32 : i32, i32, i32
  }
  func.func @transform_1(%arg0: i32, %arg1: i32) -> (i32, i32, i32) {
    %c0_i32 = arith.constant 0 : i32
    %c0_i32_0 = arith.constant 0 : i32
    %c0_i32_1 = arith.constant 0 : i32
    return %arg0, %c0_i32, %c0_i32_0 : i32, i32, i32
  }
  func.func @transform_2(%arg0: i32, %arg1: i32) -> (i32, i32, i32) {
    %c0_i32 = arith.constant 0 : i32
    %c0_i32_0 = arith.constant 0 : i32
    %c0_i32_1 = arith.constant 0 : i32
    return %arg0, %c0_i32, %c0_i32_0 : i32, i32, i32
  }
  func.func @transform_3(%arg0: i32, %arg1: i32) -> (i32, i32) {
    %c0_i32 = arith.constant 0 : i32
    return %arg1, %arg0 : i32, i32
  }
  func.func @transform_4(%arg0: i32, %arg1: i32) -> (i32, i32, i32) {
    %c0_i32 = arith.constant 0 : i32
    %c0_i32_0 = arith.constant 0 : i32
    return %arg0, %arg1, %c0_i32 : i32, i32, i32
  }
}

</mosaic_0001>

<sc_bundles>
// kernel: kernel.6.cloned.1.call-start
scs
__scs_entry_jumppad:
0x0: {  	(pc) =	sbr.rel $0x88, $3  }
0x1: {  	(tag) =	ssettag $0x0;
	lr =	simm.s32 $0x1  }
0x2: {  	[smem:$0x3F99] =	sst lr;
	_ =	strace $0xD0000000  }
0x3: {  	_ = 	snop  }
0x4: {  	_ = 	snop  }
0x5: {  	_ = 	snop  }
0x6: {  	_ = 	snop  }
0x7: {  	_ = 	snop  }
__scs_overlays_trampoline_lowered:
0x8: {  	[smem:$0x3FA8] =	sst s0  }
0x9: {  	[smem:$0x3FA9] =	sst s1  }
0xa: {  	[smem:$0x3FAA] =	sst s2  }
0xb: {  	[smem:$0x3FAB] =	sst s3  }
0xc: {  	[smem:$0x3FAC] =	sst s4  }
0xd: {  	[smem:$0x3FAD] =	sst s5  }
0xe: {  	[smem:$0x3FAE] =	sst s6  }
0xf: {  	[smem:$0x3FAF] =	sst s7  }
0x10: {  	[smem:$0x3FB0] =	sst s8  }
0x11: {  	[smem:$0x3FB1] =	sst s9;
	s0 =	simm.s32 @!p0 $0x0  }
0x12: {  	s1 =	sld [smem:$0x3F97];
	s0 =	simm.s32 @p0 $0x1  }
0x13: {  	[smem:$0x3FB2] =	sst s0;
	s0 =	simm.s32 @!p1 $0x0  }
0x14: {  	s2 =	sld [smem:$0x3F96];
	s0 =	simm.s32 @p1 $0x1  }
0x15: {  	[smem:$0x3FB3] =	sst s0;
	s0 =	simm.s32 @!p2 $0x0  }
0x16: {  	s3 =	sld [smem:$0x3FDB];
	s0 =	simm.s32 @p2 $0x1  }
0x17: {  	s4 =	simm.s32 $0x1BF5;
	[smem:$0x3FB5] =	sst s0  }
0x18: {  	s0 =	sld [smem:$0x3F98];
	_ =	swait.ge [sflag:s4], $0x0  }
0x19: {  	s7 =	sld [smem:$0x3F99]  }
0x1a: {  	s8 =	sadd.s32 $0xFFFFE003, lr  }
0x1b: {  	s9 =	sadd.s32 $0xFFFFFEF7, lr;
	s5 =	simm.s32 $0xFFFFFFFF;
	p2 =	slt.u32 s8, $0xFFFFF086  }
0x1c: {  	p1 =	slt.u32 s9, $0xF7A;
	s5 =	simm.s32 @!p2 $0x0  }
0x1d: {  	s5 =	simm.s32 @p1 $0x1;
	p0 =	seq.s32 s7, s2  }
0x1e: {  	s7 =	smul.u32 @!p0 $0xF7A, s2;
	p2 =	seq.s32 @!p0 s5, $0x0  }
0x1f: {  	s9 =	smul.u32 $0xF7A, s1;
	s8 =	simm.s32 @!p0 $0x1BF5;
	p2 =	por !p2, p0  }
0x20: {  	[sflag:s8] =	ssyncset.s32 @!p0 $0xFFFFF086;
	s6 =	sadd.s32 @!p0 s3, s7;
	s7 =	simm.s32 @!p0 $0x108  }
0x21: {  	s3 =	sadd.s32 s3, s9;
	s6 =	sadd.s32 @!p0 $0x88, s6;
	s7 =	simm.s32 @p2 $0x1082  }
0x22: {  	[simem:s7], [sflag:s8] =	dma.local @!p0 [hbm:s6], $0xF7A  }
0x23: {  	s9 =	sor.u32 $0xD0000000, s2;
	s6 =	simm.s32 $0x108;
	_ =	swait.ge @!p0 [sflag:s8], $0x0  }
0x24: {  	s3 =	sadd.s32 $0x88, s3;
	s6 =	simm.s32 @!p1 $0x1082;
	[sflag:s4] =	ssyncset.s32 $0xFFFFF086  }
0x25: {  	[simem:s6], [sflag:s4] =	dma.local [hbm:s3], $0xF7A  }
0x26: {  	[smem:$0x3F99] =	sst s1;
	(tag) =	ssettag s2;
	_ =	strace s9  }
0x27: {  	s1 =	sld [smem:$0x3FA9]  }
0x28: {  	s2 =	sld [smem:$0x3FAA]  }
0x29: {  	s4 =	sld [smem:$0x3FAC]  }
0x2a: {  	p0 =	seq.s32 s5, $0x0;
	s5 =	sld [smem:$0x3FAD]  }
0x2b: {  	s6 =	sld [smem:$0x3FAE]  }
0x2c: {  	s7 =	sld [smem:$0x3FAF]  }
0x2d: {  	s3 =	simm.s32 $0x108;
	s8 =	sld [smem:$0x3FB0]  }
0x2e: {  	s3 =	simm.s32 @!p0 $0x1082;
	s9 =	sld [smem:$0x3FB1]  }
0x2f: {  	lr =	sadd.s32 s0, s3;
	s0 =	sld [smem:$0x3FA8]  }
0x30: {  	s3 =	sld [smem:$0x3FAB]  }
0x31: {  	[smem:$0x3FB4] =	sst s10  }
0x32: {  	s10 =	sld [smem:$0x3FB2];
	_ =	sdelay $0x3  }
0x33: {  	p0 =	seq.s32 s10, $0x1;
	s10 =	sld [smem:$0x3FB4];
	_ =	sdelay $0x3  }
0x34: {  	[smem:$0x3FB4] =	sst s10  }
0x35: {  	s10 =	sld [smem:$0x3FB3];
	_ =	sdelay $0x3  }
0x36: {  	p1 =	seq.s32 s10, $0x1;
	s10 =	sld [smem:$0x3FB4];
	_ =	sdelay $0x3  }
0x37: {  	[smem:$0x3FB4] =	sst s10  }
0x38: {  	s10 =	sld [smem:$0x3FB5]  }
0x39: {  	_ = 	snop;
	(pc) =	sbr.ind lr, $3  }
0x3a: {  	_ = 	snop  }
0x3b: {  	_ = 	snop  }
0x3c: {  	p2 =	seq.s32 s10, $0x1;
	s10 =	sld [smem:$0x3FB4]  }
0x3d: {  	_ =	shalt  }
0x3e: {  	_ =	shalt  }
0x3f: {  	_ =	shalt  }
0x40: {  	_ =	shalt  }
0x41: {  	_ =	shalt  }
0x42: {  	_ =	shalt  }
0x43: {  	_ =	shalt  }
0x44: {  	_ =	shalt  }
0x45: {  	_ =	shalt  }
0x46: {  	_ =	shalt  }
0x47: {  	_ =	shalt  }
0x48: {  	_ =	shalt  }
0x49: {  	_ =	shalt  }
0x4a: {  	_ =	shalt  }
0x4b: {  	_ =	shalt  }
0x4c: {  	_ =	shalt  }
0x4d: {  	_ =	shalt  }
0x4e: {  	_ =	shalt  }
0x4f: {  	_ =	shalt  }
0x50: {  	_ =	shalt  }
0x51: {  	_ =	shalt  }
0x52: {  	_ =	shalt  }
0x53: {  	_ =	shalt  }
0x54: {  	_ =	shalt  }
0x55: {  	_ =	shalt  }
0x56: {  	_ =	shalt  }
0x57: {  	_ =	shalt  }
0x58: {  	_ =	shalt  }
0x59: {  	_ =	shalt  }
0x5a: {  	_ =	shalt  }
0x5b: {  	_ =	shalt  }
0x5c: {  	_ =	shalt  }
0x5d: {  	_ =	shalt  }
0x5e: {  	_ =	shalt  }
0x5f: {  	_ =	shalt  }
0x60: {  	_ =	shalt  }
0x61: {  	_ =	shalt  }
0x62: {  	_ =	shalt  }
0x63: {  	_ =	shalt  }
0x64: {  	_ =	shalt  }
0x65: {  	_ =	shalt  }
0x66: {  	_ =	shalt  }
0x67: {  	_ =	shalt  }
0x68: {  	_ =	shalt  }
0x69: {  	_ =	shalt  }
0x6a: {  	_ =	shalt  }
0x6b: {  	_ =	shalt  }
0x6c: {  	_ =	shalt  }
0x6d: {  	_ =	shalt  }
0x6e: {  	_ =	shalt  }
0x6f: {  	_ =	shalt  }
0x70: {  	_ =	shalt  }
0x71: {  	_ =	shalt  }
0x72: {  	_ =	shalt  }
0x73: {  	_ =	shalt  }
0x74: {  	_ =	shalt  }
0x75: {  	_ =	shalt  }
0x76: {  	_ =	shalt  }
0x77: {  	_ =	shalt  }
0x78: {  	_ =	shalt  }
0x79: {  	_ =	shalt  }
0x7a: {  	_ =	shalt  }
0x7b: {  	_ =	shalt  }
0x7c: {  	_ =	shalt  }
0x7d: {  	_ =	shalt  }
0x7e: {  	_ =	shalt  }
0x7f: {  	_ =	shalt  }
0x80: {  	_ =	shalt  }
0x81: {  	_ =	shalt  }
0x82: {  	_ =	shalt  }
0x83: {  	_ =	shalt  }
0x84: {  	_ =	shalt  }
0x85: {  	_ =	shalt  }
0x86: {  	_ =	shalt  }
0x87: {  	_ =	shalt  }
.Lfunc_end0:
.L_simem_size_0:
called_computation_lowered:
.L_overlay_start_0:
0x88: {  	s2 =	sld [smem:$0x3FD9]  }
0x89: {  	s3 =	sld [smem:$0x3FFE];
	_ =	sdelay $0x1  }
0x8a: {  	s1 =	srdreg.scid  }
0x8b: {  	s0 =	sand.u32 $0x1, s1  }
0x8c: {  	s14 =	sshll.u32 s0, $0xA;
	s2 =	sadd.s32 s3, s2  }
0x8d: {  	s2 =	sadd.s32 s2, s14  }
0x8e: {  	[smem:$0x3FC0] =	sst s2  }
0x8f: {  	_ = 	snop  }
0x90: {  	s2 =	sld [smem:$0x3FD0];
	_ =	sdelay $0x2  }
0x91: {  	s15 =	simm.s32 $0xA;
	s4 =	simm.s32 $0x10  }
0x92: {  	[smem:s4], [sflag:s15] =	dma.local [hbm:s2], $0x1  }
0x93: {  	_ =	swait.eq [sflag:s15], $0x1  }
0x94: {  	s16 =	sld [smem:$0x10];
	[sflag:s15] =	ssyncset.done $0x0  }
0x95: {  	s17 =	sld [smem:$0x11];
	[sflag:s15] =	ssyncadd.s32 $0xFFFFFFFF  }
0x96: {  	s18 =	sld [smem:$0x12];
	(tm) =	ssettm $0x1  }
0x97: {  	s5 =	sld [smem:$0x3FFB];
	_ =	sdelay $0x3  }
0x98: {  	_ =	strace s5  }
0x99: {  	s5 =	sld [smem:$0x3FFC];
	_ =	sdelay $0x3  }
0x9a: {  	_ =	strace s5  }
0x9b: {  	s5 =	sld [smem:$0x3FFD];
	_ =	sdelay $0x3  }
0x9c: {  	_ =	strace s5  }
0x9d: {  	_ =	strace $0x8FFFFFFF  }
0x9e: {  	s19 =	sld [smem:$0x3FDB];
	_ =	sdelay $0x1  }
0x9f: {  	s6 =	simm.s32 $_scs_section_size  }
0xa0: {  	s7 =	simm.s32 $_size__tile_overlayer_lowered;
	s8 =	simm.s32 $_tile_overlayer_lowered  }
0xa1: {  	s22 =	simm.s32 $0x1BFF;
	s21 =	sshll.u32 s8, $0x1;
	s5 =	sadd.s32 s6, s19  }
0xa2: {  	s9 =	simm.s32 $0x0;
	s20 =	sshll.u32 s7, $0x1;
	s7 =	sadd.s32 s21, s5  }
0xa3: {  	[timem:s9], [sflag:s22] =	dma.local [hbm:s7], s20  }
0xa4: {  	_ =	swait.ge [sflag:s22], s20  }
0xa5: {  	s6 =	ssub.s32 $0x0, s20;
	[sflag:s22] =	ssyncset.done $0x0  }
0xa6: {  	[sflag:s22] =	ssyncadd.s32 s6;
	_ =	sdelay $0x1  }
0xa7: {  	s23 =	simm.s32 $0x1B8B  }
0xa8: {  	_ =	swait.ge [sflag:s23], $0x1  }
0xa9: {  	[sflag:s23] =	ssyncset.done $0x0  }
0xaa: {  	s25 =	simm.s32 $0x1B8E;
	s24 =	sld [smem:$0x3FFE];
	[sflag:s23] =	ssyncadd.s32 $0xFFFFFFFF  }
0xab: {  	s26 =	simm.s32 $execute0_lowered;
	[smem:$0x3FD2] =	sst s25  }
0xac: {  	s7 =	sshll.u32 s26, $0x1;
	_ =	strace $0x80000046;
	[dreg:$0x1] =	wrdreg $0xFFFFFFFF  }
0xad: {  	s28 =	simm.s32 $_size_execute0_lowered;
	s5 =	sadd.s32 s5, s7;
	[dreg:$0x0] =	wrdreg $0x0  }
0xae: {  	s7 =	sshll.u32 s28, $0x1;
	[dreg:$0x2] =	wrdreg s5  }
0xaf: {  	[dreg:$0x3] =	wrdreg s7  }
0xb0: {  	[dreg:$0x4] =	wrdreg $0xC0  }
0xb1: {  	_ =	task [dreg:s9], $0x5FFFF  }
0xb2: {  	[dreg:$0x1] =	wrdreg $0xFFFFFFFF  }
0xb3: {  	[dreg:$0x0] =	wrdreg $0x60  }
0xb4: {  	[dreg:$0x2] =	wrdreg s24  }
0xb5: {  	[dreg:$0x3] =	wrdreg s16  }
0xb6: {  	[dreg:$0x4] =	wrdreg s18  }
0xb7: {  	[dreg:$0x5] =	wrdreg s17  }
0xb8: {  	[dreg:$0x6] =	wrdreg $0x9  }
0xb9: {  	_ =	task.clear_ibuf [dreg:s9], $0x7FFFF;
	_ =	strace $0x90000046  }
0xba: {  	s29 =	simm.s32 $0x9;
	_ =	strace $0x80000048  }
0xbb: {  	_ =	swait.ge [sflag:s29], $0x1  }
0xbc: {  	[sflag:s29] =	ssyncadd.s32 $0xFFFFFFFF  }
0xbd: {  	_ =	strace $0x90000048  }
0xbe: {  	_ =	sfence  }
0xbf: {  	s30 =	sld [smem:$0x0];
	_ =	sdelay $0x2  }
0xc0: {  	s31 =	sshll.u32 s1, $0xD;
	s1 =	sshrl.u32 s1, $0x2  }
0xc1: {  	s3 =	sand.u32 $0x4000, s31;
	s1 =	sadd.s32 s1, s30  }
0xc2: {  	s0 =	sor.u32 s3, s0;
	s1 =	sshll.u32 s1, $0x11  }
0xc3: {  	s0 =	sor.u32 s1, s0  }
0xc4: {  	s0 =	sadd.s32 $0x8F2B, s0  }
0xc5: {  	[sflag:s0] =	ssyncadd.remote.s32 $0x1  }
0xc6: {  	_ =	sfence.sel $0xFFFF  }
0xc7: {  	[dreg:$0x0] =	wrdreg $0xFFFFFFFF;
	(pc) =	sbr.abs _section_cstart, $3  }
0xc8: {  	[dreg:$0x1] =	wrdreg $0xFFFFFFFF  }
0xc9: {  	_ =	task.clear_ibuf [dreg:s9], $0x2FFFF;
	_ =	strace $0x9FFFFFFF  }
0xca: {  	(tm) =	ssettm $0x7FFFFFFF  }
0xcb: {  	_ =	shalt  }
tec
execute0_lowered:
.L_overlay_start_1:
0x0: {  	(tag) =	ssettag $0x1  }
0x1: {  	s0 =	rddreg [dreg:$0x0]  }
0x2: {  	s1 =	rddreg [dreg:$0x1]  }
0x3: {  	s2 =	rddreg [dreg:$0x2]  }
0x4: {  	s3 =	rddreg [dreg:$0x3]  }
0x5: {  	s4 =	srdreg.scid;
	s5 =	simm.s32 $0x0;
	s11 =	simm.s32 $0x1  }
0x6: {  	s12 =	simm.s32 $0x13880;
	s13 =	simm.s32 $0x14080;
	s14 =	simm.s32 $0x14880  }
0x7: {  	s15 =	simm.s32 $0x15080;
	s16 =	simm.s32 $0x15880;
	s17 =	simm.s32 $0x16080  }
0x8: {  	s18 =	simm.s32 $0x0;
	s7 =	sand.u32 $0x1, s4;
	[smem:$0x7FF] =	sst s5  }
0x9: {  	s4 =	stileid.u32;
	s6 =	sadd.s32 $0x1600, s0;
	s8 =	ssub.s32 $0x2, s7  }
0xa: {  	_ =	strace $0x80000047;
	s10 =	sshll.u32 s4, $0x1;
	s9 =	sshrl.u32 s8, $0x1  }
0xb: {  	s31 =	sor.u32 s7, s10;
	s7 =	sadd.s32 $0x3E00, s0;
	s9 =	ssub.s32 s8, s9  }
0xc: {  	s10 =	simm.s32 $0x16880;
	s8 =	smul.u32 $0x2710, s31;
	s9 =	smax.u32 s9, $0x1  }
.LBB2_1:
0xd: {  	[tilespmem:s10], [sflag:$0x1] =	stream.linear.gather [hbm4b:s7+s5], $0x80, $0x38;
	[tilespmem:$0x16900] =	vst v63  }
0xe: {  	_ =	swait.ge [sflag:s11], $0x80  }
0xf: {  	[sflag:s11] =	ssyncset.done $0x0  }
0x10: {  	[sflag:s11] =	ssyncadd.s32 $0xFFFFFF80  }
0x11: {  	[tilespmem:s5], [sflag:$0x1] =	stream.linear.gather [hbm4b:s6+s5], $0x13880, $0x38;
	[tilespmem:$0x16900] =	vst v63  }
0x12: {  	_ =	swait.ge [sflag:s11], $0x13880  }
0x13: {  	v61 =	vimm.s32 $0x1;
	[sflag:s11] =	ssyncset.done $0x0  }
0x14: {  	v62 =	vimm.s32 $0x2;
	[sflag:s11] =	ssyncadd.s32 $0xFFFEC780  }
0x15: {  	v63 =	vimm.s32 $0x3;
	v0 =	vld.msk [tilespmem:s10+$0x0], $0xffff;
	_ =	sdelay $0x2  }
0x16: {  	v4 =	vld.idx.msk [tilespmem:v61+s10+$0x0], $0xffff  }
0x17: {  	v5 =	vld.idx.msk [tilespmem:v62+s10+$0x0], $0xffff  }
0x18: {  	s19 =	simm.s32 $0x0;
	v6 =	vld.idx.msk [tilespmem:v63+s10+$0x0], $0xffff;
	[tilespmem:$0x1FFF0] =	vst v0  }
.LBB2_2:
0x19: {  	s0 =	smul.u32 $0x7D0, s19;
	_ =	sdelay $0x1  }
0x1a: {  	s0 =	sadd.s32 s8, s0  }
0x1b: {  	s20 =	sshrl.u32 s0, $0x3  }
0x1c: {  	s0 =	sadd.s32 s1, s20  }
0x1d: {  	[tilespmem:s12], [sflag:$0x1] =	stream.linear.gather [hbm4b:s0+s5], $0x7D0, $0x38;
	[tilespmem:$0x16900] =	vst v63  }
0x1e: {  	_ =	swait.ge [sflag:s11], $0x7D0  }
0x1f: {  	[sflag:s11] =	ssyncset.done $0x0  }
0x20: {  	s24 =	sadd.s32 s2, s20;
	[sflag:s11] =	ssyncadd.s32 $0xFFFFF830  }
0x21: {  	[tilespmem:s13], [sflag:$0x1] =	stream.linear.gather [hbm4b:s24+s5], $0x7D0, $0x38;
	[tilespmem:$0x16900] =	vst v63  }
0x22: {  	_ =	swait.ge [sflag:s11], $0x7D0  }
0x23: {  	[sflag:s11] =	ssyncset.done $0x0  }
0x24: {  	s25 =	simm.s32 $0x138A0;
	[sflag:s11] =	ssyncadd.s32 $0xFFFFF830  }
0x25: {  	s21 =	simm.s32 $0x140A0;
	v7 =	vld [tilespmem:s25+$0x10]  }
0x26: {  	v8 =	vld [tilespmem:s21+$0x10]  }
0x27: {  	v13 =	vld [tilespmem:s25+$0x0]  }
0x28: {  	v0 =	vld [tilespmem:$0x1FFF0]  }
0x29: {  	v9 =	vld [tilespmem:s21+$0xFFFFFFE0]  }
0x2a: {  	v10 =	vld [tilespmem:s25+$0xFFFFFFF0]  }
0x2b: {  	v11 =	vld [tilespmem:s21+$0xFFFFFFF0];
	v7 =	vshll.u32 v7, $0x3  }
0x2c: {  	v15 =	vld [tilespmem:s25+$0xFFFFFFE0];
	v8 =	vshll.u32 v8, $0x3;
	v13 =	vshll.u32 v13, $0x3  }
0x2d: {  	s26 =	simm.s32 $0x138E0;
	v17 =	vld [tilespmem:s21+$0x0];
	v12 =	vor.u32 $0x4, v8  }
0x2e: {  	s21 =	simm.s32 $0x140E0;
	v55 =	vld [tilespmem:s26+$0xFFFFFFE0];
	v14 =	vor.u32 $0x1, v7  }
0x2f: {  	v53 =	vld [tilespmem:s21+$0x0];
	v16 =	vor.u32 $0x5, v8  }
0x30: {  	v18 =	vor.u32 $0x2, v7;
	v20 =	vor.u32 $0x6, v8;
	v19 =	vld.idx.msk [tilespmem:v7+s5+$0x0], $0xffff  }
0x31: {  	v31 =	vor.u32 $0x1, v13;
	v32 =	vor.u32 $0x2, v13;
	v34 =	vor.u32 $0x3, v13;
	v13 =	vld.idx.msk [tilespmem:v13+s5+$0x0], $0xffff  }
0x32: {  	v8 =	vor.u32 $0x7, v8;
	v12 =	vld.idx.msk [tilespmem:v12+s5+$0x0], $0xffff  }
0x33: {  	v9 =	vshll.u32 v9, $0x3;
	v7 =	vor.u32 $0x3, v7;
	v14 =	vld.idx.msk [tilespmem:v14+s5+$0x0], $0xffff  }
0x34: {  	v15 =	vshll.u32 v15, $0x3;
	v21 =	vor.u32 $0x4, v9;
	v16 =	vld.idx.msk [tilespmem:v16+s5+$0x0], $0xffff  }
0x35: {  	v22 =	vor.u32 $0x1, v15;
	v18 =	vld.idx.msk [tilespmem:v18+s5+$0x0], $0xffff  }
0x36: {  	v23 =	vor.u32 $0x5, v9;
	v20 =	vld.idx.msk [tilespmem:v20+s5+$0x0], $0xffff  }
0x37: {  	v24 =	vor.u32 $0x2, v15;
	v8 =	vld.idx.msk [tilespmem:v8+s5+$0x0], $0xffff  }
0x38: {  	v25 =	vor.u32 $0x6, v9;
	v7 =	vld.idx.msk [tilespmem:v7+s5+$0x0], $0xffff  }
0x39: {  	v26 =	vor.u32 $0x3, v15;
	v21 =	vld.idx.msk [tilespmem:v21+s5+$0x0], $0xffff  }
0x3a: {  	v11 =	vshll.u32 v11, $0x3;
	v10 =	vshll.u32 v10, $0x3;
	v9 =	vor.u32 $0x7, v9;
	v22 =	vld.idx.msk [tilespmem:v22+s5+$0x0], $0xffff  }
0x3b: {  	v27 =	vor.u32 $0x4, v11;
	v28 =	vor.u32 $0x1, v10;
	v23 =	vld.idx.msk [tilespmem:v23+s5+$0x0], $0xffff  }
0x3c: {  	v24 =	vld.idx.msk [tilespmem:v24+s5+$0x0], $0xffff;
	v12 =	vadd.f32 v12, v19;
	v14 =	vadd.f32 v16, v14;
	v16 =	vor.u32 $0x5, v11  }
0x3d: {  	v19 =	vld.idx.msk [tilespmem:v25+s5+$0x0], $0xffff;
	v18 =	vadd.f32 v20, v18;
	v25 =	vor.u32 $0x6, v11;
	v7 =	vadd.f32 v8, v7  }
0x3e: {  	v20 =	vld.idx.msk [tilespmem:v26+s5+$0x0], $0xffff;
	v26 =	vor.u32 $0x3, v10;
	v12 =	vadd.f32 v12, v0;
	v14 =	vadd.f32 v14, v4  }
0x3f: {  	v9 =	vld.idx.msk [tilespmem:v9+s5+$0x0], $0xffff;
	v11 =	vor.u32 $0x7, v11;
	v18 =	vadd.f32 v18, v5;
	v7 =	vadd.f32 v7, v6  }
0x40: {  	v27 =	vld.idx.msk [tilespmem:v27+s5+$0x0], $0xffff  }
0x41: {  	v28 =	vld.idx.msk [tilespmem:v28+s5+$0x0], $0xffff;
	v29 =	vmax.f32 v12, v14;
	v30 =	vmax.f32 v18, v7  }
0x42: {  	v8 =	vor.u32 $0x2, v10;
	v10 =	vld.idx.msk [tilespmem:v10+s5+$0x0], $0xffff;
	v29 =	vmax.f32 v29, v30  }
0x43: {  	v17 =	vshll.u32 v17, $0x3;
	v26 =	vld.idx.msk [tilespmem:v26+s5+$0x0], $0xffff;
	v12 =	vsub.f32 v12, v29  }
0x44: {  	v11 =	vld.idx.msk [tilespmem:v11+s5+$0x0], $0xffff;
	v30 =	vor.u32 $0x5, v17;
	v14 =	vsub.f32 v14, v29  }
0x45: {  	v33 =	vor.u32 $0x6, v17;
	v31 =	vld.idx.msk [tilespmem:v31+s5+$0x0], $0xffff;
	v12 =	vmul.f32 $1.442695020e+00, v12  }
0x46: {  	v35 =	vor.u32 $0x7, v17;
	v25 =	vld.idx.msk [tilespmem:v25+s5+$0x0], $0xffff;
	v18 =	vsub.f32 v18, v29;
	v14 =	vmul.f32 $1.442695020e+00, v14  }
0x47: {  	v19 =	vadd.f32 v19, v24;
	v8 =	vld.idx.msk [tilespmem:v8+s5+$0x0], $0xffff;
	v7 =	vsub.f32 v7, v29;
	(erf) = vpow2.f32 v12  }
0x48: {  	v16 =	vld.idx.msk [tilespmem:v16+s5+$0x0], $0xffff;
	v9 =	vadd.f32 v9, v20;
	v18 =	vmul.f32 $1.442695020e+00, v18;
	(erf) = vpow2.f32 v14  }
0x49: {  	v10 =	vadd.f32 v27, v10;
	v11 =	vadd.f32 v11, v26;
	v7 =	vmul.f32 $1.442695020e+00, v7;
	v12 =	vld.idx.msk [tilespmem:v30+s5+$0x0], $0xffff  }
0x4a: {  	v14 =	vor.u32 $0x4, v17;
	v17 =	vadd.f32 v23, v22;
	v22 =	vld.idx.msk [tilespmem:v32+s5+$0x0], $0xffff;
	(erf) = vpow2.f32 v18  }
0x4b: {  	v24 =	vadd.f32 v19, v5;
	v10 =	vadd.f32 v10, v0;
	v23 =	vld.idx.msk [tilespmem:v33+s5+$0x0], $0xffff  }
0x4c: {  	v11 =	vadd.f32 v11, v6;
	v8 =	vadd.f32 v25, v8;
	v18 =	vld.idx.msk [tilespmem:v34+s5+$0x0], $0xffff;
	(erf) = vpow2.f32 v7  }
0x4d: {  	v7 =	vadd.f32 v9, v6;
	v9 =	vadd.f32 v16, v28;
	v16 =	vld.idx.msk [tilespmem:v15+s5+$0x0], $0xffff  }
0x4e: {  	v32 =	vshll.u32 v53, $0x3;
	v8 =	vadd.f32 v8, v5;
	v20 =	vadd.f32 v17, v4;
	v17 =	vld.idx.msk [tilespmem:v35+s5+$0x0], $0xffff  }
0x4f: {  	v34 =	vshll.u32 v55, $0x3;
	v48 =	vor.u32 $0x4, v32;
	v50 =	vor.u32 $0x5, v32;
	v28 =	vld [tilespmem:s21+$0x10]  }
0x50: {  	v52 =	vor.u32 $0x6, v32;
	v32 =	vor.u32 $0x7, v32;
	v9 =	vadd.f32 v9, v4;
	v14 =	vld.idx.msk [tilespmem:v14+s5+$0x0], $0xffff;
	v19 =	vpop (erf)  }
0x51: {  	v38 =	vor.u32 $0x1, v34;
	v12 =	vadd.f32 v12, v31;
	v22 =	vadd.f32 v23, v22;
	v15 =	vpop (erf)  }
0x52: {  	v39 =	vor.u32 $0x2, v34;
	v21 =	vadd.f32 v21, v16;
	v23 =	vadd.f32 v15, v19  }
0x53: {  	v26 =	vmax.f32 v8, v11;
	v25 =	vmax.f32 v24, v7;
	v12 =	vadd.f32 v12, v4;
	v16 =	vpop (erf)  }
0x54: {  	v27 =	vmax.f32 v10, v9;
	v21 =	vadd.f32 v21, v0;
	v23 =	vadd.f32 v23, v16  }
0x55: {  	v18 =	vadd.f32 v17, v18;
	v28 =	vshll.u32 v28, $0x3;
	v13 =	vadd.f32 v14, v13;
	v17 =	vpop (erf)  }
0x56: {  	v14 =	vadd.f32 v22, v5;
	v22 =	vadd.f32 v23, v17;
	v23 =	vmax.f32 v21, v20  }
0x57: {  	v54 =	vor.u32 $0x4, v28;
	v13 =	vadd.f32 v13, v0;
	v23 =	vmax.f32 v23, v25;
	v25 =	vld [tilespmem:s26+$0x10]  }
0x58: {  	v36 =	vor.u32 $0x6, v28;
	v18 =	vadd.f32 v18, v6;
	(erf) = vrcp.f32 v22  }
0x59: {  	v22 =	vmax.f32 v27, v26;
	v26 =	vmax.f32 v13, v12;
	v21 =	vsub.f32 v21, v23  }
0x5a: {  	v29 =	vld [tilespmem:s26+$0xFFFFFFF0];
	v27 =	vmax.f32 v14, v18;
	v20 =	vsub.f32 v20, v23;
	v24 =	vsub.f32 v24, v23  }
0x5b: {  	v23 =	vsub.f32 v7, v23;
	v7 =	vor.u32 $0x5, v28;
	v26 =	vmax.f32 v26, v27;
	v27 =	vld [tilespmem:s21+$0xFFFFFFE0]  }
0x5c: {  	v30 =	vld [tilespmem:s21+$0xFFFFFFF0];
	v10 =	vsub.f32 v10, v22;
	v21 =	vmul.f32 $1.442695020e+00, v21;
	v25 =	vshll.u32 v25, $0x3  }
0x5d: {  	v28 =	vor.u32 $0x7, v28;
	v9 =	vsub.f32 v9, v22;
	v20 =	vmul.f32 $1.442695020e+00, v20  }
0x5e: {  	v31 =	vld [tilespmem:s26+$0x0];
	v8 =	vsub.f32 v8, v22;
	v10 =	vmul.f32 $1.442695020e+00, v10;
	(erf) = vpow2.f32 v21  }
0x5f: {  	v33 =	vld.idx.msk [tilespmem:v54+s5+$0x0], $0xffff;
	v21 =	vmul.f32 $1.442695020e+00, v24;
	v56 =	vor.u32 $0x1, v25;
	(erf) = vpow2.f32 v20  }
0x60: {  	v36 =	vld.idx.msk [tilespmem:v36+s5+$0x0], $0xffff;
	(erf) = vpow2.f32 v10;
	v10 =	vshll.u32 v27, $0x3;
	v27 =	vor.u32 $0x2, v25  }
0x61: {  	v24 =	vshll.u32 v29, $0x3;
	v29 =	vshll.u32 v30, $0x3;
	v30 =	vld.idx.msk [tilespmem:v25+s5+$0x0], $0xffff;
	v25 =	vor.u32 $0x3, v25  }
0x62: {  	v41 =	vor.u32 $0x3, v34;
	v11 =	vsub.f32 v11, v22;
	v13 =	vsub.f32 v13, v26;
	v7 =	vld.idx.msk [tilespmem:v7+s5+$0x0], $0xffff  }
0x63: {  	v12 =	vsub.f32 v12, v26;
	v23 =	vmul.f32 $1.442695020e+00, v23;
	v9 =	vmul.f32 $1.442695020e+00, v9;
	v28 =	vld.idx.msk [tilespmem:v28+s5+$0x0], $0xffff  }
0x64: {  	v18 =	vsub.f32 v18, v26;
	v8 =	vmul.f32 $1.442695020e+00, v8;
	v11 =	vmul.f32 $1.442695020e+00, v11;
	v35 =	vld.idx.msk [tilespmem:v56+s5+$0x0], $0xffff  }
0x65: {  	v14 =	vsub.f32 v14, v26;
	v13 =	vmul.f32 $1.442695020e+00, v13;
	v12 =	vmul.f32 $1.442695020e+00, v12;
	v27 =	vld.idx.msk [tilespmem:v27+s5+$0x0], $0xffff  }
0x66: {  	v18 =	vmul.f32 $1.442695020e+00, v18;
	v20 =	vshll.u32 v31, $0x3;
	v37 =	vor.u32 $0x5, v10;
	v25 =	vld.idx.msk [tilespmem:v25+s5+$0x0], $0xffff  }
0x67: {  	v42 =	vor.u32 $0x4, v29;
	v43 =	vor.u32 $0x1, v24;
	v44 =	vor.u32 $0x5, v29  }
0x68: {  	v1 =	vld.idx.msk [tilespmem:v48+s5+$0x0], $0xffff;
	v45 =	vor.u32 $0x2, v24;
	v46 =	vor.u32 $0x6, v29;
	v31 =	vor.u32 $0x4, v10  }
0x69: {  	v32 =	vld.idx.msk [tilespmem:v32+s5+$0x0], $0xffff;
	v40 =	vor.u32 $0x6, v10;
	v10 =	vor.u32 $0x7, v10;
	(erf) = vpow2.f32 v9  }
0x6a: {  	v9 =	vld.idx.msk [tilespmem:v38+s5+$0x0], $0xffff;
	(erf) = vpow2.f32 v13;
	v26 =	vadd.f32 v33, v30;
	v27 =	vadd.f32 v36, v27  }
0x6b: {  	(erf) = vpow2.f32 v12;
	v22 =	vld.idx.msk [tilespmem:v37+s5+$0x0], $0xffff;
	v7 =	vadd.f32 v7, v35;
	v25 =	vadd.f32 v28, v25  }
0x6c: {  	v13 =	vld.idx.msk [tilespmem:v39+s5+$0x0], $0xffff;
	(erf) = vpow2.f32 v21;
	v26 =	vadd.f32 v26, v0;
	v21 =	vadd.f32 v27, v5  }
0x6d: {  	v12 =	vld.idx.msk [tilespmem:v41+s5+$0x0], $0xffff;
	v30 =	vmul.f32 $1.442695020e+00, v14;
	v28 =	vadd.f32 v7, v4;
	v25 =	vadd.f32 v25, v6  }
0x6e: {  	v29 =	vor.u32 $0x7, v29;
	v49 =	vor.u32 $0x1, v20;
	v60 =	vld.idx.msk [tilespmem:v44+s5+$0x0], $0xffff;
	v33 =	vpop (erf);
	(erf) = vpow2.f32 v8  }
0x6f: {  	v57 =	vld.idx.msk [tilespmem:v40+s5+$0x0], $0xffff;
	v14 =	vpop (erf);
	(erf) = vpow2.f32 v30;
	v8 =	vmax.f32 v26, v28;
	v59 =	vmax.f32 v21, v25  }
0x70: {  	v10 =	vld.idx.msk [tilespmem:v10+s5+$0x0], $0xffff;
	v22 =	vadd.f32 v22, v9;
	v7 =	vpop (erf);
	(erf) = vpow2.f32 v23;
	v37 =	vmax.f32 v8, v59  }
0x71: {  	v30 =	vld.idx.msk [tilespmem:v43+s5+$0x0], $0xffff;
	v9 =	vpop (erf);
	(erf) = vpow2.f32 v11;
	v23 =	vsub.f32 v26, v37;
	v11 =	vsub.f32 v28, v37  }
0x72: {  	v47 =	vor.u32 $0x3, v24;
	v51 =	vor.u32 $0x2, v20;
	v53 =	vld.idx.msk [tilespmem:v31+s5+$0x0], $0xffff;
	v31 =	vor.u32 $0x3, v20  }
0x73: {  	v61 =	vld.idx.msk [tilespmem:v45+s5+$0x0], $0xffff;
	v8 =	vpop (erf);
	(erf) = vpow2.f32 v18;
	v21 =	vsub.f32 v21, v37;
	v18 =	vmul.f32 $1.442695020e+00, v23  }
0x74: {  	v13 =	vadd.f32 v57, v13;
	v40 =	vadd.f32 v22, v4;
	v22 =	vld.idx.msk [tilespmem:v46+s5+$0x0], $0xffff;
	v23 =	vmul.f32 $1.442695020e+00, v11  }
0x75: {  	v29 =	vld.idx.msk [tilespmem:v29+s5+$0x0], $0xffff;
	v11 =	vpop (erf);
	(erf) = vpow2.f32 v18;
	v18 =	vmul.f32 $1.442695020e+00, v21;
	v21 =	vsub.f32 v25, v37  }
0x76: {  	v2 =	vld.idx.msk [tilespmem:v49+s5+$0x0], $0xffff;
	v63 =	vadd.f32 v10, v12;
	v25 =	vadd.f32 v60, v30;
	v10 =	vpop (erf)  }
0x77: {  	v28 =	vld.idx.msk [tilespmem:v47+s5+$0x0], $0xffff;
	v12 =	vpop (erf);
	v21 =	vmul.f32 $1.442695020e+00, v21  }
0x78: {  	v49 =	vld.idx.msk [tilespmem:v51+s5+$0x0], $0xffff;
	v27 =	vadd.f32 v7, v14;
	v26 =	vadd.f32 v13, v5;
	(erf) = vpow2.f32 v23;
	v13 =	vpop (erf)  }
0x79: {  	v51 =	vld.idx.msk [tilespmem:v31+s5+$0x0], $0xffff;
	v39 =	vadd.f32 v22, v61;
	v48 =	vadd.f32 v10, v11;
	(erf) = vpow2.f32 v18;
	v18 =	vpop (erf)  }
0x7a: {  	v62 =	vadd.f32 v8, v9;
	v30 =	vld.idx.msk [tilespmem:v50+s5+$0x0], $0xffff;
	v35 =	vadd.f32 v25, v4;
	v25 =	vpop (erf)  }
0x7b: {  	v50 =	vld.idx.msk [tilespmem:v52+s5+$0x0], $0xffff;
	v27 =	vadd.f32 v27, v12;
	(erf) = vpow2.f32 v21;
	v31 =	vadd.f32 v48, v18;
	v21 =	vpop (erf)  }
0x7c: {  	v52 =	vmul.f32 v33, v19;
	v19 =	vadd.f32 v29, v28;
	v29 =	vld.idx.msk [tilespmem:v34+s5+$0x0], $0xffff;
	v41 =	vadd.f32 v62, v13;
	v22 =	vpop (erf)  }
0x7d: {  	v24 =	vld.idx.msk [tilespmem:v24+s5+$0x0], $0xffff;
	v27 =	vadd.f32 v27, v25;
	v31 =	vadd.f32 v31, v22  }
0x7e: {  	v58 =	vld.idx.msk [tilespmem:v42+s5+$0x0], $0xffff;
	v15 =	vmul.f32 v33, v15;
	v28 =	vadd.f32 v41, v21  }
0x7f: {  	v55 =	vadd.f32 v32, v51;
	v23 =	vadd.f32 v63, v6;
	(erf) = vrcp.f32 v27  }
0x80: {  	v20 =	vld.idx.msk [tilespmem:v20+s5+$0x0], $0xffff;
	v54 =	vadd.f32 v30, v2;
	v27 =	vadd.f32 v50, v49;
	(erf) = vrcp.f32 v28;
	v30 =	vpop (erf)  }
0x81: {  	v34 =	vadd.f32 v39, v5;
	v29 =	vadd.f32 v53, v29;
	(erf) = vrcp.f32 v31;
	v31 =	vpop (erf)  }
0x82: {  	v16 =	vmul.f32 v33, v16;
	v38 =	vadd.f32 v27, v5;
	v56 =	vadd.f32 v31, v30  }
0x83: {  	v27 =	vmul.f32 v33, v17;
	v17 =	vadd.f32 v58, v24;
	v58 =	vadd.f32 v29, v0;
	v32 =	vpop (erf)  }
0x84: {  	s29 =	simm.s32 $0x148A0;
	v19 =	vadd.f32 v19, v6;
	v57 =	vmax.f32 v26, v23;
	v24 =	vadd.f32 v56, v32  }
0x85: {  	s28 =	simm.s32 $0x150A0;
	[tilespmem:s29+$0x10] =	vst v52;
	v29 =	vadd.f32 v1, v20;
	v20 =	vadd.f32 v17, v0;
	v61 =	vmax.f32 v58, v40;
	v33 =	vpop (erf)  }
0x86: {  	s30 =	simm.s32 $0x158A0;
	[tilespmem:s28+$0x10] =	vst v15;
	v28 =	vadd.f32 v54, v4;
	v39 =	vmax.f32 v61, v57;
	v60 =	vadd.f32 v24, v33  }
0x87: {  	s26 =	simm.s32 $0x160A0;
	[tilespmem:s30+$0x10] =	vst v16;
	v15 =	vmax.f32 v20, v35;
	v24 =	vadd.f32 v29, v0;
	v29 =	vadd.f32 v55, v6  }
0x88: {  	v59 =	vmax.f32 v34, v19;
	[tilespmem:s26+$0x10] =	vst v27;
	v27 =	vsub.f32 v58, v39;
	v17 =	vpop (erf)  }
0x89: {  	s31 =	simm.s32 $0x4;
	s22 =	simm.s32 $0x150A0;
	s23 =	simm.s32 $0x160A0;
	v16 =	vpop (erf);
	(erf) = vrcp.f32 v60;
	v62 =	vmax.f32 v24, v28;
	v63 =	vmax.f32 v38, v29  }
0x8a: {  	s0 =	simm.s32 $0x13920;
	s24 =	simm.s32 $0x158A0;
	s25 =	simm.s32 $0x148A0;
	v40 =	vsub.f32 v40, v39;
	v36 =	vmax.f32 v15, v59;
	v15 =	vpop (erf);
	v37 =	vmax.f32 v62, v63  }
.LBB2_3:
0x8b: {  	_ = 	snop  }
0x8c: {  	v41 =	vld [tilespmem:s0+$0x10];
	s21 =	sadd.s32 $0x40, s21  }
0x8d: {  	v42 =	vsub.f32 v20, v36;
	v14 =	vmul.f32 v17, v14;
	v20 =	vmov v18;
	v18 =	vld [tilespmem:s21+$0x10]  }
0x8e: {  	v35 =	vsub.f32 v35, v36;
	v44 =	vsub.f32 v24, v37;
	v43 =	vmul.f32 $1.442695020e+00, v27;
	v27 =	vmovc v21;
	v21 =	vld [tilespmem:s21+$0xFFFFFFE0]  }
0x8f: {  	v45 =	vsub.f32 v28, v37;
	v26 =	vsub.f32 v26, v39;
	[tilespmem:s29+$0xFFFFFFE0] =	vst v14;
	v14 =	vld [tilespmem:s0+$0xFFFFFFF0]  }
0x90: {  	v34 =	vsub.f32 v34, v36;
	v23 =	vsub.f32 v23, v39  }
0x91: {  	v28 =	vmovc v25;
	v19 =	vsub.f32 v19, v36;
	v29 =	vsub.f32 v29, v37;
	v25 =	vmul.f32 $1.442695020e+00, v40  }
0x92: {  	v59 =	vmul.f32 $1.442695020e+00, v42;
	v62 =	vshll.u32 v41, $0x3;
	v18 =	vshll.u32 v18, $0x3;
	v63 =	vpop (erf)  }
0x93: {  	v61 =	vld [tilespmem:s0+$0x0];
	(erf) = vpow2.f32 v43;
	v1 =	vor.u32 $0x4, v18;
	v46 =	vmul.f32 v63, v30  }
0x94: {  	v60 =	vld [tilespmem:s21+$0xFFFFFFF0];
	s29 =	sadd.s32 $0x40, s29;
	v30 =	vshll.u32 v14, $0x3;
	v14 =	vor.u32 $0x1, v62;
	v47 =	vmul.f32 v63, v31  }
0x95: {  	s28 =	sadd.s32 $0x40, s28;
	v0 =	vld [tilespmem:s0+$0xFFFFFFE0];
	(erf) = vpow2.f32 v25;
	v48 =	vor.u32 $0x5, v18;
	v32 =	vmul.f32 v63, v32;
	[tilespmem:s29+$0x10] =	vst v46  }
0x96: {  	s30 =	sadd.s32 $0x40, s30;
	v25 =	vld [tilespmem:s21+$0x0];
	(erf) = vpow2.f32 v59;
	v2 =	vor.u32 $0x2, v62;
	v40 =	vmul.f32 v63, v33;
	[tilespmem:s28+$0x10] =	vst v47  }
0x97: {  	s26 =	sadd.s32 $0x40, s26;
	v9 =	vmul.f32 v16, v9;
	v11 =	vmul.f32 v15, v11;
	v49 =	vor.u32 $0x6, v18;
	v47 =	vld.idx.msk [tilespmem:v62+s5+$0x0], $0xffff;
	[tilespmem:s30+$0x10] =	vst v32  }
0x98: {  	v24 =	vmovc v22;
	v22 =	vmul.f32 $1.442695020e+00, v35;
	v35 =	vmul.f32 $1.442695020e+00, v44;
	v39 =	vor.u32 $0x3, v62;
	v43 =	vld.idx.msk [tilespmem:v1+s5+$0x0], $0xffff;
	[tilespmem:s26+$0x10] =	vst v40  }
0x99: {  	v44 =	vmul.f32 $1.442695020e+00, v45;
	v21 =	vshll.u32 v21, $0x3;
	v18 =	vor.u32 $0x7, v18;
	v51 =	vld.idx.msk [tilespmem:v14+s5+$0x0], $0xffff  }
0x9a: {  	v45 =	vsub.f32 v38, v37;
	v41 =	vor.u32 $0x5, v21;
	v33 =	vshll.u32 v0, $0x3;
	v48 =	vld.idx.msk [tilespmem:v48+s5+$0x0], $0xffff  }
0x9b: {  	v26 =	vmul.f32 $1.442695020e+00, v26;
	v42 =	vshll.u32 v60, $0x3;
	v50 =	vor.u32 $0x2, v33;
	v58 =	vld.idx.msk [tilespmem:v2+s5+$0x0], $0xffff  }
0x9c: {  	v23 =	vmul.f32 $1.442695020e+00, v23;
	v19 =	vmul.f32 $1.442695020e+00, v19;
	v55 =	vor.u32 $0x4, v42;
	v49 =	vld.idx.msk [tilespmem:v49+s5+$0x0], $0xffff  }
0x9d: {  	v25 =	vshll.u32 v25, $0x3;
	v53 =	vor.u32 $0x3, v33;
	v46 =	vor.u32 $0x4, v21;
	v14 =	vpop (erf);
	v39 =	vld.idx.msk [tilespmem:v39+s5+$0x0], $0xffff  }
0x9e: {  	v0 =	vor.u32 $0x5, v25;
	v3 =	vor.u32 $0x7, v25;
	v62 =	vor.u32 $0x4, v25;
	v18 =	vld.idx.msk [tilespmem:v18+s5+$0x0], $0xffff;
	v54 =	vpop (erf)  }
0x9f: {  	v2 =	vor.u32 $0x6, v25;
	v25 =	vmul.f32 $1.442695020e+00, v34;
	v34 =	vld.idx.msk [tilespmem:v41+s5+$0x0], $0xffff;
	v32 =	vpop (erf);
	(erf) = vpow2.f32 v22  }
0xa0: {  	v45 =	vmul.f32 $1.442695020e+00, v45;
	v40 =	vor.u32 $0x1, v33;
	v36 =	vld.idx.msk [tilespmem:v50+s5+$0x0], $0xffff;
	(erf) = vpow2.f32 v35  }
0xa1: {  	v31 =	vshll.u32 v61, $0x3;
	v61 =	vor.u32 $0x3, v30;
	v41 =	vld.idx.msk [tilespmem:v55+s5+$0x0], $0xffff;
	(erf) = vpow2.f32 v44  }
0xa2: {  	v52 =	vor.u32 $0x6, v21;
	v57 =	vor.u32 $0x5, v42;
	v38 =	vld.idx.msk [tilespmem:v46+s5+$0x0], $0xffff;
	(erf) = vpow2.f32 v26  }
0xa3: {  	v60 =	vor.u32 $0x6, v42;
	v21 =	vor.u32 $0x7, v21;
	(erf) = vpow2.f32 v25;
	v25 =	vld.idx.msk [tilespmem:v53+s5+$0x0], $0xffff  }
0xa4: {  	v42 =	vor.u32 $0x7, v42;
	v56 =	vor.u32 $0x1, v30;
	v59 =	vor.u32 $0x2, v30;
	v53 =	vld [tilespmem:$0x1FFF0]  }
0xa5: {  	v63 =	vor.u32 $0x1, v31;
	v46 =	vor.u32 $0x3, v31;
	v22 =	vld.idx.msk [tilespmem:v40+s5+$0x0], $0xffff;
	v40 =	vadd.f32 v54, v14  }
0xa6: {  	v1 =	vor.u32 $0x2, v31;
	v61 =	vld.idx.msk [tilespmem:v61+s5+$0x0], $0xffff;
	v48 =	vadd.f32 v48, v51;
	v50 =	vadd.f32 v49, v58  }
0xa7: {  	v55 =	vmul.f32 v15, v10;
	v47 =	vadd.f32 v43, v47;
	v26 =	vld.idx.msk [tilespmem:v52+s5+$0x0], $0xffff;
	v18 =	vadd.f32 v18, v39  }
0xa8: {  	v21 =	vld.idx.msk [tilespmem:v21+s5+$0x0], $0xffff;
	(erf) = vpow2.f32 v45;
	v39 =	vadd.f32 v48, v4;
	v43 =	vadd.f32 v50, v5  }
0xa9: {  	v3 =	vld.idx.msk [tilespmem:v3+s5+$0x0], $0xffff;
	v51 =	vmul.f32 v16, v13;
	v44 =	vadd.f32 v18, v6;
	v52 =	vadd.f32 v47, v53  }
0xaa: {  	v46 =	vld.idx.msk [tilespmem:v46+s5+$0x0], $0xffff;
	v18 =	vmul.f32 $1.442695020e+00, v29;
	(erf) = vpow2.f32 v23;
	v22 =	vadd.f32 v34, v22  }
0xab: {  	v34 =	vld.idx.msk [tilespmem:v57+s5+$0x0], $0xffff;
	v58 =	vmax.f32 v43, v44;
	v48 =	vpop (erf);
	(erf) = vpow2.f32 v19;
	v57 =	vmax.f32 v52, v39  }
0xac: {  	v0 =	vld.idx.msk [tilespmem:v0+s5+$0x0], $0xffff;
	v37 =	vadd.f32 v22, v4;
	v19 =	vadd.f32 v26, v36;
	v36 =	vmax.f32 v57, v58  }
0xad: {  	v23 =	vmul.f32 v17, v7;
	v47 =	vld.idx.msk [tilespmem:v60+s5+$0x0], $0xffff;
	v60 =	vadd.f32 v21, v25;
	v45 =	vpop (erf);
	v35 =	vsub.f32 v52, v36  }
0xae: {  	v29 =	vld.idx.msk [tilespmem:v56+s5+$0x0], $0xffff;
	v25 =	vmul.f32 v17, v12;
	v50 =	vpop (erf);
	(erf) = vpow2.f32 v18;
	v21 =	vsub.f32 v39, v36  }
0xaf: {  	v22 =	vld.idx.msk [tilespmem:v59+s5+$0x0], $0xffff;
	v3 =	vadd.f32 v3, v46;
	v49 =	vadd.f32 v48, v32;
	v12 =	vpop (erf);
	v35 =	vmul.f32 $1.442695020e+00, v35  }
0xb0: {  	v26 =	vadd.f32 v19, v5;
	v19 =	vld.idx.msk [tilespmem:v42+s5+$0x0], $0xffff;
	v42 =	vpop (erf);
	v43 =	vsub.f32 v43, v36;
	v21 =	vmul.f32 $1.442695020e+00, v21  }
0xb1: {  	v1 =	vld.idx.msk [tilespmem:v1+s5+$0x0], $0xffff;
	[tilespmem:s22+$0xFFFFFFE0] =	vst v23;
	v23 =	vadd.f32 v60, v6;
	v57 =	vadd.f32 v50, v45;
	v18 =	vpop (erf);
	(erf) = vpow2.f32 v35  }
0xb2: {  	v2 =	vld.idx.msk [tilespmem:v2+s5+$0x0], $0xffff;
	v7 =	vmovc v54;
	v36 =	vsub.f32 v44, v36;
	v59 =	vmul.f32 $1.442695020e+00, v43;
	(erf) = vpow2.f32 v21  }
0xb3: {  	v54 =	vmul.f32 v16, v27;
	v58 =	vadd.f32 v34, v29;
	v29 =	vld.idx.msk [tilespmem:v63+s5+$0x0], $0xffff;
	v40 =	vadd.f32 v40, v12  }
0xb4: {  	[tilespmem:s24+$0xFFFFFFE0] =	vst v25;
	v47 =	vadd.f32 v47, v22;
	v25 =	vpop (erf);
	v36 =	vmul.f32 $1.442695020e+00, v36;
	(erf) = vpow2.f32 v59  }
0xb5: {  	v17 =	vmul.f32 v17, v28;
	v33 =	vld.idx.msk [tilespmem:v33+s5+$0x0], $0xffff;
	v60 =	vadd.f32 v49, v42;
	v19 =	vadd.f32 v19, v61  }
0xb6: {  	v63 =	vld.idx.msk [tilespmem:v30+s5+$0x0], $0xffff;
	v28 =	vadd.f32 v40, v25;
	v61 =	vadd.f32 v57, v18;
	v21 =	vpop (erf);
	(erf) = vpow2.f32 v36  }
0xb7: {  	[tilespmem:s23+$0xFFFFFFE0] =	vst v17;
	v52 =	vld.idx.msk [tilespmem:v62+s5+$0x0], $0xffff;
	v49 =	vadd.f32 v2, v1;
	v22 =	vpop (erf);
	v62 =	vadd.f32 v60, v21  }
0xb8: {  	v17 =	vld.idx.msk [tilespmem:v31+s5+$0x0], $0xffff;
	[tilespmem:s25+$0xFFFFFFF0] =	vst v9;
	v0 =	vadd.f32 v0, v29;
	v29 =	vadd.f32 v61, v22;
	(erf) = vrcp.f32 v28  }
0xb9: {  	v9 =	vmovc v32;
	v10 =	vmovc v50;
	v34 =	vadd.f32 v47, v5;
	v47 =	vmul.f32 v16, v8;
	(erf) = vrcp.f32 v62  }
0xba: {  	v35 =	vadd.f32 v58, v4;
	v16 =	vadd.f32 v38, v33;
	v30 =	vpop (erf);
	(erf) = vrcp.f32 v29  }
0xbb: {  	[tilespmem:s25+$0x0] =	vst v11;
	v43 =	vmax.f32 v26, v23;
	v38 =	vadd.f32 v49, v5;
	v56 =	vadd.f32 v41, v63;
	v31 =	vpop (erf)  }
0xbc: {  	v11 =	vmovc v45;
	v57 =	vmul.f32 v15, v20;
	v19 =	vadd.f32 v19, v6;
	v13 =	vadd.f32 v31, v30  }
0xbd: {  	s31 =	sadd.s32 $0x4, s31;
	[tilespmem:s22+$0x0] =	vst v55;
	v15 =	vmul.f32 v15, v24;
	v58 =	vadd.f32 v52, v17;
	v20 =	vadd.f32 v56, v53;
	v32 =	vpop (erf)  }
0xbe: {  	p0 =	slt.u32 s31, $0x78;
	v8 =	vmovc v48;
	v44 =	vmax.f32 v34, v19;
	v27 =	vadd.f32 v13, v32;
	v13 =	vadd.f32 v16, v53  }
.Ltmp0:
0xbf: {  	[tilespmem:s22+$0xFFFFFFF0] =	vst v47;
	v24 =	vadd.f32 v58, v53;
	v28 =	vadd.f32 v0, v4;
	v61 =	vmax.f32 v20, v35;
	v33 =	vpop (erf);
	(pc) =	sbr.rel @p0 .LBB2_3-.Ltmp0, $4  }
0xc0: {  	[tilespmem:s24+$0x0] =	vst v57;
	v29 =	vadd.f32 v3, v6;
	v59 =	vadd.f32 v27, v33;
	v60 =	vmax.f32 v13, v37  }
0xc1: {  	[tilespmem:s24+$0xFFFFFFF0] =	vst v51;
	v36 =	vmax.f32 v61, v44;
	v62 =	vmax.f32 v24, v28;
	v17 =	vpop (erf);
	v39 =	vmax.f32 v60, v43  }
0xc2: {  	s0 =	sadd.s32 $0x40, s0;
	s25 =	smov.u32 s29;
	[tilespmem:s23+$0x0] =	vst v15;
	v63 =	vmax.f32 v38, v29;
	v16 =	vpop (erf);
	(erf) = vrcp.f32 v59;
	v27 =	vsub.f32 v13, v39  }
0xc3: {  	s22 =	smov.u32 s28;
	s24 =	smov.u32 s30;
	[tilespmem:s23+$0xFFFFFFF0] =	vst v54;
	s23 =	smov.u32 s26;
	v40 =	vsub.f32 v37, v39;
	v37 =	vmax.f32 v62, v63;
	v13 =	vmov v42;
	v15 =	vpop (erf)  }
0xc4: {  	v0 =	vsub.f32 v20, v36;
	v1 =	vmul.f32 $1.442695020e+00, v27  }
0xc5: {  	v2 =	vsub.f32 v35, v36;
	v3 =	vmul.f32 $1.442695020e+00, v40  }
0xc6: {  	v42 =	vsub.f32 v24, v37;
	v0 =	vmul.f32 $1.442695020e+00, v0;
	(erf) = vpow2.f32 v1  }
0xc7: {  	v43 =	vsub.f32 v28, v37;
	v2 =	vmul.f32 $1.442695020e+00, v2;
	(erf) = vpow2.f32 v3  }
0xc8: {  	v20 =	vmul.f32 $1.442695020e+00, v42;
	v3 =	vsub.f32 v26, v39;
	(erf) = vpow2.f32 v0  }
0xc9: {  	v44 =	vsub.f32 v34, v36;
	v1 =	vmul.f32 $1.442695020e+00, v43;
	(erf) = vpow2.f32 v2  }
0xca: {  	v45 =	vsub.f32 v38, v37;
	v3 =	vmul.f32 $1.442695020e+00, v3;
	(erf) = vpow2.f32 v20  }
0xcb: {  	v46 =	vsub.f32 v23, v39;
	v0 =	vmul.f32 $1.442695020e+00, v44;
	(erf) = vpow2.f32 v1  }
0xcc: {  	v47 =	vmul.f32 $1.442695020e+00, v45;
	(erf) = vpow2.f32 v3  }
0xcd: {  	v48 =	vmul.f32 $1.442695020e+00, v46;
	v3 =	vsub.f32 v19, v36;
	(erf) = vpow2.f32 v0  }
0xce: {  	v49 =	vpop (erf);
	(erf) = vpow2.f32 v47  }
0xcf: {  	v3 =	vmul.f32 $1.442695020e+00, v3;
	v50 =	vpop (erf);
	(erf) = vpow2.f32 v48  }
0xd0: {  	v54 =	vsub.f32 v29, v37;
	v51 =	vpop (erf)  }
0xd1: {  	(erf) = vpow2.f32 v3;
	v52 =	vpop (erf)  }
0xd2: {  	v23 =	vmul.f32 $1.442695020e+00, v54;
	v53 =	vpop (erf)  }
0xd3: {  	v3 =	vpop (erf)  }
0xd4: {  	(erf) = vpow2.f32 v23;
	v55 =	vpop (erf)  }
0xd5: {  	v14 =	vmul.f32 v17, v14;
	v7 =	vmul.f32 v17, v7;
	v56 =	vadd.f32 v51, v50;
	v57 =	vpop (erf)  }
0xd6: {  	v9 =	vmul.f32 v16, v9;
	v11 =	vmul.f32 v15, v11;
	v59 =	vpop (erf)  }
0xd7: {  	[tilespmem:s29+$0xFFFFFFE0] =	vst v14;
	v0 =	vmul.f32 v49, v33;
	v33 =	vadd.f32 v53, v52;
	v26 =	vadd.f32 v56, v57;
	v61 =	vpop (erf)  }
0xd8: {  	[tilespmem:s25+$0xFFFFFFF0] =	vst v9;
	v63 =	vpop (erf)  }
0xd9: {  	v8 =	vmul.f32 v16, v8;
	[tilespmem:s25+$0x0] =	vst v11;
	v35 =	vadd.f32 v33, v59;
	v26 =	vadd.f32 v26, v63  }
0xda: {  	v34 =	vmul.f32 v17, v12;
	[tilespmem:s22+$0xFFFFFFE0] =	vst v7;
	v37 =	vadd.f32 v55, v3;
	v7 =	vpop (erf)  }
0xdb: {  	v40 =	vmul.f32 v16, v13;
	[tilespmem:s22+$0xFFFFFFF0] =	vst v8;
	v38 =	vadd.f32 v35, v7;
	(erf) = vrcp.f32 v26  }
0xdc: {  	v8 =	vmul.f32 v16, v21;
	[tilespmem:s24+$0xFFFFFFE0] =	vst v34;
	v39 =	vadd.f32 v37, v61  }
0xdd: {  	v42 =	vmul.f32 v15, v10;
	[tilespmem:s24+$0xFFFFFFF0] =	vst v40;
	v41 =	vpop (erf);
	(erf) = vrcp.f32 v38  }
0xde: {  	[tilespmem:s23+$0xFFFFFFF0] =	vst v8;
	v8 =	vmul.f32 v15, v18;
	v12 =	vadd.f32 v39, v41  }
0xdf: {  	v43 =	vmul.f32 v15, v22;
	[tilespmem:s22+$0x0] =	vst v42  }
0xe0: {  	[tilespmem:s24+$0x0] =	vst v8;
	v58 =	vmul.f32 v49, v30;
	(erf) = vrcp.f32 v12  }
0xe1: {  	s0 =	sadd.s32 $0x40, s29;
	v36 =	vmul.f32 v17, v25;
	[tilespmem:s23+$0x0] =	vst v43  }
0xe2: {  	v60 =	vmul.f32 v49, v31;
	[tilespmem:s0+$0x10] =	vst v58  }
0xe3: {  	s21 =	sadd.s32 $0x40, s28;
	v62 =	vmul.f32 v49, v32;
	[tilespmem:s23+$0xFFFFFFE0] =	vst v36  }
0xe4: {  	s29 =	sadd.s32 $0x40, s30;
	[tilespmem:s21+$0x10] =	vst v60;
	v44 =	vpop (erf)  }
0xe5: {  	s26 =	sadd.s32 $0x40, s26;
	[tilespmem:s29+$0x10] =	vst v62;
	v1 =	vmul.f32 v44, v50  }
0xe6: {  	[tilespmem:s26+$0x10] =	vst v0;
	v2 =	vmul.f32 v44, v51;
	v8 =	vpop (erf)  }
0xe7: {  	v46 =	vmul.f32 v8, v52;
	[tilespmem:s0+$0xFFFFFFE0] =	vst v1  }
0xe8: {  	v45 =	vmul.f32 v44, v57;
	[tilespmem:s21+$0xFFFFFFE0] =	vst v2  }
0xe9: {  	v47 =	vmul.f32 v8, v53;
	v49 =	vpop (erf);
	[tilespmem:s0+$0xFFFFFFF0] =	vst v46  }
0xea: {  	v3 =	vmul.f32 v49, v3;
	[tilespmem:s29+$0xFFFFFFE0] =	vst v45  }
0xeb: {  	v0 =	vmul.f32 v44, v63;
	[tilespmem:s21+$0xFFFFFFF0] =	vst v47  }
0xec: {  	v48 =	vmul.f32 v8, v59;
	[tilespmem:s0+$0x0] =	vst v3  }
0xed: {  	v51 =	vmul.f32 v49, v55;
	[tilespmem:s26+$0xFFFFFFE0] =	vst v0  }
0xee: {  	v50 =	vmul.f32 v8, v7;
	[tilespmem:s29+$0xFFFFFFF0] =	vst v48  }
0xef: {  	v52 =	vmul.f32 v49, v61;
	[tilespmem:s21+$0x0] =	vst v51  }
0xf0: {  	v2 =	vmul.f32 v49, v41;
	[tilespmem:s26+$0xFFFFFFF0] =	vst v50  }
0xf1: {  	[tilespmem:s29+$0x0] =	vst v52  }
0xf2: {  	[tilespmem:s26+$0x0] =	vst v2  }
0xf3: {  	v0 =	vld [tilespmem:$0x14040]  }
0xf4: {  	v1 =	vld [tilespmem:$0x14840];
	_ =	sdelay $0x4  }
0xf5: {  	v0 =	vshll.u32 v0, $0x3;
	v1 =	vshll.u32 v1, $0x3  }
0xf6: {  	v53 =	vor.u32 $0x4, v1  }
0xf7: {  	v3 =	vor.u32 $0x1, v0  }
0xf8: {  	v7 =	vor.u32 $0x5, v1  }
0xf9: {  	v8 =	vor.u32 $0x2, v0  }
0xfa: {  	v55 =	vor.u32 $0x6, v1;
	v54 =	vld.idx.msk [tilespmem:v0+s5+$0x0], $0xffff  }
0xfb: {  	v1 =	vor.u32 $0x7, v1;
	v2 =	vld.idx.msk [tilespmem:v53+s5+$0x0], $0xffff  }
0xfc: {  	v0 =	vor.u32 $0x3, v0;
	v3 =	vld.idx.msk [tilespmem:v3+s5+$0x0], $0xffff  }
0xfd: {  	v7 =	vld.idx.msk [tilespmem:v7+s5+$0x0], $0xffff  }
0xfe: {  	v8 =	vld.idx.msk [tilespmem:v8+s5+$0x0], $0xffff  }
0xff: {  	v10 =	vld.idx.msk [tilespmem:v55+s5+$0x0], $0xffff  }
0x100: {  	v1 =	vld.idx.msk [tilespmem:v1+s5+$0x0], $0xffff  }
0x101: {  	v0 =	vld.idx.msk [tilespmem:v0+s5+$0x0], $0xffff;
	_ =	sdelay $0x1  }
0x102: {  	v56 =	vld [tilespmem:$0x1FFF0];
	_ =	sdelay $0x1  }
0x103: {  	v3 =	vadd.f32 v7, v3;
	v7 =	vadd.f32 v10, v8  }
0x104: {  	v2 =	vadd.f32 v2, v54;
	v0 =	vadd.f32 v1, v0  }
0x105: {  	v57 =	vadd.f32 v3, v4;
	v3 =	vadd.f32 v7, v5  }
0x106: {  	v1 =	vadd.f32 v2, v56;
	v0 =	vadd.f32 v0, v6;
	_ =	sdelay $0x1  }
0x107: {  	v7 =	vmax.f32 v1, v57;
	v8 =	vmax.f32 v3, v0  }
0x108: {  	v7 =	vmax.f32 v7, v8  }
0x109: {  	v1 =	vsub.f32 v1, v7  }
0x10a: {  	v2 =	vsub.f32 v57, v7  }
0x10b: {  	v1 =	vmul.f32 $1.442695020e+00, v1  }
0x10c: {  	v3 =	vsub.f32 v3, v7;
	v2 =	vmul.f32 $1.442695020e+00, v2  }
0x10d: {  	(erf) = vpow2.f32 v1  }
0x10e: {  	v0 =	vsub.f32 v0, v7;
	v58 =	vmul.f32 $1.442695020e+00, v3;
	(erf) = vpow2.f32 v2;
	_ =	sdelay $0x1  }
0x10f: {  	v0 =	vmul.f32 $1.442695020e+00, v0;
	(erf) = vpow2.f32 v58;
	_ =	sdelay $0x1  }
0x110: {  	(erf) = vpow2.f32 v0;
	_ =	sdelay $0x3  }
0x111: {  	v59 =	vpop (erf)  }
0x112: {  	v60 =	vpop (erf)  }
0x113: {  	v61 =	vadd.f32 v60, v59  }
0x114: {  	v3 =	vpop (erf)  }
0x115: {  	v2 =	vadd.f32 v61, v3  }
0x116: {  	v7 =	vpop (erf)  }
0x117: {  	v2 =	vadd.f32 v2, v7;
	_ =	sdelay $0x1  }
0x118: {  	(erf) = vrcp.f32 v2;
	_ =	sdelay $0x8  }
0x119: {  	v2 =	vpop (erf)  }
0x11a: {  	v0 =	vmul.f32 v2, v59  }
0x11b: {  	v1 =	vmul.f32 v2, v60  }
0x11c: {  	v62 =	vmul.f32 v2, v3;
	[tilespmem:$0x15040] =	vst v0  }
0x11d: {  	v63 =	vmul.f32 v2, v7;
	[tilespmem:$0x15840] =	vst v1  }
0x11e: {  	[tilespmem:$0x16040] =	vst v62  }
0x11f: {  	s30 =	sadd.s32 s3, s20;
	[tilespmem:$0x16840] =	vst v63  }
0x120: {  	[hbm4b:s30+s5] =	stream.linear.scatter [tilespmem:s14], [sflag:$0x1], $0x7D0, $0x38;
	[tilespmem:$0x16900] =	vst v63  }
0x121: {  	_ =	swait.ge [sflag:s11], $0x7D0  }
0x122: {  	[sflag:s11] =	ssyncset.done $0x0  }
0x123: {  	s20 =	sadd.s32 $0x9C40, s30;
	[sflag:s11] =	ssyncadd.s32 $0xFFFFF830  }
0x124: {  	[hbm4b:s20+s5] =	stream.linear.scatter [tilespmem:s15], [sflag:$0x1], $0x7D0, $0x38;
	[tilespmem:$0x16900] =	vst v63  }
0x125: {  	_ =	swait.ge [sflag:s11], $0x7D0  }
0x126: {  	[sflag:s11] =	ssyncset.done $0x0  }
0x127: {  	s31 =	sadd.s32 $0x13880, s30;
	[sflag:s11] =	ssyncadd.s32 $0xFFFFF830  }
0x128: {  	[hbm4b:s31+s5] =	stream.linear.scatter [tilespmem:s16], [sflag:$0x1], $0x7D0, $0x38;
	[tilespmem:$0x16900] =	vst v63  }
0x129: {  	s19 =	sadd.s32 $0x1, s19;
	_ =	swait.ge [sflag:s11], $0x7D0  }
0x12a: {  	p0 =	sne.s32 s19, $0x5;
	[sflag:s11] =	ssyncset.done $0x0  }
.Ltmp1:
0x12b: {  	s0 =	sadd.s32 $0x1D4C0, s30;
	[sflag:s11] =	ssyncadd.s32 $0xFFFFF830;
	(pc) =	sbr.rel @p0 .LBB2_2-.Ltmp1, $4  }
0x12c: {  	[hbm4b:s0+s5] =	stream.linear.scatter [tilespmem:s17], [sflag:$0x1], $0x7D0, $0x38;
	[tilespmem:$0x16900] =	vst v63  }
0x12d: {  	_ =	swait.ge [sflag:s11], $0x7D0  }
0x12e: {  	[sflag:s11] =	ssyncset.done $0x0  }
0x12f: {  	[sflag:s11] =	ssyncadd.s32 $0xFFFFF830  }
0x130: {  	s18 =	sadd.s32 $0x1, s18  }
0x131: {  	p0 =	sne.s32 s18, s9  }
.Ltmp2:
0x132: {  	_ = 	snop;
	(pc) =	sbr.rel @p0 .LBB2_1-.Ltmp2, $1  }
0x133: {  	_ =	sdelay $0x3  }
0x134: {  	_ =	sfence.sel $0x180000  }
0x135: {  	[bflag:$0x0] =	sbarrier.arrive $0xFFFF  }
0x136: {  	_ =	strace $0x90000047  }
0x137: {  	[bflag:$0x2] =	sbarrier.arrive $0xFFFF  }
0x138: {  	p0 =	sne.s32 s4, $0x0;
	s0 =	rddreg [dreg:$0x4]  }
0x139: {  	s0 =	sadd.s32 @!p0 $0x100000, s0  }
0x13a: {  	[sflag:s0] =	ssyncadd.tile.s32 @!p0 $0x1;
	_ =	shalt  }
.Lfunc_end2:
_tile_overlayer_lowered:
.L_overlay_start_2:
0x13b: {  	(tag) =	ssettag $0x2  }
0x13c: {  	s0 =	rddreg [dreg:$0x0];
	s2 =	stileid.u32  }
0x13d: {  	s1 =	rddreg [dreg:$0x1];
	p0 =	sne.s32 s2, $0x0  }
0x13e: {  	s3 =	rddreg [dreg:$0x2];
	[bflag:$0x3] =	sbarrier.arrive $0xFFFF;
	s2 =	simm.s32 @!p0 $0x1C01  }
0x13f: {  	[timem:s3], [sflag:s2] =	dma.local @!p0 [hbm:s0], s1  }
0x140: {  	s0 =	simm.s32 @!p0 $0x1  }
0x141: {  	_ =	swait.ge @!p0 [sflag:s0], s1  }
0x142: {  	s1 =	ssub.s32 @!p0 $0x0, s1;
	[sflag:s0] =	ssyncset.done @!p0 $0x0  }
0x143: {  	[sflag:s0] =	ssyncadd.s32 @!p0 s1  }
0x144: {  	[bflag:$0x3] =	sbarrier.arrive $0xFFFF  }
0x145: {  	_ =	shalt  }

// kernel: kernel.9.cloned.1.call-start
scs
__scs_entry_jumppad:
0x0: {  	(pc) =	sbr.rel $0x88, $3  }
0x1: {  	(tag) =	ssettag $0x0;
	lr =	simm.s32 $0x1  }
0x2: {  	[smem:$0x3F99] =	sst lr;
	_ =	strace $0xD0000000  }
0x3: {  	_ = 	snop  }
0x4: {  	_ = 	snop  }
0x5: {  	_ = 	snop  }
0x6: {  	_ = 	snop  }
0x7: {  	_ = 	snop  }
__scs_overlays_trampoline_lowered:
0x8: {  	[smem:$0x3FA8] =	sst s0  }
0x9: {  	[smem:$0x3FA9] =	sst s1  }
0xa: {  	[smem:$0x3FAA] =	sst s2  }
0xb: {  	[smem:$0x3FAB] =	sst s3  }
0xc: {  	[smem:$0x3FAC] =	sst s4  }
0xd: {  	[smem:$0x3FAD] =	sst s5  }
0xe: {  	[smem:$0x3FAE] =	sst s6  }
0xf: {  	[smem:$0x3FAF] =	sst s7  }
0x10: {  	[smem:$0x3FB0] =	sst s8  }
0x11: {  	[smem:$0x3FB1] =	sst s9;
	s0 =	simm.s32 @!p0 $0x0  }
0x12: {  	s1 =	sld [smem:$0x3F97];
	s0 =	simm.s32 @p0 $0x1  }
0x13: {  	[smem:$0x3FB2] =	sst s0;
	s0 =	simm.s32 @!p1 $0x0  }
0x14: {  	s2 =	sld [smem:$0x3F96];
	s0 =	simm.s32 @p1 $0x1  }
0x15: {  	[smem:$0x3FB3] =	sst s0;
	s0 =	simm.s32 @!p2 $0x0  }
0x16: {  	s3 =	sld [smem:$0x3FDB];
	s0 =	simm.s32 @p2 $0x1  }
0x17: {  	s4 =	simm.s32 $0x1BF5;
	[smem:$0x3FB5] =	sst s0  }
0x18: {  	s0 =	sld [smem:$0x3F98];
	_ =	swait.ge [sflag:s4], $0x0  }
0x19: {  	s7 =	sld [smem:$0x3F99]  }
0x1a: {  	s8 =	sadd.s32 $0xFFFFE003, lr  }
0x1b: {  	s9 =	sadd.s32 $0xFFFFFEF7, lr;
	s5 =	simm.s32 $0xFFFFFFFF;
	p2 =	slt.u32 s8, $0xFFFFF086  }
0x1c: {  	p1 =	slt.u32 s9, $0xF7A;
	s5 =	simm.s32 @!p2 $0x0  }
0x1d: {  	s5 =	simm.s32 @p1 $0x1;
	p0 =	seq.s32 s7, s2  }
0x1e: {  	s7 =	smul.u32 @!p0 $0xF7A, s2;
	p2 =	seq.s32 @!p0 s5, $0x0  }
0x1f: {  	s9 =	smul.u32 $0xF7A, s1;
	s8 =	simm.s32 @!p0 $0x1BF5;
	p2 =	por !p2, p0  }
0x20: {  	[sflag:s8] =	ssyncset.s32 @!p0 $0xFFFFF086;
	s6 =	sadd.s32 @!p0 s3, s7;
	s7 =	simm.s32 @!p0 $0x108  }
0x21: {  	s3 =	sadd.s32 s3, s9;
	s6 =	sadd.s32 @!p0 $0x88, s6;
	s7 =	simm.s32 @p2 $0x1082  }
0x22: {  	[simem:s7], [sflag:s8] =	dma.local @!p0 [hbm:s6], $0xF7A  }
0x23: {  	s9 =	sor.u32 $0xD0000000, s2;
	s6 =	simm.s32 $0x108;
	_ =	swait.ge @!p0 [sflag:s8], $0x0  }
0x24: {  	s3 =	sadd.s32 $0x88, s3;
	s6 =	simm.s32 @!p1 $0x1082;
	[sflag:s4] =	ssyncset.s32 $0xFFFFF086  }
0x25: {  	[simem:s6], [sflag:s4] =	dma.local [hbm:s3], $0xF7A  }
0x26: {  	[smem:$0x3F99] =	sst s1;
	(tag) =	ssettag s2;
	_ =	strace s9  }
0x27: {  	s1 =	sld [smem:$0x3FA9]  }
0x28: {  	s2 =	sld [smem:$0x3FAA]  }
0x29: {  	s4 =	sld [smem:$0x3FAC]  }
0x2a: {  	p0 =	seq.s32 s5, $0x0;
	s5 =	sld [smem:$0x3FAD]  }
0x2b: {  	s6 =	sld [smem:$0x3FAE]  }
0x2c: {  	s7 =	sld [smem:$0x3FAF]  }
0x2d: {  	s3 =	simm.s32 $0x108;
	s8 =	sld [smem:$0x3FB0]  }
0x2e: {  	s3 =	simm.s32 @!p0 $0x1082;
	s9 =	sld [smem:$0x3FB1]  }
0x2f: {  	lr =	sadd.s32 s0, s3;
	s0 =	sld [smem:$0x3FA8]  }
0x30: {  	s3 =	sld [smem:$0x3FAB]  }
0x31: {  	[smem:$0x3FB4] =	sst s10  }
0x32: {  	s10 =	sld [smem:$0x3FB2];
	_ =	sdelay $0x3  }
0x33: {  	p0 =	seq.s32 s10, $0x1;
	s10 =	sld [smem:$0x3FB4];
	_ =	sdelay $0x3  }
0x34: {  	[smem:$0x3FB4] =	sst s10  }
0x35: {  	s10 =	sld [smem:$0x3FB3];
	_ =	sdelay $0x3  }
0x36: {  	p1 =	seq.s32 s10, $0x1;
	s10 =	sld [smem:$0x3FB4];
	_ =	sdelay $0x3  }
0x37: {  	[smem:$0x3FB4] =	sst s10  }
0x38: {  	s10 =	sld [smem:$0x3FB5]  }
0x39: {  	_ = 	snop;
	(pc) =	sbr.ind lr, $3  }
0x3a: {  	_ = 	snop  }
0x3b: {  	_ = 	snop  }
0x3c: {  	p2 =	seq.s32 s10, $0x1;
	s10 =	sld [smem:$0x3FB4]  }
0x3d: {  	_ =	shalt  }
0x3e: {  	_ =	shalt  }
0x3f: {  	_ =	shalt  }
0x40: {  	_ =	shalt  }
0x41: {  	_ =	shalt  }
0x42: {  	_ =	shalt  }
0x43: {  	_ =	shalt  }
0x44: {  	_ =	shalt  }
0x45: {  	_ =	shalt  }
0x46: {  	_ =	shalt  }
0x47: {  	_ =	shalt  }
0x48: {  	_ =	shalt  }
0x49: {  	_ =	shalt  }
0x4a: {  	_ =	shalt  }
0x4b: {  	_ =	shalt  }
0x4c: {  	_ =	shalt  }
0x4d: {  	_ =	shalt  }
0x4e: {  	_ =	shalt  }
0x4f: {  	_ =	shalt  }
0x50: {  	_ =	shalt  }
0x51: {  	_ =	shalt  }
0x52: {  	_ =	shalt  }
0x53: {  	_ =	shalt  }
0x54: {  	_ =	shalt  }
0x55: {  	_ =	shalt  }
0x56: {  	_ =	shalt  }
0x57: {  	_ =	shalt  }
0x58: {  	_ =	shalt  }
0x59: {  	_ =	shalt  }
0x5a: {  	_ =	shalt  }
0x5b: {  	_ =	shalt  }
0x5c: {  	_ =	shalt  }
0x5d: {  	_ =	shalt  }
0x5e: {  	_ =	shalt  }
0x5f: {  	_ =	shalt  }
0x60: {  	_ =	shalt  }
0x61: {  	_ =	shalt  }
0x62: {  	_ =	shalt  }
0x63: {  	_ =	shalt  }
0x64: {  	_ =	shalt  }
0x65: {  	_ =	shalt  }
0x66: {  	_ =	shalt  }
0x67: {  	_ =	shalt  }
0x68: {  	_ =	shalt  }
0x69: {  	_ =	shalt  }
0x6a: {  	_ =	shalt  }
0x6b: {  	_ =	shalt  }
0x6c: {  	_ =	shalt  }
0x6d: {  	_ =	shalt  }
0x6e: {  	_ =	shalt  }
0x6f: {  	_ =	shalt  }
0x70: {  	_ =	shalt  }
0x71: {  	_ =	shalt  }
0x72: {  	_ =	shalt  }
0x73: {  	_ =	shalt  }
0x74: {  	_ =	shalt  }
0x75: {  	_ =	shalt  }
0x76: {  	_ =	shalt  }
0x77: {  	_ =	shalt  }
0x78: {  	_ =	shalt  }
0x79: {  	_ =	shalt  }
0x7a: {  	_ =	shalt  }
0x7b: {  	_ =	shalt  }
0x7c: {  	_ =	shalt  }
0x7d: {  	_ =	shalt  }
0x7e: {  	_ =	shalt  }
0x7f: {  	_ =	shalt  }
0x80: {  	_ =	shalt  }
0x81: {  	_ =	shalt  }
0x82: {  	_ =	shalt  }
0x83: {  	_ =	shalt  }
0x84: {  	_ =	shalt  }
0x85: {  	_ =	shalt  }
0x86: {  	_ =	shalt  }
0x87: {  	_ =	shalt  }
.Lfunc_end0:
.L_simem_size_0:
called_computation.1_lowered:
.L_overlay_start_0:
0x88: {  	s2 =	sld [smem:$0x3FD9]  }
0x89: {  	s3 =	sld [smem:$0x3FFE];
	_ =	sdelay $0x1  }
0x8a: {  	s1 =	srdreg.scid  }
0x8b: {  	s0 =	sand.u32 $0x1, s1  }
0x8c: {  	s14 =	sshll.u32 s0, $0xA;
	s2 =	sadd.s32 s3, s2  }
0x8d: {  	s2 =	sadd.s32 s2, s14  }
0x8e: {  	[smem:$0x3FC0] =	sst s2  }
0x8f: {  	_ = 	snop  }
0x90: {  	s2 =	sld [smem:$0x3FD0];
	_ =	sdelay $0x2  }
0x91: {  	s4 =	simm.s32 $0xA;
	s5 =	simm.s32 $0x10;
	s15 =	sld [smem:$0x3FC9]  }
0x92: {  	[smem:s5], [sflag:s4] =	dma.local [hbm:s2], $0x1  }
0x93: {  	_ =	swait.eq [sflag:s4], $0x1  }
0x94: {  	s16 =	sld [smem:$0x10];
	[sflag:s4] =	ssyncset.done $0x0  }
0x95: {  	s17 =	sld [smem:$0x11];
	[sflag:s4] =	ssyncadd.s32 $0xFFFFFFFF  }
0x96: {  	s18 =	sld [smem:$0x12];
	(tm) =	ssettm $0x1  }
0x97: {  	s6 =	sld [smem:$0x3FFB];
	_ =	sdelay $0x3  }
0x98: {  	_ =	strace s6  }
0x99: {  	s6 =	sld [smem:$0x3FFC];
	_ =	sdelay $0x3  }
0x9a: {  	_ =	strace s6  }
0x9b: {  	s6 =	sld [smem:$0x3FFD];
	_ =	sdelay $0x3  }
0x9c: {  	_ =	strace s6  }
0x9d: {  	_ =	strace $0x8FFFFFFF  }
0x9e: {  	s19 =	sld [smem:$0x3FDB];
	_ =	sdelay $0x1  }
0x9f: {  	s7 =	simm.s32 $_scs_section_size  }
0xa0: {  	s8 =	simm.s32 $_size__tile_overlayer_lowered;
	s9 =	simm.s32 $_tile_overlayer_lowered  }
0xa1: {  	s22 =	simm.s32 $0x1BFF;
	s21 =	sshll.u32 s9, $0x1;
	s6 =	sadd.s32 s7, s19  }
0xa2: {  	s10 =	simm.s32 $0x0;
	s20 =	sshll.u32 s8, $0x1;
	s8 =	sadd.s32 s21, s6  }
0xa3: {  	[timem:s10], [sflag:s22] =	dma.local [hbm:s8], s20  }
0xa4: {  	_ =	swait.ge [sflag:s22], s20  }
0xa5: {  	s7 =	ssub.s32 $0x0, s20;
	[sflag:s22] =	ssyncset.done $0x0  }
0xa6: {  	[sflag:s22] =	ssyncadd.s32 s7;
	_ =	sdelay $0x1  }
0xa7: {  	s23 =	simm.s32 $0x1B8B  }
0xa8: {  	_ =	swait.ge [sflag:s23], $0x1  }
0xa9: {  	[sflag:s23] =	ssyncset.done $0x0  }
0xaa: {  	s25 =	simm.s32 $0x1B8E;
	s24 =	sld [smem:$0x3FFE];
	[sflag:s23] =	ssyncadd.s32 $0xFFFFFFFF  }
0xab: {  	s26 =	simm.s32 $execute0_lowered;
	[smem:$0x3FD2] =	sst s25  }
0xac: {  	s8 =	sshll.u32 s26, $0x1;
	_ =	strace $0x80000049;
	[dreg:$0x1] =	wrdreg $0xFFFFFFFF  }
0xad: {  	s28 =	simm.s32 $_size_execute0_lowered;
	s6 =	sadd.s32 s6, s8;
	[dreg:$0x0] =	wrdreg $0x0  }
0xae: {  	s8 =	sshll.u32 s28, $0x1;
	[dreg:$0x2] =	wrdreg s6  }
0xaf: {  	[dreg:$0x3] =	wrdreg s8  }
0xb0: {  	[dreg:$0x4] =	wrdreg $0xC0  }
0xb1: {  	_ =	task [dreg:s10], $0x5FFFF  }
0xb2: {  	[dreg:$0x1] =	wrdreg $0xFFFFFFFF  }
0xb3: {  	[dreg:$0x0] =	wrdreg $0x60  }
0xb4: {  	[dreg:$0x2] =	wrdreg s15  }
0xb5: {  	[dreg:$0x3] =	wrdreg s16  }
0xb6: {  	[dreg:$0x4] =	wrdreg s18  }
0xb7: {  	[dreg:$0x5] =	wrdreg s17  }
0xb8: {  	[dreg:$0x6] =	wrdreg s24  }
0xb9: {  	[dreg:$0x7] =	wrdreg $0x0  }
0xba: {  	[dreg:$0x8] =	wrdreg $0x9  }
0xbb: {  	_ =	task.clear_ibuf [dreg:s10], $0x9FFFF;
	_ =	strace $0x90000049  }
0xbc: {  	s29 =	simm.s32 $0x9;
	_ =	strace $0x8000004B  }
0xbd: {  	_ =	swait.ge [sflag:s29], $0x1  }
0xbe: {  	[sflag:s29] =	ssyncadd.s32 $0xFFFFFFFF  }
0xbf: {  	_ =	strace $0x9000004B  }
0xc0: {  	_ =	sfence  }
0xc1: {  	s30 =	sld [smem:$0x0];
	_ =	sdelay $0x2  }
0xc2: {  	s31 =	sshll.u32 s1, $0xD;
	s1 =	sshrl.u32 s1, $0x2  }
0xc3: {  	s3 =	sand.u32 $0x4000, s31;
	s1 =	sadd.s32 s1, s30  }
0xc4: {  	s0 =	sor.u32 s3, s0;
	s1 =	sshll.u32 s1, $0x11  }
0xc5: {  	s0 =	sor.u32 s1, s0  }
0xc6: {  	s0 =	sadd.s32 $0x8F2B, s0  }
0xc7: {  	[sflag:s0] =	ssyncadd.remote.s32 $0x1  }
0xc8: {  	_ =	sfence.sel $0xFFFF  }
0xc9: {  	[dreg:$0x0] =	wrdreg $0xFFFFFFFF;
	(pc) =	sbr.abs _section_cstart, $3  }
0xca: {  	[dreg:$0x1] =	wrdreg $0xFFFFFFFF  }
0xcb: {  	_ =	task.clear_ibuf [dreg:s10], $0x2FFFF;
	_ =	strace $0x9FFFFFFF  }
0xcc: {  	(tm) =	ssettm $0x7FFFFFFF  }
0xcd: {  	_ =	shalt  }
tec
execute0_lowered:
.L_overlay_start_1:
0x0: {  	(tag) =	ssettag $0x1  }
0x1: {  	s1 =	rddreg [dreg:$0x0]  }
0x2: {  	s20 =	rddreg [dreg:$0x1]  }
0x3: {  	s21 =	rddreg [dreg:$0x2]  }
0x4: {  	s23 =	rddreg [dreg:$0x3]  }
0x5: {  	s0 =	rddreg [dreg:$0x4]  }
0x6: {  	s6 =	rddreg [dreg:$0x5];
	s22 =	stileid.u32  }
0x7: {  	s2 =	srdreg.scid;
	s7 =	simm.s32 $0x0;
	s3 =	smul.u32 $0x5000, s22  }
0x8: {  	s4 =	sor.u32 $0x10, s22;
	s2 =	sand.u32 $0x1, s2;
	s9 =	smul.u32 $0x6400, s22  }
0x9: {  	[smem:$0x7FF] =	sst s7;
	s0 =	sadd.s32 $0x1600, s0;
	s5 =	smul.u32 $0x5000, s4  }
0xa: {  	s11 =	sor.u32 $0x20, s22;
	s14 =	sor.u32 $0x30, s22;
	s8 =	smul.u32 $0x271000, s2  }
0xb: {  	p0 =	sgt.u32 s22, $0x9;
	p1 =	sgt.u32 s22, $0x1;
	s12 =	smul.u32 $0x6400, s4  }
0xc: {  	_ =	strace $0x8000004A;
	s10 =	ssub.s32 $0x2, s2;
	s15 =	smul.u32 $0x6400, s11  }
0xd: {  	s16 =	smul.u32 $0x6400, s14;
	s17 =	sshllo.u32 s2, $0x1;
	s13 =	sshrl.u32 s10, $0x1  }
0xe: {  	s3 =	sshrl.u32 s3, $0x2;
	s29 =	smul.u32 $0x138800, s17;
	s10 =	ssub.s32 s10, s13  }
0xf: {  	s24 =	sadd.s32 s3, s6;
	s31 =	sadd.s32 s9, s8;
	s18 =	sadd.s32 s8, s12  }
0x10: {  	s19 =	sadd.s32 s8, s15;
	s8 =	sadd.s32 s8, s16;
	s9 =	sadd.s32 s9, s29  }
0x11: {  	s12 =	sadd.s32 s12, s29;
	s3 =	sadd.s32 s16, s29;
	s13 =	sshrl.u32 s31, $0x3  }
0x12: {  	s18 =	sshrl.u32 s18, $0x3;
	[dreg:$0x7] =	wrdreg s24;
	s13 =	sadd.s32 s0, s13  }
0x13: {  	s8 =	sshrl.u32 s8, $0x3;
	s26 =	sadd.s32 s0, s18;
	[dreg:$0x8] =	wrdreg s13  }
0x14: {  	s16 =	smul.u32 $0x4E20, s22;
	s8 =	sadd.s32 s0, s8;
	[dreg:$0x9] =	wrdreg s26  }
0x15: {  	s15 =	sadd.s32 s15, s29;
	s28 =	sshrl.u32 s19, $0x3;
	[dreg:$0xb] =	wrdreg s8  }
0x16: {  	s9 =	sshrl.u32 s9, $0x3;
	s13 =	sadd.s32 s0, s28;
	[dreg:$0x11] =	wrdreg s16  }
0x17: {  	s31 =	sshrl.u32 s12, $0x3;
	s29 =	sadd.s32 s0, s9;
	[dreg:$0xa] =	wrdreg s13  }
0x18: {  	s18 =	smul.u32 $0x9C400, s2;
	s8 =	sadd.s32 s0, s31;
	[dreg:$0xc] =	wrdreg s29  }
0x19: {  	s25 =	smul.u32 $0x5000, s11;
	s9 =	sshrl.u32 s15, $0x3;
	[dreg:$0xd] =	wrdreg s8  }
0x1a: {  	s28 =	smul.u32 $0x19000, s22;
	s22 =	sadd.s32 $0xB4000, s24;
	[dreg:$0x13] =	wrdreg s18  }
0x1b: {  	s3 =	sshrl.u32 s3, $0x3;
	s8 =	sadd.s32 s0, s9;
	[smem:$0x7F7] =	sst s22  }
0x1c: {  	s5 =	sshrl.u32 s5, $0x2;
	s0 =	sadd.s32 s0, s3;
	[dreg:$0xe] =	wrdreg s8  }
0x1d: {  	s15 =	sshrl.u32 s25, $0x2;
	s13 =	sadd.s32 s5, s6;
	[dreg:$0xf] =	wrdreg s0  }
0x1e: {  	s25 =	sshrl.u32 s16, $0x3;
	s3 =	sadd.s32 s15, s6;
	[dreg:$0x10] =	wrdreg s13  }
0x1f: {  	s26 =	sadd.s32 s20, s25;
	[dreg:$0x12] =	wrdreg s3  }
0x20: {  	s2 =	sadd.s32 s21, s25;
	[dreg:$0x15] =	wrdreg s26  }
0x21: {  	s19 =	smul.u32 $0x19000, s4;
	s20 =	sadd.s32 $0x8C000, s24;
	[dreg:$0x16] =	wrdreg s2  }
0x22: {  	s12 =	smul.u32 $0x5000, s14;
	s21 =	sadd.s32 $0xA0000, s24;
	[smem:$0x7F5] =	sst s20  }
0x23: {  	s31 =	smul.u32 $0x19000, s11;
	s25 =	sadd.s32 $0xDC000, s24;
	[smem:$0x7F6] =	sst s21  }
0x24: {  	s8 =	smul.u32 $0x4E200, s17;
	s17 =	sadd.s32 $0x50000, s24;
	[smem:$0x7F9] =	sst s25  }
0x25: {  	s3 =	sadd.s32 s16, s18;
	s18 =	sadd.s32 $0x64000, s24;
	[dreg:$0x1f] =	wrdreg s17  }
0x26: {  	s0 =	sshrl.u32 s12, $0x2;
	s26 =	sadd.s32 $0xF0000, s24;
	[smem:$0x7F3] =	sst s18  }
0x27: {  	s4 =	sshrl.u32 s28, $0x2;
	s28 =	sadd.s32 $0x104000, s24;
	[smem:$0x7FA] =	sst s26  }
0x28: {  	s11 =	sshrl.u32 s31, $0x2;
	s31 =	sadd.s32 $0x12C000, s24;
	[smem:$0x7FB] =	sst s28  }
0x29: {  	s0 =	sadd.s32 s0, s6;
	[smem:$0x7FD] =	sst s31  }
0x2a: {  	s29 =	sshrl.u32 s3, $0x3;
	[dreg:$0x14] =	wrdreg s0  }
0x2b: {  	s30 =	simm.s32 $0x5;
	s2 =	sadd.s32 s23, s29;
	[dreg:$0x18] =	wrdreg s8  }
0x2c: {  	s12 =	sadd.s32 s16, s8;
	s16 =	smax.u32 s10, $0x1;
	[dreg:$0x17] =	wrdreg s2  }
0x2d: {  	s0 =	sshrl.u32 s19, $0x2;
	s19 =	sadd.s32 $0x78000, s24;
	[dreg:$0x1e] =	wrdreg s16  }
0x2e: {  	s9 =	smul.u32 $0x19000, s14;
	s29 =	sadd.s32 $0x118000, s24;
	[smem:$0x7F4] =	sst s19  }
0x2f: {  	s22 =	simm.s32 $0x1;
	s2 =	sadd.s32 s4, s6;
	[smem:$0x7FC] =	sst s29  }
0x30: {  	s0 =	sadd.s32 s0, s6;
	s14 =	sshrl.u32 s12, $0x3;
	[dreg:$0x19] =	wrdreg s2  }
.Ltmp0:
0x31: {  	[dreg:$0x1a] =	wrdreg s0;
	s0 =	sadd.s32 s11, s6;
	(pc) =	sbr.rel .LBB2_1-.Ltmp0, $4  }
0x32: {  	s13 =	sshrl.u32 s9, $0x2;
	s15 =	sadd.s32 s23, s14;
	[dreg:$0x1b] =	wrdreg s0  }
0x33: {  	s17 =	simm.s32 $0x50;
	s23 =	sadd.s32 $0xC8000, s24;
	[dreg:$0x1d] =	wrdreg s15  }
0x34: {  	s3 =	simm.s32 $0x0;
	s0 =	sadd.s32 s13, s6;
	[smem:$0x7F8] =	sst s23  }
0x35: {  	v0 =	vimm.f32 $0.0e+00;
	s23 =	simm.s32 $0x2;
	[dreg:$0x1c] =	wrdreg s0;
	s0 =	simm.s32 $0x14580  }
.LBB2_39:
0x36: {  	s2 =	simm.s32 $0x3  }
0x37: {  	_ =	swait.ge [sflag:s2], $0x2800  }
0x38: {  	[sflag:s2] =	ssyncset.done $0x0  }
0x39: {  	s20 =	simm.s32 $0x4;
	[sflag:s2] =	ssyncadd.s32 $0xFFFFD800  }
0x3a: {  	_ =	swait.ge [sflag:s20], $0x2800  }
0x3b: {  	[sflag:s20] =	ssyncset.done $0x0  }
0x3c: {  	[sflag:s20] =	ssyncadd.s32 $0xFFFFD800  }
0x3d: {  	[bflag:$0x0] =	sbarrier.arrive $0xFFFF  }
0x3e: {  	s3 =	sld [smem:$0x7EE]  }
0x3f: {  	s4 =	sld [smem:$0x7EB];
	_ =	sdelay $0x1  }
0x40: {  	s21 =	rddreg [dreg:$0xc]  }
0x41: {  	[hbm:s21], [sflag:s3] =	dma.local [spmem:s4], $0xC80  }
0x42: {  	_ =	swait.ge [sflag:s30], $0xC80  }
0x43: {  	s25 =	sld [smem:$0x7EC]  }
0x44: {  	[sflag:s30] =	ssyncset.done $0x0  }
0x45: {  	s24 =	rddreg [dreg:$0xd];
	[sflag:s30] =	ssyncadd.s32 $0xFFFFF380  }
0x46: {  	[hbm:s24], [sflag:s3] =	dma.local [spmem:s25], $0xC80  }
0x47: {  	_ =	swait.ge [sflag:s30], $0xC80  }
0x48: {  	s28 =	sld [smem:$0x7ED]  }
0x49: {  	[sflag:s30] =	ssyncset.done $0x0  }
0x4a: {  	s26 =	rddreg [dreg:$0xe];
	[sflag:s30] =	ssyncadd.s32 $0xFFFFF380  }
0x4b: {  	[hbm:s26], [sflag:s3] =	dma.local [spmem:s28], $0xC80  }
0x4c: {  	_ =	swait.ge [sflag:s30], $0xC80  }
0x4d: {  	s4 =	sld [smem:$0x7EF]  }
0x4e: {  	[sflag:s30] =	ssyncset.done $0x0  }
0x4f: {  	s2 =	rddreg [dreg:$0xf];
	[sflag:s30] =	ssyncadd.s32 $0xFFFFF380  }
0x50: {  	[hbm:s2], [sflag:s3] =	dma.local @!p1 [spmem:s4], $0xC80  }
0x51: {  	s2 =	simm.s32 @!p1 $0x5  }
0x52: {  	_ =	swait.ge @!p1 [sflag:s2], $0xC80  }
0x53: {  	s29 =	sld [smem:$0x7F2];
	_ =	sdelay $0x2  }
0x54: {  	s31 =	rddreg [dreg:$0x1e];
	s3 =	sadd.s32 $0x1, s29  }
0x55: {  	p2 =	sne.s32 s3, s31  }
.Ltmp1:
0x56: {  	_ = 	snop;
	(pc) =	sbr.rel @!p2 .LBB2_40-.Ltmp1, $3  }
0x57: {  	[sflag:s2] =	ssyncset.done @!p1 $0x0  }
0x58: {  	[sflag:s2] =	ssyncadd.s32 @!p1 $0xFFFFF380  }
0x59: {  	[bflag:$0x0] =	sbarrier.arrive $0xFFFF;
	_ =	sdelay $0x1  }
.LBB2_1:
0x5a: {  	[smem:$0x7F2] =	sst s3;
	s2 =	simm.s32 $0x0;
	s3 =	simm.s32 $0x200  }
.LBB2_2:
0x5b: {  	p2 =	sne.s32 s3, $0x4E00;
	[tilespmem:s2+$0x1EC70] =	vst v0  }
0x5c: {  	[tilespmem:s2+$0x1EC00] =	vst v0  }
0x5d: {  	[tilespmem:s2+$0x1EC10] =	vst v0  }
.Ltmp2:
0x5e: {  	[tilespmem:s2+$0x1EC20] =	vst v0;
	(pc) =	sbr.rel @p2 .LBB2_2-.Ltmp2, $4  }
0x5f: {  	[tilespmem:s2+$0x1EC30] =	vst v0  }
0x60: {  	[tilespmem:s2+$0x1EC40] =	vst v0  }
0x61: {  	[tilespmem:s2+$0x1EC50] =	vst v0  }
0x62: {  	[tilespmem:s2+$0x1EC60] =	vst v0;
	s2 =	sshra.s32 s3, $0x2;
	s3 =	sadd.s32 $0x200, s3  }
0x63: {  	[tilespmem:s2+$0x1EC70] =	vst v0  }
0x64: {  	[tilespmem:s2+$0x1EC00] =	vst v0  }
0x65: {  	[tilespmem:s2+$0x1EC10] =	vst v0  }
0x66: {  	[tilespmem:s2+$0x1EC20] =	vst v0  }
0x67: {  	[tilespmem:s2+$0x1EC30] =	vst v0  }
0x68: {  	[tilespmem:s2+$0x1EC40] =	vst v0  }
0x69: {  	[tilespmem:s2+$0x1EC50] =	vst v0  }
0x6a: {  	[tilespmem:s2+$0x1EC60] =	vst v0;
	s31 =	rddreg [dreg:$0x7];
	s3 =	simm.s32 $0x1EC00  }
0x6b: {  	[spmem:s31] =	stream.linear.scatter [tilespmem:s3], [sflag:$0x5], $0x1400, $0x38;
	v63 =	vld [tilespmem:$0x0]  }
0x6c: {  	_ =	swait.ge [sflag:s30], $0x1400  }
0x6d: {  	[sflag:s30] =	ssyncset.done $0x0  }
0x6e: {  	s4 =	rddreg [dreg:$0x10];
	[sflag:s30] =	ssyncadd.s32 $0xFFFFEC00  }
0x6f: {  	[spmem:s4] =	stream.linear.scatter [tilespmem:s3], [sflag:$0x5], $0x1400, $0x38;
	v63 =	vld [tilespmem:$0x0]  }
0x70: {  	_ =	swait.ge [sflag:s30], $0x1400  }
0x71: {  	[sflag:s30] =	ssyncset.done $0x0  }
0x72: {  	s5 =	rddreg [dreg:$0x12];
	[sflag:s30] =	ssyncadd.s32 $0xFFFFEC00  }
0x73: {  	[spmem:s5] =	stream.linear.scatter [tilespmem:s3], [sflag:$0x5], $0x1400, $0x38;
	v63 =	vld [tilespmem:$0x0]  }
0x74: {  	_ =	swait.ge [sflag:s30], $0x1400  }
0x75: {  	[sflag:s30] =	ssyncset.done $0x0  }
0x76: {  	s8 =	rddreg [dreg:$0x14];
	[sflag:s30] =	ssyncadd.s32 $0xFFFFEC00  }
0x77: {  	[spmem:s8] =	stream.linear.scatter [tilespmem:s3], [sflag:$0x5], $0x1400, $0x38;
	v63 =	vld [tilespmem:$0x0]  }
0x78: {  	_ =	swait.ge [sflag:s30], $0x1400  }
0x79: {  	[sflag:s30] =	ssyncset.done $0x0  }
0x7a: {  	s9 =	rddreg [dreg:$0x1f];
	[sflag:s30] =	ssyncadd.s32 $0xFFFFEC00  }
0x7b: {  	[spmem:s9] =	stream.linear.scatter [tilespmem:s3], [sflag:$0x5], $0x1400, $0x38;
	v63 =	vld [tilespmem:$0x0]  }
0x7c: {  	_ =	swait.ge [sflag:s30], $0x1400  }
0x7d: {  	s10 =	sld [smem:$0x7F3]  }
0x7e: {  	[sflag:s30] =	ssyncset.done $0x0  }
0x7f: {  	[sflag:s30] =	ssyncadd.s32 $0xFFFFEC00  }
0x80: {  	[spmem:s10] =	stream.linear.scatter [tilespmem:s3], [sflag:$0x5], $0x1400, $0x38;
	v63 =	vld [tilespmem:$0x0]  }
0x81: {  	_ =	swait.ge [sflag:s30], $0x1400  }
0x82: {  	s11 =	sld [smem:$0x7F4]  }
0x83: {  	[sflag:s30] =	ssyncset.done $0x0  }
0x84: {  	[sflag:s30] =	ssyncadd.s32 $0xFFFFEC00  }
0x85: {  	[spmem:s11] =	stream.linear.scatter [tilespmem:s3], [sflag:$0x5], $0x1400, $0x38;
	v63 =	vld [tilespmem:$0x0]  }
0x86: {  	_ =	swait.ge [sflag:s30], $0x1400  }
0x87: {  	s12 =	sld [smem:$0x7F5]  }
0x88: {  	[sflag:s30] =	ssyncset.done $0x0  }
0x89: {  	[sflag:s30] =	ssyncadd.s32 $0xFFFFEC00  }
0x8a: {  	[spmem:s12] =	stream.linear.scatter [tilespmem:s3], [sflag:$0x5], $0x1400, $0x38;
	v63 =	vld [tilespmem:$0x0]  }
0x8b: {  	_ =	swait.ge [sflag:s30], $0x1400  }
0x8c: {  	s13 =	sld [smem:$0x7F6]  }
0x8d: {  	[sflag:s30] =	ssyncset.done $0x0  }
0x8e: {  	[sflag:s30] =	ssyncadd.s32 $0xFFFFEC00  }
0x8f: {  	[spmem:s13] =	stream.linear.scatter [tilespmem:s3], [sflag:$0x5], $0x1400, $0x38;
	v63 =	vld [tilespmem:$0x0]  }
0x90: {  	_ =	swait.ge [sflag:s30], $0x1400  }
0x91: {  	s14 =	sld [smem:$0x7F7]  }
0x92: {  	[sflag:s30] =	ssyncset.done $0x0  }
0x93: {  	[sflag:s30] =	ssyncadd.s32 $0xFFFFEC00  }
0x94: {  	[spmem:s14] =	stream.linear.scatter [tilespmem:s3], [sflag:$0x5], $0x1400, $0x38;
	v63 =	vld [tilespmem:$0x0]  }
0x95: {  	_ =	swait.ge [sflag:s30], $0x1400  }
0x96: {  	s15 =	sld [smem:$0x7F8]  }
0x97: {  	[sflag:s30] =	ssyncset.done $0x0  }
0x98: {  	[sflag:s30] =	ssyncadd.s32 $0xFFFFEC00  }
0x99: {  	[spmem:s15] =	stream.linear.scatter [tilespmem:s3], [sflag:$0x5], $0x1400, $0x38;
	v63 =	vld [tilespmem:$0x0]  }
0x9a: {  	_ =	swait.ge [sflag:s30], $0x1400  }
0x9b: {  	s16 =	sld [smem:$0x7F9]  }
0x9c: {  	[sflag:s30] =	ssyncset.done $0x0  }
0x9d: {  	[sflag:s30] =	ssyncadd.s32 $0xFFFFEC00  }
0x9e: {  	[spmem:s16] =	stream.linear.scatter [tilespmem:s3], [sflag:$0x5], $0x1400, $0x38;
	v63 =	vld [tilespmem:$0x0]  }
0x9f: {  	_ =	swait.ge [sflag:s30], $0x1400  }
0xa0: {  	s18 =	sld [smem:$0x7FA]  }
0xa1: {  	[sflag:s30] =	ssyncset.done $0x0  }
0xa2: {  	[sflag:s30] =	ssyncadd.s32 $0xFFFFEC00  }
0xa3: {  	[spmem:s18] =	stream.linear.scatter [tilespmem:s3], [sflag:$0x5], $0x1400, $0x38;
	v63 =	vld [tilespmem:$0x0]  }
0xa4: {  	_ =	swait.ge [sflag:s30], $0x1400  }
0xa5: {  	s19 =	sld [smem:$0x7FB]  }
0xa6: {  	[sflag:s30] =	ssyncset.done $0x0  }
0xa7: {  	[sflag:s30] =	ssyncadd.s32 $0xFFFFEC00  }
0xa8: {  	[spmem:s19] =	stream.linear.scatter [tilespmem:s3], [sflag:$0x5], $0x1400, $0x38;
	v63 =	vld [tilespmem:$0x0]  }
0xa9: {  	_ =	swait.ge [sflag:s30], $0x1400  }
0xaa: {  	s20 =	sld [smem:$0x7FC]  }
0xab: {  	[sflag:s30] =	ssyncset.done $0x0  }
0xac: {  	[sflag:s30] =	ssyncadd.s32 $0xFFFFEC00  }
0xad: {  	[spmem:s20] =	stream.linear.scatter [tilespmem:s3], [sflag:$0x5], $0x1400, $0x38;
	v63 =	vld [tilespmem:$0x0]  }
0xae: {  	_ =	swait.ge [sflag:s30], $0x1400  }
0xaf: {  	s3 =	sld [smem:$0x7FD]  }
0xb0: {  	[sflag:s30] =	ssyncset.done $0x0  }
0xb1: {  	s2 =	simm.s32 @!p0 $0x1EC00;
	[sflag:s30] =	ssyncadd.s32 $0xFFFFEC00  }
0xb2: {  	[spmem:s3] =	stream.linear.scatter @!p0 [tilespmem:s2], [sflag:$0x5], $0x1400, $0x38;
	v63 =	vld [tilespmem:$0x0]  }
0xb3: {  	s2 =	simm.s32 @!p0 $0x5  }
0xb4: {  	_ =	swait.ge @!p0 [sflag:s2], $0x1400  }
0xb5: {  	[sflag:s2] =	ssyncset.done @!p0 $0x0  }
0xb6: {  	[sflag:s2] =	ssyncadd.s32 @!p0 $0xFFFFEC00  }
0xb7: {  	[bflag:$0x0] =	sbarrier.arrive $0xFFFF  }
0xb8: {  	s24 =	simm.s32 $0x13880;
	s13 =	simm.s32 $0x0;
	s21 =	rddreg [dreg:$0x15]  }
0xb9: {  	[tilespmem:s24], [sflag:$0x5] =	stream.linear.gather [hbm4b:s21+s13], $0x320, $0x38;
	v63 =	vld [tilespmem:$0x0]  }
0xba: {  	_ =	swait.ge [sflag:s30], $0x320  }
0xbb: {  	[sflag:s30] =	ssyncset.done $0x0  }
0xbc: {  	s4 =	simm.s32 $0x13F00;
	s25 =	rddreg [dreg:$0x16];
	[sflag:s30] =	ssyncadd.s32 $0xFFFFFCE0  }
0xbd: {  	[tilespmem:s4], [sflag:$0x5] =	stream.linear.gather [hbm4b:s25+s13], $0x320, $0x38;
	v63 =	vld [tilespmem:$0x0]  }
0xbe: {  	_ =	swait.ge [sflag:s30], $0x320  }
0xbf: {  	[sflag:s30] =	ssyncset.done $0x0  }
0xc0: {  	s26 =	rddreg [dreg:$0x17];
	[sflag:s30] =	ssyncadd.s32 $0xFFFFFCE0  }
0xc1: {  	[tilespmem:s0], [sflag:$0x5] =	stream.linear.gather [hbm4b:s26+s13], $0x320, $0x38;
	v63 =	vld [tilespmem:$0x0]  }
0xc2: {  	_ =	swait.ge [sflag:s30], $0x320  }
.Ltmp3:
0xc3: {  	[sflag:s30] =	ssyncset.done $0x0;
	(pc) =	sbr.rel .LBB2_5-.Ltmp3, $4  }
0xc4: {  	s28 =	simm.s32 $0x14C00;
	[sflag:s30] =	ssyncadd.s32 $0xFFFFFCE0  }
0xc5: {  	[tilespmem:s28], [sflag:$0x1] =	stream.indirect.gather [hbm4b:s1+s17], $0x80, s24, s17, $0xb8;
	v63 =	vld [tilespmem:$0x0]  }
0xc6: {  	s29 =	simm.s32 $0x138D0;
	s31 =	simm.s32 $0x17400  }
0xc7: {  	[tilespmem:s31], [sflag:$0x2] =	stream.indirect.gather [hbm4b:s1+s17], $0x80, s29, s17, $0xb8;
	v63 =	vld [tilespmem:$0x0]  }
.LBB2_4:
0xc8: {  	s13 =	sld [smem:$0x7F1];
	_ =	sdelay $0x2  }
0xc9: {  	p2 =	seq.s32 s13, $0x19  }
.Ltmp4:
0xca: {  	_ = 	snop;
	(pc) =	sbr.rel @p2 .LBB2_21-.Ltmp4, $1  }
0xcb: {  	_ =	sdelay $0x3  }
.LBB2_5:
0xcc: {  	s25 =	rddreg [dreg:$0x11]  }
0xcd: {  	s26 =	rddreg [dreg:$0x1]  }
0xce: {  	s28 =	rddreg [dreg:$0x13]  }
0xcf: {  	s4 =	sadd.s32 $0x1, s13;
	s29 =	rddreg [dreg:$0x2]  }
0xd0: {  	s2 =	sand.u32 $0x1, s13;
	s14 =	simm.s32 $0x320;
	s31 =	rddreg [dreg:$0x3]  }
0xd1: {  	s11 =	simm.s32 $0x0;
	s3 =	smul.u32 $0x320, s4;
	p2 =	seq.s32 s2, $0x1  }
0xd2: {  	[smem:$0x7F1] =	sst s4;
	s24 =	sand.u32 $0x1, s4;
	s2 =	simm.s32 $0x320  }
0xd3: {  	p3 =	seq.s32 s24, $0x1;
	s14 =	simm.s32 @!p2 $0x0;
	p2 =	seq.s32 s13, $0x18  }
.Ltmp5:
0xd4: {  	s3 =	sadd.s32 s25, s3;
	s2 =	simm.s32 @!p3 $0x0;
	(pc) =	sbr.rel .LBB2_6-.Ltmp5, $4  }
0xd5: {  	s5 =	sshrl.u32 s3, $0x3;
	s15 =	sor.u32 $0x13880, s2;
	s3 =	sadd.s32 s28, s3  }
0xd6: {  	s9 =	sadd.s32 $0x13F00, s2;
	s16 =	sadd.s32 $0x14580, s2;
	s2 =	sor.u32 $0x138D0, s2  }
0xd7: {  	s8 =	sadd.s32 s26, s5;
	s10 =	sadd.s32 s29, s5;
	s3 =	sshrl.u32 s3, $0x3  }
0xd8: {  	s26 =	sor.u32 $0x50, s14;
	[smem:$0x7F0] =	sst s2;
	s24 =	sadd.s32 s31, s3  }
.LBB2_17:
0xd9: {  	s2 =	sadd.s32 $0x13920, s2  }
.LBB2_19:
0xda: {  	s3 =	simm.s32 $0x17400  }
0xdb: {  	[tilespmem:s3], [sflag:$0x2] =	stream.indirect.gather [hbm4b:s1+s17], $0x80, s2, s17, $0xb8;
	v63 =	vld [tilespmem:$0x0]  }
.LBB2_20:
0xdc: {  	s11 =	sadd.s32 $0x1, s11  }
0xdd: {  	p3 =	seq.s32 s11, $0x5  }
.Ltmp6:
0xde: {  	_ = 	snop;
	(pc) =	sbr.rel @p3 .LBB2_4-.Ltmp6, $1  }
0xdf: {  	_ =	sdelay $0x3  }
.LBB2_6:
0xe0: {  	s29 =	smul.u32 $0xA0, s11;
	_ =	sdelay $0x1  }
0xe1: {  	s2 =	sadd.s32 s14, s29  }
0xe2: {  	s3 =	sadd.s32 $0x0, s2  }
0xe3: {  	s5 =	sadd.s32 $0x6, s3  }
0xe4: {  	_ =	swait.ge [sflag:s22], $0x2800;
	s12 =	sor.u32 s13, s11;
	s21 =	sadd.s32 $0x1, s3;
	v1 =	vmov s5  }
0xe5: {  	[sflag:s22] =	ssyncset.done $0x0;
	p3 =	seq.s32 s12, $0x0;
	s25 =	sadd.s32 $0x2, s3;
	v2 =	vmov s21;
	v1 =	vand.u32 $0xFFFFFFFE, v1  }
0xe6: {  	[sflag:s22] =	ssyncadd.s32 $0xFFFFD800;
	s28 =	sadd.s32 $0x3, s3;
	v3 =	vmov s25;
	s5 =	simm.s32 @!p3 $0x3;
	v2 =	vand.u32 $0xFFFFFFF9, v2;
	v1 =	vbroadcast v1, $0x0  }
0xe7: {  	s18 =	sadd.s32 $0x4, s3;
	v4 =	vmov s28;
	v3 =	vand.u32 $0xFFFFFFFA, v3;
	_ =	swait.ge @!p3 [sflag:s5], $0x2800;
	v2 =	vbroadcast v2, $0x0  }
0xe8: {  	s31 =	sadd.s32 $0x5, s3;
	v5 =	vmov s18;
	v4 =	vand.u32 $0xFFFFFFFB, v4;
	v7 =	vbroadcast v3, $0x0;
	[sflag:s5] =	ssyncset.done @!p3 $0x0  }
0xe9: {  	s20 =	simm.s32 $0x14E00;
	v5 =	vand.u32 $0xFFFFFFFC, v5;
	v3 =	vmov s31;
	v4 =	vbroadcast v4, $0x0;
	[sflag:s5] =	ssyncadd.s32 @!p3 $0xFFFFD800  }
0xea: {  	v8 =	vbroadcast v5, $0x0;
	v3 =	vand.u32 $0xFFFFFFFD, v3;
	v10 =	vld [tilespmem:s20+$0x100]  }
0xeb: {  	v6 =	vmov s3;
	v9 =	vbroadcast v3, $0x0;
	v12 =	vld [tilespmem:s20+$0xFFFFFF80]  }
0xec: {  	v5 =	vand.u32 $0xFFFFFFF8, v6;
	v6 =	vld.idx.msk [tilespmem:v1+s0+$0x0], $0xffff  }
0xed: {  	v1 =	vbroadcast v5, $0x0;
	v3 =	vld.idx.msk [tilespmem:v2+s0+$0x0], $0xffff  }
0xee: {  	v2 =	vld.idx.msk [tilespmem:v7+s0+$0x0], $0xffff  }
0xef: {  	v5 =	vld.idx.msk [tilespmem:v4+s0+$0x0], $0xffff  }
0xf0: {  	s3 =	sadd.s32 $0x7, s3;
	v4 =	vld.idx.msk [tilespmem:v8+s0+$0x0], $0xffff  }
0xf1: {  	v11 =	vmov s3;
	v7 =	vld.idx.msk [tilespmem:v9+s0+$0x0], $0xffff  }
0xf2: {  	v8 =	vmul.f32 v10, v6;
	v10 =	vld [tilespmem:s20+$0xFFFFFE80]  }
0xf3: {  	s3 =	simm.s32 $0x19E00;
	v14 =	vld.idx.msk [tilespmem:v1+s0+$0x0], $0xffff  }
0xf4: {  	[tilespmem:s3+$0x100] =	vst v8;
	v8 =	vld [tilespmem:s20+$0xFFFFFE00]  }
0xf5: {  	v9 =	vld [tilespmem:s20+$0x110]  }
0xf6: {  	v1 =	vld.idx.msk [tilespmem:v11+s0+$0x0], $0xffff  }
0xf7: {  	v11 =	vld [tilespmem:s20+$0xFFFFFF00]  }
0xf8: {  	v13 =	vld [tilespmem:s20+$0x0]  }
0xf9: {  	v15 =	vld [tilespmem:s20+$0x80];
	v8 =	vmul.f32 v8, v14  }
0xfa: {  	s5 =	simm.s32 $0x15200;
	v16 =	vld [tilespmem:s20+$0x180];
	v9 =	vmul.f32 v9, v6  }
0xfb: {  	v28 =	vld [tilespmem:s5+$0x100];
	v10 =	vmul.f32 v10, v3;
	[tilespmem:s3+$0xFFFFFE00] =	vst v8  }
0xfc: {  	v8 =	vmul.f32 v11, v2;
	[tilespmem:s3+$0x110] =	vst v9;
	v9 =	vld [tilespmem:s20+$0xFFFFFE10]  }
0xfd: {  	[tilespmem:s3+$0xFFFFFE80] =	vst v10;
	v10 =	vmul.f32 v12, v5;
	v11 =	vld [tilespmem:s20+$0x120]  }
0xfe: {  	v12 =	vld [tilespmem:s20+$0xFFFFFE90];
	[tilespmem:s3+$0xFFFFFF00] =	vst v8;
	v8 =	vmul.f32 v13, v4  }
0xff: {  	[tilespmem:s3+$0xFFFFFF80] =	vst v10;
	v10 =	vmul.f32 v15, v7;
	v13 =	vld [tilespmem:s20+$0xFFFFFF10]  }
0x100: {  	v15 =	vld [tilespmem:s20+$0xFFFFFF90];
	[tilespmem:s3+$0x0] =	vst v8;
	v8 =	vmul.f32 v16, v1  }
0x101: {  	[tilespmem:s3+$0x80] =	vst v10;
	v16 =	vld [tilespmem:s20+$0x10];
	v9 =	vmul.f32 v9, v14  }
0x102: {  	[tilespmem:s3+$0x180] =	vst v8;
	v10 =	vmul.f32 v11, v6;
	v11 =	vld [tilespmem:s20+$0x90]  }
0x103: {  	v8 =	vmul.f32 v12, v3;
	v12 =	vld [tilespmem:s20+$0x190];
	[tilespmem:s3+$0xFFFFFE10] =	vst v9  }
0x104: {  	v9 =	vmul.f32 v13, v2;
	[tilespmem:s3+$0x120] =	vst v10;
	v10 =	vld [tilespmem:s20+$0xFFFFFE20]  }
0x105: {  	[tilespmem:s3+$0xFFFFFE90] =	vst v8;
	v8 =	vmul.f32 v15, v5;
	v13 =	vld [tilespmem:s20+$0x130]  }
0x106: {  	v15 =	vld [tilespmem:s20+$0xFFFFFEA0];
	[tilespmem:s3+$0xFFFFFF10] =	vst v9;
	v9 =	vmul.f32 v16, v4  }
0x107: {  	[tilespmem:s3+$0xFFFFFF90] =	vst v8;
	v16 =	vld [tilespmem:s20+$0xFFFFFF20];
	v8 =	vmul.f32 v11, v7  }
0x108: {  	v11 =	vld [tilespmem:s20+$0xFFFFFFA0];
	[tilespmem:s3+$0x10] =	vst v9;
	v9 =	vmul.f32 v12, v1  }
0x109: {  	v12 =	vld [tilespmem:s20+$0x20];
	[tilespmem:s3+$0x90] =	vst v8;
	v8 =	vmul.f32 v10, v14  }
0x10a: {  	[tilespmem:s3+$0x190] =	vst v9;
	v10 =	vmul.f32 v13, v6;
	v13 =	vld [tilespmem:s20+$0xA0]  }
0x10b: {  	v9 =	vmul.f32 v15, v3;
	v15 =	vld [tilespmem:s20+$0x1A0];
	[tilespmem:s3+$0xFFFFFE20] =	vst v8  }
0x10c: {  	v8 =	vmul.f32 v16, v2;
	[tilespmem:s3+$0x130] =	vst v10;
	v10 =	vld [tilespmem:s20+$0xFFFFFE30]  }
0x10d: {  	[tilespmem:s3+$0xFFFFFEA0] =	vst v9;
	v9 =	vmul.f32 v11, v5;
	v16 =	vld [tilespmem:s20+$0x140]  }
0x10e: {  	v11 =	vld [tilespmem:s20+$0xFFFFFEB0];
	[tilespmem:s3+$0xFFFFFF20] =	vst v8;
	v8 =	vmul.f32 v12, v4  }
0x10f: {  	v12 =	vld [tilespmem:s20+$0xFFFFFF30];
	[tilespmem:s3+$0xFFFFFFA0] =	vst v9;
	v9 =	vmul.f32 v13, v7  }
0x110: {  	v13 =	vld [tilespmem:s20+$0xFFFFFFB0];
	[tilespmem:s3+$0x20] =	vst v8;
	v8 =	vmul.f32 v15, v1  }
0x111: {  	v15 =	vld [tilespmem:s20+$0x30];
	[tilespmem:s3+$0xA0] =	vst v9;
	v9 =	vmul.f32 v10, v14  }
0x112: {  	[tilespmem:s3+$0x1A0] =	vst v8;
	v10 =	vmul.f32 v16, v6;
	v16 =	vld [tilespmem:s20+$0xB0]  }
0x113: {  	v8 =	vmul.f32 v11, v3;
	v11 =	vld [tilespmem:s20+$0x1B0];
	[tilespmem:s3+$0xFFFFFE30] =	vst v9  }
0x114: {  	v9 =	vmul.f32 v12, v2;
	[tilespmem:s3+$0x140] =	vst v10;
	v10 =	vld [tilespmem:s20+$0xFFFFFE40]  }
0x115: {  	[tilespmem:s3+$0xFFFFFEB0] =	vst v8;
	v8 =	vmul.f32 v13, v5;
	v12 =	vld [tilespmem:s20+$0x150]  }
0x116: {  	v13 =	vld [tilespmem:s20+$0xFFFFFEC0];
	[tilespmem:s3+$0xFFFFFF30] =	vst v9;
	v9 =	vmul.f32 v15, v4  }
0x117: {  	v15 =	vld [tilespmem:s20+$0xFFFFFF40];
	[tilespmem:s3+$0xFFFFFFB0] =	vst v8;
	v8 =	vmul.f32 v16, v7  }
0x118: {  	v16 =	vld [tilespmem:s20+$0xFFFFFFC0];
	[tilespmem:s3+$0x30] =	vst v9;
	v9 =	vmul.f32 v11, v1  }
0x119: {  	v11 =	vld [tilespmem:s20+$0x40];
	[tilespmem:s3+$0xB0] =	vst v8;
	v8 =	vmul.f32 v10, v14  }
0x11a: {  	[tilespmem:s3+$0x1B0] =	vst v9;
	v10 =	vmul.f32 v12, v6;
	v12 =	vld [tilespmem:s20+$0xC0]  }
0x11b: {  	v9 =	vmul.f32 v13, v3;
	v13 =	vld [tilespmem:s20+$0x1C0];
	[tilespmem:s3+$0xFFFFFE40] =	vst v8  }
0x11c: {  	v8 =	vmul.f32 v15, v2;
	[tilespmem:s3+$0x150] =	vst v10;
	v10 =	vld [tilespmem:s20+$0xFFFFFE50]  }
0x11d: {  	[tilespmem:s3+$0xFFFFFEC0] =	vst v9;
	v9 =	vmul.f32 v16, v5;
	v15 =	vld [tilespmem:s20+$0x160]  }
0x11e: {  	v16 =	vld [tilespmem:s20+$0xFFFFFED0];
	[tilespmem:s3+$0xFFFFFF40] =	vst v8;
	v8 =	vmul.f32 v11, v4  }
0x11f: {  	v11 =	vld [tilespmem:s20+$0xFFFFFF50];
	[tilespmem:s3+$0xFFFFFFC0] =	vst v9;
	v9 =	vmul.f32 v12, v7  }
0x120: {  	v12 =	vld [tilespmem:s20+$0xFFFFFFD0];
	[tilespmem:s3+$0x40] =	vst v8;
	v8 =	vmul.f32 v13, v1  }
0x121: {  	v13 =	vld [tilespmem:s20+$0x50];
	[tilespmem:s3+$0xC0] =	vst v9;
	v9 =	vmul.f32 v10, v14  }
0x122: {  	[tilespmem:s3+$0x1C0] =	vst v8;
	v10 =	vld [tilespmem:s20+$0xD0];
	v8 =	vmul.f32 v15, v6  }
0x123: {  	s4 =	sadd.s32 $0x8, s2;
	v15 =	vld [tilespmem:s20+$0x1D0];
	[tilespmem:s3+$0xFFFFFE50] =	vst v9;
	v9 =	vmul.f32 v16, v3  }
0x124: {  	s18 =	sadd.s32 $0x6, s4;
	v16 =	vld [tilespmem:s20+$0xFFFFFE60];
	[tilespmem:s3+$0x160] =	vst v8;
	v8 =	vmul.f32 v11, v2  }
0x125: {  	s19 =	sadd.s32 $0x1, s4;
	v11 =	vmov s18;
	v17 =	vld [tilespmem:s20+$0x170];
	[tilespmem:s3+$0xFFFFFED0] =	vst v9;
	v9 =	vmul.f32 v12, v5  }
0x126: {  	v11 =	vand.u32 $0xFFFFFFFE, v11;
	v12 =	vld [tilespmem:s20+$0xFFFFFEE0];
	[tilespmem:s3+$0xFFFFFF50] =	vst v8;
	v8 =	vmul.f32 v13, v4;
	v13 =	vmov s19  }
0x127: {  	s21 =	sadd.s32 $0x2, s4;
	v11 =	vbroadcast v11, $0x0;
	v10 =	vmul.f32 v10, v7;
	v18 =	vld [tilespmem:s20+$0xFFFFFF60];
	[tilespmem:s3+$0xFFFFFFD0] =	vst v9;
	v13 =	vand.u32 $0xFFFFFFF9, v13  }
0x128: {  	v9 =	vmul.f32 v15, v1;
	v15 =	vmov s21;
	v19 =	vld [tilespmem:s20+$0xFFFFFFE0];
	[tilespmem:s3+$0x50] =	vst v8;
	v13 =	vbroadcast v13, $0x0  }
0x129: {  	v15 =	vand.u32 $0xFFFFFFFA, v15;
	v8 =	vmul.f32 v16, v14;
	v16 =	vld [tilespmem:s20+$0x60];
	[tilespmem:s3+$0xD0] =	vst v10  }
0x12a: {  	s25 =	sadd.s32 $0x3, s4;
	[tilespmem:s3+$0x1D0] =	vst v9;
	v21 =	vbroadcast v15, $0x0;
	v20 =	vld [tilespmem:s20+$0xE0]  }
0x12b: {  	s12 =	sadd.s32 $0x7, s4;
	s28 =	sadd.s32 $0x4, s4;
	v10 =	vmov s25;
	v22 =	vld [tilespmem:s20+$0x1E0];
	[tilespmem:s3+$0xFFFFFE60] =	vst v8  }
0x12c: {  	v29 =	vmov s12;
	v9 =	vmov s28;
	v10 =	vand.u32 $0xFFFFFFFB, v10;
	v25 =	vld [tilespmem:s20+$0xFFFFFE70]  }
0x12d: {  	v9 =	vand.u32 $0xFFFFFFFC, v9;
	v23 =	vbroadcast v10, $0x0;
	v15 =	vld.idx.msk [tilespmem:v11+s0+$0x0], $0xffff;
	v18 =	vmul.f32 v18, v2  }
0x12e: {  	v10 =	vmov s4;
	v24 =	vbroadcast v9, $0x0;
	v11 =	vld.idx.msk [tilespmem:v13+s0+$0x0], $0xffff  }
0x12f: {  	v9 =	vand.u32 $0xFFFFFFF8, v10;
	[tilespmem:s3+$0xFFFFFF60] =	vst v18;
	v18 =	vld [tilespmem:s5+$0xFFFFFE00]  }
0x130: {  	s31 =	sadd.s32 $0x5, s4;
	v27 =	vbroadcast v9, $0x0;
	v16 =	vmul.f32 v16, v4;
	v10 =	vld.idx.msk [tilespmem:v21+s0+$0x0], $0xffff  }
0x131: {  	v8 =	vmov s31;
	v21 =	vmul.f32 v12, v3;
	v12 =	vld.idx.msk [tilespmem:v29+s0+$0x0], $0xffff  }
0x132: {  	v8 =	vand.u32 $0xFFFFFFFD, v8;
	v13 =	vmul.f32 v17, v6;
	[tilespmem:s3+$0x60] =	vst v16;
	v16 =	vld [tilespmem:s5+$0xFFFFFF00];
	v17 =	vmul.f32 v28, v15  }
0x133: {  	s18 =	simm.s32 $0x1A200;
	v26 =	vbroadcast v8, $0x0;
	v9 =	vld.idx.msk [tilespmem:v23+s0+$0x0], $0xffff  }
0x134: {  	v8 =	vld.idx.msk [tilespmem:v24+s0+$0x0], $0xffff;
	[tilespmem:s18+$0x100] =	vst v17  }
0x135: {  	[tilespmem:s3+$0x170] =	vst v13;
	v17 =	vmul.f32 v19, v5;
	v19 =	vld [tilespmem:s5+$0x110]  }
0x136: {  	v20 =	vmul.f32 v20, v7;
	[tilespmem:s3+$0xFFFFFEE0] =	vst v21;
	v13 =	vld.idx.msk [tilespmem:v27+s0+$0x0], $0xffff  }
0x137: {  	[tilespmem:s3+$0xFFFFFFE0] =	vst v17;
	v17 =	vld [tilespmem:s5+$0xFFFFFE80]  }
0x138: {  	v21 =	vmul.f32 v22, v1;
	[tilespmem:s3+$0xE0] =	vst v20;
	v20 =	vld [tilespmem:s5+$0xFFFFFF80]  }
0x139: {  	v14 =	vmul.f32 v25, v14;
	v6 =	vld.idx.msk [tilespmem:v26+s0+$0x0], $0xffff  }
0x13a: {  	[tilespmem:s3+$0x1E0] =	vst v21;
	v21 =	vld [tilespmem:s5+$0x0];
	v19 =	vmul.f32 v19, v15  }
0x13b: {  	[tilespmem:s3+$0xFFFFFE70] =	vst v14;
	v14 =	vmul.f32 v18, v13;
	v18 =	vld [tilespmem:s5+$0x80]  }
0x13c: {  	v17 =	vmul.f32 v17, v11;
	[tilespmem:s18+$0x110] =	vst v19;
	v19 =	vld [tilespmem:s5+$0x180]  }
0x13d: {  	[tilespmem:s18+$0xFFFFFE00] =	vst v14;
	v14 =	vmul.f32 v16, v10;
	v16 =	vld [tilespmem:s5+$0x120]  }
0x13e: {  	v22 =	vld [tilespmem:s5+$0xFFFFFE10];
	[tilespmem:s18+$0xFFFFFE80] =	vst v17;
	v17 =	vmul.f32 v20, v9  }
0x13f: {  	[tilespmem:s18+$0xFFFFFF00] =	vst v14;
	v14 =	vmul.f32 v21, v8;
	v20 =	vld [tilespmem:s5+$0xFFFFFE90]  }
0x140: {  	v21 =	vld [tilespmem:s5+$0xFFFFFF10];
	[tilespmem:s18+$0xFFFFFF80] =	vst v17;
	v17 =	vmul.f32 v18, v6  }
0x141: {  	[tilespmem:s18+$0x0] =	vst v14;
	v18 =	vld [tilespmem:s5+$0xFFFFFF90];
	v14 =	vmul.f32 v19, v12  }
0x142: {  	v19 =	vld [tilespmem:s5+$0x10];
	[tilespmem:s18+$0x80] =	vst v17;
	v16 =	vmul.f32 v16, v15  }
0x143: {  	v17 =	vmul.f32 v22, v13;
	v22 =	vld [tilespmem:s5+$0x90];
	[tilespmem:s18+$0x180] =	vst v14  }
0x144: {  	v14 =	vmul.f32 v20, v11;
	[tilespmem:s18+$0x120] =	vst v16;
	v16 =	vld [tilespmem:s5+$0x190]  }
0x145: {  	[tilespmem:s18+$0xFFFFFE10] =	vst v17;
	v17 =	vmul.f32 v21, v10;
	v20 =	vld [tilespmem:s5+$0x130]  }
0x146: {  	v21 =	vld [tilespmem:s5+$0xFFFFFE20];
	[tilespmem:s18+$0xFFFFFE90] =	vst v14;
	v14 =	vmul.f32 v18, v9  }
0x147: {  	[tilespmem:s18+$0xFFFFFF10] =	vst v17;
	v18 =	vld [tilespmem:s5+$0xFFFFFEA0];
	v17 =	vmul.f32 v19, v8  }
0x148: {  	v19 =	vld [tilespmem:s5+$0xFFFFFF20];
	[tilespmem:s18+$0xFFFFFF90] =	vst v14;
	v14 =	vmul.f32 v22, v6  }
0x149: {  	v22 =	vld [tilespmem:s5+$0xFFFFFFA0];
	[tilespmem:s18+$0x10] =	vst v17;
	v16 =	vmul.f32 v16, v12  }
0x14a: {  	v17 =	vld [tilespmem:s5+$0x20];
	[tilespmem:s18+$0x90] =	vst v14;
	v14 =	vmul.f32 v20, v15  }
0x14b: {  	v20 =	vmul.f32 v21, v13;
	v21 =	vld [tilespmem:s5+$0xA0];
	[tilespmem:s18+$0x190] =	vst v16  }
0x14c: {  	v16 =	vmul.f32 v18, v11;
	[tilespmem:s18+$0x130] =	vst v14;
	v14 =	vld [tilespmem:s5+$0x1A0]  }
0x14d: {  	v18 =	vmul.f32 v19, v10;
	[tilespmem:s18+$0xFFFFFE20] =	vst v20;
	v19 =	vld [tilespmem:s5+$0x140]  }
0x14e: {  	v20 =	vld [tilespmem:s5+$0xFFFFFE30];
	[tilespmem:s18+$0xFFFFFEA0] =	vst v16;
	v16 =	vmul.f32 v22, v9  }
0x14f: {  	[tilespmem:s18+$0xFFFFFF20] =	vst v18;
	v22 =	vld [tilespmem:s5+$0xFFFFFEB0];
	v17 =	vmul.f32 v17, v8  }
0x150: {  	v18 =	vld [tilespmem:s5+$0xFFFFFF30];
	[tilespmem:s18+$0xFFFFFFA0] =	vst v16;
	v16 =	vmul.f32 v21, v6  }
0x151: {  	v21 =	vld [tilespmem:s5+$0xFFFFFFB0];
	[tilespmem:s18+$0x20] =	vst v17;
	v14 =	vmul.f32 v14, v12  }
0x152: {  	v17 =	vld [tilespmem:s5+$0x30];
	[tilespmem:s18+$0xA0] =	vst v16;
	v16 =	vmul.f32 v19, v15  }
0x153: {  	v19 =	vmul.f32 v20, v13;
	v20 =	vld [tilespmem:s5+$0xB0];
	[tilespmem:s18+$0x1A0] =	vst v14  }
0x154: {  	v14 =	vmul.f32 v22, v11;
	[tilespmem:s18+$0x140] =	vst v16;
	v16 =	vld [tilespmem:s5+$0x1B0]  }
0x155: {  	v18 =	vmul.f32 v18, v10;
	[tilespmem:s18+$0xFFFFFE30] =	vst v19;
	v19 =	vld [tilespmem:s5+$0x150]  }
0x156: {  	v22 =	vld [tilespmem:s5+$0xFFFFFE40];
	[tilespmem:s18+$0xFFFFFEB0] =	vst v14;
	v14 =	vmul.f32 v21, v9  }
0x157: {  	[tilespmem:s18+$0xFFFFFF30] =	vst v18;
	v21 =	vld [tilespmem:s5+$0xFFFFFEC0];
	v17 =	vmul.f32 v17, v8  }
0x158: {  	v18 =	vld [tilespmem:s5+$0xFFFFFF40];
	[tilespmem:s18+$0xFFFFFFB0] =	vst v14;
	v14 =	vmul.f32 v20, v6  }
0x159: {  	v20 =	vld [tilespmem:s5+$0xFFFFFFC0];
	[tilespmem:s18+$0x30] =	vst v17;
	v16 =	vmul.f32 v16, v12  }
0x15a: {  	v17 =	vld [tilespmem:s5+$0x40];
	[tilespmem:s18+$0xB0] =	vst v14;
	v14 =	vmul.f32 v19, v15  }
0x15b: {  	v19 =	vmul.f32 v22, v13;
	v22 =	vld [tilespmem:s5+$0xC0];
	[tilespmem:s18+$0x1B0] =	vst v16  }
0x15c: {  	v16 =	vmul.f32 v21, v11;
	[tilespmem:s18+$0x150] =	vst v14;
	v14 =	vld [tilespmem:s5+$0x1C0]  }
0x15d: {  	v18 =	vmul.f32 v18, v10;
	[tilespmem:s18+$0xFFFFFE40] =	vst v19;
	v19 =	vld [tilespmem:s5+$0x160]  }
0x15e: {  	v21 =	vld [tilespmem:s5+$0xFFFFFE50];
	[tilespmem:s18+$0xFFFFFEC0] =	vst v16;
	v16 =	vmul.f32 v20, v9  }
0x15f: {  	[tilespmem:s18+$0xFFFFFF40] =	vst v18;
	v20 =	vld [tilespmem:s5+$0xFFFFFED0];
	v17 =	vmul.f32 v17, v8  }
0x160: {  	v18 =	vld [tilespmem:s5+$0xFFFFFF50];
	[tilespmem:s18+$0xFFFFFFC0] =	vst v16;
	v16 =	vmul.f32 v22, v6  }
0x161: {  	v22 =	vld [tilespmem:s5+$0xFFFFFFD0];
	[tilespmem:s18+$0x40] =	vst v17;
	v14 =	vmul.f32 v14, v12  }
0x162: {  	v23 =	vld [tilespmem:s5+$0x50];
	[tilespmem:s18+$0xC0] =	vst v16;
	v16 =	vmul.f32 v19, v15  }
0x163: {  	v17 =	vmul.f32 v21, v13;
	v21 =	vld [tilespmem:s5+$0xD0];
	[tilespmem:s18+$0x1C0] =	vst v14  }
0x164: {  	v14 =	vmul.f32 v20, v11;
	[tilespmem:s18+$0x160] =	vst v16;
	v20 =	vld [tilespmem:s5+$0x1D0]  }
0x165: {  	[tilespmem:s18+$0xFFFFFE50] =	vst v17;
	v16 =	vmul.f32 v18, v10;
	v62 =	vld [tilespmem:s5+$0x170]  }
0x166: {  	v19 =	vld [tilespmem:s5+$0xFFFFFE60];
	[tilespmem:s18+$0xFFFFFED0] =	vst v14;
	v14 =	vmul.f32 v22, v9  }
0x167: {  	v17 =	vld [tilespmem:s5+$0xFFFFFEE0];
	[tilespmem:s18+$0xFFFFFF50] =	vst v16;
	v22 =	vmul.f32 v23, v8  }
0x168: {  	v16 =	vld [tilespmem:s5+$0xFFFFFF60];
	[tilespmem:s18+$0xFFFFFFD0] =	vst v14;
	v14 =	vmul.f32 v21, v6  }
0x169: {  	v18 =	vld [tilespmem:s5+$0xFFFFFFE0];
	[tilespmem:s18+$0x50] =	vst v22;
	v21 =	vmul.f32 v20, v12  }
0x16a: {  	s12 =	simm.s32 $0x18;
	s21 =	sadd.s32 $0x10, s2;
	s25 =	simm.s32 $0x1A200;
	v20 =	vld [tilespmem:s5+$0x60];
	[tilespmem:s18+$0xD0] =	vst v14;
	v14 =	vmul.f32 v62, v15  }
.LBB2_7:
0x16b: {  	p4 =	slt.u32 s12, $0x48;
	v15 =	vmov s21;
	s19 =	sadd.s32 $0x1, s21;
	s31 =	sadd.s32 $0x6, s21;
	v19 =	vmul.f32 v19, v13;
	v22 =	vld [tilespmem:s5+$0xE0];
	[tilespmem:s18+$0x1D0] =	vst v21  }
0x16c: {  	s4 =	sadd.s32 $0x3, s21;
	s28 =	sadd.s32 $0x4, s21;
	v15 =	vand.u32 $0xFFFFFFF8, v15;
	v21 =	vmov s19;
	s19 =	sadd.s32 $0x2, s21;
	v23 =	vmov s31;
	[tilespmem:s18+$0x170] =	vst v14;
	v24 =	vld [tilespmem:s5+$0x1E0]  }
0x16d: {  	v25 =	vmov s4;
	s4 =	sadd.s32 $0x5, s21;
	v14 =	vmov s19;
	v23 =	vand.u32 $0xFFFFFFFE, v23;
	s19 =	sadd.s32 $0x7, s21;
	[tilespmem:s18+$0xFFFFFE60] =	vst v19;
	v19 =	vld [tilespmem:s20+$0xFFFFFEF0]  }
0x16e: {  	v26 =	vmov s28;
	v27 =	vmov s4;
	v23 =	vbroadcast v23, $0x0;
	v28 =	vld [tilespmem:s20+$0xFFFFFF70]  }
0x16f: {  	v21 =	vand.u32 $0xFFFFFFF9, v21;
	v25 =	vand.u32 $0xFFFFFFFB, v25;
	v14 =	vand.u32 $0xFFFFFFFA, v14;
	v29 =	vld [tilespmem:s20+$0xFFFFFFF0]  }
0x170: {  	v26 =	vand.u32 $0xFFFFFFFC, v26;
	v21 =	vbroadcast v21, $0x0;
	v27 =	vand.u32 $0xFFFFFFFD, v27;
	v30 =	vld [tilespmem:s20+$0x70]  }
0x171: {  	v25 =	vbroadcast v25, $0x0;
	v32 =	vmov s19;
	v31 =	vbroadcast v14, $0x0;
	v33 =	vld [tilespmem:s20+$0xF0]  }
0x172: {  	v26 =	vbroadcast v26, $0x0;
	v27 =	vbroadcast v27, $0x0;
	v34 =	vld [tilespmem:s5+$0xFFFFFE70]  }
0x173: {  	v17 =	vmul.f32 v17, v11;
	v15 =	vbroadcast v15, $0x0;
	v35 =	vld [tilespmem:s20+$0x1F0];
	s20 =	smov.u32 s5  }
0x174: {  	v16 =	vmul.f32 v16, v10;
	v18 =	vmul.f32 v18, v9;
	s5 =	sadd.s32 $0x400, s5;
	v14 =	vld.idx.msk [tilespmem:v23+s0+$0x0], $0xffff  }
0x175: {  	v23 =	vld [tilespmem:s5+$0x100];
	[tilespmem:s18+$0xFFFFFEE0] =	vst v17;
	v17 =	vmul.f32 v20, v8;
	v20 =	vmul.f32 v22, v6  }
0x176: {  	v19 =	vmul.f32 v19, v3;
	v3 =	vmov v11;
	[tilespmem:s18+$0xFFFFFF60] =	vst v16;
	v16 =	vmul.f32 v24, v12;
	v11 =	vld.idx.msk [tilespmem:v21+s0+$0x0], $0xffff  }
0x177: {  	v21 =	vmul.f32 v29, v5;
	[tilespmem:s18+$0xFFFFFFE0] =	vst v18;
	v18 =	vmul.f32 v28, v2;
	v2 =	vmov v10;
	v10 =	vld.idx.msk [tilespmem:v31+s0+$0x0], $0xffff  }
0x178: {  	v22 =	vmul.f32 v33, v7;
	v5 =	vmov v9;
	[tilespmem:s18+$0x60] =	vst v17;
	v17 =	vmul.f32 v30, v4;
	v9 =	vld.idx.msk [tilespmem:v25+s0+$0x0], $0xffff  }
0x179: {  	v24 =	vmul.f32 v34, v13;
	v4 =	vmov v8;
	[tilespmem:s18+$0xE0] =	vst v20;
	v20 =	vmul.f32 v35, v1;
	v8 =	vld.idx.msk [tilespmem:v26+s0+$0x0], $0xffff  }
0x17a: {  	v7 =	vmov v6;
	v1 =	vmov v12;
	v23 =	vmul.f32 v23, v14;
	[tilespmem:s18+$0x1E0] =	vst v16;
	v6 =	vld.idx.msk [tilespmem:v27+s0+$0x0], $0xffff  }
0x17b: {  	s18 =	sadd.s32 $0x400, s18;
	v13 =	vld.idx.msk [tilespmem:v15+s0+$0x0], $0xffff;
	[tilespmem:s3+$0xFFFFFEF0] =	vst v19  }
0x17c: {  	[tilespmem:s18+$0x100] =	vst v23;
	v12 =	vld.idx.msk [tilespmem:v32+s0+$0x0], $0xffff  }
0x17d: {  	v15 =	vld [tilespmem:s5+$0x110];
	[tilespmem:s3+$0xFFFFFF70] =	vst v18  }
0x17e: {  	v16 =	vld [tilespmem:s5+$0xFFFFFE00];
	[tilespmem:s3+$0xFFFFFFF0] =	vst v21  }
0x17f: {  	v18 =	vld [tilespmem:s5+$0xFFFFFE80];
	[tilespmem:s3+$0x70] =	vst v17  }
0x180: {  	v17 =	vld [tilespmem:s5+$0xFFFFFF00];
	[tilespmem:s3+$0xF0] =	vst v22  }
0x181: {  	v19 =	vld [tilespmem:s5+$0xFFFFFF80];
	[tilespmem:s25+$0xFFFFFE70] =	vst v24  }
0x182: {  	v21 =	vld [tilespmem:s5+$0x0];
	v15 =	vmul.f32 v15, v14;
	[tilespmem:s3+$0x1F0] =	vst v20;
	s3 =	smov.u32 s25;
	s25 =	smov.u32 s18  }
0x183: {  	v16 =	vmul.f32 v16, v13;
	v20 =	vld [tilespmem:s5+$0x80]  }
0x184: {  	v18 =	vmul.f32 v18, v11;
	[tilespmem:s18+$0x110] =	vst v15;
	v15 =	vld [tilespmem:s5+$0x180]  }
0x185: {  	[tilespmem:s18+$0xFFFFFE00] =	vst v16;
	v16 =	vmul.f32 v17, v10;
	v17 =	vld [tilespmem:s5+$0x120]  }
0x186: {  	v22 =	vld [tilespmem:s5+$0xFFFFFE10];
	[tilespmem:s18+$0xFFFFFE80] =	vst v18;
	v18 =	vmul.f32 v19, v9  }
0x187: {  	v19 =	vld [tilespmem:s5+$0xFFFFFE90];
	[tilespmem:s18+$0xFFFFFF00] =	vst v16;
	v16 =	vmul.f32 v21, v8  }
0x188: {  	v21 =	vld [tilespmem:s5+$0xFFFFFF10];
	[tilespmem:s18+$0xFFFFFF80] =	vst v18;
	v18 =	vmul.f32 v20, v6  }
0x189: {  	v20 =	vld [tilespmem:s5+$0xFFFFFF90];
	[tilespmem:s18+$0x0] =	vst v16;
	v15 =	vmul.f32 v15, v12  }
0x18a: {  	v16 =	vld [tilespmem:s5+$0x10];
	[tilespmem:s18+$0x80] =	vst v18;
	v17 =	vmul.f32 v17, v14  }
0x18b: {  	v18 =	vmul.f32 v22, v13;
	v22 =	vld [tilespmem:s5+$0x90];
	[tilespmem:s18+$0x180] =	vst v15  }
0x18c: {  	v15 =	vmul.f32 v19, v11;
	[tilespmem:s18+$0x120] =	vst v17;
	v17 =	vld [tilespmem:s5+$0x190]  }
0x18d: {  	[tilespmem:s18+$0xFFFFFE10] =	vst v18;
	v18 =	vmul.f32 v21, v10;
	v19 =	vld [tilespmem:s5+$0x130]  }
0x18e: {  	v21 =	vld [tilespmem:s5+$0xFFFFFE20];
	[tilespmem:s18+$0xFFFFFE90] =	vst v15;
	v15 =	vmul.f32 v20, v9  }
0x18f: {  	v20 =	vld [tilespmem:s5+$0xFFFFFEA0];
	[tilespmem:s18+$0xFFFFFF10] =	vst v18;
	v16 =	vmul.f32 v16, v8  }
0x190: {  	v18 =	vld [tilespmem:s5+$0xFFFFFF20];
	[tilespmem:s18+$0xFFFFFF90] =	vst v15;
	v15 =	vmul.f32 v22, v6  }
0x191: {  	v22 =	vld [tilespmem:s5+$0xFFFFFFA0];
	[tilespmem:s18+$0x10] =	vst v16;
	v16 =	vmul.f32 v17, v12  }
0x192: {  	v17 =	vld [tilespmem:s5+$0x20];
	[tilespmem:s18+$0x90] =	vst v15;
	v15 =	vmul.f32 v19, v14  }
0x193: {  	v19 =	vmul.f32 v21, v13;
	v21 =	vld [tilespmem:s5+$0xA0];
	[tilespmem:s18+$0x190] =	vst v16  }
0x194: {  	v16 =	vmul.f32 v20, v11;
	[tilespmem:s18+$0x130] =	vst v15;
	v15 =	vld [tilespmem:s5+$0x1A0]  }
0x195: {  	[tilespmem:s18+$0xFFFFFE20] =	vst v19;
	v18 =	vmul.f32 v18, v10;
	v19 =	vld [tilespmem:s5+$0x140]  }
0x196: {  	v20 =	vld [tilespmem:s5+$0xFFFFFE30];
	[tilespmem:s18+$0xFFFFFEA0] =	vst v16;
	v16 =	vmul.f32 v22, v9  }
0x197: {  	v22 =	vld [tilespmem:s5+$0xFFFFFEB0];
	[tilespmem:s18+$0xFFFFFF20] =	vst v18;
	v17 =	vmul.f32 v17, v8  }
0x198: {  	v18 =	vld [tilespmem:s5+$0xFFFFFF30];
	[tilespmem:s18+$0xFFFFFFA0] =	vst v16;
	v16 =	vmul.f32 v21, v6  }
0x199: {  	v21 =	vld [tilespmem:s5+$0xFFFFFFB0];
	[tilespmem:s18+$0x20] =	vst v17;
	v15 =	vmul.f32 v15, v12  }
0x19a: {  	v17 =	vld [tilespmem:s5+$0x30];
	[tilespmem:s18+$0xA0] =	vst v16;
	v16 =	vmul.f32 v19, v14  }
0x19b: {  	v19 =	vmul.f32 v20, v13;
	v20 =	vld [tilespmem:s5+$0xB0];
	[tilespmem:s18+$0x1A0] =	vst v15  }
0x19c: {  	v15 =	vmul.f32 v22, v11;
	[tilespmem:s18+$0x140] =	vst v16;
	v16 =	vld [tilespmem:s5+$0x1B0]  }
0x19d: {  	[tilespmem:s18+$0xFFFFFE30] =	vst v19;
	v18 =	vmul.f32 v18, v10;
	v19 =	vld [tilespmem:s5+$0x150]  }
0x19e: {  	v22 =	vld [tilespmem:s5+$0xFFFFFE40];
	[tilespmem:s18+$0xFFFFFEB0] =	vst v15;
	v15 =	vmul.f32 v21, v9  }
0x19f: {  	v21 =	vld [tilespmem:s5+$0xFFFFFEC0];
	[tilespmem:s18+$0xFFFFFF30] =	vst v18;
	v17 =	vmul.f32 v17, v8  }
0x1a0: {  	v18 =	vld [tilespmem:s5+$0xFFFFFF40];
	[tilespmem:s18+$0xFFFFFFB0] =	vst v15;
	v15 =	vmul.f32 v20, v6  }
0x1a1: {  	v20 =	vld [tilespmem:s5+$0xFFFFFFC0];
	[tilespmem:s18+$0x30] =	vst v17;
	v16 =	vmul.f32 v16, v12  }
0x1a2: {  	v17 =	vld [tilespmem:s5+$0x40];
	[tilespmem:s18+$0xB0] =	vst v15;
	v15 =	vmul.f32 v19, v14  }
0x1a3: {  	v19 =	vmul.f32 v22, v13;
	v22 =	vld [tilespmem:s5+$0xC0];
	[tilespmem:s18+$0x1B0] =	vst v16  }
0x1a4: {  	v16 =	vmul.f32 v21, v11;
	[tilespmem:s18+$0x150] =	vst v15;
	v15 =	vld [tilespmem:s5+$0x1C0]  }
0x1a5: {  	[tilespmem:s18+$0xFFFFFE40] =	vst v19;
	v18 =	vmul.f32 v18, v10;
	v19 =	vld [tilespmem:s5+$0x160]  }
0x1a6: {  	v21 =	vld [tilespmem:s5+$0xFFFFFE50];
	[tilespmem:s18+$0xFFFFFEC0] =	vst v16;
	v16 =	vmul.f32 v20, v9  }
0x1a7: {  	v20 =	vld [tilespmem:s5+$0xFFFFFED0];
	[tilespmem:s18+$0xFFFFFF40] =	vst v18;
	v17 =	vmul.f32 v17, v8  }
0x1a8: {  	v18 =	vld [tilespmem:s5+$0xFFFFFF50];
	[tilespmem:s18+$0xFFFFFFC0] =	vst v16;
	v16 =	vmul.f32 v22, v6  }
0x1a9: {  	v22 =	vld [tilespmem:s5+$0xFFFFFFD0];
	[tilespmem:s18+$0x40] =	vst v17;
	v15 =	vmul.f32 v15, v12  }
0x1aa: {  	v23 =	vld [tilespmem:s5+$0x50];
	[tilespmem:s18+$0xC0] =	vst v16;
	v16 =	vmul.f32 v19, v14  }
0x1ab: {  	v17 =	vmul.f32 v21, v13;
	v21 =	vld [tilespmem:s5+$0xD0];
	[tilespmem:s18+$0x1C0] =	vst v15  }
0x1ac: {  	v15 =	vmul.f32 v20, v11;
	[tilespmem:s18+$0x160] =	vst v16;
	v20 =	vld [tilespmem:s5+$0x1D0]  }
0x1ad: {  	[tilespmem:s18+$0xFFFFFE50] =	vst v17;
	v16 =	vmul.f32 v18, v10;
	v24 =	vld [tilespmem:s5+$0x170]  }
.Ltmp7:
0x1ae: {  	v19 =	vld [tilespmem:s5+$0xFFFFFE60];
	[tilespmem:s18+$0xFFFFFED0] =	vst v15;
	v15 =	vmul.f32 v22, v9;
	(pc) =	sbr.rel @p4 .LBB2_7-.Ltmp7, $4  }
0x1af: {  	v17 =	vld [tilespmem:s5+$0xFFFFFEE0];
	[tilespmem:s18+$0xFFFFFF50] =	vst v16;
	v22 =	vmul.f32 v23, v8  }
0x1b0: {  	v16 =	vld [tilespmem:s5+$0xFFFFFF60];
	[tilespmem:s18+$0xFFFFFFD0] =	vst v15;
	v15 =	vmul.f32 v21, v6  }
0x1b1: {  	v18 =	vld [tilespmem:s5+$0xFFFFFFE0];
	[tilespmem:s18+$0x50] =	vst v22;
	v21 =	vmul.f32 v20, v12  }
0x1b2: {  	s21 =	sadd.s32 s2, s12;
	s12 =	sadd.s32 $0x8, s12;
	v20 =	vld [tilespmem:s5+$0x60];
	[tilespmem:s18+$0xD0] =	vst v15;
	v14 =	vmul.f32 v24, v14  }
0x1b3: {  	v22 =	vld [tilespmem:s5+$0xE0]  }
0x1b4: {  	v23 =	vld [tilespmem:s20+$0xFFFFFEF0]  }
0x1b5: {  	v25 =	vld [tilespmem:s20+$0xFFFFFF70]  }
0x1b6: {  	v27 =	vld [tilespmem:s20+$0xFFFFFFF0]  }
0x1b7: {  	s4 =	sadd.s32 $0x6, s21;
	v29 =	vld [tilespmem:s20+$0x70]  }
0x1b8: {  	v30 =	vld [tilespmem:s20+$0xF0];
	v15 =	vmov s4  }
0x1b9: {  	[tilespmem:s18+$0x1D0] =	vst v21;
	s12 =	sadd.s32 $0x1, s21;
	s19 =	sadd.s32 $0x2, s21;
	v19 =	vmul.f32 v19, v13;
	v33 =	vmov s21;
	v35 =	vld [tilespmem:s20+$0x1F0];
	v15 =	vand.u32 $0xFFFFFFFE, v15  }
0x1ba: {  	s28 =	sadd.s32 $0x4, s21;
	v21 =	vld [tilespmem:s5+$0x1E0];
	v24 =	vmov s12;
	v26 =	vmov s19;
	s19 =	sadd.s32 $0x400, s5;
	v15 =	vbroadcast v15, $0x0  }
0x1bb: {  	v51 =	vmov s28;
	v33 =	vand.u32 $0xFFFFFFF8, v33;
	v17 =	vmul.f32 v17, v11;
	v36 =	vld [tilespmem:s19+$0x100]  }
0x1bc: {  	v24 =	vand.u32 $0xFFFFFFF9, v24;
	v26 =	vand.u32 $0xFFFFFFFA, v26;
	v33 =	vbroadcast v33, $0x0;
	v61 =	vld [tilespmem:s19+$0xFFFFFE00]  }
0x1bd: {  	s31 =	sadd.s32 $0x5, s21;
	[tilespmem:s18+$0xFFFFFE60] =	vst v19;
	v19 =	vand.u32 $0xFFFFFFFC, v51;
	v52 =	vmul.f32 v16, v10;
	v62 =	vld [tilespmem:s19+$0xFFFFFE80];
	v24 =	vbroadcast v24, $0x0  }
0x1be: {  	v31 =	vmov s31;
	[tilespmem:s18+$0x170] =	vst v14;
	v26 =	vbroadcast v26, $0x0;
	v32 =	vld [tilespmem:s5+$0xFFFFFE70];
	v34 =	vbroadcast v19, $0x0  }
0x1bf: {  	v31 =	vand.u32 $0xFFFFFFFD, v31;
	v53 =	vmul.f32 v18, v9;
	[tilespmem:s18+$0xFFFFFEE0] =	vst v17;
	v60 =	vmul.f32 v25, v2;
	v25 =	vld [tilespmem:s19+$0xFFFFFF80]  }
0x1c0: {  	s12 =	sadd.s32 $0x3, s21;
	v31 =	vbroadcast v31, $0x0;
	v55 =	vmul.f32 v20, v8;
	[tilespmem:s18+$0xFFFFFF60] =	vst v52;
	v19 =	vld.idx.msk [tilespmem:v15+s0+$0x0], $0xffff  }
0x1c1: {  	v28 =	vmov s12;
	v56 =	vmul.f32 v22, v6;
	[tilespmem:s18+$0xFFFFFFE0] =	vst v53;
	v5 =	vmul.f32 v27, v5;
	v27 =	vld [tilespmem:s19+$0x80]  }
0x1c2: {  	v28 =	vand.u32 $0xFFFFFFFB, v28;
	v59 =	vmul.f32 v23, v3;
	[tilespmem:s18+$0x60] =	vst v55;
	v3 =	vld.idx.msk [tilespmem:v33+s0+$0x0], $0xffff  }
0x1c3: {  	v28 =	vbroadcast v28, $0x0;
	[tilespmem:s18+$0xE0] =	vst v56;
	v14 =	vld.idx.msk [tilespmem:v24+s0+$0x0], $0xffff  }
0x1c4: {  	[tilespmem:s3+$0xFFFFFEF0] =	vst v59;
	v15 =	vld.idx.msk [tilespmem:v26+s0+$0x0], $0xffff  }
0x1c5: {  	s20 =	sadd.s32 $0x7, s21;
	[tilespmem:s3+$0xFFFFFF70] =	vst v60;
	v17 =	vld.idx.msk [tilespmem:v34+s0+$0x0], $0xffff;
	v58 =	vmul.f32 v36, v19  }
0x1c6: {  	v54 =	vmov s20;
	s21 =	sadd.s32 $0x400, s18;
	v4 =	vmul.f32 v29, v4;
	[tilespmem:s3+$0xFFFFFFF0] =	vst v5;
	v18 =	vld.idx.msk [tilespmem:v31+s0+$0x0], $0xffff  }
0x1c7: {  	v1 =	vmul.f32 v35, v1;
	v24 =	vld [tilespmem:s19+$0xFFFFFF00];
	[tilespmem:s21+$0x100] =	vst v58  }
0x1c8: {  	v7 =	vmul.f32 v30, v7;
	v57 =	vmul.f32 v21, v12;
	[tilespmem:s3+$0x70] =	vst v4;
	v21 =	vld [tilespmem:s19+$0x110]  }
0x1c9: {  	[tilespmem:s3+$0x1F0] =	vst v1;
	v16 =	vld.idx.msk [tilespmem:v28+s0+$0x0], $0xffff;
	v1 =	vmul.f32 v61, v3  }
0x1ca: {  	[tilespmem:s3+$0xF0] =	vst v7;
	v26 =	vld [tilespmem:s19+$0x0];
	v5 =	vmul.f32 v62, v14  }
0x1cb: {  	v2 =	vld.idx.msk [tilespmem:v54+s0+$0x0], $0xffff;
	v34 =	vmul.f32 v27, v18;
	[tilespmem:s21+$0xFFFFFE00] =	vst v1  }
0x1cc: {  	v28 =	vld [tilespmem:s19+$0x180];
	v1 =	vmul.f32 v24, v15;
	[tilespmem:s21+$0xFFFFFE80] =	vst v5  }
0x1cd: {  	v30 =	vld [tilespmem:s19+$0xFFFFFE10];
	[tilespmem:s21+$0x80] =	vst v34;
	v21 =	vmul.f32 v21, v19  }
0x1ce: {  	v23 =	vmul.f32 v32, v13;
	v31 =	vmul.f32 v25, v16;
	v32 =	vld [tilespmem:s19+$0xFFFFFE90];
	[tilespmem:s21+$0xFFFFFF00] =	vst v1  }
0x1cf: {  	v1 =	vmul.f32 v26, v17;
	v33 =	vld [tilespmem:s19+$0xFFFFFF10];
	[tilespmem:s21+$0x110] =	vst v21  }
0x1d0: {  	[tilespmem:s21+$0xFFFFFF80] =	vst v31;
	v29 =	vld [tilespmem:s19+$0x120]  }
0x1d1: {  	v35 =	vld [tilespmem:s19+$0xFFFFFF90];
	[tilespmem:s21+$0x0] =	vst v1;
	v1 =	vmul.f32 v28, v2  }
0x1d2: {  	[tilespmem:s18+$0x1E0] =	vst v57;
	v38 =	vld [tilespmem:s19+$0x90];
	v37 =	vmul.f32 v30, v3  }
0x1d3: {  	v36 =	vld [tilespmem:s19+$0x10];
	[tilespmem:s21+$0x180] =	vst v1;
	v1 =	vmul.f32 v32, v14  }
0x1d4: {  	v39 =	vld [tilespmem:s19+$0x190];
	[tilespmem:s21+$0xFFFFFE10] =	vst v37;
	v40 =	vmul.f32 v33, v15  }
0x1d5: {  	v42 =	vld [tilespmem:s19+$0xFFFFFE20];
	[tilespmem:s21+$0xFFFFFE90] =	vst v1;
	v4 =	vmul.f32 v29, v19  }
0x1d6: {  	v1 =	vmul.f32 v35, v16;
	v43 =	vld [tilespmem:s19+$0xFFFFFEA0];
	[tilespmem:s21+$0xFFFFFF10] =	vst v40  }
0x1d7: {  	v45 =	vld [tilespmem:s19+$0xFFFFFF20];
	[tilespmem:s21+$0x120] =	vst v4  }
0x1d8: {  	v44 =	vmul.f32 v36, v17;
	[tilespmem:s21+$0xFFFFFF90] =	vst v1;
	v41 =	vld [tilespmem:s19+$0x130]  }
0x1d9: {  	[tilespmem:s25+$0xFFFFFE70] =	vst v23;
	v1 =	vmul.f32 v38, v18;
	v46 =	vld [tilespmem:s19+$0xFFFFFFA0]  }
0x1da: {  	[tilespmem:s21+$0x10] =	vst v44;
	v47 =	vmul.f32 v42, v3  }
0x1db: {  	v5 =	vld [tilespmem:s19+$0x20];
	[tilespmem:s21+$0x90] =	vst v1;
	v49 =	vmul.f32 v43, v14  }
0x1dc: {  	v48 =	vld [tilespmem:s19+$0xA0];
	[tilespmem:s21+$0xFFFFFE20] =	vst v47;
	v4 =	vmul.f32 v39, v2  }
0x1dd: {  	v52 =	vld [tilespmem:s19+$0xFFFFFE30];
	[tilespmem:s21+$0xFFFFFEA0] =	vst v49;
	v1 =	vmul.f32 v41, v19  }
0x1de: {  	v50 =	vmul.f32 v45, v15;
	v53 =	vmul.f32 v46, v16;
	v46 =	vld [tilespmem:s5+$0xFFFFFF70];
	[tilespmem:s21+$0x190] =	vst v4  }
0x1df: {  	[tilespmem:s21+$0x130] =	vst v1;
	v1 =	vld [tilespmem:s19+$0x1A0]  }
0x1e0: {  	[tilespmem:s21+$0xFFFFFF20] =	vst v50;
	v5 =	vmul.f32 v5, v17;
	v51 =	vld [tilespmem:s19+$0x140]  }
0x1e1: {  	v7 =	vld [tilespmem:s19+$0xFFFFFF30];
	[tilespmem:s21+$0xFFFFFFA0] =	vst v53;
	v55 =	vmul.f32 v48, v18  }
0x1e2: {  	v54 =	vld [tilespmem:s19+$0xFFFFFEB0];
	[tilespmem:s21+$0x20] =	vst v5;
	v58 =	vmul.f32 v52, v3  }
0x1e3: {  	v5 =	vld [tilespmem:s19+$0x30];
	[tilespmem:s21+$0xA0] =	vst v55;
	v53 =	vmul.f32 v46, v10  }
0x1e4: {  	v56 =	vld [tilespmem:s19+$0xFFFFFFB0];
	[tilespmem:s21+$0xFFFFFE30] =	vst v58;
	v1 =	vmul.f32 v1, v2  }
0x1e5: {  	[tilespmem:s25+$0xFFFFFF70] =	vst v53;
	v62 =	vld [tilespmem:s19+$0xFFFFFE40];
	v57 =	vmul.f32 v51, v19  }
0x1e6: {  	v59 =	vld [tilespmem:s19+$0xB0];
	v7 =	vmul.f32 v7, v15;
	[tilespmem:s21+$0x1A0] =	vst v1  }
0x1e7: {  	v1 =	vmul.f32 v54, v14;
	[tilespmem:s21+$0x140] =	vst v57;
	v60 =	vld [tilespmem:s19+$0x1B0]  }
0x1e8: {  	[tilespmem:s21+$0xFFFFFF30] =	vst v7;
	v5 =	vmul.f32 v5, v17;
	v61 =	vld [tilespmem:s19+$0x150]  }
0x1e9: {  	v7 =	vld [tilespmem:s19+$0xFFFFFF40];
	[tilespmem:s21+$0xFFFFFEB0] =	vst v1;
	v1 =	vmul.f32 v56, v16  }
0x1ea: {  	[tilespmem:s21+$0x30] =	vst v5;
	v26 =	vmul.f32 v62, v3;
	v24 =	vld [tilespmem:s19+$0xFFFFFEC0]  }
0x1eb: {  	v5 =	vld [tilespmem:s19+$0x40];
	[tilespmem:s21+$0xFFFFFFB0] =	vst v1;
	v1 =	vmul.f32 v59, v18  }
0x1ec: {  	[tilespmem:s21+$0xFFFFFE40] =	vst v26;
	v25 =	vld [tilespmem:s19+$0xFFFFFFC0];
	v4 =	vmul.f32 v60, v2  }
0x1ed: {  	v20 =	vld [tilespmem:s19+$0xFFFFFE50];
	[tilespmem:s21+$0xB0] =	vst v1;
	v1 =	vmul.f32 v61, v19  }
0x1ee: {  	v7 =	vmul.f32 v7, v15;
	v27 =	vld [tilespmem:s19+$0xC0];
	[tilespmem:s21+$0x1B0] =	vst v4  }
0x1ef: {  	v28 =	vmul.f32 v24, v14;
	[tilespmem:s21+$0x150] =	vst v1;
	v1 =	vld [tilespmem:s19+$0x1C0]  }
0x1f0: {  	[tilespmem:s21+$0xFFFFFF40] =	vst v7;
	v5 =	vmul.f32 v5, v17;
	v29 =	vld [tilespmem:s19+$0x160]  }
0x1f1: {  	v7 =	vld [tilespmem:s19+$0xFFFFFF50];
	[tilespmem:s21+$0xFFFFFEC0] =	vst v28;
	v30 =	vmul.f32 v25, v16  }
0x1f2: {  	[tilespmem:s21+$0x40] =	vst v5;
	v35 =	vmul.f32 v20, v3;
	v31 =	vld [tilespmem:s19+$0xFFFFFED0]  }
0x1f3: {  	v5 =	vld [tilespmem:s19+$0x50];
	[tilespmem:s21+$0xFFFFFFC0] =	vst v30;
	v32 =	vmul.f32 v27, v18  }
0x1f4: {  	[tilespmem:s21+$0xFFFFFE50] =	vst v35;
	v33 =	vld [tilespmem:s19+$0xFFFFFFD0];
	v1 =	vmul.f32 v1, v2  }
0x1f5: {  	v52 =	vld [tilespmem:s5+$0x1F0];
	[tilespmem:s21+$0xC0] =	vst v32;
	v34 =	vmul.f32 v29, v19  }
0x1f6: {  	v7 =	vmul.f32 v7, v15;
	v36 =	vld [tilespmem:s19+$0xD0];
	[tilespmem:s21+$0x1C0] =	vst v1  }
0x1f7: {  	v1 =	vmul.f32 v31, v14;
	[tilespmem:s21+$0x160] =	vst v34;
	v37 =	vld [tilespmem:s19+$0x1D0]  }
0x1f8: {  	[tilespmem:s21+$0xFFFFFF50] =	vst v7;
	v5 =	vmul.f32 v5, v17;
	v38 =	vld [tilespmem:s19+$0x170]  }
0x1f9: {  	v45 =	vld [tilespmem:s5+$0xFFFFFEF0];
	[tilespmem:s21+$0xFFFFFED0] =	vst v1;
	v1 =	vmul.f32 v33, v16  }
0x1fa: {  	v58 =	vmul.f32 v52, v12;
	v39 =	vld [tilespmem:s19+$0xFFFFFE60];
	[tilespmem:s21+$0x50] =	vst v5  }
0x1fb: {  	v7 =	vld [tilespmem:s19+$0xFFFFFF60];
	[tilespmem:s21+$0xFFFFFFD0] =	vst v1;
	v1 =	vmul.f32 v36, v18  }
0x1fc: {  	[tilespmem:s25+$0x1F0] =	vst v58;
	v5 =	vld [tilespmem:s19+$0x60];
	v4 =	vmul.f32 v37, v2  }
0x1fd: {  	v40 =	vld [tilespmem:s19+$0xFFFFFEE0];
	[tilespmem:s21+$0xD0] =	vst v1;
	v1 =	vmul.f32 v38, v19  }
0x1fe: {  	v51 =	vmul.f32 v45, v11;
	v41 =	vld [tilespmem:s19+$0xFFFFFFE0];
	[tilespmem:s21+$0x1D0] =	vst v4  }
0x1ff: {  	v42 =	vmul.f32 v39, v3;
	[tilespmem:s21+$0x170] =	vst v1;
	v1 =	vld [tilespmem:s19+$0x1E0]  }
0x200: {  	[tilespmem:s25+$0xFFFFFEF0] =	vst v51;
	v7 =	vmul.f32 v7, v15;
	v43 =	vld [tilespmem:s19+$0xE0]  }
0x201: {  	v47 =	vld [tilespmem:s5+$0xFFFFFFF0];
	[tilespmem:s21+$0xFFFFFE60] =	vst v42;
	v5 =	vmul.f32 v5, v17  }
0x202: {  	v49 =	vld [tilespmem:s5+$0xF0];
	[tilespmem:s21+$0xFFFFFF60] =	vst v7;
	v44 =	vmul.f32 v40, v14  }
0x203: {  	v50 =	vld [tilespmem:s19+$0xFFFFFE70];
	[tilespmem:s21+$0x60] =	vst v5;
	v20 =	vmul.f32 v41, v16  }
0x204: {  	v48 =	vld [tilespmem:s5+$0x70];
	[tilespmem:s21+$0xFFFFFEE0] =	vst v44;
	v1 =	vmul.f32 v1, v2  }
0x205: {  	v55 =	vld [tilespmem:s19+$0xFFFFFF70];
	v19 =	vmul.f32 v43, v18;
	[tilespmem:s21+$0xFFFFFFE0] =	vst v20  }
0x206: {  	v57 =	vld [tilespmem:s19+$0x70];
	[tilespmem:s21+$0x1E0] =	vst v1;
	v1 =	vmul.f32 v47, v9  }
0x207: {  	v56 =	vmul.f32 v49, v6;
	v54 =	vld [tilespmem:s19+$0xFFFFFEF0];
	[tilespmem:s21+$0xE0] =	vst v19  }
0x208: {  	v3 =	vmul.f32 v50, v3;
	[tilespmem:s25+$0xFFFFFFF0] =	vst v1;
	v1 =	vld [tilespmem:s19+$0xFFFFFFF0]  }
0x209: {  	[tilespmem:s25+$0xF0] =	vst v56;
	v7 =	vmul.f32 v48, v8;
	v59 =	vld [tilespmem:s19+$0xF0]  }
0x20a: {  	[tilespmem:s21+$0xFFFFFE70] =	vst v3;
	v60 =	vmul.f32 v55, v15;
	v3 =	vld [tilespmem:s19+$0x1F0]  }
0x20b: {  	[tilespmem:s25+$0x70] =	vst v7;
	v61 =	vmul.f32 v57, v17  }
0x20c: {  	p4 =	sne.s32 @!p2 s11, $0x1;
	[tilespmem:s21+$0xFFFFFF70] =	vst v60;
	v4 =	vmul.f32 v54, v14  }
0x20d: {  	p4 =	por p2, p4;
	[tilespmem:s21+$0x70] =	vst v61;
	v1 =	vmul.f32 v1, v16  }
.Ltmp8:
0x20e: {  	[tilespmem:s21+$0xFFFFFEF0] =	vst v4;
	v62 =	vmul.f32 v59, v18;
	(pc) =	sbr.rel @p4 .LBB2_10-.Ltmp8, $4  }
0x20f: {  	[tilespmem:s21+$0xFFFFFFF0] =	vst v1;
	v1 =	vmul.f32 v3, v2  }
0x210: {  	[tilespmem:s21+$0xF0] =	vst v62  }
0x211: {  	s28 =	sadd.s32 $0x13F00, s2;
	s31 =	simm.s32 $0x19C00;
	[tilespmem:s21+$0x1F0] =	vst v1  }
0x212: {  	[spmem:s6] =	stream.indirect.scatter.add.f32 [tilespmem:s31], [sflag:$0x3], $0x80, s28, s17, $0xb8;
	v63 =	vld [tilespmem:$0x0]  }
0x213: {  	[tilespmem:s15], [sflag:$0x5] =	stream.linear.gather [hbm4b:s8+s7], $0x320, $0x38;
	v63 =	vld [tilespmem:$0x0]  }
0x214: {  	_ =	swait.ge [sflag:s30], $0x320  }
0x215: {  	[sflag:s30] =	ssyncset.done $0x0  }
0x216: {  	[sflag:s30] =	ssyncadd.s32 $0xFFFFFCE0  }
0x217: {  	[tilespmem:s9], [sflag:$0x5] =	stream.linear.gather [hbm4b:s10+s7], $0x320, $0x38;
	v63 =	vld [tilespmem:$0x0]  }
0x218: {  	_ =	swait.ge [sflag:s30], $0x320  }
0x219: {  	[sflag:s30] =	ssyncset.done $0x0  }
0x21a: {  	[sflag:s30] =	ssyncadd.s32 $0xFFFFFCE0  }
0x21b: {  	[tilespmem:s16], [sflag:$0x5] =	stream.linear.gather [hbm4b:s24+s7], $0x320, $0x38;
	v63 =	vld [tilespmem:$0x0]  }
0x21c: {  	_ =	swait.ge [sflag:s30], $0x320  }
0x21d: {  	[sflag:s30] =	ssyncset.done $0x0  }
0x21e: {  	[sflag:s30] =	ssyncadd.s32 $0xFFFFFCE0  }
.LBB2_11:
0x21f: {  	s2 =	sadd.s32 $0x13920, s2;
	p5 =	por $0x0, $0x0  }
.LBB2_13:
0x220: {  	s3 =	simm.s32 $0x14C00;
	p4 =	por p5, p5  }
0x221: {  	[tilespmem:s3], [sflag:$0x1] =	stream.indirect.gather [hbm4b:s1+s17], $0x80, s2, s17, $0xb8;
	v63 =	vld [tilespmem:$0x0]  }
.LBB2_14:
0x222: {  	_ =	swait.ge [sflag:s23], $0x2800  }
0x223: {  	s2 =	sadd.s32 s29, s26;
	[sflag:s23] =	ssyncset.done $0x0  }
0x224: {  	s5 =	simm.s32 @!p3 $0x4;
	s3 =	sadd.s32 $0x0, s2;
	[sflag:s23] =	ssyncadd.s32 $0xFFFFD800  }
0x225: {  	v1 =	vmov s3;
	s4 =	sadd.s32 $0x7, s3;
	_ =	swait.ge @!p3 [sflag:s5], $0x2800  }
0x226: {  	s20 =	simm.s32 $0x17600;
	s28 =	sadd.s32 $0x1, s3;
	v2 =	vmov s4;
	[sflag:s5] =	ssyncset.done @!p3 $0x0  }
0x227: {  	s29 =	sadd.s32 $0x2, s3;
	s18 =	sadd.s32 $0x5, s3;
	v3 =	vmov s28;
	[sflag:s5] =	ssyncadd.s32 @!p3 $0xFFFFD800  }
0x228: {  	s31 =	sadd.s32 $0x3, s3;
	v5 =	vmov s29;
	v7 =	vmov s18;
	s18 =	simm.s32 $0x17A00;
	v8 =	vld [tilespmem:s20+$0x180]  }
0x229: {  	v6 =	vmov s31;
	v26 =	vld [tilespmem:s18+$0x180]  }
0x22a: {  	v9 =	vld.idx.msk [tilespmem:v1+s0+$0x0], $0xffff  }
0x22b: {  	v4 =	vld.idx.msk [tilespmem:v2+s0+$0x0], $0xffff  }
0x22c: {  	v2 =	vld.idx.msk [tilespmem:v3+s0+$0x0], $0xffff  }
0x22d: {  	s12 =	sadd.s32 $0x4, s3;
	v13 =	vld.idx.msk [tilespmem:v5+s0+$0x0], $0xffff  }
0x22e: {  	s3 =	sadd.s32 $0x6, s3;
	v1 =	vmov s12;
	v12 =	vld.idx.msk [tilespmem:v6+s0+$0x0], $0xffff  }
0x22f: {  	v14 =	vmov s3;
	v10 =	vld.idx.msk [tilespmem:v7+s0+$0x0], $0xffff  }
0x230: {  	v3 =	vld [tilespmem:s20+$0xFFFFFE00]  }
0x231: {  	v5 =	vld [tilespmem:s20+$0xFFFFFE80]  }
0x232: {  	v6 =	vld [tilespmem:s20+$0xFFFFFF00]  }
0x233: {  	v11 =	vld.idx.msk [tilespmem:v1+s0+$0x0], $0xffff  }
0x234: {  	v1 =	vld.idx.msk [tilespmem:v14+s0+$0x0], $0xffff  }
0x235: {  	v7 =	vmul.f32 v8, v4;
	v8 =	vld [tilespmem:s20+$0xFFFFFF80]  }
0x236: {  	s3 =	simm.s32 $0x1C600;
	v14 =	vld [tilespmem:s20+$0x0]  }
0x237: {  	v3 =	vmul.f32 v3, v9;
	[tilespmem:s3+$0x180] =	vst v7;
	v7 =	vld [tilespmem:s20+$0x80]  }
0x238: {  	v5 =	vmul.f32 v5, v2;
	v15 =	vld [tilespmem:s20+$0x190]  }
0x239: {  	v6 =	vmul.f32 v6, v13;
	[tilespmem:s3+$0xFFFFFE00] =	vst v3;
	v3 =	vld [tilespmem:s20+$0x100]  }
0x23a: {  	[tilespmem:s3+$0xFFFFFE80] =	vst v5;
	v16 =	vld [tilespmem:s20+$0xFFFFFE10];
	v5 =	vmul.f32 v8, v12  }
0x23b: {  	[tilespmem:s3+$0xFFFFFF00] =	vst v6;
	v6 =	vmul.f32 v14, v11;
	v8 =	vld [tilespmem:s20+$0xFFFFFE90]  }
0x23c: {  	v14 =	vld [tilespmem:s20+$0xFFFFFF10];
	[tilespmem:s3+$0xFFFFFF80] =	vst v5;
	v5 =	vmul.f32 v7, v10  }
0x23d: {  	[tilespmem:s3+$0x0] =	vst v6;
	v7 =	vmul.f32 v15, v4;
	v15 =	vld [tilespmem:s20+$0xFFFFFF90]  }
0x23e: {  	v3 =	vmul.f32 v3, v1;
	v6 =	vld [tilespmem:s20+$0x10];
	[tilespmem:s3+$0x80] =	vst v5  }
0x23f: {  	v5 =	vmul.f32 v16, v9;
	[tilespmem:s3+$0x190] =	vst v7;
	v7 =	vld [tilespmem:s20+$0x90]  }
0x240: {  	[tilespmem:s3+$0x100] =	vst v3;
	v3 =	vmul.f32 v8, v2;
	v16 =	vld [tilespmem:s20+$0x1A0]  }
0x241: {  	v8 =	vmul.f32 v14, v13;
	[tilespmem:s3+$0xFFFFFE10] =	vst v5;
	v5 =	vld [tilespmem:s20+$0x110]  }
0x242: {  	v14 =	vld [tilespmem:s20+$0xFFFFFE20];
	[tilespmem:s3+$0xFFFFFE90] =	vst v3;
	v3 =	vmul.f32 v15, v12  }
0x243: {  	[tilespmem:s3+$0xFFFFFF10] =	vst v8;
	v6 =	vmul.f32 v6, v11;
	v15 =	vld [tilespmem:s20+$0xFFFFFEA0]  }
0x244: {  	v8 =	vld [tilespmem:s20+$0xFFFFFF20];
	[tilespmem:s3+$0xFFFFFF90] =	vst v3;
	v3 =	vmul.f32 v7, v10  }
0x245: {  	[tilespmem:s3+$0x10] =	vst v6;
	v7 =	vmul.f32 v16, v4;
	v16 =	vld [tilespmem:s20+$0xFFFFFFA0]  }
0x246: {  	v6 =	vld [tilespmem:s20+$0x20];
	v5 =	vmul.f32 v5, v1;
	[tilespmem:s3+$0x90] =	vst v3  }
0x247: {  	v3 =	vmul.f32 v14, v9;
	[tilespmem:s3+$0x1A0] =	vst v7;
	v7 =	vld [tilespmem:s20+$0xA0]  }
0x248: {  	[tilespmem:s3+$0x110] =	vst v5;
	v5 =	vmul.f32 v15, v2;
	v14 =	vld [tilespmem:s20+$0x1B0]  }
0x249: {  	v8 =	vmul.f32 v8, v13;
	[tilespmem:s3+$0xFFFFFE20] =	vst v3;
	v3 =	vld [tilespmem:s20+$0x120]  }
0x24a: {  	v15 =	vld [tilespmem:s20+$0xFFFFFE30];
	[tilespmem:s3+$0xFFFFFEA0] =	vst v5;
	v5 =	vmul.f32 v16, v12  }
0x24b: {  	[tilespmem:s3+$0xFFFFFF20] =	vst v8;
	v6 =	vmul.f32 v6, v11;
	v16 =	vld [tilespmem:s20+$0xFFFFFEB0]  }
0x24c: {  	v8 =	vld [tilespmem:s20+$0xFFFFFF30];
	[tilespmem:s3+$0xFFFFFFA0] =	vst v5;
	v5 =	vmul.f32 v7, v10  }
0x24d: {  	[tilespmem:s3+$0x20] =	vst v6;
	v7 =	vmul.f32 v14, v4;
	v14 =	vld [tilespmem:s20+$0xFFFFFFB0]  }
0x24e: {  	v6 =	vld [tilespmem:s20+$0x30];
	v3 =	vmul.f32 v3, v1;
	[tilespmem:s3+$0xA0] =	vst v5  }
0x24f: {  	v5 =	vmul.f32 v15, v9;
	[tilespmem:s3+$0x1B0] =	vst v7;
	v7 =	vld [tilespmem:s20+$0xB0]  }
0x250: {  	[tilespmem:s3+$0x120] =	vst v3;
	v3 =	vmul.f32 v16, v2;
	v15 =	vld [tilespmem:s20+$0x1C0]  }
0x251: {  	v8 =	vmul.f32 v8, v13;
	[tilespmem:s3+$0xFFFFFE30] =	vst v5;
	v5 =	vld [tilespmem:s20+$0x130]  }
0x252: {  	v16 =	vld [tilespmem:s20+$0xFFFFFE40];
	[tilespmem:s3+$0xFFFFFEB0] =	vst v3;
	v3 =	vmul.f32 v14, v12  }
0x253: {  	[tilespmem:s3+$0xFFFFFF30] =	vst v8;
	v6 =	vmul.f32 v6, v11;
	v14 =	vld [tilespmem:s20+$0xFFFFFEC0]  }
0x254: {  	v8 =	vld [tilespmem:s20+$0xFFFFFF40];
	[tilespmem:s3+$0xFFFFFFB0] =	vst v3;
	v3 =	vmul.f32 v7, v10  }
0x255: {  	[tilespmem:s3+$0x30] =	vst v6;
	v7 =	vmul.f32 v15, v4;
	v15 =	vld [tilespmem:s20+$0xFFFFFFC0]  }
0x256: {  	v6 =	vld [tilespmem:s20+$0x40];
	v5 =	vmul.f32 v5, v1;
	[tilespmem:s3+$0xB0] =	vst v3  }
0x257: {  	v3 =	vmul.f32 v16, v9;
	[tilespmem:s3+$0x1C0] =	vst v7;
	v7 =	vld [tilespmem:s20+$0xC0]  }
0x258: {  	[tilespmem:s3+$0x130] =	vst v5;
	v5 =	vmul.f32 v14, v2;
	v16 =	vld [tilespmem:s20+$0x1D0]  }
0x259: {  	v8 =	vmul.f32 v8, v13;
	[tilespmem:s3+$0xFFFFFE40] =	vst v3;
	v3 =	vld [tilespmem:s20+$0x140]  }
0x25a: {  	v14 =	vld [tilespmem:s20+$0xFFFFFE50];
	[tilespmem:s3+$0xFFFFFEC0] =	vst v5;
	v5 =	vmul.f32 v15, v12  }
0x25b: {  	[tilespmem:s3+$0xFFFFFF40] =	vst v8;
	v6 =	vmul.f32 v6, v11;
	v15 =	vld [tilespmem:s20+$0xFFFFFED0]  }
0x25c: {  	v8 =	vld [tilespmem:s20+$0xFFFFFF50];
	[tilespmem:s3+$0xFFFFFFC0] =	vst v5;
	v5 =	vmul.f32 v7, v10  }
0x25d: {  	[tilespmem:s3+$0x40] =	vst v6;
	v7 =	vmul.f32 v16, v4;
	v16 =	vld [tilespmem:s20+$0xFFFFFFD0]  }
0x25e: {  	v6 =	vld [tilespmem:s20+$0x50];
	v3 =	vmul.f32 v3, v1;
	[tilespmem:s3+$0xC0] =	vst v5  }
0x25f: {  	v5 =	vmul.f32 v14, v9;
	[tilespmem:s3+$0x1D0] =	vst v7;
	v7 =	vld [tilespmem:s20+$0xD0]  }
0x260: {  	[tilespmem:s3+$0x140] =	vst v3;
	v3 =	vmul.f32 v15, v2;
	v14 =	vld [tilespmem:s20+$0x1E0]  }
0x261: {  	v8 =	vmul.f32 v8, v13;
	[tilespmem:s3+$0xFFFFFE50] =	vst v5;
	v5 =	vld [tilespmem:s20+$0x150]  }
0x262: {  	v15 =	vld [tilespmem:s20+$0xFFFFFE60];
	[tilespmem:s3+$0xFFFFFED0] =	vst v3;
	v3 =	vmul.f32 v16, v12  }
0x263: {  	[tilespmem:s3+$0xFFFFFF50] =	vst v8;
	v6 =	vmul.f32 v6, v11;
	v16 =	vld [tilespmem:s20+$0xFFFFFEE0]  }
0x264: {  	v8 =	vld [tilespmem:s20+$0xFFFFFF60];
	[tilespmem:s3+$0xFFFFFFD0] =	vst v3;
	v3 =	vmul.f32 v7, v10  }
0x265: {  	[tilespmem:s3+$0x50] =	vst v6;
	v7 =	vmul.f32 v14, v4;
	v14 =	vld [tilespmem:s20+$0xFFFFFFE0]  }
0x266: {  	v6 =	vld [tilespmem:s20+$0x60];
	v5 =	vmul.f32 v5, v1;
	[tilespmem:s3+$0xD0] =	vst v3  }
0x267: {  	v3 =	vmul.f32 v15, v9;
	[tilespmem:s3+$0x1E0] =	vst v7;
	v7 =	vld [tilespmem:s20+$0xE0]  }
0x268: {  	s19 =	sadd.s32 $0x8, s2;
	[tilespmem:s3+$0x150] =	vst v5;
	v5 =	vmul.f32 v16, v2;
	v15 =	vld [tilespmem:s20+$0x1F0]  }
0x269: {  	s25 =	sadd.s32 $0x1, s19;
	[tilespmem:s3+$0xFFFFFE60] =	vst v3;
	v16 =	vld [tilespmem:s20+$0x160];
	v3 =	vmul.f32 v8, v13  }
0x26a: {  	v8 =	vmov s25;
	v17 =	vld [tilespmem:s20+$0xFFFFFE70];
	[tilespmem:s3+$0xFFFFFEE0] =	vst v5;
	v5 =	vmul.f32 v14, v12  }
0x26b: {  	v18 =	vld [tilespmem:s20+$0xFFFFFEF0];
	[tilespmem:s3+$0xFFFFFF60] =	vst v3;
	v3 =	vmul.f32 v6, v11  }
0x26c: {  	s12 =	sadd.s32 $0x3, s19;
	v6 =	vmov s19;
	v19 =	vld [tilespmem:s20+$0xFFFFFF70];
	[tilespmem:s3+$0xFFFFFFE0] =	vst v5  }
0x26d: {  	s31 =	sadd.s32 $0x5, s19;
	v23 =	vmov s12;
	v5 =	vmul.f32 v7, v10;
	[tilespmem:s3+$0x60] =	vst v3;
	v20 =	vld [tilespmem:s20+$0xFFFFFFF0]  }
0x26e: {  	s21 =	sadd.s32 $0x7, s19;
	v25 =	vmov s31;
	v21 =	vld [tilespmem:s20+$0x70]  }
0x26f: {  	s4 =	sadd.s32 $0x6, s19;
	v7 =	vmov s21;
	v8 =	vld.idx.msk [tilespmem:v8+s0+$0x0], $0xffff;
	[tilespmem:s3+$0xE0] =	vst v5  }
0x270: {  	v27 =	vmov s4;
	v22 =	vld [tilespmem:s20+$0xF0]  }
0x271: {  	v4 =	vmul.f32 v15, v4;
	v3 =	vld.idx.msk [tilespmem:v6+s0+$0x0], $0xffff  }
0x272: {  	s28 =	sadd.s32 $0x2, s19;
	v6 =	vld.idx.msk [tilespmem:v23+s0+$0x0], $0xffff  }
0x273: {  	v15 =	vmul.f32 v16, v1;
	v5 =	vmov s28;
	[tilespmem:s3+$0x1F0] =	vst v4;
	v4 =	vld.idx.msk [tilespmem:v25+s0+$0x0], $0xffff  }
0x274: {  	s29 =	sadd.s32 $0x4, s19;
	v14 =	vld.idx.msk [tilespmem:v7+s0+$0x0], $0xffff  }
0x275: {  	v24 =	vmov s29;
	[tilespmem:s3+$0x160] =	vst v15;
	v15 =	vmul.f32 v18, v2;
	v2 =	vld.idx.msk [tilespmem:v27+s0+$0x0], $0xffff;
	v13 =	vmul.f32 v19, v13  }
0x276: {  	v18 =	vld [tilespmem:s18+$0xFFFFFE00]  }
0x277: {  	v9 =	vmul.f32 v17, v9;
	[tilespmem:s3+$0xFFFFFF70] =	vst v13;
	v13 =	vld [tilespmem:s18+$0xFFFFFE80]  }
0x278: {  	v12 =	vmul.f32 v20, v12;
	v7 =	vld.idx.msk [tilespmem:v5+s0+$0x0], $0xffff  }
0x279: {  	[tilespmem:s3+$0xFFFFFE70] =	vst v9;
	v9 =	vmul.f32 v22, v10;
	v10 =	vld [tilespmem:s18+$0xFFFFFF80];
	v16 =	vmul.f32 v26, v14  }
0x27a: {  	s5 =	simm.s32 $0x1CA00;
	v5 =	vld.idx.msk [tilespmem:v24+s0+$0x0], $0xffff;
	[tilespmem:s3+$0xFFFFFFF0] =	vst v12  }
0x27b: {  	v11 =	vmul.f32 v21, v11;
	v12 =	vld [tilespmem:s18+$0xFFFFFF00];
	[tilespmem:s5+$0x180] =	vst v16  }
0x27c: {  	[tilespmem:s3+$0xFFFFFEF0] =	vst v15;
	v15 =	vld [tilespmem:s18+$0x190]  }
0x27d: {  	[tilespmem:s3+$0x70] =	vst v11;
	v11 =	vmul.f32 v18, v3;
	v16 =	vld [tilespmem:s18+$0x0]  }
0x27e: {  	[tilespmem:s3+$0xF0] =	vst v9;
	v9 =	vld [tilespmem:s18+$0x80];
	v10 =	vmul.f32 v10, v6  }
0x27f: {  	[tilespmem:s5+$0xFFFFFE00] =	vst v11;
	v11 =	vmul.f32 v13, v8;
	v13 =	vld [tilespmem:s18+$0x100]  }
0x280: {  	v17 =	vld [tilespmem:s18+$0xFFFFFE10];
	v12 =	vmul.f32 v12, v7;
	[tilespmem:s5+$0xFFFFFF80] =	vst v10  }
0x281: {  	[tilespmem:s5+$0xFFFFFE80] =	vst v11;
	v10 =	vld [tilespmem:s18+$0xFFFFFF90];
	v15 =	vmul.f32 v15, v14  }
0x282: {  	[tilespmem:s5+$0xFFFFFF00] =	vst v12;
	v12 =	vmul.f32 v16, v5  }
0x283: {  	v9 =	vmul.f32 v9, v4;
	[tilespmem:s5+$0x190] =	vst v15;
	v15 =	vld [tilespmem:s18+$0xFFFFFE90]  }
0x284: {  	v16 =	vld [tilespmem:s18+$0xFFFFFF10];
	[tilespmem:s5+$0x0] =	vst v12;
	v12 =	vmul.f32 v13, v2  }
0x285: {  	[tilespmem:s5+$0x80] =	vst v9;
	v13 =	vmul.f32 v17, v3;
	v11 =	vld [tilespmem:s18+$0x1A0]  }
0x286: {  	v9 =	vld [tilespmem:s18+$0x90];
	[tilespmem:s5+$0x100] =	vst v12;
	v10 =	vmul.f32 v10, v6  }
0x287: {  	v17 =	vld [tilespmem:s18+$0x10];
	[tilespmem:s5+$0xFFFFFE10] =	vst v13  }
0x288: {  	v13 =	vld [tilespmem:s18+$0x110];
	[tilespmem:s5+$0xFFFFFF90] =	vst v10;
	v12 =	vmul.f32 v15, v8  }
0x289: {  	v16 =	vmul.f32 v16, v7;
	v10 =	vld [tilespmem:s18+$0xFFFFFFA0]  }
0x28a: {  	v15 =	vld [tilespmem:s18+$0xFFFFFE20];
	v11 =	vmul.f32 v11, v14;
	[tilespmem:s5+$0xFFFFFE90] =	vst v12  }
0x28b: {  	v9 =	vmul.f32 v9, v4;
	[tilespmem:s5+$0xFFFFFF10] =	vst v16;
	v12 =	vld [tilespmem:s18+$0xFFFFFEA0]  }
0x28c: {  	v16 =	vmul.f32 v17, v5;
	v17 =	vld [tilespmem:s18+$0xFFFFFF20];
	[tilespmem:s5+$0x1A0] =	vst v11  }
0x28d: {  	[tilespmem:s5+$0x90] =	vst v9;
	v13 =	vmul.f32 v13, v2;
	v11 =	vld [tilespmem:s18+$0x1B0]  }
0x28e: {  	v9 =	vld [tilespmem:s18+$0xA0];
	[tilespmem:s5+$0x10] =	vst v16;
	v10 =	vmul.f32 v10, v6  }
0x28f: {  	v16 =	vld [tilespmem:s18+$0x20];
	[tilespmem:s5+$0x110] =	vst v13;
	v15 =	vmul.f32 v15, v3  }
0x290: {  	v13 =	vld [tilespmem:s18+$0x120];
	[tilespmem:s5+$0xFFFFFFA0] =	vst v10;
	v12 =	vmul.f32 v12, v8  }
0x291: {  	v17 =	vmul.f32 v17, v7;
	[tilespmem:s5+$0xFFFFFE20] =	vst v15;
	v10 =	vld [tilespmem:s18+$0xFFFFFFB0]  }
0x292: {  	v15 =	vld [tilespmem:s18+$0xFFFFFE30];
	v11 =	vmul.f32 v11, v14;
	[tilespmem:s5+$0xFFFFFEA0] =	vst v12  }
0x293: {  	v9 =	vmul.f32 v9, v4;
	[tilespmem:s5+$0xFFFFFF20] =	vst v17;
	v12 =	vld [tilespmem:s18+$0xFFFFFEB0]  }
0x294: {  	v16 =	vmul.f32 v16, v5;
	v17 =	vld [tilespmem:s18+$0xFFFFFF30];
	[tilespmem:s5+$0x1B0] =	vst v11  }
0x295: {  	[tilespmem:s5+$0xA0] =	vst v9;
	v13 =	vmul.f32 v13, v2;
	v11 =	vld [tilespmem:s18+$0x1C0]  }
0x296: {  	v9 =	vld [tilespmem:s18+$0xB0];
	[tilespmem:s5+$0x20] =	vst v16;
	v10 =	vmul.f32 v10, v6  }
0x297: {  	v16 =	vld [tilespmem:s18+$0x30];
	[tilespmem:s5+$0x120] =	vst v13;
	v15 =	vmul.f32 v15, v3  }
0x298: {  	v13 =	vld [tilespmem:s18+$0x130];
	[tilespmem:s5+$0xFFFFFFB0] =	vst v10;
	v12 =	vmul.f32 v12, v8  }
0x299: {  	v17 =	vmul.f32 v17, v7;
	[tilespmem:s5+$0xFFFFFE30] =	vst v15;
	v10 =	vld [tilespmem:s18+$0xFFFFFFC0]  }
0x29a: {  	v15 =	vld [tilespmem:s18+$0xFFFFFE40];
	v11 =	vmul.f32 v11, v14;
	[tilespmem:s5+$0xFFFFFEB0] =	vst v12  }
0x29b: {  	v9 =	vmul.f32 v9, v4;
	[tilespmem:s5+$0xFFFFFF30] =	vst v17;
	v12 =	vld [tilespmem:s18+$0xFFFFFEC0]  }
0x29c: {  	v16 =	vmul.f32 v16, v5;
	v17 =	vld [tilespmem:s18+$0xFFFFFF40];
	[tilespmem:s5+$0x1C0] =	vst v11  }
0x29d: {  	[tilespmem:s5+$0xB0] =	vst v9;
	v13 =	vmul.f32 v13, v2;
	v11 =	vld [tilespmem:s18+$0x1D0]  }
0x29e: {  	v9 =	vld [tilespmem:s18+$0xC0];
	[tilespmem:s5+$0x30] =	vst v16;
	v10 =	vmul.f32 v10, v6  }
0x29f: {  	v16 =	vld [tilespmem:s18+$0x40];
	[tilespmem:s5+$0x130] =	vst v13;
	v15 =	vmul.f32 v15, v3  }
0x2a0: {  	v13 =	vld [tilespmem:s18+$0x140];
	[tilespmem:s5+$0xFFFFFFC0] =	vst v10;
	v12 =	vmul.f32 v12, v8  }
0x2a1: {  	v17 =	vmul.f32 v17, v7;
	[tilespmem:s5+$0xFFFFFE40] =	vst v15;
	v10 =	vld [tilespmem:s18+$0xFFFFFFD0]  }
0x2a2: {  	v15 =	vld [tilespmem:s18+$0xFFFFFE50];
	v11 =	vmul.f32 v11, v14;
	[tilespmem:s5+$0xFFFFFEC0] =	vst v12  }
0x2a3: {  	v9 =	vmul.f32 v9, v4;
	[tilespmem:s5+$0xFFFFFF40] =	vst v17;
	v12 =	vld [tilespmem:s18+$0xFFFFFED0]  }
0x2a4: {  	v16 =	vmul.f32 v16, v5;
	v17 =	vld [tilespmem:s18+$0xFFFFFF50];
	[tilespmem:s5+$0x1D0] =	vst v11  }
0x2a5: {  	[tilespmem:s5+$0xC0] =	vst v9;
	v11 =	vld [tilespmem:s18+$0x1E0]  }
0x2a6: {  	v9 =	vld [tilespmem:s18+$0xD0];
	[tilespmem:s5+$0x40] =	vst v16;
	v13 =	vmul.f32 v13, v2  }
0x2a7: {  	v16 =	vld [tilespmem:s18+$0x50];
	v15 =	vmul.f32 v15, v3  }
0x2a8: {  	[tilespmem:s5+$0x140] =	vst v13;
	v12 =	vmul.f32 v12, v8  }
0x2a9: {  	v13 =	vld [tilespmem:s18+$0x150];
	v17 =	vmul.f32 v17, v7;
	[tilespmem:s5+$0xFFFFFE50] =	vst v15  }
0x2aa: {  	v15 =	vld [tilespmem:s18+$0xFFFFFE60];
	v11 =	vmul.f32 v11, v14;
	[tilespmem:s5+$0xFFFFFED0] =	vst v12  }
0x2ab: {  	v10 =	vmul.f32 v10, v6;
	[tilespmem:s5+$0xFFFFFF50] =	vst v17;
	v18 =	vld [tilespmem:s18+$0xFFFFFEE0]  }
0x2ac: {  	v9 =	vmul.f32 v9, v4;
	[tilespmem:s5+$0x1E0] =	vst v11;
	v11 =	vmul.f32 v16, v5;
	v16 =	vld [tilespmem:s18+$0xFFFFFF60]  }
0x2ad: {  	[tilespmem:s5+$0xFFFFFFD0] =	vst v10;
	v12 =	vld [tilespmem:s18+$0x1F0]  }
0x2ae: {  	[tilespmem:s5+$0xD0] =	vst v9;
	v10 =	vmul.f32 v13, v2  }
0x2af: {  	v17 =	vld [tilespmem:s18+$0xFFFFFFE0];
	[tilespmem:s5+$0x50] =	vst v11;
	v13 =	vmul.f32 v15, v3  }
0x2b0: {  	[tilespmem:s5+$0x150] =	vst v10;
	v19 =	vld [tilespmem:s18+$0x60]  }
0x2b1: {  	v11 =	vld [tilespmem:s18+$0xE0];
	[tilespmem:s5+$0xFFFFFE60] =	vst v13;
	v13 =	vmul.f32 v16, v7  }
0x2b2: {  	v10 =	vld [tilespmem:s18+$0x160];
	v9 =	vmul.f32 v12, v14;
	v12 =	vmul.f32 v18, v8  }
0x2b3: {  	v15 =	vld [tilespmem:s20+$0x170];
	[tilespmem:s5+$0xFFFFFF60] =	vst v13  }
0x2b4: {  	v14 =	vld [tilespmem:s18+$0xFFFFFE70];
	[tilespmem:s5+$0xFFFFFEE0] =	vst v12;
	v12 =	vmul.f32 v17, v6  }
0x2b5: {  	s12 =	simm.s32 $0x18;
	s21 =	sadd.s32 $0x10, s2;
	s20 =	simm.s32 $0x17A00;
	[tilespmem:s5+$0x1F0] =	vst v9;
	v9 =	vmul.f32 v19, v5;
	v16 =	vld [tilespmem:s18+$0xFFFFFEF0]  }
.LBB2_15:
0x2b6: {  	p3 =	slt.u32 s12, $0x48;
	v13 =	vmov s21;
	s4 =	sadd.s32 $0x1, s21;
	s19 =	sadd.s32 $0x7, s21;
	v17 =	vld [tilespmem:s18+$0xFFFFFF70];
	[tilespmem:s5+$0xFFFFFFE0] =	vst v12;
	v11 =	vmul.f32 v11, v4  }
0x2b7: {  	s25 =	sadd.s32 $0x3, s21;
	s28 =	sadd.s32 $0x4, s21;
	v12 =	vmov s4;
	s4 =	sadd.s32 $0x2, s21;
	v18 =	vmov s19;
	v19 =	vld [tilespmem:s18+$0xFFFFFFF0];
	[tilespmem:s5+$0x60] =	vst v9;
	v9 =	vmul.f32 v10, v2  }
0x2b8: {  	v20 =	vmov s25;
	v21 =	vmov s28;
	s19 =	sadd.s32 $0x6, s21;
	v10 =	vmov s4;
	s4 =	sadd.s32 $0x5, s21;
	[tilespmem:s5+$0xE0] =	vst v11  }
0x2b9: {  	v22 =	vmov s19;
	v11 =	vmov s4;
	v23 =	vld [tilespmem:s18+$0x70];
	[tilespmem:s5+$0x160] =	vst v9;
	v9 =	vmul.f32 v15, v1;
	v1 =	vmovc v2  }
0x2ba: {  	v2 =	vmul.f32 v14, v3;
	v8 =	vmul.f32 v16, v8;
	v14 =	vld [tilespmem:s18+$0xF0]  }
0x2bb: {  	v3 =	vld.idx.msk [tilespmem:v13+s0+$0x0], $0xffff;
	v7 =	vmul.f32 v17, v7;
	[tilespmem:s3+$0x170] =	vst v9;
	s3 =	smov.u32 s5  }
0x2bc: {  	s18 =	sadd.s32 $0x400, s18;
	v9 =	vld.idx.msk [tilespmem:v18+s0+$0x0], $0xffff;
	[tilespmem:s5+$0xFFFFFEF0] =	vst v8;
	v6 =	vmul.f32 v19, v6  }
0x2bd: {  	v13 =	vld [tilespmem:s18+$0x180];
	[tilespmem:s5+$0xFFFFFF70] =	vst v7  }
0x2be: {  	v8 =	vld.idx.msk [tilespmem:v12+s0+$0x0], $0xffff;
	[tilespmem:s5+$0xFFFFFFF0] =	vst v6;
	v5 =	vmul.f32 v23, v5  }
0x2bf: {  	v7 =	vld.idx.msk [tilespmem:v10+s0+$0x0], $0xffff;
	[tilespmem:s5+$0xFFFFFE70] =	vst v2;
	v2 =	vmul.f32 v14, v4  }
0x2c0: {  	v6 =	vld.idx.msk [tilespmem:v20+s0+$0x0], $0xffff;
	[tilespmem:s5+$0x70] =	vst v5  }
0x2c1: {  	v5 =	vld.idx.msk [tilespmem:v21+s0+$0x0], $0xffff;
	[tilespmem:s5+$0xF0] =	vst v2  }
0x2c2: {  	v4 =	vld.idx.msk [tilespmem:v11+s0+$0x0], $0xffff;
	v10 =	vmul.f32 v13, v9  }
0x2c3: {  	s5 =	sadd.s32 $0x400, s5;
	v2 =	vld.idx.msk [tilespmem:v22+s0+$0x0], $0xffff  }
0x2c4: {  	v11 =	vld [tilespmem:s18+$0xFFFFFE00];
	[tilespmem:s5+$0x180] =	vst v10  }
0x2c5: {  	v10 =	vld [tilespmem:s18+$0x190]  }
0x2c6: {  	v12 =	vld [tilespmem:s18+$0xFFFFFE80]  }
0x2c7: {  	v13 =	vld [tilespmem:s18+$0xFFFFFF00]  }
0x2c8: {  	v14 =	vld [tilespmem:s18+$0xFFFFFF80]  }
0x2c9: {  	v11 =	vmul.f32 v11, v3;
	v15 =	vld [tilespmem:s18+$0x0]  }
0x2ca: {  	v16 =	vld [tilespmem:s18+$0x80];
	v10 =	vmul.f32 v10, v9  }
0x2cb: {  	[tilespmem:s5+$0xFFFFFE00] =	vst v11;
	v11 =	vmul.f32 v12, v8;
	v12 =	vld [tilespmem:s18+$0x100]  }
0x2cc: {  	v17 =	vld [tilespmem:s18+$0xFFFFFE10];
	v13 =	vmul.f32 v13, v7;
	[tilespmem:s5+$0x190] =	vst v10  }
0x2cd: {  	[tilespmem:s5+$0xFFFFFE80] =	vst v11;
	v10 =	vmul.f32 v14, v6;
	v11 =	vld [tilespmem:s18+$0x1A0]  }
0x2ce: {  	v14 =	vld [tilespmem:s18+$0xFFFFFE90];
	[tilespmem:s5+$0xFFFFFF00] =	vst v13;
	v13 =	vmul.f32 v15, v5  }
0x2cf: {  	v15 =	vld [tilespmem:s18+$0xFFFFFF10];
	[tilespmem:s5+$0xFFFFFF80] =	vst v10;
	v10 =	vmul.f32 v16, v4  }
0x2d0: {  	v16 =	vld [tilespmem:s18+$0xFFFFFF90];
	[tilespmem:s5+$0x0] =	vst v13;
	v12 =	vmul.f32 v12, v2  }
0x2d1: {  	v13 =	vmul.f32 v17, v3;
	v17 =	vld [tilespmem:s18+$0x10];
	[tilespmem:s5+$0x80] =	vst v10  }
0x2d2: {  	v10 =	vld [tilespmem:s18+$0x90];
	[tilespmem:s5+$0x100] =	vst v12;
	v11 =	vmul.f32 v11, v9  }
0x2d3: {  	[tilespmem:s5+$0xFFFFFE10] =	vst v13;
	v12 =	vmul.f32 v14, v8;
	v13 =	vld [tilespmem:s18+$0x110]  }
0x2d4: {  	v14 =	vld [tilespmem:s18+$0xFFFFFE20];
	v15 =	vmul.f32 v15, v7;
	[tilespmem:s5+$0x1A0] =	vst v11  }
0x2d5: {  	[tilespmem:s5+$0xFFFFFE90] =	vst v12;
	v11 =	vmul.f32 v16, v6;
	v12 =	vld [tilespmem:s18+$0x1B0]  }
0x2d6: {  	v16 =	vld [tilespmem:s18+$0xFFFFFEA0];
	[tilespmem:s5+$0xFFFFFF10] =	vst v15;
	v15 =	vmul.f32 v17, v5  }
0x2d7: {  	v17 =	vld [tilespmem:s18+$0xFFFFFF20];
	[tilespmem:s5+$0xFFFFFF90] =	vst v11;
	v10 =	vmul.f32 v10, v4  }
0x2d8: {  	v11 =	vld [tilespmem:s18+$0xFFFFFFA0];
	[tilespmem:s5+$0x10] =	vst v15;
	v13 =	vmul.f32 v13, v2  }
0x2d9: {  	v14 =	vmul.f32 v14, v3;
	v15 =	vld [tilespmem:s18+$0x20];
	[tilespmem:s5+$0x90] =	vst v10  }
0x2da: {  	v10 =	vld [tilespmem:s18+$0xA0];
	[tilespmem:s5+$0x110] =	vst v13;
	v12 =	vmul.f32 v12, v9  }
0x2db: {  	[tilespmem:s5+$0xFFFFFE20] =	vst v14;
	v13 =	vmul.f32 v16, v8;
	v14 =	vld [tilespmem:s18+$0x120]  }
0x2dc: {  	v16 =	vld [tilespmem:s18+$0xFFFFFE30];
	v17 =	vmul.f32 v17, v7;
	[tilespmem:s5+$0x1B0] =	vst v12  }
0x2dd: {  	[tilespmem:s5+$0xFFFFFEA0] =	vst v13;
	v11 =	vmul.f32 v11, v6;
	v12 =	vld [tilespmem:s18+$0x1C0]  }
0x2de: {  	v13 =	vld [tilespmem:s18+$0xFFFFFEB0];
	[tilespmem:s5+$0xFFFFFF20] =	vst v17;
	v15 =	vmul.f32 v15, v5  }
0x2df: {  	v17 =	vld [tilespmem:s18+$0xFFFFFF30];
	[tilespmem:s5+$0xFFFFFFA0] =	vst v11;
	v10 =	vmul.f32 v10, v4  }
0x2e0: {  	v11 =	vld [tilespmem:s18+$0xFFFFFFB0];
	[tilespmem:s5+$0x20] =	vst v15;
	v14 =	vmul.f32 v14, v2  }
0x2e1: {  	v15 =	vmul.f32 v16, v3;
	v16 =	vld [tilespmem:s18+$0x30];
	[tilespmem:s5+$0xA0] =	vst v10  }
0x2e2: {  	v10 =	vld [tilespmem:s18+$0xB0];
	[tilespmem:s5+$0x120] =	vst v14;
	v12 =	vmul.f32 v12, v9  }
0x2e3: {  	[tilespmem:s5+$0xFFFFFE30] =	vst v15;
	v13 =	vmul.f32 v13, v8;
	v14 =	vld [tilespmem:s18+$0x130]  }
0x2e4: {  	v15 =	vld [tilespmem:s18+$0xFFFFFE40];
	v17 =	vmul.f32 v17, v7;
	[tilespmem:s5+$0x1C0] =	vst v12  }
0x2e5: {  	[tilespmem:s5+$0xFFFFFEB0] =	vst v13;
	v11 =	vmul.f32 v11, v6;
	v12 =	vld [tilespmem:s18+$0x1D0]  }
0x2e6: {  	v13 =	vld [tilespmem:s18+$0xFFFFFEC0];
	[tilespmem:s5+$0xFFFFFF30] =	vst v17;
	v16 =	vmul.f32 v16, v5  }
0x2e7: {  	v17 =	vld [tilespmem:s18+$0xFFFFFF40];
	[tilespmem:s5+$0xFFFFFFB0] =	vst v11;
	v10 =	vmul.f32 v10, v4  }
0x2e8: {  	v11 =	vld [tilespmem:s18+$0xFFFFFFC0];
	[tilespmem:s5+$0x30] =	vst v16;
	v14 =	vmul.f32 v14, v2  }
0x2e9: {  	v15 =	vmul.f32 v15, v3;
	v16 =	vld [tilespmem:s18+$0x40];
	[tilespmem:s5+$0xB0] =	vst v10  }
0x2ea: {  	v10 =	vld [tilespmem:s18+$0xC0];
	[tilespmem:s5+$0x130] =	vst v14;
	v12 =	vmul.f32 v12, v9  }
0x2eb: {  	[tilespmem:s5+$0xFFFFFE40] =	vst v15;
	v13 =	vmul.f32 v13, v8;
	v14 =	vld [tilespmem:s18+$0x140]  }
0x2ec: {  	v15 =	vld [tilespmem:s18+$0xFFFFFE50];
	v17 =	vmul.f32 v17, v7;
	[tilespmem:s5+$0x1D0] =	vst v12  }
0x2ed: {  	[tilespmem:s5+$0xFFFFFEC0] =	vst v13;
	v11 =	vmul.f32 v11, v6;
	v12 =	vld [tilespmem:s18+$0x1E0]  }
0x2ee: {  	v13 =	vld [tilespmem:s18+$0xFFFFFED0];
	[tilespmem:s5+$0xFFFFFF40] =	vst v17;
	v16 =	vmul.f32 v16, v5  }
0x2ef: {  	v17 =	vld [tilespmem:s18+$0xFFFFFF50];
	[tilespmem:s5+$0xFFFFFFC0] =	vst v11;
	v10 =	vmul.f32 v10, v4  }
0x2f0: {  	v11 =	vld [tilespmem:s18+$0xFFFFFFD0];
	[tilespmem:s5+$0x40] =	vst v16;
	v14 =	vmul.f32 v14, v2  }
0x2f1: {  	v15 =	vmul.f32 v15, v3;
	v16 =	vld [tilespmem:s18+$0x50];
	[tilespmem:s5+$0xC0] =	vst v10  }
0x2f2: {  	v10 =	vld [tilespmem:s18+$0xD0];
	[tilespmem:s5+$0x140] =	vst v14;
	v12 =	vmul.f32 v12, v9  }
0x2f3: {  	[tilespmem:s5+$0xFFFFFE50] =	vst v15;
	v13 =	vmul.f32 v13, v8;
	v14 =	vld [tilespmem:s18+$0x150]  }
0x2f4: {  	v15 =	vld [tilespmem:s18+$0xFFFFFE60];
	v17 =	vmul.f32 v17, v7;
	[tilespmem:s5+$0x1E0] =	vst v12  }
0x2f5: {  	[tilespmem:s5+$0xFFFFFED0] =	vst v13;
	v11 =	vmul.f32 v11, v6;
	v12 =	vld [tilespmem:s18+$0x1F0]  }
0x2f6: {  	v13 =	vld [tilespmem:s18+$0xFFFFFEE0];
	[tilespmem:s5+$0xFFFFFF50] =	vst v17;
	v16 =	vmul.f32 v16, v5  }
0x2f7: {  	v17 =	vld [tilespmem:s18+$0xFFFFFF60];
	[tilespmem:s5+$0xFFFFFFD0] =	vst v11;
	v10 =	vmul.f32 v10, v4  }
0x2f8: {  	v18 =	vld [tilespmem:s18+$0xFFFFFFE0];
	[tilespmem:s5+$0x50] =	vst v16;
	v14 =	vmul.f32 v14, v2  }
0x2f9: {  	v15 =	vmul.f32 v15, v3;
	v19 =	vld [tilespmem:s18+$0x60];
	[tilespmem:s5+$0xD0] =	vst v10  }
.Ltmp9:
0x2fa: {  	v11 =	vld [tilespmem:s18+$0xE0];
	[tilespmem:s5+$0x150] =	vst v14;
	v9 =	vmul.f32 v12, v9;
	(pc) =	sbr.rel @p3 .LBB2_15-.Ltmp9, $4  }
0x2fb: {  	[tilespmem:s5+$0xFFFFFE60] =	vst v15;
	v12 =	vmul.f32 v13, v8;
	v10 =	vld [tilespmem:s18+$0x160]  }
0x2fc: {  	v13 =	vmul.f32 v17, v7;
	[tilespmem:s5+$0x1F0] =	vst v9;
	v15 =	vld [tilespmem:s20+$0x170];
	s20 =	smov.u32 s18  }
0x2fd: {  	v14 =	vld [tilespmem:s18+$0xFFFFFE70];
	[tilespmem:s5+$0xFFFFFEE0] =	vst v12;
	v12 =	vmul.f32 v18, v6  }
0x2fe: {  	s21 =	sadd.s32 s2, s12;
	s12 =	sadd.s32 $0x8, s12;
	v16 =	vld [tilespmem:s18+$0xFFFFFEF0];
	[tilespmem:s5+$0xFFFFFF60] =	vst v13;
	v9 =	vmul.f32 v19, v5  }
0x2ff: {  	v17 =	vld [tilespmem:s18+$0xFFFFFF70];
	[tilespmem:s5+$0xFFFFFFE0] =	vst v12  }
0x300: {  	s19 =	sadd.s32 $0x400, s18;
	v18 =	vld [tilespmem:s18+$0xFFFFFFF0]  }
0x301: {  	v25 =	vld [tilespmem:s19+$0x180]  }
0x302: {  	v48 =	vld [tilespmem:s19+$0xFFFFFE00]  }
0x303: {  	v50 =	vld [tilespmem:s19+$0xFFFFFE80]  }
0x304: {  	v51 =	vld [tilespmem:s19+$0xFFFFFF00]  }
0x305: {  	v13 =	vmov s21;
	s4 =	sadd.s32 $0x7, s21;
	v52 =	vld [tilespmem:s19+$0xFFFFFF80]  }
0x306: {  	v11 =	vmul.f32 v11, v4;
	s28 =	sadd.s32 $0x1, s21;
	v45 =	vmov s4;
	v55 =	vld [tilespmem:s19+$0x0]  }
0x307: {  	s29 =	sadd.s32 $0x2, s21;
	[tilespmem:s5+$0x60] =	vst v9;
	v19 =	vmov s28;
	v57 =	vld [tilespmem:s19+$0x100]  }
0x308: {  	s12 =	sadd.s32 $0x3, s21;
	v46 =	vmov s29;
	v47 =	vmul.f32 v10, v2;
	[tilespmem:s5+$0xE0] =	vst v11;
	v20 =	vld [tilespmem:s18+$0x70]  }
0x309: {  	s31 =	sadd.s32 $0x4, s21;
	v22 =	vmov s12;
	v15 =	vmul.f32 v15, v1;
	v21 =	vld [tilespmem:s18+$0xF0]  }
0x30a: {  	s25 =	sadd.s32 $0x6, s21;
	v23 =	vmov s31;
	[tilespmem:s5+$0x160] =	vst v47;
	v3 =	vmul.f32 v14, v3;
	v9 =	vld.idx.msk [tilespmem:v13+s0+$0x0], $0xffff  }
0x30b: {  	s12 =	sadd.s32 $0x5, s21;
	v26 =	vmov s25;
	v16 =	vmul.f32 v16, v8;
	[tilespmem:s3+$0x170] =	vst v15;
	v13 =	vld.idx.msk [tilespmem:v45+s0+$0x0], $0xffff  }
0x30c: {  	v24 =	vmov s12;
	v17 =	vmul.f32 v17, v7;
	[tilespmem:s5+$0xFFFFFE70] =	vst v3;
	v12 =	vld.idx.msk [tilespmem:v19+s0+$0x0], $0xffff  }
0x30d: {  	v11 =	vld.idx.msk [tilespmem:v46+s0+$0x0], $0xffff;
	[tilespmem:s5+$0xFFFFFEF0] =	vst v16;
	v6 =	vmul.f32 v18, v6  }
0x30e: {  	v10 =	vld.idx.msk [tilespmem:v22+s0+$0x0], $0xffff;
	[tilespmem:s5+$0xFFFFFF70] =	vst v17;
	v5 =	vmul.f32 v20, v5  }
0x30f: {  	v1 =	vld.idx.msk [tilespmem:v23+s0+$0x0], $0xffff;
	[tilespmem:s5+$0xFFFFFFF0] =	vst v6;
	v3 =	vmul.f32 v21, v4  }
0x310: {  	v7 =	vld.idx.msk [tilespmem:v26+s0+$0x0], $0xffff;
	[tilespmem:s5+$0x70] =	vst v5;
	v54 =	vmul.f32 v48, v9  }
0x311: {  	s28 =	sadd.s32 $0x400, s5;
	v8 =	vld.idx.msk [tilespmem:v24+s0+$0x0], $0xffff;
	[tilespmem:s5+$0xF0] =	vst v3;
	v49 =	vmul.f32 v25, v13  }
0x312: {  	v3 =	vld [tilespmem:s19+$0x80];
	v56 =	vmul.f32 v50, v12;
	[tilespmem:s28+$0xFFFFFE00] =	vst v54  }
0x313: {  	v6 =	vmul.f32 v51, v11;
	[tilespmem:s28+$0x180] =	vst v49;
	v58 =	vld [tilespmem:s19+$0xFFFFFE10]  }
0x314: {  	v14 =	vmul.f32 v52, v10;
	[tilespmem:s28+$0xFFFFFE80] =	vst v56;
	v53 =	vld [tilespmem:s19+$0x190]  }
0x315: {  	v59 =	vmul.f32 v55, v1;
	[tilespmem:s28+$0xFFFFFF00] =	vst v6;
	v16 =	vld [tilespmem:s19+$0xFFFFFE90]  }
0x316: {  	v5 =	vmul.f32 v57, v7;
	[tilespmem:s28+$0xFFFFFF80] =	vst v14;
	v60 =	vld [tilespmem:s19+$0xFFFFFF10]  }
0x317: {  	[tilespmem:s28+$0x0] =	vst v59;
	v61 =	vld [tilespmem:s19+$0xFFFFFF90];
	v3 =	vmul.f32 v3, v8  }
0x318: {  	[tilespmem:s28+$0x100] =	vst v5;
	v21 =	vld [tilespmem:s19+$0x10];
	v20 =	vmul.f32 v58, v9  }
0x319: {  	v23 =	vld [tilespmem:s19+$0x110];
	[tilespmem:s28+$0x80] =	vst v3;
	v4 =	vmul.f32 v53, v13  }
0x31a: {  	v3 =	vld [tilespmem:s19+$0x90];
	v22 =	vmul.f32 v16, v12;
	[tilespmem:s28+$0xFFFFFE10] =	vst v20  }
0x31b: {  	v58 =	vld [tilespmem:s20+$0x170];
	v15 =	vmul.f32 v60, v11;
	[tilespmem:s28+$0x190] =	vst v4  }
0x31c: {  	[tilespmem:s28+$0xFFFFFE90] =	vst v22;
	v4 =	vmul.f32 v61, v10;
	v62 =	vld [tilespmem:s19+$0x1A0]  }
0x31d: {  	v27 =	vmul.f32 v21, v1;
	[tilespmem:s28+$0xFFFFFF10] =	vst v15;
	v26 =	vld [tilespmem:s19+$0xFFFFFEA0]  }
0x31e: {  	v6 =	vmul.f32 v23, v7;
	v28 =	vld [tilespmem:s19+$0xFFFFFF20];
	[tilespmem:s28+$0xFFFFFF90] =	vst v4  }
0x31f: {  	[tilespmem:s28+$0x10] =	vst v27;
	v3 =	vmul.f32 v3, v8;
	v4 =	vld [tilespmem:s19+$0xFFFFFFA0]  }
0x320: {  	v24 =	vld [tilespmem:s19+$0xFFFFFE20];
	[tilespmem:s28+$0x110] =	vst v6;
	v2 =	vmul.f32 v58, v2  }
0x321: {  	v30 =	vld [tilespmem:s19+$0x20];
	[tilespmem:s28+$0x90] =	vst v3;
	v25 =	vmul.f32 v62, v13  }
0x322: {  	[tilespmem:s5+$0x170] =	vst v2;
	v3 =	vld [tilespmem:s19+$0xA0];
	v31 =	vmul.f32 v26, v12  }
0x323: {  	v32 =	vld [tilespmem:s19+$0x120];
	v33 =	vmul.f32 v28, v11;
	[tilespmem:s28+$0x1A0] =	vst v25  }
0x324: {  	[tilespmem:s28+$0xFFFFFEA0] =	vst v31;
	v4 =	vmul.f32 v4, v10;
	v5 =	vld [tilespmem:s19+$0x1B0]  }
0x325: {  	v29 =	vmul.f32 v24, v9;
	[tilespmem:s28+$0xFFFFFF20] =	vst v33;
	v6 =	vld [tilespmem:s19+$0xFFFFFEB0]  }
0x326: {  	v35 =	vmul.f32 v30, v1;
	v36 =	vld [tilespmem:s19+$0xFFFFFF30];
	[tilespmem:s28+$0xFFFFFFA0] =	vst v4  }
0x327: {  	[tilespmem:s28+$0xFFFFFE20] =	vst v29;
	v3 =	vmul.f32 v3, v8;
	v4 =	vld [tilespmem:s19+$0xFFFFFFB0]  }
0x328: {  	v14 =	vmul.f32 v32, v7;
	v34 =	vld [tilespmem:s19+$0xFFFFFE30];
	[tilespmem:s28+$0x20] =	vst v35  }
0x329: {  	v38 =	vld [tilespmem:s19+$0x30];
	[tilespmem:s28+$0xA0] =	vst v3;
	v5 =	vmul.f32 v5, v13  }
0x32a: {  	[tilespmem:s28+$0x120] =	vst v14;
	v3 =	vld [tilespmem:s19+$0xB0];
	v6 =	vmul.f32 v6, v12  }
0x32b: {  	v14 =	vld [tilespmem:s19+$0x130];
	v39 =	vmul.f32 v36, v11;
	[tilespmem:s28+$0x1B0] =	vst v5  }
0x32c: {  	[tilespmem:s28+$0xFFFFFEB0] =	vst v6;
	v4 =	vmul.f32 v4, v10;
	v5 =	vld [tilespmem:s19+$0x1C0]  }
0x32d: {  	v37 =	vmul.f32 v34, v9;
	[tilespmem:s28+$0xFFFFFF30] =	vst v39;
	v6 =	vld [tilespmem:s19+$0xFFFFFEC0]  }
0x32e: {  	v41 =	vmul.f32 v38, v1;
	v42 =	vld [tilespmem:s19+$0xFFFFFF40];
	[tilespmem:s28+$0xFFFFFFB0] =	vst v4  }
0x32f: {  	[tilespmem:s28+$0xFFFFFE30] =	vst v37;
	v3 =	vmul.f32 v3, v8;
	v4 =	vld [tilespmem:s19+$0xFFFFFFC0]  }
0x330: {  	v14 =	vmul.f32 v14, v7;
	v40 =	vld [tilespmem:s19+$0xFFFFFE40];
	[tilespmem:s28+$0x30] =	vst v41  }
0x331: {  	v44 =	vld [tilespmem:s19+$0x40];
	[tilespmem:s28+$0xB0] =	vst v3;
	v5 =	vmul.f32 v5, v13  }
0x332: {  	[tilespmem:s28+$0x130] =	vst v14;
	v3 =	vld [tilespmem:s19+$0xC0];
	v6 =	vmul.f32 v6, v12  }
0x333: {  	v14 =	vld [tilespmem:s19+$0x140];
	v45 =	vmul.f32 v42, v11;
	[tilespmem:s28+$0x1C0] =	vst v5  }
0x334: {  	[tilespmem:s28+$0xFFFFFEC0] =	vst v6;
	v4 =	vmul.f32 v4, v10;
	v5 =	vld [tilespmem:s19+$0x1D0]  }
0x335: {  	v43 =	vmul.f32 v40, v9;
	[tilespmem:s28+$0xFFFFFF40] =	vst v45;
	v6 =	vld [tilespmem:s19+$0xFFFFFED0]  }
0x336: {  	v47 =	vmul.f32 v44, v1;
	v48 =	vld [tilespmem:s19+$0xFFFFFF50];
	[tilespmem:s28+$0xFFFFFFC0] =	vst v4  }
0x337: {  	[tilespmem:s28+$0xFFFFFE40] =	vst v43;
	v3 =	vmul.f32 v3, v8;
	v4 =	vld [tilespmem:s19+$0xFFFFFFD0]  }
0x338: {  	v14 =	vmul.f32 v14, v7;
	v46 =	vld [tilespmem:s19+$0xFFFFFE50];
	[tilespmem:s28+$0x40] =	vst v47  }
0x339: {  	v50 =	vld [tilespmem:s19+$0x50];
	[tilespmem:s28+$0xC0] =	vst v3;
	v5 =	vmul.f32 v5, v13  }
0x33a: {  	[tilespmem:s28+$0x140] =	vst v14;
	v3 =	vld [tilespmem:s19+$0xD0];
	v6 =	vmul.f32 v6, v12  }
0x33b: {  	v14 =	vld [tilespmem:s19+$0x150];
	v51 =	vmul.f32 v48, v11;
	[tilespmem:s28+$0x1D0] =	vst v5  }
0x33c: {  	[tilespmem:s28+$0xFFFFFED0] =	vst v6;
	v4 =	vmul.f32 v4, v10;
	v5 =	vld [tilespmem:s19+$0x1E0]  }
0x33d: {  	v49 =	vmul.f32 v46, v9;
	[tilespmem:s28+$0xFFFFFF50] =	vst v51;
	v6 =	vld [tilespmem:s19+$0xFFFFFEE0]  }
0x33e: {  	v53 =	vmul.f32 v50, v1;
	v54 =	vld [tilespmem:s19+$0xFFFFFF60];
	[tilespmem:s28+$0xFFFFFFD0] =	vst v4  }
0x33f: {  	[tilespmem:s28+$0xFFFFFE50] =	vst v49;
	v3 =	vmul.f32 v3, v8;
	v4 =	vld [tilespmem:s19+$0xFFFFFFE0]  }
0x340: {  	v14 =	vmul.f32 v14, v7;
	v52 =	vld [tilespmem:s19+$0xFFFFFE60];
	[tilespmem:s28+$0x50] =	vst v53  }
0x341: {  	v56 =	vld [tilespmem:s19+$0x60];
	[tilespmem:s28+$0xD0] =	vst v3;
	v5 =	vmul.f32 v5, v13  }
0x342: {  	[tilespmem:s28+$0x150] =	vst v14;
	v3 =	vld [tilespmem:s19+$0xE0];
	v6 =	vmul.f32 v6, v12  }
0x343: {  	v14 =	vld [tilespmem:s19+$0x160];
	v57 =	vmul.f32 v54, v11;
	[tilespmem:s28+$0x1E0] =	vst v5  }
0x344: {  	[tilespmem:s28+$0xFFFFFEE0] =	vst v6;
	v4 =	vmul.f32 v4, v10;
	v5 =	vld [tilespmem:s19+$0x1F0]  }
0x345: {  	v55 =	vmul.f32 v52, v9;
	[tilespmem:s28+$0xFFFFFF60] =	vst v57;
	v6 =	vld [tilespmem:s19+$0xFFFFFEF0]  }
0x346: {  	v59 =	vmul.f32 v56, v1;
	v15 =	vld [tilespmem:s19+$0xFFFFFF70];
	[tilespmem:s28+$0xFFFFFFE0] =	vst v4  }
0x347: {  	[tilespmem:s28+$0xFFFFFE60] =	vst v55;
	v3 =	vmul.f32 v3, v8;
	v4 =	vld [tilespmem:s19+$0xFFFFFFF0]  }
0x348: {  	v61 =	vmul.f32 v14, v7;
	v60 =	vld [tilespmem:s19+$0xFFFFFE70];
	[tilespmem:s28+$0x60] =	vst v59  }
0x349: {  	[tilespmem:s28+$0xE0] =	vst v3;
	v3 =	vld [tilespmem:s19+$0x70];
	v5 =	vmul.f32 v5, v13  }
0x34a: {  	[tilespmem:s28+$0x160] =	vst v61;
	v62 =	vld [tilespmem:s19+$0xF0];
	v6 =	vmul.f32 v6, v12  }
0x34b: {  	v2 =	vld [tilespmem:s19+$0x170];
	v11 =	vmul.f32 v15, v11;
	[tilespmem:s28+$0x1F0] =	vst v5  }
0x34c: {  	[tilespmem:s28+$0xFFFFFEF0] =	vst v6;
	v4 =	vmul.f32 v4, v10  }
0x34d: {  	v5 =	vmul.f32 v60, v9;
	[tilespmem:s28+$0xFFFFFF70] =	vst v11  }
0x34e: {  	v1 =	vmul.f32 v3, v1;
	[tilespmem:s28+$0xFFFFFFF0] =	vst v4  }
.Ltmp10:
0x34f: {  	[tilespmem:s28+$0xFFFFFE70] =	vst v5;
	v3 =	vmul.f32 v62, v8;
	(pc) =	sbr.rel @!p5 .LBB2_17-.Ltmp10, $4  }
0x350: {  	[tilespmem:s28+$0x70] =	vst v1;
	v1 =	vmul.f32 v2, v7  }
0x351: {  	[tilespmem:s28+$0xF0] =	vst v3  }
0x352: {  	s29 =	sadd.s32 $0x13F00, s2;
	s31 =	simm.s32 $0x1C400;
	[tilespmem:s28+$0x170] =	vst v1  }
0x353: {  	[spmem:s6] =	stream.indirect.scatter.add.f32 [tilespmem:s31], [sflag:$0x4], $0x80, s29, s17, $0xb8;
	v63 =	vld [tilespmem:$0x0]  }
.Ltmp11:
0x354: {  	(pc) =	sbr.rel @!p4 .LBB2_20-.Ltmp11, $4  }
.Ltmp12:
0x355: {  	(pc) =	sbr.rel @p4 .LBB2_19-.Ltmp12, $4  }
0x356: {  	_ = 	snop  }
0x357: {  	_ = 	snop  }
0x358: {  	s2 =	sld [smem:$0x7F0]  }
0x359: {  	_ = 	snop  }
.LBB2_10:
0x35a: {  	p4 =	seq.s32 s11, $0x4  }
.Ltmp13:
0x35b: {  	_ = 	snop;
	(pc) =	sbr.rel @!p4 .LBB2_11-.Ltmp13, $1  }
0x35c: {  	_ =	sdelay $0x3  }
.Ltmp14:
0x35d: {  	(pc) =	sbr.rel @p2 .LBB2_14-.Ltmp14, $4  }
.Ltmp15:
0x35e: {  	(pc) =	sbr.rel @!p2 .LBB2_13-.Ltmp15, $4  }
0x35f: {  	_ = 	snop  }
0x360: {  	_ = 	snop  }
0x361: {  	p4 =	por $0x0, $0x0;
	p5 =	por $0x1, $0x1;
	s2 =	smov.u32 s15  }
0x362: {  	_ = 	snop  }
.LBB2_21:
0x363: {  	s2 =	simm.s32 $0x3  }
0x364: {  	_ =	swait.ge [sflag:s2], $0x2800  }
0x365: {  	[sflag:s2] =	ssyncset.done $0x0  }
0x366: {  	s13 =	simm.s32 $0x4;
	[sflag:s2] =	ssyncadd.s32 $0xFFFFD800  }
0x367: {  	_ =	swait.ge [sflag:s13], $0x2800  }
0x368: {  	[sflag:s13] =	ssyncset.done $0x0  }
0x369: {  	[sflag:s13] =	ssyncadd.s32 $0xFFFFD800  }
0x36a: {  	[bflag:$0x0] =	sbarrier.arrive $0xFFFF  }
0x36b: {  	s14 =	stileid.u32;
	s15 =	rddreg [dreg:$0x19]  }
0x36c: {  	s2 =	sshll.u32 s14, $0x6;
	s16 =	rddreg [dreg:$0x8];
	s4 =	sshrl.u32 s15, $0x3  }
0x36d: {  	s3 =	sor.u32 $0x1C05, s2;
	[smem:$0x7EB] =	sst s4  }
0x36e: {  	[hbm:s16], [sflag:s3] =	dma.local [spmem:s4], $0xC80  }
0x36f: {  	_ =	swait.ge [sflag:s30], $0xC80  }
0x370: {  	s18 =	rddreg [dreg:$0x1a]  }
0x371: {  	[sflag:s30] =	ssyncset.done $0x0;
	s20 =	rddreg [dreg:$0x9];
	s19 =	sshrl.u32 s18, $0x3  }
0x372: {  	[sflag:s30] =	ssyncadd.s32 $0xFFFFF380;
	[smem:$0x7EC] =	sst s19  }
0x373: {  	[hbm:s20], [sflag:s3] =	dma.local [spmem:s19], $0xC80  }
0x374: {  	_ =	swait.ge [sflag:s30], $0xC80  }
0x375: {  	s21 =	rddreg [dreg:$0x1b]  }
0x376: {  	[sflag:s30] =	ssyncset.done $0x0;
	s25 =	rddreg [dreg:$0xa];
	s24 =	sshrl.u32 s21, $0x3  }
0x377: {  	[sflag:s30] =	ssyncadd.s32 $0xFFFFF380;
	[smem:$0x7ED] =	sst s24  }
0x378: {  	[hbm:s25], [sflag:s3] =	dma.local [spmem:s24], $0xC80  }
0x379: {  	_ =	swait.ge [sflag:s30], $0xC80  }
0x37a: {  	s2 =	rddreg [dreg:$0x1c]  }
0x37b: {  	[smem:$0x7EE] =	sst s3  }
0x37c: {  	[sflag:s30] =	ssyncset.done $0x0;
	s4 =	sshrl.u32 @!p1 s2, $0x3;
	s2 =	rddreg [dreg:$0xb]  }
0x37d: {  	[sflag:s30] =	ssyncadd.s32 $0xFFFFF380;
	[smem:$0x7EF] =	sst s4  }
0x37e: {  	[hbm:s2], [sflag:s3] =	dma.local @!p1 [spmem:s4], $0xC80  }
0x37f: {  	s2 =	simm.s32 @!p1 $0x5  }
0x380: {  	_ =	swait.ge @!p1 [sflag:s2], $0xC80  }
0x381: {  	[sflag:s2] =	ssyncset.done @!p1 $0x0  }
0x382: {  	[sflag:s2] =	ssyncadd.s32 @!p1 $0xFFFFF380  }
0x383: {  	[bflag:$0x0] =	sbarrier.arrive $0xFFFF  }
0x384: {  	s28 =	simm.s32 $0x1EC00;
	s26 =	rddreg [dreg:$0x7]  }
0x385: {  	[spmem:s26] =	stream.linear.scatter [tilespmem:s28], [sflag:$0x5], $0x1400, $0x38;
	v63 =	vld [tilespmem:$0x0]  }
0x386: {  	_ =	swait.ge [sflag:s30], $0x1400  }
0x387: {  	[sflag:s30] =	ssyncset.done $0x0  }
0x388: {  	s29 =	rddreg [dreg:$0x10];
	[sflag:s30] =	ssyncadd.s32 $0xFFFFEC00  }
0x389: {  	[spmem:s29] =	stream.linear.scatter [tilespmem:s28], [sflag:$0x5], $0x1400, $0x38;
	v63 =	vld [tilespmem:$0x0]  }
0x38a: {  	_ =	swait.ge [sflag:s30], $0x1400  }
0x38b: {  	[sflag:s30] =	ssyncset.done $0x0  }
0x38c: {  	s31 =	rddreg [dreg:$0x12];
	[sflag:s30] =	ssyncadd.s32 $0xFFFFEC00  }
0x38d: {  	[spmem:s31] =	stream.linear.scatter [tilespmem:s28], [sflag:$0x5], $0x1400, $0x38;
	v63 =	vld [tilespmem:$0x0]  }
0x38e: {  	_ =	swait.ge [sflag:s30], $0x1400  }
0x38f: {  	[sflag:s30] =	ssyncset.done $0x0  }
0x390: {  	s4 =	rddreg [dreg:$0x14];
	[sflag:s30] =	ssyncadd.s32 $0xFFFFEC00  }
0x391: {  	[spmem:s4] =	stream.linear.scatter [tilespmem:s28], [sflag:$0x5], $0x1400, $0x38;
	v63 =	vld [tilespmem:$0x0]  }
0x392: {  	_ =	swait.ge [sflag:s30], $0x1400  }
0x393: {  	[sflag:s30] =	ssyncset.done $0x0  }
0x394: {  	s5 =	rddreg [dreg:$0x1f];
	[sflag:s30] =	ssyncadd.s32 $0xFFFFEC00  }
0x395: {  	[spmem:s5] =	stream.linear.scatter [tilespmem:s28], [sflag:$0x5], $0x1400, $0x38;
	v63 =	vld [tilespmem:$0x0]  }
0x396: {  	_ =	swait.ge [sflag:s30], $0x1400  }
0x397: {  	s8 =	sld [smem:$0x7F3]  }
0x398: {  	[sflag:s30] =	ssyncset.done $0x0  }
0x399: {  	[sflag:s30] =	ssyncadd.s32 $0xFFFFEC00  }
0x39a: {  	[spmem:s8] =	stream.linear.scatter [tilespmem:s28], [sflag:$0x5], $0x1400, $0x38;
	v63 =	vld [tilespmem:$0x0]  }
0x39b: {  	_ =	swait.ge [sflag:s30], $0x1400  }
0x39c: {  	s9 =	sld [smem:$0x7F4]  }
0x39d: {  	[sflag:s30] =	ssyncset.done $0x0  }
0x39e: {  	[sflag:s30] =	ssyncadd.s32 $0xFFFFEC00  }
0x39f: {  	[spmem:s9] =	stream.linear.scatter [tilespmem:s28], [sflag:$0x5], $0x1400, $0x38;
	v63 =	vld [tilespmem:$0x0]  }
0x3a0: {  	_ =	swait.ge [sflag:s30], $0x1400  }
0x3a1: {  	s10 =	sld [smem:$0x7F5]  }
0x3a2: {  	[sflag:s30] =	ssyncset.done $0x0  }
0x3a3: {  	[sflag:s30] =	ssyncadd.s32 $0xFFFFEC00  }
0x3a4: {  	[spmem:s10] =	stream.linear.scatter [tilespmem:s28], [sflag:$0x5], $0x1400, $0x38;
	v63 =	vld [tilespmem:$0x0]  }
0x3a5: {  	_ =	swait.ge [sflag:s30], $0x1400  }
0x3a6: {  	s11 =	sld [smem:$0x7F6]  }
0x3a7: {  	[sflag:s30] =	ssyncset.done $0x0  }
0x3a8: {  	[sflag:s30] =	ssyncadd.s32 $0xFFFFEC00  }
0x3a9: {  	[spmem:s11] =	stream.linear.scatter [tilespmem:s28], [sflag:$0x5], $0x1400, $0x38;
	v63 =	vld [tilespmem:$0x0]  }
0x3aa: {  	_ =	swait.ge [sflag:s30], $0x1400  }
0x3ab: {  	s12 =	sld [smem:$0x7F7]  }
0x3ac: {  	[sflag:s30] =	ssyncset.done $0x0  }
0x3ad: {  	[sflag:s30] =	ssyncadd.s32 $0xFFFFEC00  }
0x3ae: {  	[spmem:s12] =	stream.linear.scatter [tilespmem:s28], [sflag:$0x5], $0x1400, $0x38;
	v63 =	vld [tilespmem:$0x0]  }
0x3af: {  	_ =	swait.ge [sflag:s30], $0x1400  }
0x3b0: {  	s13 =	sld [smem:$0x7F8]  }
0x3b1: {  	[sflag:s30] =	ssyncset.done $0x0  }
0x3b2: {  	[sflag:s30] =	ssyncadd.s32 $0xFFFFEC00  }
0x3b3: {  	[spmem:s13] =	stream.linear.scatter [tilespmem:s28], [sflag:$0x5], $0x1400, $0x38;
	v63 =	vld [tilespmem:$0x0]  }
0x3b4: {  	_ =	swait.ge [sflag:s30], $0x1400  }
0x3b5: {  	s14 =	sld [smem:$0x7F9]  }
0x3b6: {  	[sflag:s30] =	ssyncset.done $0x0  }
0x3b7: {  	[sflag:s30] =	ssyncadd.s32 $0xFFFFEC00  }
0x3b8: {  	[spmem:s14] =	stream.linear.scatter [tilespmem:s28], [sflag:$0x5], $0x1400, $0x38;
	v63 =	vld [tilespmem:$0x0]  }
0x3b9: {  	_ =	swait.ge [sflag:s30], $0x1400  }
0x3ba: {  	s15 =	sld [smem:$0x7FA]  }
0x3bb: {  	[sflag:s30] =	ssyncset.done $0x0  }
0x3bc: {  	[sflag:s30] =	ssyncadd.s32 $0xFFFFEC00  }
0x3bd: {  	[spmem:s15] =	stream.linear.scatter [tilespmem:s28], [sflag:$0x5], $0x1400, $0x38;
	v63 =	vld [tilespmem:$0x0]  }
0x3be: {  	_ =	swait.ge [sflag:s30], $0x1400  }
0x3bf: {  	s16 =	sld [smem:$0x7FB]  }
0x3c0: {  	[sflag:s30] =	ssyncset.done $0x0  }
0x3c1: {  	[sflag:s30] =	ssyncadd.s32 $0xFFFFEC00  }
0x3c2: {  	[spmem:s16] =	stream.linear.scatter [tilespmem:s28], [sflag:$0x5], $0x1400, $0x38;
	v63 =	vld [tilespmem:$0x0]  }
0x3c3: {  	_ =	swait.ge [sflag:s30], $0x1400  }
0x3c4: {  	s18 =	sld [smem:$0x7FC]  }
0x3c5: {  	[sflag:s30] =	ssyncset.done $0x0  }
0x3c6: {  	[sflag:s30] =	ssyncadd.s32 $0xFFFFEC00  }
0x3c7: {  	[spmem:s18] =	stream.linear.scatter [tilespmem:s28], [sflag:$0x5], $0x1400, $0x38;
	v63 =	vld [tilespmem:$0x0]  }
0x3c8: {  	_ =	swait.ge [sflag:s30], $0x1400  }
0x3c9: {  	s3 =	sld [smem:$0x7FD]  }
0x3ca: {  	[sflag:s30] =	ssyncset.done $0x0  }
0x3cb: {  	s2 =	simm.s32 @!p0 $0x1EC00;
	[sflag:s30] =	ssyncadd.s32 $0xFFFFEC00  }
0x3cc: {  	[spmem:s3] =	stream.linear.scatter @!p0 [tilespmem:s2], [sflag:$0x5], $0x1400, $0x38;
	v63 =	vld [tilespmem:$0x0]  }
0x3cd: {  	s2 =	simm.s32 @!p0 $0x5  }
0x3ce: {  	_ =	swait.ge @!p0 [sflag:s2], $0x1400  }
0x3cf: {  	[sflag:s2] =	ssyncset.done @!p0 $0x0  }
0x3d0: {  	[sflag:s2] =	ssyncadd.s32 @!p0 $0xFFFFEC00  }
0x3d1: {  	[bflag:$0x0] =	sbarrier.arrive $0xFFFF  }
0x3d2: {  	s20 =	simm.s32 $0x13880;
	s24 =	simm.s32 $0x0;
	s19 =	rddreg [dreg:$0x15]  }
0x3d3: {  	[tilespmem:s20], [sflag:$0x5] =	stream.linear.gather [hbm4b:s19+s24], $0x320, $0x38;
	v63 =	vld [tilespmem:$0x0]  }
0x3d4: {  	_ =	swait.ge [sflag:s30], $0x320  }
0x3d5: {  	[sflag:s30] =	ssyncset.done $0x0  }
0x3d6: {  	s25 =	simm.s32 $0x13F00;
	s21 =	rddreg [dreg:$0x16];
	[sflag:s30] =	ssyncadd.s32 $0xFFFFFCE0  }
0x3d7: {  	[tilespmem:s25], [sflag:$0x5] =	stream.linear.gather [hbm4b:s21+s24], $0x320, $0x38;
	v63 =	vld [tilespmem:$0x0]  }
0x3d8: {  	_ =	swait.ge [sflag:s30], $0x320  }
0x3d9: {  	[sflag:s30] =	ssyncset.done $0x0  }
0x3da: {  	s26 =	rddreg [dreg:$0x1d];
	[sflag:s30] =	ssyncadd.s32 $0xFFFFFCE0  }
0x3db: {  	[tilespmem:s0], [sflag:$0x5] =	stream.linear.gather [hbm4b:s26+s24], $0x320, $0x38;
	v63 =	vld [tilespmem:$0x0]  }
0x3dc: {  	_ =	swait.ge [sflag:s30], $0x320  }
.Ltmp16:
0x3dd: {  	[sflag:s30] =	ssyncset.done $0x0;
	(pc) =	sbr.rel .LBB2_23-.Ltmp16, $4  }
0x3de: {  	s28 =	simm.s32 $0x14C00;
	[sflag:s30] =	ssyncadd.s32 $0xFFFFFCE0  }
0x3df: {  	[tilespmem:s28], [sflag:$0x1] =	stream.indirect.gather [hbm4b:s1+s17], $0x80, s20, s17, $0xb8;
	v63 =	vld [tilespmem:$0x0]  }
0x3e0: {  	s29 =	simm.s32 $0x138D0;
	s31 =	simm.s32 $0x17400  }
0x3e1: {  	[tilespmem:s31], [sflag:$0x2] =	stream.indirect.gather [hbm4b:s1+s17], $0x80, s29, s17, $0xb8;
	v63 =	vld [tilespmem:$0x0]  }
.LBB2_22:
0x3e2: {  	s24 =	sld [smem:$0x7EA];
	_ =	sdelay $0x2  }
0x3e3: {  	p2 =	seq.s32 s24, $0x19  }
.Ltmp17:
0x3e4: {  	_ = 	snop;
	(pc) =	sbr.rel @p2 .LBB2_39-.Ltmp17, $1  }
0x3e5: {  	_ =	sdelay $0x3  }
.LBB2_23:
0x3e6: {  	s21 =	rddreg [dreg:$0x11]  }
0x3e7: {  	s5 =	rddreg [dreg:$0x1]  }
0x3e8: {  	s25 =	rddreg [dreg:$0x18]  }
0x3e9: {  	s4 =	sadd.s32 $0x1, s24;
	s26 =	rddreg [dreg:$0x2]  }
0x3ea: {  	s2 =	sand.u32 $0x1, s24;
	s28 =	simm.s32 $0x320;
	s31 =	rddreg [dreg:$0x3]  }
0x3eb: {  	s29 =	simm.s32 $0x0;
	s3 =	smul.u32 $0x320, s4;
	p2 =	seq.s32 s2, $0x1  }
0x3ec: {  	[smem:$0x7EA] =	sst s4;
	s20 =	sand.u32 $0x1, s4;
	s2 =	simm.s32 $0x320  }
0x3ed: {  	p3 =	seq.s32 s20, $0x1;
	s28 =	simm.s32 @!p2 $0x0;
	p2 =	seq.s32 s24, $0x18  }
.Ltmp18:
0x3ee: {  	s3 =	sadd.s32 s21, s3;
	s2 =	simm.s32 @!p3 $0x0;
	(pc) =	sbr.rel .LBB2_24-.Ltmp18, $4  }
0x3ef: {  	s16 =	sor.u32 $0x50, s28;
	s4 =	sshrl.u32 s3, $0x3;
	s8 =	sor.u32 $0x13880, s2  }
0x3f0: {  	s3 =	sadd.s32 s25, s3;
	s10 =	sadd.s32 $0x13F00, s2;
	s14 =	sadd.s32 $0x14580, s2  }
0x3f1: {  	s2 =	sor.u32 $0x138D0, s2;
	s9 =	sadd.s32 s5, s4;
	s3 =	sshrl.u32 s3, $0x3  }
0x3f2: {  	s13 =	sadd.s32 s26, s4;
	[smem:$0x7E9] =	sst s2;
	s15 =	sadd.s32 s31, s3  }
.LBB2_35:
0x3f3: {  	s2 =	sadd.s32 $0x13920, s2  }
.LBB2_37:
0x3f4: {  	s3 =	simm.s32 $0x17400  }
0x3f5: {  	[tilespmem:s3], [sflag:$0x2] =	stream.indirect.gather [hbm4b:s1+s17], $0x80, s2, s17, $0xb8;
	v63 =	vld [tilespmem:$0x0]  }
.LBB2_38:
0x3f6: {  	s29 =	sadd.s32 $0x1, s29  }
0x3f7: {  	p3 =	seq.s32 s29, $0x5  }
.Ltmp19:
0x3f8: {  	_ = 	snop;
	(pc) =	sbr.rel @p3 .LBB2_22-.Ltmp19, $1  }
0x3f9: {  	_ =	sdelay $0x3  }
.LBB2_24:
0x3fa: {  	s12 =	smul.u32 $0xA0, s29;
	_ =	sdelay $0x1  }
0x3fb: {  	s2 =	sadd.s32 s28, s12  }
0x3fc: {  	s3 =	sadd.s32 $0x0, s2  }
0x3fd: {  	s4 =	sadd.s32 $0x6, s3  }
0x3fe: {  	_ =	swait.ge [sflag:s22], $0x2800;
	s5 =	sor.u32 s24, s29;
	s21 =	sadd.s32 $0x1, s3;
	v1 =	vmov s4  }
0x3ff: {  	[sflag:s22] =	ssyncset.done $0x0;
	p3 =	seq.s32 s5, $0x0;
	s25 =	sadd.s32 $0x2, s3;
	v2 =	vmov s21;
	v1 =	vand.u32 $0xFFFFFFFE, v1  }
0x400: {  	[sflag:s22] =	ssyncadd.s32 $0xFFFFD800;
	s26 =	sadd.s32 $0x3, s3;
	v3 =	vmov s25;
	s4 =	simm.s32 @!p3 $0x3;
	v2 =	vand.u32 $0xFFFFFFF9, v2;
	v1 =	vbroadcast v1, $0x0  }
0x401: {  	s18 =	sadd.s32 $0x4, s3;
	v4 =	vmov s26;
	v3 =	vand.u32 $0xFFFFFFFA, v3;
	_ =	swait.ge @!p3 [sflag:s4], $0x2800;
	v2 =	vbroadcast v2, $0x0  }
0x402: {  	s31 =	sadd.s32 $0x5, s3;
	v5 =	vmov s18;
	v4 =	vand.u32 $0xFFFFFFFB, v4;
	v7 =	vbroadcast v3, $0x0;
	[sflag:s4] =	ssyncset.done @!p3 $0x0  }
0x403: {  	s20 =	simm.s32 $0x14E00;
	v5 =	vand.u32 $0xFFFFFFFC, v5;
	v3 =	vmov s31;
	v4 =	vbroadcast v4, $0x0;
	[sflag:s4] =	ssyncadd.s32 @!p3 $0xFFFFD800  }
0x404: {  	v8 =	vbroadcast v5, $0x0;
	v3 =	vand.u32 $0xFFFFFFFD, v3;
	v10 =	vld [tilespmem:s20+$0x100]  }
0x405: {  	v6 =	vmov s3;
	v9 =	vbroadcast v3, $0x0;
	v12 =	vld [tilespmem:s20+$0xFFFFFF80]  }
0x406: {  	v5 =	vand.u32 $0xFFFFFFF8, v6;
	v6 =	vld.idx.msk [tilespmem:v1+s0+$0x0], $0xffff  }
0x407: {  	v1 =	vbroadcast v5, $0x0;
	v3 =	vld.idx.msk [tilespmem:v2+s0+$0x0], $0xffff  }
0x408: {  	v2 =	vld.idx.msk [tilespmem:v7+s0+$0x0], $0xffff  }
0x409: {  	v5 =	vld.idx.msk [tilespmem:v4+s0+$0x0], $0xffff  }
0x40a: {  	s3 =	sadd.s32 $0x7, s3;
	v4 =	vld.idx.msk [tilespmem:v8+s0+$0x0], $0xffff  }
0x40b: {  	v11 =	vmov s3;
	v7 =	vld.idx.msk [tilespmem:v9+s0+$0x0], $0xffff  }
0x40c: {  	v8 =	vmul.f32 v10, v6;
	v10 =	vld [tilespmem:s20+$0xFFFFFE80]  }
0x40d: {  	s3 =	simm.s32 $0x19E00;
	v14 =	vld.idx.msk [tilespmem:v1+s0+$0x0], $0xffff  }
0x40e: {  	[tilespmem:s3+$0x100] =	vst v8;
	v8 =	vld [tilespmem:s20+$0xFFFFFE00]  }
0x40f: {  	v9 =	vld [tilespmem:s20+$0x110]  }
0x410: {  	v1 =	vld.idx.msk [tilespmem:v11+s0+$0x0], $0xffff  }
0x411: {  	v11 =	vld [tilespmem:s20+$0xFFFFFF00]  }
0x412: {  	v13 =	vld [tilespmem:s20+$0x0]  }
0x413: {  	v15 =	vld [tilespmem:s20+$0x80];
	v8 =	vmul.f32 v8, v14  }
0x414: {  	s5 =	simm.s32 $0x15200;
	v16 =	vld [tilespmem:s20+$0x180];
	v9 =	vmul.f32 v9, v6  }
0x415: {  	v28 =	vld [tilespmem:s5+$0x100];
	v10 =	vmul.f32 v10, v3;
	[tilespmem:s3+$0xFFFFFE00] =	vst v8  }
0x416: {  	v8 =	vmul.f32 v11, v2;
	[tilespmem:s3+$0x110] =	vst v9;
	v9 =	vld [tilespmem:s20+$0xFFFFFE10]  }
0x417: {  	[tilespmem:s3+$0xFFFFFE80] =	vst v10;
	v10 =	vmul.f32 v12, v5;
	v11 =	vld [tilespmem:s20+$0x120]  }
0x418: {  	v12 =	vld [tilespmem:s20+$0xFFFFFE90];
	[tilespmem:s3+$0xFFFFFF00] =	vst v8;
	v8 =	vmul.f32 v13, v4  }
0x419: {  	[tilespmem:s3+$0xFFFFFF80] =	vst v10;
	v10 =	vmul.f32 v15, v7;
	v13 =	vld [tilespmem:s20+$0xFFFFFF10]  }
0x41a: {  	v15 =	vld [tilespmem:s20+$0xFFFFFF90];
	[tilespmem:s3+$0x0] =	vst v8;
	v8 =	vmul.f32 v16, v1  }
0x41b: {  	[tilespmem:s3+$0x80] =	vst v10;
	v16 =	vld [tilespmem:s20+$0x10];
	v9 =	vmul.f32 v9, v14  }
0x41c: {  	[tilespmem:s3+$0x180] =	vst v8;
	v10 =	vmul.f32 v11, v6;
	v11 =	vld [tilespmem:s20+$0x90]  }
0x41d: {  	v8 =	vmul.f32 v12, v3;
	v12 =	vld [tilespmem:s20+$0x190];
	[tilespmem:s3+$0xFFFFFE10] =	vst v9  }
0x41e: {  	v9 =	vmul.f32 v13, v2;
	[tilespmem:s3+$0x120] =	vst v10;
	v10 =	vld [tilespmem:s20+$0xFFFFFE20]  }
0x41f: {  	[tilespmem:s3+$0xFFFFFE90] =	vst v8;
	v8 =	vmul.f32 v15, v5;
	v13 =	vld [tilespmem:s20+$0x130]  }
0x420: {  	v15 =	vld [tilespmem:s20+$0xFFFFFEA0];
	[tilespmem:s3+$0xFFFFFF10] =	vst v9;
	v9 =	vmul.f32 v16, v4  }
0x421: {  	[tilespmem:s3+$0xFFFFFF90] =	vst v8;
	v16 =	vld [tilespmem:s20+$0xFFFFFF20];
	v8 =	vmul.f32 v11, v7  }
0x422: {  	v11 =	vld [tilespmem:s20+$0xFFFFFFA0];
	[tilespmem:s3+$0x10] =	vst v9;
	v9 =	vmul.f32 v12, v1  }
0x423: {  	v12 =	vld [tilespmem:s20+$0x20];
	[tilespmem:s3+$0x90] =	vst v8;
	v8 =	vmul.f32 v10, v14  }
0x424: {  	[tilespmem:s3+$0x190] =	vst v9;
	v10 =	vmul.f32 v13, v6;
	v13 =	vld [tilespmem:s20+$0xA0]  }
0x425: {  	v9 =	vmul.f32 v15, v3;
	v15 =	vld [tilespmem:s20+$0x1A0];
	[tilespmem:s3+$0xFFFFFE20] =	vst v8  }
0x426: {  	v8 =	vmul.f32 v16, v2;
	[tilespmem:s3+$0x130] =	vst v10;
	v10 =	vld [tilespmem:s20+$0xFFFFFE30]  }
0x427: {  	[tilespmem:s3+$0xFFFFFEA0] =	vst v9;
	v9 =	vmul.f32 v11, v5;
	v16 =	vld [tilespmem:s20+$0x140]  }
0x428: {  	v11 =	vld [tilespmem:s20+$0xFFFFFEB0];
	[tilespmem:s3+$0xFFFFFF20] =	vst v8;
	v8 =	vmul.f32 v12, v4  }
0x429: {  	v12 =	vld [tilespmem:s20+$0xFFFFFF30];
	[tilespmem:s3+$0xFFFFFFA0] =	vst v9;
	v9 =	vmul.f32 v13, v7  }
0x42a: {  	v13 =	vld [tilespmem:s20+$0xFFFFFFB0];
	[tilespmem:s3+$0x20] =	vst v8;
	v8 =	vmul.f32 v15, v1  }
0x42b: {  	v15 =	vld [tilespmem:s20+$0x30];
	[tilespmem:s3+$0xA0] =	vst v9;
	v9 =	vmul.f32 v10, v14  }
0x42c: {  	[tilespmem:s3+$0x1A0] =	vst v8;
	v10 =	vmul.f32 v16, v6;
	v16 =	vld [tilespmem:s20+$0xB0]  }
0x42d: {  	v8 =	vmul.f32 v11, v3;
	v11 =	vld [tilespmem:s20+$0x1B0];
	[tilespmem:s3+$0xFFFFFE30] =	vst v9  }
0x42e: {  	v9 =	vmul.f32 v12, v2;
	[tilespmem:s3+$0x140] =	vst v10;
	v10 =	vld [tilespmem:s20+$0xFFFFFE40]  }
0x42f: {  	[tilespmem:s3+$0xFFFFFEB0] =	vst v8;
	v8 =	vmul.f32 v13, v5;
	v12 =	vld [tilespmem:s20+$0x150]  }
0x430: {  	v13 =	vld [tilespmem:s20+$0xFFFFFEC0];
	[tilespmem:s3+$0xFFFFFF30] =	vst v9;
	v9 =	vmul.f32 v15, v4  }
0x431: {  	v15 =	vld [tilespmem:s20+$0xFFFFFF40];
	[tilespmem:s3+$0xFFFFFFB0] =	vst v8;
	v8 =	vmul.f32 v16, v7  }
0x432: {  	v16 =	vld [tilespmem:s20+$0xFFFFFFC0];
	[tilespmem:s3+$0x30] =	vst v9;
	v9 =	vmul.f32 v11, v1  }
0x433: {  	v11 =	vld [tilespmem:s20+$0x40];
	[tilespmem:s3+$0xB0] =	vst v8;
	v8 =	vmul.f32 v10, v14  }
0x434: {  	[tilespmem:s3+$0x1B0] =	vst v9;
	v10 =	vmul.f32 v12, v6;
	v12 =	vld [tilespmem:s20+$0xC0]  }
0x435: {  	v9 =	vmul.f32 v13, v3;
	v13 =	vld [tilespmem:s20+$0x1C0];
	[tilespmem:s3+$0xFFFFFE40] =	vst v8  }
0x436: {  	v8 =	vmul.f32 v15, v2;
	[tilespmem:s3+$0x150] =	vst v10;
	v10 =	vld [tilespmem:s20+$0xFFFFFE50]  }
0x437: {  	[tilespmem:s3+$0xFFFFFEC0] =	vst v9;
	v9 =	vmul.f32 v16, v5;
	v15 =	vld [tilespmem:s20+$0x160]  }
0x438: {  	v16 =	vld [tilespmem:s20+$0xFFFFFED0];
	[tilespmem:s3+$0xFFFFFF40] =	vst v8;
	v8 =	vmul.f32 v11, v4  }
0x439: {  	v11 =	vld [tilespmem:s20+$0xFFFFFF50];
	[tilespmem:s3+$0xFFFFFFC0] =	vst v9;
	v9 =	vmul.f32 v12, v7  }
0x43a: {  	v12 =	vld [tilespmem:s20+$0xFFFFFFD0];
	[tilespmem:s3+$0x40] =	vst v8;
	v8 =	vmul.f32 v13, v1  }
0x43b: {  	v13 =	vld [tilespmem:s20+$0x50];
	[tilespmem:s3+$0xC0] =	vst v9;
	v9 =	vmul.f32 v10, v14  }
0x43c: {  	[tilespmem:s3+$0x1C0] =	vst v8;
	v10 =	vld [tilespmem:s20+$0xD0];
	v8 =	vmul.f32 v15, v6  }
0x43d: {  	s11 =	sadd.s32 $0x8, s2;
	v15 =	vld [tilespmem:s20+$0x1D0];
	[tilespmem:s3+$0xFFFFFE50] =	vst v9;
	v9 =	vmul.f32 v16, v3  }
0x43e: {  	s18 =	sadd.s32 $0x6, s11;
	v16 =	vld [tilespmem:s20+$0xFFFFFE60];
	[tilespmem:s3+$0x160] =	vst v8;
	v8 =	vmul.f32 v11, v2  }
0x43f: {  	s19 =	sadd.s32 $0x1, s11;
	v11 =	vmov s18;
	v17 =	vld [tilespmem:s20+$0x170];
	[tilespmem:s3+$0xFFFFFED0] =	vst v9;
	v9 =	vmul.f32 v12, v5  }
0x440: {  	v11 =	vand.u32 $0xFFFFFFFE, v11;
	v12 =	vld [tilespmem:s20+$0xFFFFFEE0];
	[tilespmem:s3+$0xFFFFFF50] =	vst v8;
	v8 =	vmul.f32 v13, v4;
	v13 =	vmov s19  }
0x441: {  	s21 =	sadd.s32 $0x2, s11;
	v11 =	vbroadcast v11, $0x0;
	v10 =	vmul.f32 v10, v7;
	v18 =	vld [tilespmem:s20+$0xFFFFFF60];
	[tilespmem:s3+$0xFFFFFFD0] =	vst v9;
	v13 =	vand.u32 $0xFFFFFFF9, v13  }
0x442: {  	v9 =	vmul.f32 v15, v1;
	v15 =	vmov s21;
	v19 =	vld [tilespmem:s20+$0xFFFFFFE0];
	[tilespmem:s3+$0x50] =	vst v8;
	v13 =	vbroadcast v13, $0x0  }
0x443: {  	v15 =	vand.u32 $0xFFFFFFFA, v15;
	v8 =	vmul.f32 v16, v14;
	v16 =	vld [tilespmem:s20+$0x60];
	[tilespmem:s3+$0xD0] =	vst v10  }
0x444: {  	s25 =	sadd.s32 $0x3, s11;
	[tilespmem:s3+$0x1D0] =	vst v9;
	v21 =	vbroadcast v15, $0x0;
	v20 =	vld [tilespmem:s20+$0xE0]  }
0x445: {  	s26 =	sadd.s32 $0x4, s11;
	s4 =	sadd.s32 $0x7, s11;
	v10 =	vmov s25;
	v22 =	vld [tilespmem:s20+$0x1E0];
	[tilespmem:s3+$0xFFFFFE60] =	vst v8  }
0x446: {  	v29 =	vmov s4;
	v9 =	vmov s26;
	v10 =	vand.u32 $0xFFFFFFFB, v10;
	v25 =	vld [tilespmem:s20+$0xFFFFFE70]  }
0x447: {  	v9 =	vand.u32 $0xFFFFFFFC, v9;
	v23 =	vbroadcast v10, $0x0;
	v15 =	vld.idx.msk [tilespmem:v11+s0+$0x0], $0xffff;
	v18 =	vmul.f32 v18, v2  }
0x448: {  	v10 =	vmov s11;
	v24 =	vbroadcast v9, $0x0;
	v11 =	vld.idx.msk [tilespmem:v13+s0+$0x0], $0xffff  }
0x449: {  	v9 =	vand.u32 $0xFFFFFFF8, v10;
	[tilespmem:s3+$0xFFFFFF60] =	vst v18;
	v18 =	vld [tilespmem:s5+$0xFFFFFE00]  }
0x44a: {  	s31 =	sadd.s32 $0x5, s11;
	v27 =	vbroadcast v9, $0x0;
	v16 =	vmul.f32 v16, v4;
	v10 =	vld.idx.msk [tilespmem:v21+s0+$0x0], $0xffff  }
0x44b: {  	v8 =	vmov s31;
	v21 =	vmul.f32 v12, v3;
	v12 =	vld.idx.msk [tilespmem:v29+s0+$0x0], $0xffff  }
0x44c: {  	v8 =	vand.u32 $0xFFFFFFFD, v8;
	v13 =	vmul.f32 v17, v6;
	[tilespmem:s3+$0x60] =	vst v16;
	v16 =	vld [tilespmem:s5+$0xFFFFFF00];
	v17 =	vmul.f32 v28, v15  }
0x44d: {  	s18 =	simm.s32 $0x1A200;
	v26 =	vbroadcast v8, $0x0;
	v9 =	vld.idx.msk [tilespmem:v23+s0+$0x0], $0xffff  }
0x44e: {  	v8 =	vld.idx.msk [tilespmem:v24+s0+$0x0], $0xffff;
	[tilespmem:s18+$0x100] =	vst v17  }
0x44f: {  	[tilespmem:s3+$0x170] =	vst v13;
	v17 =	vmul.f32 v19, v5;
	v19 =	vld [tilespmem:s5+$0x110]  }
0x450: {  	v20 =	vmul.f32 v20, v7;
	[tilespmem:s3+$0xFFFFFEE0] =	vst v21;
	v13 =	vld.idx.msk [tilespmem:v27+s0+$0x0], $0xffff  }
0x451: {  	[tilespmem:s3+$0xFFFFFFE0] =	vst v17;
	v17 =	vld [tilespmem:s5+$0xFFFFFE80]  }
0x452: {  	v21 =	vmul.f32 v22, v1;
	[tilespmem:s3+$0xE0] =	vst v20;
	v20 =	vld [tilespmem:s5+$0xFFFFFF80]  }
0x453: {  	v14 =	vmul.f32 v25, v14;
	v6 =	vld.idx.msk [tilespmem:v26+s0+$0x0], $0xffff  }
0x454: {  	[tilespmem:s3+$0x1E0] =	vst v21;
	v21 =	vld [tilespmem:s5+$0x0];
	v19 =	vmul.f32 v19, v15  }
0x455: {  	[tilespmem:s3+$0xFFFFFE70] =	vst v14;
	v14 =	vmul.f32 v18, v13;
	v18 =	vld [tilespmem:s5+$0x80]  }
0x456: {  	v17 =	vmul.f32 v17, v11;
	[tilespmem:s18+$0x110] =	vst v19;
	v19 =	vld [tilespmem:s5+$0x180]  }
0x457: {  	[tilespmem:s18+$0xFFFFFE00] =	vst v14;
	v14 =	vmul.f32 v16, v10;
	v16 =	vld [tilespmem:s5+$0x120]  }
0x458: {  	v22 =	vld [tilespmem:s5+$0xFFFFFE10];
	[tilespmem:s18+$0xFFFFFE80] =	vst v17;
	v17 =	vmul.f32 v20, v9  }
0x459: {  	[tilespmem:s18+$0xFFFFFF00] =	vst v14;
	v14 =	vmul.f32 v21, v8;
	v20 =	vld [tilespmem:s5+$0xFFFFFE90]  }
0x45a: {  	v21 =	vld [tilespmem:s5+$0xFFFFFF10];
	[tilespmem:s18+$0xFFFFFF80] =	vst v17;
	v17 =	vmul.f32 v18, v6  }
0x45b: {  	[tilespmem:s18+$0x0] =	vst v14;
	v18 =	vld [tilespmem:s5+$0xFFFFFF90];
	v14 =	vmul.f32 v19, v12  }
0x45c: {  	v19 =	vld [tilespmem:s5+$0x10];
	[tilespmem:s18+$0x80] =	vst v17;
	v16 =	vmul.f32 v16, v15  }
0x45d: {  	v17 =	vmul.f32 v22, v13;
	v22 =	vld [tilespmem:s5+$0x90];
	[tilespmem:s18+$0x180] =	vst v14  }
0x45e: {  	v14 =	vmul.f32 v20, v11;
	[tilespmem:s18+$0x120] =	vst v16;
	v16 =	vld [tilespmem:s5+$0x190]  }
0x45f: {  	[tilespmem:s18+$0xFFFFFE10] =	vst v17;
	v17 =	vmul.f32 v21, v10;
	v20 =	vld [tilespmem:s5+$0x130]  }
0x460: {  	v21 =	vld [tilespmem:s5+$0xFFFFFE20];
	[tilespmem:s18+$0xFFFFFE90] =	vst v14;
	v14 =	vmul.f32 v18, v9  }
0x461: {  	[tilespmem:s18+$0xFFFFFF10] =	vst v17;
	v18 =	vld [tilespmem:s5+$0xFFFFFEA0];
	v17 =	vmul.f32 v19, v8  }
0x462: {  	v19 =	vld [tilespmem:s5+$0xFFFFFF20];
	[tilespmem:s18+$0xFFFFFF90] =	vst v14;
	v14 =	vmul.f32 v22, v6  }
0x463: {  	v22 =	vld [tilespmem:s5+$0xFFFFFFA0];
	[tilespmem:s18+$0x10] =	vst v17;
	v16 =	vmul.f32 v16, v12  }
0x464: {  	v17 =	vld [tilespmem:s5+$0x20];
	[tilespmem:s18+$0x90] =	vst v14;
	v14 =	vmul.f32 v20, v15  }
0x465: {  	v20 =	vmul.f32 v21, v13;
	v21 =	vld [tilespmem:s5+$0xA0];
	[tilespmem:s18+$0x190] =	vst v16  }
0x466: {  	v16 =	vmul.f32 v18, v11;
	[tilespmem:s18+$0x130] =	vst v14;
	v14 =	vld [tilespmem:s5+$0x1A0]  }
0x467: {  	v18 =	vmul.f32 v19, v10;
	[tilespmem:s18+$0xFFFFFE20] =	vst v20;
	v19 =	vld [tilespmem:s5+$0x140]  }
0x468: {  	v20 =	vld [tilespmem:s5+$0xFFFFFE30];
	[tilespmem:s18+$0xFFFFFEA0] =	vst v16;
	v16 =	vmul.f32 v22, v9  }
0x469: {  	[tilespmem:s18+$0xFFFFFF20] =	vst v18;
	v22 =	vld [tilespmem:s5+$0xFFFFFEB0];
	v17 =	vmul.f32 v17, v8  }
0x46a: {  	v18 =	vld [tilespmem:s5+$0xFFFFFF30];
	[tilespmem:s18+$0xFFFFFFA0] =	vst v16;
	v16 =	vmul.f32 v21, v6  }
0x46b: {  	v21 =	vld [tilespmem:s5+$0xFFFFFFB0];
	[tilespmem:s18+$0x20] =	vst v17;
	v14 =	vmul.f32 v14, v12  }
0x46c: {  	v17 =	vld [tilespmem:s5+$0x30];
	[tilespmem:s18+$0xA0] =	vst v16;
	v16 =	vmul.f32 v19, v15  }
0x46d: {  	v19 =	vmul.f32 v20, v13;
	v20 =	vld [tilespmem:s5+$0xB0];
	[tilespmem:s18+$0x1A0] =	vst v14  }
0x46e: {  	v14 =	vmul.f32 v22, v11;
	[tilespmem:s18+$0x140] =	vst v16;
	v16 =	vld [tilespmem:s5+$0x1B0]  }
0x46f: {  	v18 =	vmul.f32 v18, v10;
	[tilespmem:s18+$0xFFFFFE30] =	vst v19;
	v19 =	vld [tilespmem:s5+$0x150]  }
0x470: {  	v22 =	vld [tilespmem:s5+$0xFFFFFE40];
	[tilespmem:s18+$0xFFFFFEB0] =	vst v14;
	v14 =	vmul.f32 v21, v9  }
0x471: {  	[tilespmem:s18+$0xFFFFFF30] =	vst v18;
	v21 =	vld [tilespmem:s5+$0xFFFFFEC0];
	v17 =	vmul.f32 v17, v8  }
0x472: {  	v18 =	vld [tilespmem:s5+$0xFFFFFF40];
	[tilespmem:s18+$0xFFFFFFB0] =	vst v14;
	v14 =	vmul.f32 v20, v6  }
0x473: {  	v20 =	vld [tilespmem:s5+$0xFFFFFFC0];
	[tilespmem:s18+$0x30] =	vst v17;
	v16 =	vmul.f32 v16, v12  }
0x474: {  	v17 =	vld [tilespmem:s5+$0x40];
	[tilespmem:s18+$0xB0] =	vst v14;
	v14 =	vmul.f32 v19, v15  }
0x475: {  	v19 =	vmul.f32 v22, v13;
	v22 =	vld [tilespmem:s5+$0xC0];
	[tilespmem:s18+$0x1B0] =	vst v16  }
0x476: {  	v16 =	vmul.f32 v21, v11;
	[tilespmem:s18+$0x150] =	vst v14;
	v14 =	vld [tilespmem:s5+$0x1C0]  }
0x477: {  	v18 =	vmul.f32 v18, v10;
	[tilespmem:s18+$0xFFFFFE40] =	vst v19;
	v19 =	vld [tilespmem:s5+$0x160]  }
0x478: {  	v21 =	vld [tilespmem:s5+$0xFFFFFE50];
	[tilespmem:s18+$0xFFFFFEC0] =	vst v16;
	v16 =	vmul.f32 v20, v9  }
0x479: {  	[tilespmem:s18+$0xFFFFFF40] =	vst v18;
	v20 =	vld [tilespmem:s5+$0xFFFFFED0];
	v17 =	vmul.f32 v17, v8  }
0x47a: {  	v18 =	vld [tilespmem:s5+$0xFFFFFF50];
	[tilespmem:s18+$0xFFFFFFC0] =	vst v16;
	v16 =	vmul.f32 v22, v6  }
0x47b: {  	v22 =	vld [tilespmem:s5+$0xFFFFFFD0];
	[tilespmem:s18+$0x40] =	vst v17;
	v14 =	vmul.f32 v14, v12  }
0x47c: {  	v23 =	vld [tilespmem:s5+$0x50];
	[tilespmem:s18+$0xC0] =	vst v16;
	v16 =	vmul.f32 v19, v15  }
0x47d: {  	v17 =	vmul.f32 v21, v13;
	v21 =	vld [tilespmem:s5+$0xD0];
	[tilespmem:s18+$0x1C0] =	vst v14  }
0x47e: {  	v14 =	vmul.f32 v20, v11;
	[tilespmem:s18+$0x160] =	vst v16;
	v20 =	vld [tilespmem:s5+$0x1D0]  }
0x47f: {  	[tilespmem:s18+$0xFFFFFE50] =	vst v17;
	v16 =	vmul.f32 v18, v10;
	v62 =	vld [tilespmem:s5+$0x170]  }
0x480: {  	v19 =	vld [tilespmem:s5+$0xFFFFFE60];
	[tilespmem:s18+$0xFFFFFED0] =	vst v14;
	v14 =	vmul.f32 v22, v9  }
0x481: {  	v17 =	vld [tilespmem:s5+$0xFFFFFEE0];
	[tilespmem:s18+$0xFFFFFF50] =	vst v16;
	v22 =	vmul.f32 v23, v8  }
0x482: {  	v16 =	vld [tilespmem:s5+$0xFFFFFF60];
	[tilespmem:s18+$0xFFFFFFD0] =	vst v14;
	v14 =	vmul.f32 v21, v6  }
0x483: {  	v18 =	vld [tilespmem:s5+$0xFFFFFFE0];
	[tilespmem:s18+$0x50] =	vst v22;
	v21 =	vmul.f32 v20, v12  }
0x484: {  	s21 =	sadd.s32 $0x10, s2;
	s26 =	simm.s32 $0x18;
	s25 =	simm.s32 $0x1A200;
	v20 =	vld [tilespmem:s5+$0x60];
	[tilespmem:s18+$0xD0] =	vst v14;
	v14 =	vmul.f32 v62, v15  }
.LBB2_25:
0x485: {  	p4 =	slt.u32 s26, $0x48;
	v15 =	vmov s21;
	s4 =	sadd.s32 $0x1, s21;
	s19 =	sadd.s32 $0x6, s21;
	v19 =	vmul.f32 v19, v13;
	v22 =	vld [tilespmem:s5+$0xE0];
	[tilespmem:s18+$0x1D0] =	vst v21  }
0x486: {  	s31 =	sadd.s32 $0x3, s21;
	s11 =	sadd.s32 $0x4, s21;
	v15 =	vand.u32 $0xFFFFFFF8, v15;
	v21 =	vmov s4;
	s4 =	sadd.s32 $0x2, s21;
	v23 =	vmov s19;
	[tilespmem:s18+$0x170] =	vst v14;
	v24 =	vld [tilespmem:s5+$0x1E0]  }
0x487: {  	v25 =	vmov s31;
	s19 =	sadd.s32 $0x7, s21;
	v14 =	vmov s4;
	s4 =	sadd.s32 $0x5, s21;
	v23 =	vand.u32 $0xFFFFFFFE, v23;
	[tilespmem:s18+$0xFFFFFE60] =	vst v19;
	v19 =	vld [tilespmem:s20+$0xFFFFFEF0]  }
0x488: {  	v26 =	vmov s11;
	v27 =	vmov s4;
	v23 =	vbroadcast v23, $0x0;
	v28 =	vld [tilespmem:s20+$0xFFFFFF70]  }
0x489: {  	v21 =	vand.u32 $0xFFFFFFF9, v21;
	v25 =	vand.u32 $0xFFFFFFFB, v25;
	v14 =	vand.u32 $0xFFFFFFFA, v14;
	v29 =	vld [tilespmem:s20+$0xFFFFFFF0]  }
0x48a: {  	v26 =	vand.u32 $0xFFFFFFFC, v26;
	v21 =	vbroadcast v21, $0x0;
	v27 =	vand.u32 $0xFFFFFFFD, v27;
	v30 =	vld [tilespmem:s20+$0x70]  }
0x48b: {  	v32 =	vmov s19;
	v25 =	vbroadcast v25, $0x0;
	v31 =	vbroadcast v14, $0x0;
	v33 =	vld [tilespmem:s20+$0xF0]  }
0x48c: {  	v26 =	vbroadcast v26, $0x0;
	v27 =	vbroadcast v27, $0x0;
	v34 =	vld [tilespmem:s5+$0xFFFFFE70]  }
0x48d: {  	v17 =	vmul.f32 v17, v11;
	v15 =	vbroadcast v15, $0x0;
	v35 =	vld [tilespmem:s20+$0x1F0];
	s20 =	smov.u32 s5  }
0x48e: {  	v16 =	vmul.f32 v16, v10;
	v18 =	vmul.f32 v18, v9;
	s5 =	sadd.s32 $0x400, s5;
	v14 =	vld.idx.msk [tilespmem:v23+s0+$0x0], $0xffff  }
0x48f: {  	v23 =	vld [tilespmem:s5+$0x100];
	[tilespmem:s18+$0xFFFFFEE0] =	vst v17;
	v17 =	vmul.f32 v20, v8;
	v20 =	vmul.f32 v22, v6  }
0x490: {  	v19 =	vmul.f32 v19, v3;
	v3 =	vmov v11;
	[tilespmem:s18+$0xFFFFFF60] =	vst v16;
	v16 =	vmul.f32 v24, v12;
	v11 =	vld.idx.msk [tilespmem:v21+s0+$0x0], $0xffff  }
0x491: {  	v21 =	vmul.f32 v29, v5;
	[tilespmem:s18+$0xFFFFFFE0] =	vst v18;
	v18 =	vmul.f32 v28, v2;
	v2 =	vmov v10;
	v10 =	vld.idx.msk [tilespmem:v31+s0+$0x0], $0xffff  }
0x492: {  	v22 =	vmul.f32 v33, v7;
	v5 =	vmov v9;
	[tilespmem:s18+$0x60] =	vst v17;
	v17 =	vmul.f32 v30, v4;
	v9 =	vld.idx.msk [tilespmem:v25+s0+$0x0], $0xffff  }
0x493: {  	v24 =	vmul.f32 v34, v13;
	v4 =	vmov v8;
	[tilespmem:s18+$0xE0] =	vst v20;
	v20 =	vmul.f32 v35, v1;
	v8 =	vld.idx.msk [tilespmem:v26+s0+$0x0], $0xffff  }
0x494: {  	v7 =	vmov v6;
	v1 =	vmov v12;
	v23 =	vmul.f32 v23, v14;
	[tilespmem:s18+$0x1E0] =	vst v16;
	v6 =	vld.idx.msk [tilespmem:v27+s0+$0x0], $0xffff  }
0x495: {  	s18 =	sadd.s32 $0x400, s18;
	v13 =	vld.idx.msk [tilespmem:v15+s0+$0x0], $0xffff;
	[tilespmem:s3+$0xFFFFFEF0] =	vst v19  }
0x496: {  	[tilespmem:s18+$0x100] =	vst v23;
	v12 =	vld.idx.msk [tilespmem:v32+s0+$0x0], $0xffff  }
0x497: {  	v15 =	vld [tilespmem:s5+$0x110];
	[tilespmem:s3+$0xFFFFFF70] =	vst v18  }
0x498: {  	v16 =	vld [tilespmem:s5+$0xFFFFFE00];
	[tilespmem:s3+$0xFFFFFFF0] =	vst v21  }
0x499: {  	v18 =	vld [tilespmem:s5+$0xFFFFFE80];
	[tilespmem:s3+$0x70] =	vst v17  }
0x49a: {  	v17 =	vld [tilespmem:s5+$0xFFFFFF00];
	[tilespmem:s3+$0xF0] =	vst v22  }
0x49b: {  	v19 =	vld [tilespmem:s5+$0xFFFFFF80];
	[tilespmem:s25+$0xFFFFFE70] =	vst v24  }
0x49c: {  	v21 =	vld [tilespmem:s5+$0x0];
	v15 =	vmul.f32 v15, v14;
	[tilespmem:s3+$0x1F0] =	vst v20;
	s3 =	smov.u32 s25;
	s25 =	smov.u32 s18  }
0x49d: {  	v16 =	vmul.f32 v16, v13;
	v20 =	vld [tilespmem:s5+$0x80]  }
0x49e: {  	v18 =	vmul.f32 v18, v11;
	[tilespmem:s18+$0x110] =	vst v15;
	v15 =	vld [tilespmem:s5+$0x180]  }
0x49f: {  	[tilespmem:s18+$0xFFFFFE00] =	vst v16;
	v16 =	vmul.f32 v17, v10;
	v17 =	vld [tilespmem:s5+$0x120]  }
0x4a0: {  	v22 =	vld [tilespmem:s5+$0xFFFFFE10];
	[tilespmem:s18+$0xFFFFFE80] =	vst v18;
	v18 =	vmul.f32 v19, v9  }
0x4a1: {  	v19 =	vld [tilespmem:s5+$0xFFFFFE90];
	[tilespmem:s18+$0xFFFFFF00] =	vst v16;
	v16 =	vmul.f32 v21, v8  }
0x4a2: {  	v21 =	vld [tilespmem:s5+$0xFFFFFF10];
	[tilespmem:s18+$0xFFFFFF80] =	vst v18;
	v18 =	vmul.f32 v20, v6  }
0x4a3: {  	v20 =	vld [tilespmem:s5+$0xFFFFFF90];
	[tilespmem:s18+$0x0] =	vst v16;
	v15 =	vmul.f32 v15, v12  }
0x4a4: {  	v16 =	vld [tilespmem:s5+$0x10];
	[tilespmem:s18+$0x80] =	vst v18;
	v17 =	vmul.f32 v17, v14  }
0x4a5: {  	v18 =	vmul.f32 v22, v13;
	v22 =	vld [tilespmem:s5+$0x90];
	[tilespmem:s18+$0x180] =	vst v15  }
0x4a6: {  	v15 =	vmul.f32 v19, v11;
	[tilespmem:s18+$0x120] =	vst v17;
	v17 =	vld [tilespmem:s5+$0x190]  }
0x4a7: {  	[tilespmem:s18+$0xFFFFFE10] =	vst v18;
	v18 =	vmul.f32 v21, v10;
	v19 =	vld [tilespmem:s5+$0x130]  }
0x4a8: {  	v21 =	vld [tilespmem:s5+$0xFFFFFE20];
	[tilespmem:s18+$0xFFFFFE90] =	vst v15;
	v15 =	vmul.f32 v20, v9  }
0x4a9: {  	v20 =	vld [tilespmem:s5+$0xFFFFFEA0];
	[tilespmem:s18+$0xFFFFFF10] =	vst v18;
	v16 =	vmul.f32 v16, v8  }
0x4aa: {  	v18 =	vld [tilespmem:s5+$0xFFFFFF20];
	[tilespmem:s18+$0xFFFFFF90] =	vst v15;
	v15 =	vmul.f32 v22, v6  }
0x4ab: {  	v22 =	vld [tilespmem:s5+$0xFFFFFFA0];
	[tilespmem:s18+$0x10] =	vst v16;
	v16 =	vmul.f32 v17, v12  }
0x4ac: {  	v17 =	vld [tilespmem:s5+$0x20];
	[tilespmem:s18+$0x90] =	vst v15;
	v15 =	vmul.f32 v19, v14  }
0x4ad: {  	v19 =	vmul.f32 v21, v13;
	v21 =	vld [tilespmem:s5+$0xA0];
	[tilespmem:s18+$0x190] =	vst v16  }
0x4ae: {  	v16 =	vmul.f32 v20, v11;
	[tilespmem:s18+$0x130] =	vst v15;
	v15 =	vld [tilespmem:s5+$0x1A0]  }
0x4af: {  	[tilespmem:s18+$0xFFFFFE20] =	vst v19;
	v18 =	vmul.f32 v18, v10;
	v19 =	vld [tilespmem:s5+$0x140]  }
0x4b0: {  	v20 =	vld [tilespmem:s5+$0xFFFFFE30];
	[tilespmem:s18+$0xFFFFFEA0] =	vst v16;
	v16 =	vmul.f32 v22, v9  }
0x4b1: {  	v22 =	vld [tilespmem:s5+$0xFFFFFEB0];
	[tilespmem:s18+$0xFFFFFF20] =	vst v18;
	v17 =	vmul.f32 v17, v8  }
0x4b2: {  	v18 =	vld [tilespmem:s5+$0xFFFFFF30];
	[tilespmem:s18+$0xFFFFFFA0] =	vst v16;
	v16 =	vmul.f32 v21, v6  }
0x4b3: {  	v21 =	vld [tilespmem:s5+$0xFFFFFFB0];
	[tilespmem:s18+$0x20] =	vst v17;
	v15 =	vmul.f32 v15, v12  }
0x4b4: {  	v17 =	vld [tilespmem:s5+$0x30];
	[tilespmem:s18+$0xA0] =	vst v16;
	v16 =	vmul.f32 v19, v14  }
0x4b5: {  	v19 =	vmul.f32 v20, v13;
	v20 =	vld [tilespmem:s5+$0xB0];
	[tilespmem:s18+$0x1A0] =	vst v15  }
0x4b6: {  	v15 =	vmul.f32 v22, v11;
	[tilespmem:s18+$0x140] =	vst v16;
	v16 =	vld [tilespmem:s5+$0x1B0]  }
0x4b7: {  	[tilespmem:s18+$0xFFFFFE30] =	vst v19;
	v18 =	vmul.f32 v18, v10;
	v19 =	vld [tilespmem:s5+$0x150]  }
0x4b8: {  	v22 =	vld [tilespmem:s5+$0xFFFFFE40];
	[tilespmem:s18+$0xFFFFFEB0] =	vst v15;
	v15 =	vmul.f32 v21, v9  }
0x4b9: {  	v21 =	vld [tilespmem:s5+$0xFFFFFEC0];
	[tilespmem:s18+$0xFFFFFF30] =	vst v18;
	v17 =	vmul.f32 v17, v8  }
0x4ba: {  	v18 =	vld [tilespmem:s5+$0xFFFFFF40];
	[tilespmem:s18+$0xFFFFFFB0] =	vst v15;
	v15 =	vmul.f32 v20, v6  }
0x4bb: {  	v20 =	vld [tilespmem:s5+$0xFFFFFFC0];
	[tilespmem:s18+$0x30] =	vst v17;
	v16 =	vmul.f32 v16, v12  }
0x4bc: {  	v17 =	vld [tilespmem:s5+$0x40];
	[tilespmem:s18+$0xB0] =	vst v15;
	v15 =	vmul.f32 v19, v14  }
0x4bd: {  	v19 =	vmul.f32 v22, v13;
	v22 =	vld [tilespmem:s5+$0xC0];
	[tilespmem:s18+$0x1B0] =	vst v16  }
0x4be: {  	v16 =	vmul.f32 v21, v11;
	[tilespmem:s18+$0x150] =	vst v15;
	v15 =	vld [tilespmem:s5+$0x1C0]  }
0x4bf: {  	[tilespmem:s18+$0xFFFFFE40] =	vst v19;
	v18 =	vmul.f32 v18, v10;
	v19 =	vld [tilespmem:s5+$0x160]  }
0x4c0: {  	v21 =	vld [tilespmem:s5+$0xFFFFFE50];
	[tilespmem:s18+$0xFFFFFEC0] =	vst v16;
	v16 =	vmul.f32 v20, v9  }
0x4c1: {  	v20 =	vld [tilespmem:s5+$0xFFFFFED0];
	[tilespmem:s18+$0xFFFFFF40] =	vst v18;
	v17 =	vmul.f32 v17, v8  }
0x4c2: {  	v18 =	vld [tilespmem:s5+$0xFFFFFF50];
	[tilespmem:s18+$0xFFFFFFC0] =	vst v16;
	v16 =	vmul.f32 v22, v6  }
0x4c3: {  	v22 =	vld [tilespmem:s5+$0xFFFFFFD0];
	[tilespmem:s18+$0x40] =	vst v17;
	v15 =	vmul.f32 v15, v12  }
0x4c4: {  	v23 =	vld [tilespmem:s5+$0x50];
	[tilespmem:s18+$0xC0] =	vst v16;
	v16 =	vmul.f32 v19, v14  }
0x4c5: {  	v17 =	vmul.f32 v21, v13;
	v21 =	vld [tilespmem:s5+$0xD0];
	[tilespmem:s18+$0x1C0] =	vst v15  }
0x4c6: {  	v15 =	vmul.f32 v20, v11;
	[tilespmem:s18+$0x160] =	vst v16;
	v20 =	vld [tilespmem:s5+$0x1D0]  }
0x4c7: {  	[tilespmem:s18+$0xFFFFFE50] =	vst v17;
	v16 =	vmul.f32 v18, v10;
	v24 =	vld [tilespmem:s5+$0x170]  }
.Ltmp20:
0x4c8: {  	v19 =	vld [tilespmem:s5+$0xFFFFFE60];
	[tilespmem:s18+$0xFFFFFED0] =	vst v15;
	v15 =	vmul.f32 v22, v9;
	(pc) =	sbr.rel @p4 .LBB2_25-.Ltmp20, $4  }
0x4c9: {  	v17 =	vld [tilespmem:s5+$0xFFFFFEE0];
	[tilespmem:s18+$0xFFFFFF50] =	vst v16;
	v22 =	vmul.f32 v23, v8  }
0x4ca: {  	v16 =	vld [tilespmem:s5+$0xFFFFFF60];
	[tilespmem:s18+$0xFFFFFFD0] =	vst v15;
	v15 =	vmul.f32 v21, v6  }
0x4cb: {  	v18 =	vld [tilespmem:s5+$0xFFFFFFE0];
	[tilespmem:s18+$0x50] =	vst v22;
	v21 =	vmul.f32 v20, v12  }
0x4cc: {  	s21 =	sadd.s32 s2, s26;
	s26 =	sadd.s32 $0x8, s26;
	v20 =	vld [tilespmem:s5+$0x60];
	[tilespmem:s18+$0xD0] =	vst v15;
	v14 =	vmul.f32 v24, v14  }
0x4cd: {  	v22 =	vld [tilespmem:s5+$0xE0]  }
0x4ce: {  	v23 =	vld [tilespmem:s20+$0xFFFFFEF0]  }
0x4cf: {  	v25 =	vld [tilespmem:s20+$0xFFFFFF70]  }
0x4d0: {  	v27 =	vld [tilespmem:s20+$0xFFFFFFF0]  }
0x4d1: {  	s4 =	sadd.s32 $0x6, s21;
	v29 =	vld [tilespmem:s20+$0x70]  }
0x4d2: {  	s11 =	sadd.s32 $0x1, s21;
	v19 =	vmul.f32 v19, v13;
	v30 =	vld [tilespmem:s20+$0xF0];
	v15 =	vmov s4  }
0x4d3: {  	[tilespmem:s18+$0x1D0] =	vst v21;
	s19 =	sadd.s32 $0x2, s21;
	s26 =	sadd.s32 $0x4, s21;
	v33 =	vmov s21;
	v35 =	vld [tilespmem:s20+$0x1F0];
	v24 =	vmov s11;
	v15 =	vand.u32 $0xFFFFFFFE, v15  }
0x4d4: {  	v21 =	vld [tilespmem:s5+$0x1E0];
	s11 =	sadd.s32 $0x3, s21;
	v26 =	vmov s19;
	v51 =	vmov s26;
	[tilespmem:s18+$0xFFFFFE60] =	vst v19;
	v15 =	vbroadcast v15, $0x0  }
0x4d5: {  	v33 =	vand.u32 $0xFFFFFFF8, v33;
	v17 =	vmul.f32 v17, v11;
	v28 =	vmov s11;
	s11 =	sadd.s32 $0x400, s5;
	v32 =	vld [tilespmem:s5+$0xFFFFFE70]  }
0x4d6: {  	v24 =	vand.u32 $0xFFFFFFF9, v24;
	v26 =	vand.u32 $0xFFFFFFFA, v26;
	v33 =	vbroadcast v33, $0x0;
	v36 =	vld [tilespmem:s11+$0x100]  }
0x4d7: {  	s31 =	sadd.s32 $0x5, s21;
	v19 =	vand.u32 $0xFFFFFFFC, v51;
	v52 =	vmul.f32 v16, v10;
	v24 =	vbroadcast v24, $0x0;
	v61 =	vld [tilespmem:s11+$0xFFFFFE00]  }
0x4d8: {  	v31 =	vmov s31;
	[tilespmem:s18+$0x170] =	vst v14;
	v26 =	vbroadcast v26, $0x0;
	v34 =	vbroadcast v19, $0x0;
	v62 =	vld [tilespmem:s11+$0xFFFFFE80]  }
0x4d9: {  	v31 =	vand.u32 $0xFFFFFFFD, v31;
	v53 =	vmul.f32 v18, v9;
	[tilespmem:s18+$0xFFFFFEE0] =	vst v17;
	v60 =	vmul.f32 v25, v2;
	v25 =	vld [tilespmem:s11+$0xFFFFFF80]  }
0x4da: {  	v31 =	vbroadcast v31, $0x0;
	v55 =	vmul.f32 v20, v8;
	[tilespmem:s18+$0xFFFFFF60] =	vst v52;
	v19 =	vld.idx.msk [tilespmem:v15+s0+$0x0], $0xffff  }
0x4db: {  	v56 =	vmul.f32 v22, v6;
	[tilespmem:s18+$0xFFFFFFE0] =	vst v53;
	v5 =	vmul.f32 v27, v5;
	v27 =	vld [tilespmem:s11+$0x80]  }
0x4dc: {  	v28 =	vand.u32 $0xFFFFFFFB, v28;
	v59 =	vmul.f32 v23, v3;
	[tilespmem:s18+$0x60] =	vst v55;
	v3 =	vld.idx.msk [tilespmem:v33+s0+$0x0], $0xffff  }
0x4dd: {  	v28 =	vbroadcast v28, $0x0;
	[tilespmem:s18+$0xE0] =	vst v56;
	v14 =	vld.idx.msk [tilespmem:v24+s0+$0x0], $0xffff  }
0x4de: {  	[tilespmem:s3+$0xFFFFFEF0] =	vst v59;
	v15 =	vld.idx.msk [tilespmem:v26+s0+$0x0], $0xffff  }
0x4df: {  	s19 =	sadd.s32 $0x7, s21;
	[tilespmem:s3+$0xFFFFFF70] =	vst v60;
	v17 =	vld.idx.msk [tilespmem:v34+s0+$0x0], $0xffff;
	v58 =	vmul.f32 v36, v19  }
0x4e0: {  	s21 =	sadd.s32 $0x400, s18;
	v54 =	vmov s19;
	v4 =	vmul.f32 v29, v4;
	[tilespmem:s3+$0xFFFFFFF0] =	vst v5;
	v18 =	vld.idx.msk [tilespmem:v31+s0+$0x0], $0xffff  }
0x4e1: {  	v1 =	vmul.f32 v35, v1;
	v24 =	vld [tilespmem:s11+$0xFFFFFF00];
	[tilespmem:s21+$0x100] =	vst v58  }
0x4e2: {  	v7 =	vmul.f32 v30, v7;
	v57 =	vmul.f32 v21, v12;
	[tilespmem:s3+$0x70] =	vst v4;
	v21 =	vld [tilespmem:s11+$0x110]  }
0x4e3: {  	[tilespmem:s3+$0x1F0] =	vst v1;
	v16 =	vld.idx.msk [tilespmem:v28+s0+$0x0], $0xffff;
	v1 =	vmul.f32 v61, v3  }
0x4e4: {  	[tilespmem:s3+$0xF0] =	vst v7;
	v26 =	vld [tilespmem:s11+$0x0];
	v5 =	vmul.f32 v62, v14  }
0x4e5: {  	v2 =	vld.idx.msk [tilespmem:v54+s0+$0x0], $0xffff;
	v34 =	vmul.f32 v27, v18;
	[tilespmem:s21+$0xFFFFFE00] =	vst v1  }
0x4e6: {  	v28 =	vld [tilespmem:s11+$0x180];
	v1 =	vmul.f32 v24, v15;
	[tilespmem:s21+$0xFFFFFE80] =	vst v5  }
0x4e7: {  	v30 =	vld [tilespmem:s11+$0xFFFFFE10];
	[tilespmem:s21+$0x80] =	vst v34;
	v21 =	vmul.f32 v21, v19  }
0x4e8: {  	v23 =	vmul.f32 v32, v13;
	v31 =	vmul.f32 v25, v16;
	v32 =	vld [tilespmem:s11+$0xFFFFFE90];
	[tilespmem:s21+$0xFFFFFF00] =	vst v1  }
0x4e9: {  	v1 =	vmul.f32 v26, v17;
	v33 =	vld [tilespmem:s11+$0xFFFFFF10];
	[tilespmem:s21+$0x110] =	vst v21  }
0x4ea: {  	[tilespmem:s21+$0xFFFFFF80] =	vst v31;
	v29 =	vld [tilespmem:s11+$0x120]  }
0x4eb: {  	v35 =	vld [tilespmem:s11+$0xFFFFFF90];
	[tilespmem:s21+$0x0] =	vst v1;
	v1 =	vmul.f32 v28, v2  }
0x4ec: {  	[tilespmem:s18+$0x1E0] =	vst v57;
	v38 =	vld [tilespmem:s11+$0x90];
	v37 =	vmul.f32 v30, v3  }
0x4ed: {  	v36 =	vld [tilespmem:s11+$0x10];
	[tilespmem:s21+$0x180] =	vst v1;
	v1 =	vmul.f32 v32, v14  }
0x4ee: {  	v39 =	vld [tilespmem:s11+$0x190];
	[tilespmem:s21+$0xFFFFFE10] =	vst v37;
	v40 =	vmul.f32 v33, v15  }
0x4ef: {  	v42 =	vld [tilespmem:s11+$0xFFFFFE20];
	[tilespmem:s21+$0xFFFFFE90] =	vst v1;
	v4 =	vmul.f32 v29, v19  }
0x4f0: {  	v1 =	vmul.f32 v35, v16;
	v43 =	vld [tilespmem:s11+$0xFFFFFEA0];
	[tilespmem:s21+$0xFFFFFF10] =	vst v40  }
0x4f1: {  	v45 =	vld [tilespmem:s11+$0xFFFFFF20];
	[tilespmem:s21+$0x120] =	vst v4  }
0x4f2: {  	v44 =	vmul.f32 v36, v17;
	[tilespmem:s21+$0xFFFFFF90] =	vst v1;
	v41 =	vld [tilespmem:s11+$0x130]  }
0x4f3: {  	[tilespmem:s25+$0xFFFFFE70] =	vst v23;
	v1 =	vmul.f32 v38, v18;
	v46 =	vld [tilespmem:s11+$0xFFFFFFA0]  }
0x4f4: {  	[tilespmem:s21+$0x10] =	vst v44;
	v47 =	vmul.f32 v42, v3  }
0x4f5: {  	v5 =	vld [tilespmem:s11+$0x20];
	[tilespmem:s21+$0x90] =	vst v1;
	v49 =	vmul.f32 v43, v14  }
0x4f6: {  	v48 =	vld [tilespmem:s11+$0xA0];
	[tilespmem:s21+$0xFFFFFE20] =	vst v47;
	v4 =	vmul.f32 v39, v2  }
0x4f7: {  	v52 =	vld [tilespmem:s11+$0xFFFFFE30];
	[tilespmem:s21+$0xFFFFFEA0] =	vst v49;
	v1 =	vmul.f32 v41, v19  }
0x4f8: {  	v50 =	vmul.f32 v45, v15;
	v53 =	vmul.f32 v46, v16;
	v46 =	vld [tilespmem:s5+$0xFFFFFF70];
	[tilespmem:s21+$0x190] =	vst v4  }
0x4f9: {  	[tilespmem:s21+$0x130] =	vst v1;
	v1 =	vld [tilespmem:s11+$0x1A0]  }
0x4fa: {  	[tilespmem:s21+$0xFFFFFF20] =	vst v50;
	v5 =	vmul.f32 v5, v17;
	v51 =	vld [tilespmem:s11+$0x140]  }
0x4fb: {  	v7 =	vld [tilespmem:s11+$0xFFFFFF30];
	[tilespmem:s21+$0xFFFFFFA0] =	vst v53;
	v55 =	vmul.f32 v48, v18  }
0x4fc: {  	v54 =	vld [tilespmem:s11+$0xFFFFFEB0];
	[tilespmem:s21+$0x20] =	vst v5;
	v58 =	vmul.f32 v52, v3  }
0x4fd: {  	v5 =	vld [tilespmem:s11+$0x30];
	[tilespmem:s21+$0xA0] =	vst v55;
	v53 =	vmul.f32 v46, v10  }
0x4fe: {  	v56 =	vld [tilespmem:s11+$0xFFFFFFB0];
	[tilespmem:s21+$0xFFFFFE30] =	vst v58;
	v1 =	vmul.f32 v1, v2  }
0x4ff: {  	[tilespmem:s25+$0xFFFFFF70] =	vst v53;
	v62 =	vld [tilespmem:s11+$0xFFFFFE40];
	v57 =	vmul.f32 v51, v19  }
0x500: {  	v59 =	vld [tilespmem:s11+$0xB0];
	v7 =	vmul.f32 v7, v15;
	[tilespmem:s21+$0x1A0] =	vst v1  }
0x501: {  	v1 =	vmul.f32 v54, v14;
	[tilespmem:s21+$0x140] =	vst v57;
	v60 =	vld [tilespmem:s11+$0x1B0]  }
0x502: {  	[tilespmem:s21+$0xFFFFFF30] =	vst v7;
	v5 =	vmul.f32 v5, v17;
	v61 =	vld [tilespmem:s11+$0x150]  }
0x503: {  	v7 =	vld [tilespmem:s11+$0xFFFFFF40];
	[tilespmem:s21+$0xFFFFFEB0] =	vst v1;
	v1 =	vmul.f32 v56, v16  }
0x504: {  	[tilespmem:s21+$0x30] =	vst v5;
	v26 =	vmul.f32 v62, v3;
	v24 =	vld [tilespmem:s11+$0xFFFFFEC0]  }
0x505: {  	v5 =	vld [tilespmem:s11+$0x40];
	[tilespmem:s21+$0xFFFFFFB0] =	vst v1;
	v1 =	vmul.f32 v59, v18  }
0x506: {  	[tilespmem:s21+$0xFFFFFE40] =	vst v26;
	v25 =	vld [tilespmem:s11+$0xFFFFFFC0];
	v4 =	vmul.f32 v60, v2  }
0x507: {  	v20 =	vld [tilespmem:s11+$0xFFFFFE50];
	[tilespmem:s21+$0xB0] =	vst v1;
	v1 =	vmul.f32 v61, v19  }
0x508: {  	v7 =	vmul.f32 v7, v15;
	v27 =	vld [tilespmem:s11+$0xC0];
	[tilespmem:s21+$0x1B0] =	vst v4  }
0x509: {  	v28 =	vmul.f32 v24, v14;
	[tilespmem:s21+$0x150] =	vst v1;
	v1 =	vld [tilespmem:s11+$0x1C0]  }
0x50a: {  	[tilespmem:s21+$0xFFFFFF40] =	vst v7;
	v5 =	vmul.f32 v5, v17;
	v29 =	vld [tilespmem:s11+$0x160]  }
0x50b: {  	v7 =	vld [tilespmem:s11+$0xFFFFFF50];
	[tilespmem:s21+$0xFFFFFEC0] =	vst v28;
	v30 =	vmul.f32 v25, v16  }
0x50c: {  	[tilespmem:s21+$0x40] =	vst v5;
	v35 =	vmul.f32 v20, v3;
	v31 =	vld [tilespmem:s11+$0xFFFFFED0]  }
0x50d: {  	v5 =	vld [tilespmem:s11+$0x50];
	[tilespmem:s21+$0xFFFFFFC0] =	vst v30;
	v32 =	vmul.f32 v27, v18  }
0x50e: {  	[tilespmem:s21+$0xFFFFFE50] =	vst v35;
	v33 =	vld [tilespmem:s11+$0xFFFFFFD0];
	v1 =	vmul.f32 v1, v2  }
0x50f: {  	v52 =	vld [tilespmem:s5+$0x1F0];
	[tilespmem:s21+$0xC0] =	vst v32;
	v34 =	vmul.f32 v29, v19  }
0x510: {  	v7 =	vmul.f32 v7, v15;
	v36 =	vld [tilespmem:s11+$0xD0];
	[tilespmem:s21+$0x1C0] =	vst v1  }
0x511: {  	v1 =	vmul.f32 v31, v14;
	[tilespmem:s21+$0x160] =	vst v34;
	v37 =	vld [tilespmem:s11+$0x1D0]  }
0x512: {  	[tilespmem:s21+$0xFFFFFF50] =	vst v7;
	v5 =	vmul.f32 v5, v17;
	v38 =	vld [tilespmem:s11+$0x170]  }
0x513: {  	v45 =	vld [tilespmem:s5+$0xFFFFFEF0];
	[tilespmem:s21+$0xFFFFFED0] =	vst v1;
	v1 =	vmul.f32 v33, v16  }
0x514: {  	v58 =	vmul.f32 v52, v12;
	v39 =	vld [tilespmem:s11+$0xFFFFFE60];
	[tilespmem:s21+$0x50] =	vst v5  }
0x515: {  	v7 =	vld [tilespmem:s11+$0xFFFFFF60];
	[tilespmem:s21+$0xFFFFFFD0] =	vst v1;
	v1 =	vmul.f32 v36, v18  }
0x516: {  	[tilespmem:s25+$0x1F0] =	vst v58;
	v5 =	vld [tilespmem:s11+$0x60];
	v4 =	vmul.f32 v37, v2  }
0x517: {  	v40 =	vld [tilespmem:s11+$0xFFFFFEE0];
	[tilespmem:s21+$0xD0] =	vst v1;
	v1 =	vmul.f32 v38, v19  }
0x518: {  	v51 =	vmul.f32 v45, v11;
	v41 =	vld [tilespmem:s11+$0xFFFFFFE0];
	[tilespmem:s21+$0x1D0] =	vst v4  }
0x519: {  	v42 =	vmul.f32 v39, v3;
	[tilespmem:s21+$0x170] =	vst v1;
	v1 =	vld [tilespmem:s11+$0x1E0]  }
0x51a: {  	[tilespmem:s25+$0xFFFFFEF0] =	vst v51;
	v7 =	vmul.f32 v7, v15;
	v43 =	vld [tilespmem:s11+$0xE0]  }
0x51b: {  	v47 =	vld [tilespmem:s5+$0xFFFFFFF0];
	[tilespmem:s21+$0xFFFFFE60] =	vst v42;
	v5 =	vmul.f32 v5, v17  }
0x51c: {  	v49 =	vld [tilespmem:s5+$0xF0];
	[tilespmem:s21+$0xFFFFFF60] =	vst v7;
	v44 =	vmul.f32 v40, v14  }
0x51d: {  	v50 =	vld [tilespmem:s11+$0xFFFFFE70];
	[tilespmem:s21+$0x60] =	vst v5;
	v20 =	vmul.f32 v41, v16  }
0x51e: {  	v48 =	vld [tilespmem:s5+$0x70];
	[tilespmem:s21+$0xFFFFFEE0] =	vst v44;
	v1 =	vmul.f32 v1, v2  }
0x51f: {  	v55 =	vld [tilespmem:s11+$0xFFFFFF70];
	v19 =	vmul.f32 v43, v18;
	[tilespmem:s21+$0xFFFFFFE0] =	vst v20  }
0x520: {  	v57 =	vld [tilespmem:s11+$0x70];
	[tilespmem:s21+$0x1E0] =	vst v1;
	v1 =	vmul.f32 v47, v9  }
0x521: {  	v56 =	vmul.f32 v49, v6;
	v54 =	vld [tilespmem:s11+$0xFFFFFEF0];
	[tilespmem:s21+$0xE0] =	vst v19  }
0x522: {  	v3 =	vmul.f32 v50, v3;
	[tilespmem:s25+$0xFFFFFFF0] =	vst v1;
	v1 =	vld [tilespmem:s11+$0xFFFFFFF0]  }
0x523: {  	[tilespmem:s25+$0xF0] =	vst v56;
	v7 =	vmul.f32 v48, v8;
	v59 =	vld [tilespmem:s11+$0xF0]  }
0x524: {  	[tilespmem:s21+$0xFFFFFE70] =	vst v3;
	v60 =	vmul.f32 v55, v15;
	v3 =	vld [tilespmem:s11+$0x1F0]  }
0x525: {  	[tilespmem:s25+$0x70] =	vst v7;
	v61 =	vmul.f32 v57, v17  }
0x526: {  	p4 =	sne.s32 @!p2 s29, $0x1;
	[tilespmem:s21+$0xFFFFFF70] =	vst v60;
	v4 =	vmul.f32 v54, v14  }
0x527: {  	p4 =	por p2, p4;
	[tilespmem:s21+$0x70] =	vst v61;
	v1 =	vmul.f32 v1, v16  }
.Ltmp21:
0x528: {  	[tilespmem:s21+$0xFFFFFEF0] =	vst v4;
	v62 =	vmul.f32 v59, v18;
	(pc) =	sbr.rel @p4 .LBB2_28-.Ltmp21, $4  }
0x529: {  	[tilespmem:s21+$0xFFFFFFF0] =	vst v1;
	v1 =	vmul.f32 v3, v2  }
0x52a: {  	[tilespmem:s21+$0xF0] =	vst v62  }
0x52b: {  	s26 =	sadd.s32 $0x13F00, s2;
	s31 =	simm.s32 $0x19C00;
	[tilespmem:s21+$0x1F0] =	vst v1  }
0x52c: {  	[spmem:s6] =	stream.indirect.scatter.add.f32 [tilespmem:s31], [sflag:$0x3], $0x80, s26, s17, $0xb8;
	v63 =	vld [tilespmem:$0x0]  }
0x52d: {  	[tilespmem:s8], [sflag:$0x5] =	stream.linear.gather [hbm4b:s9+s7], $0x320, $0x38;
	v63 =	vld [tilespmem:$0x0]  }
0x52e: {  	_ =	swait.ge [sflag:s30], $0x320  }
0x52f: {  	[sflag:s30] =	ssyncset.done $0x0  }
0x530: {  	[sflag:s30] =	ssyncadd.s32 $0xFFFFFCE0  }
0x531: {  	[tilespmem:s10], [sflag:$0x5] =	stream.linear.gather [hbm4b:s13+s7], $0x320, $0x38;
	v63 =	vld [tilespmem:$0x0]  }
0x532: {  	_ =	swait.ge [sflag:s30], $0x320  }
0x533: {  	[sflag:s30] =	ssyncset.done $0x0  }
0x534: {  	[sflag:s30] =	ssyncadd.s32 $0xFFFFFCE0  }
0x535: {  	[tilespmem:s14], [sflag:$0x5] =	stream.linear.gather [hbm4b:s15+s7], $0x320, $0x38;
	v63 =	vld [tilespmem:$0x0]  }
0x536: {  	_ =	swait.ge [sflag:s30], $0x320  }
0x537: {  	[sflag:s30] =	ssyncset.done $0x0  }
0x538: {  	[sflag:s30] =	ssyncadd.s32 $0xFFFFFCE0  }
.LBB2_29:
0x539: {  	s2 =	sadd.s32 $0x13920, s2;
	p5 =	por $0x0, $0x0  }
.LBB2_31:
0x53a: {  	s3 =	simm.s32 $0x14C00;
	p4 =	por p5, p5  }
0x53b: {  	[tilespmem:s3], [sflag:$0x1] =	stream.indirect.gather [hbm4b:s1+s17], $0x80, s2, s17, $0xb8;
	v63 =	vld [tilespmem:$0x0]  }
.LBB2_32:
0x53c: {  	_ =	swait.ge [sflag:s23], $0x2800  }
0x53d: {  	s2 =	sadd.s32 s12, s16;
	[sflag:s23] =	ssyncset.done $0x0  }
0x53e: {  	s5 =	simm.s32 @!p3 $0x4;
	s3 =	sadd.s32 $0x0, s2;
	[sflag:s23] =	ssyncadd.s32 $0xFFFFD800  }
0x53f: {  	v1 =	vmov s3;
	s4 =	sadd.s32 $0x7, s3;
	_ =	swait.ge @!p3 [sflag:s5], $0x2800  }
0x540: {  	s18 =	simm.s32 $0x17600;
	s25 =	sadd.s32 $0x1, s3;
	v2 =	vmov s4;
	[sflag:s5] =	ssyncset.done @!p3 $0x0  }
0x541: {  	s26 =	sadd.s32 $0x2, s3;
	s12 =	sadd.s32 $0x5, s3;
	v3 =	vmov s25;
	[sflag:s5] =	ssyncadd.s32 @!p3 $0xFFFFD800  }
0x542: {  	s31 =	sadd.s32 $0x3, s3;
	v5 =	vmov s26;
	v7 =	vmov s12;
	s12 =	simm.s32 $0x17A00;
	v8 =	vld [tilespmem:s18+$0x180]  }
0x543: {  	v6 =	vmov s31;
	v26 =	vld [tilespmem:s12+$0x180]  }
0x544: {  	v9 =	vld.idx.msk [tilespmem:v1+s0+$0x0], $0xffff  }
0x545: {  	v4 =	vld.idx.msk [tilespmem:v2+s0+$0x0], $0xffff  }
0x546: {  	v2 =	vld.idx.msk [tilespmem:v3+s0+$0x0], $0xffff  }
0x547: {  	s11 =	sadd.s32 $0x4, s3;
	v13 =	vld.idx.msk [tilespmem:v5+s0+$0x0], $0xffff  }
0x548: {  	s3 =	sadd.s32 $0x6, s3;
	v1 =	vmov s11;
	v12 =	vld.idx.msk [tilespmem:v6+s0+$0x0], $0xffff  }
0x549: {  	v14 =	vmov s3;
	v10 =	vld.idx.msk [tilespmem:v7+s0+$0x0], $0xffff  }
0x54a: {  	v3 =	vld [tilespmem:s18+$0xFFFFFE00]  }
0x54b: {  	v5 =	vld [tilespmem:s18+$0xFFFFFE80]  }
0x54c: {  	v6 =	vld [tilespmem:s18+$0xFFFFFF00]  }
0x54d: {  	v11 =	vld.idx.msk [tilespmem:v1+s0+$0x0], $0xffff  }
0x54e: {  	v1 =	vld.idx.msk [tilespmem:v14+s0+$0x0], $0xffff  }
0x54f: {  	v7 =	vmul.f32 v8, v4;
	v8 =	vld [tilespmem:s18+$0xFFFFFF80]  }
0x550: {  	s3 =	simm.s32 $0x1C600;
	v14 =	vld [tilespmem:s18+$0x0]  }
0x551: {  	v3 =	vmul.f32 v3, v9;
	[tilespmem:s3+$0x180] =	vst v7;
	v7 =	vld [tilespmem:s18+$0x80]  }
0x552: {  	v5 =	vmul.f32 v5, v2;
	v15 =	vld [tilespmem:s18+$0x190]  }
0x553: {  	v6 =	vmul.f32 v6, v13;
	[tilespmem:s3+$0xFFFFFE00] =	vst v3;
	v3 =	vld [tilespmem:s18+$0x100]  }
0x554: {  	[tilespmem:s3+$0xFFFFFE80] =	vst v5;
	v16 =	vld [tilespmem:s18+$0xFFFFFE10];
	v5 =	vmul.f32 v8, v12  }
0x555: {  	[tilespmem:s3+$0xFFFFFF00] =	vst v6;
	v6 =	vmul.f32 v14, v11;
	v8 =	vld [tilespmem:s18+$0xFFFFFE90]  }
0x556: {  	v14 =	vld [tilespmem:s18+$0xFFFFFF10];
	[tilespmem:s3+$0xFFFFFF80] =	vst v5;
	v5 =	vmul.f32 v7, v10  }
0x557: {  	[tilespmem:s3+$0x0] =	vst v6;
	v7 =	vmul.f32 v15, v4;
	v15 =	vld [tilespmem:s18+$0xFFFFFF90]  }
0x558: {  	v3 =	vmul.f32 v3, v1;
	v6 =	vld [tilespmem:s18+$0x10];
	[tilespmem:s3+$0x80] =	vst v5  }
0x559: {  	v5 =	vmul.f32 v16, v9;
	[tilespmem:s3+$0x190] =	vst v7;
	v7 =	vld [tilespmem:s18+$0x90]  }
0x55a: {  	[tilespmem:s3+$0x100] =	vst v3;
	v3 =	vmul.f32 v8, v2;
	v16 =	vld [tilespmem:s18+$0x1A0]  }
0x55b: {  	v8 =	vmul.f32 v14, v13;
	[tilespmem:s3+$0xFFFFFE10] =	vst v5;
	v5 =	vld [tilespmem:s18+$0x110]  }
0x55c: {  	v14 =	vld [tilespmem:s18+$0xFFFFFE20];
	[tilespmem:s3+$0xFFFFFE90] =	vst v3;
	v3 =	vmul.f32 v15, v12  }
0x55d: {  	[tilespmem:s3+$0xFFFFFF10] =	vst v8;
	v6 =	vmul.f32 v6, v11;
	v15 =	vld [tilespmem:s18+$0xFFFFFEA0]  }
0x55e: {  	v8 =	vld [tilespmem:s18+$0xFFFFFF20];
	[tilespmem:s3+$0xFFFFFF90] =	vst v3;
	v3 =	vmul.f32 v7, v10  }
0x55f: {  	[tilespmem:s3+$0x10] =	vst v6;
	v7 =	vmul.f32 v16, v4;
	v16 =	vld [tilespmem:s18+$0xFFFFFFA0]  }
0x560: {  	v6 =	vld [tilespmem:s18+$0x20];
	v5 =	vmul.f32 v5, v1;
	[tilespmem:s3+$0x90] =	vst v3  }
0x561: {  	v3 =	vmul.f32 v14, v9;
	[tilespmem:s3+$0x1A0] =	vst v7;
	v7 =	vld [tilespmem:s18+$0xA0]  }
0x562: {  	[tilespmem:s3+$0x110] =	vst v5;
	v5 =	vmul.f32 v15, v2;
	v14 =	vld [tilespmem:s18+$0x1B0]  }
0x563: {  	v8 =	vmul.f32 v8, v13;
	[tilespmem:s3+$0xFFFFFE20] =	vst v3;
	v3 =	vld [tilespmem:s18+$0x120]  }
0x564: {  	v15 =	vld [tilespmem:s18+$0xFFFFFE30];
	[tilespmem:s3+$0xFFFFFEA0] =	vst v5;
	v5 =	vmul.f32 v16, v12  }
0x565: {  	[tilespmem:s3+$0xFFFFFF20] =	vst v8;
	v6 =	vmul.f32 v6, v11;
	v16 =	vld [tilespmem:s18+$0xFFFFFEB0]  }
0x566: {  	v8 =	vld [tilespmem:s18+$0xFFFFFF30];
	[tilespmem:s3+$0xFFFFFFA0] =	vst v5;
	v5 =	vmul.f32 v7, v10  }
0x567: {  	[tilespmem:s3+$0x20] =	vst v6;
	v7 =	vmul.f32 v14, v4;
	v14 =	vld [tilespmem:s18+$0xFFFFFFB0]  }
0x568: {  	v6 =	vld [tilespmem:s18+$0x30];
	v3 =	vmul.f32 v3, v1;
	[tilespmem:s3+$0xA0] =	vst v5  }
0x569: {  	v5 =	vmul.f32 v15, v9;
	[tilespmem:s3+$0x1B0] =	vst v7;
	v7 =	vld [tilespmem:s18+$0xB0]  }
0x56a: {  	[tilespmem:s3+$0x120] =	vst v3;
	v3 =	vmul.f32 v16, v2;
	v15 =	vld [tilespmem:s18+$0x1C0]  }
0x56b: {  	v8 =	vmul.f32 v8, v13;
	[tilespmem:s3+$0xFFFFFE30] =	vst v5;
	v5 =	vld [tilespmem:s18+$0x130]  }
0x56c: {  	v16 =	vld [tilespmem:s18+$0xFFFFFE40];
	[tilespmem:s3+$0xFFFFFEB0] =	vst v3;
	v3 =	vmul.f32 v14, v12  }
0x56d: {  	[tilespmem:s3+$0xFFFFFF30] =	vst v8;
	v6 =	vmul.f32 v6, v11;
	v14 =	vld [tilespmem:s18+$0xFFFFFEC0]  }
0x56e: {  	v8 =	vld [tilespmem:s18+$0xFFFFFF40];
	[tilespmem:s3+$0xFFFFFFB0] =	vst v3;
	v3 =	vmul.f32 v7, v10  }
0x56f: {  	[tilespmem:s3+$0x30] =	vst v6;
	v7 =	vmul.f32 v15, v4;
	v15 =	vld [tilespmem:s18+$0xFFFFFFC0]  }
0x570: {  	v6 =	vld [tilespmem:s18+$0x40];
	v5 =	vmul.f32 v5, v1;
	[tilespmem:s3+$0xB0] =	vst v3  }
0x571: {  	v3 =	vmul.f32 v16, v9;
	[tilespmem:s3+$0x1C0] =	vst v7;
	v7 =	vld [tilespmem:s18+$0xC0]  }
0x572: {  	[tilespmem:s3+$0x130] =	vst v5;
	v5 =	vmul.f32 v14, v2;
	v16 =	vld [tilespmem:s18+$0x1D0]  }
0x573: {  	v8 =	vmul.f32 v8, v13;
	[tilespmem:s3+$0xFFFFFE40] =	vst v3;
	v3 =	vld [tilespmem:s18+$0x140]  }
0x574: {  	v14 =	vld [tilespmem:s18+$0xFFFFFE50];
	[tilespmem:s3+$0xFFFFFEC0] =	vst v5;
	v5 =	vmul.f32 v15, v12  }
0x575: {  	[tilespmem:s3+$0xFFFFFF40] =	vst v8;
	v6 =	vmul.f32 v6, v11;
	v15 =	vld [tilespmem:s18+$0xFFFFFED0]  }
0x576: {  	v8 =	vld [tilespmem:s18+$0xFFFFFF50];
	[tilespmem:s3+$0xFFFFFFC0] =	vst v5;
	v5 =	vmul.f32 v7, v10  }
0x577: {  	[tilespmem:s3+$0x40] =	vst v6;
	v7 =	vmul.f32 v16, v4;
	v16 =	vld [tilespmem:s18+$0xFFFFFFD0]  }
0x578: {  	v6 =	vld [tilespmem:s18+$0x50];
	v3 =	vmul.f32 v3, v1;
	[tilespmem:s3+$0xC0] =	vst v5  }
0x579: {  	v5 =	vmul.f32 v14, v9;
	[tilespmem:s3+$0x1D0] =	vst v7;
	v7 =	vld [tilespmem:s18+$0xD0]  }
0x57a: {  	[tilespmem:s3+$0x140] =	vst v3;
	v3 =	vmul.f32 v15, v2;
	v14 =	vld [tilespmem:s18+$0x1E0]  }
0x57b: {  	v8 =	vmul.f32 v8, v13;
	[tilespmem:s3+$0xFFFFFE50] =	vst v5;
	v5 =	vld [tilespmem:s18+$0x150]  }
0x57c: {  	v15 =	vld [tilespmem:s18+$0xFFFFFE60];
	[tilespmem:s3+$0xFFFFFED0] =	vst v3;
	v3 =	vmul.f32 v16, v12  }
0x57d: {  	[tilespmem:s3+$0xFFFFFF50] =	vst v8;
	v6 =	vmul.f32 v6, v11;
	v16 =	vld [tilespmem:s18+$0xFFFFFEE0]  }
0x57e: {  	v8 =	vld [tilespmem:s18+$0xFFFFFF60];
	[tilespmem:s3+$0xFFFFFFD0] =	vst v3;
	v3 =	vmul.f32 v7, v10  }
0x57f: {  	[tilespmem:s3+$0x50] =	vst v6;
	v7 =	vmul.f32 v14, v4;
	v14 =	vld [tilespmem:s18+$0xFFFFFFE0]  }
0x580: {  	v6 =	vld [tilespmem:s18+$0x60];
	v5 =	vmul.f32 v5, v1;
	[tilespmem:s3+$0xD0] =	vst v3  }
0x581: {  	v3 =	vmul.f32 v15, v9;
	[tilespmem:s3+$0x1E0] =	vst v7;
	v7 =	vld [tilespmem:s18+$0xE0]  }
0x582: {  	s19 =	sadd.s32 $0x8, s2;
	[tilespmem:s3+$0x150] =	vst v5;
	v5 =	vmul.f32 v16, v2;
	v15 =	vld [tilespmem:s18+$0x1F0]  }
0x583: {  	s21 =	sadd.s32 $0x1, s19;
	[tilespmem:s3+$0xFFFFFE60] =	vst v3;
	v16 =	vld [tilespmem:s18+$0x160];
	v3 =	vmul.f32 v8, v13  }
0x584: {  	v8 =	vmov s21;
	v17 =	vld [tilespmem:s18+$0xFFFFFE70];
	[tilespmem:s3+$0xFFFFFEE0] =	vst v5;
	v5 =	vmul.f32 v14, v12  }
0x585: {  	v18 =	vld [tilespmem:s18+$0xFFFFFEF0];
	[tilespmem:s3+$0xFFFFFF60] =	vst v3;
	v3 =	vmul.f32 v6, v11  }
0x586: {  	s11 =	sadd.s32 $0x3, s19;
	v6 =	vmov s19;
	v19 =	vld [tilespmem:s18+$0xFFFFFF70];
	[tilespmem:s3+$0xFFFFFFE0] =	vst v5  }
0x587: {  	s31 =	sadd.s32 $0x5, s19;
	v23 =	vmov s11;
	v5 =	vmul.f32 v7, v10;
	[tilespmem:s3+$0x60] =	vst v3;
	v20 =	vld [tilespmem:s18+$0xFFFFFFF0]  }
0x588: {  	s20 =	sadd.s32 $0x7, s19;
	v25 =	vmov s31;
	v21 =	vld [tilespmem:s18+$0x70]  }
0x589: {  	s4 =	sadd.s32 $0x6, s19;
	v7 =	vmov s20;
	v8 =	vld.idx.msk [tilespmem:v8+s0+$0x0], $0xffff;
	[tilespmem:s3+$0xE0] =	vst v5  }
0x58a: {  	v27 =	vmov s4;
	v22 =	vld [tilespmem:s18+$0xF0]  }
0x58b: {  	v4 =	vmul.f32 v15, v4;
	v3 =	vld.idx.msk [tilespmem:v6+s0+$0x0], $0xffff  }
0x58c: {  	s25 =	sadd.s32 $0x2, s19;
	v6 =	vld.idx.msk [tilespmem:v23+s0+$0x0], $0xffff  }
0x58d: {  	v15 =	vmul.f32 v16, v1;
	v5 =	vmov s25;
	[tilespmem:s3+$0x1F0] =	vst v4;
	v4 =	vld.idx.msk [tilespmem:v25+s0+$0x0], $0xffff  }
0x58e: {  	s26 =	sadd.s32 $0x4, s19;
	v14 =	vld.idx.msk [tilespmem:v7+s0+$0x0], $0xffff  }
0x58f: {  	v24 =	vmov s26;
	[tilespmem:s3+$0x160] =	vst v15;
	v15 =	vmul.f32 v18, v2;
	v2 =	vld.idx.msk [tilespmem:v27+s0+$0x0], $0xffff;
	v13 =	vmul.f32 v19, v13  }
0x590: {  	v18 =	vld [tilespmem:s12+$0xFFFFFE00]  }
0x591: {  	v9 =	vmul.f32 v17, v9;
	[tilespmem:s3+$0xFFFFFF70] =	vst v13;
	v13 =	vld [tilespmem:s12+$0xFFFFFE80]  }
0x592: {  	v12 =	vmul.f32 v20, v12;
	v7 =	vld.idx.msk [tilespmem:v5+s0+$0x0], $0xffff  }
0x593: {  	[tilespmem:s3+$0xFFFFFE70] =	vst v9;
	v9 =	vmul.f32 v22, v10;
	v10 =	vld [tilespmem:s12+$0xFFFFFF80];
	v16 =	vmul.f32 v26, v14  }
0x594: {  	s5 =	simm.s32 $0x1CA00;
	v5 =	vld.idx.msk [tilespmem:v24+s0+$0x0], $0xffff;
	[tilespmem:s3+$0xFFFFFFF0] =	vst v12  }
0x595: {  	v11 =	vmul.f32 v21, v11;
	v12 =	vld [tilespmem:s12+$0xFFFFFF00];
	[tilespmem:s5+$0x180] =	vst v16  }
0x596: {  	[tilespmem:s3+$0xFFFFFEF0] =	vst v15;
	v15 =	vld [tilespmem:s12+$0x190]  }
0x597: {  	[tilespmem:s3+$0x70] =	vst v11;
	v11 =	vmul.f32 v18, v3;
	v16 =	vld [tilespmem:s12+$0x0]  }
0x598: {  	[tilespmem:s3+$0xF0] =	vst v9;
	v9 =	vld [tilespmem:s12+$0x80];
	v10 =	vmul.f32 v10, v6  }
0x599: {  	[tilespmem:s5+$0xFFFFFE00] =	vst v11;
	v11 =	vmul.f32 v13, v8;
	v13 =	vld [tilespmem:s12+$0x100]  }
0x59a: {  	v17 =	vld [tilespmem:s12+$0xFFFFFE10];
	v12 =	vmul.f32 v12, v7;
	[tilespmem:s5+$0xFFFFFF80] =	vst v10  }
0x59b: {  	[tilespmem:s5+$0xFFFFFE80] =	vst v11;
	v10 =	vld [tilespmem:s12+$0xFFFFFF90];
	v15 =	vmul.f32 v15, v14  }
0x59c: {  	[tilespmem:s5+$0xFFFFFF00] =	vst v12;
	v12 =	vmul.f32 v16, v5  }
0x59d: {  	v9 =	vmul.f32 v9, v4;
	[tilespmem:s5+$0x190] =	vst v15;
	v15 =	vld [tilespmem:s12+$0xFFFFFE90]  }
0x59e: {  	v16 =	vld [tilespmem:s12+$0xFFFFFF10];
	[tilespmem:s5+$0x0] =	vst v12;
	v12 =	vmul.f32 v13, v2  }
0x59f: {  	[tilespmem:s5+$0x80] =	vst v9;
	v13 =	vmul.f32 v17, v3;
	v11 =	vld [tilespmem:s12+$0x1A0]  }
0x5a0: {  	v9 =	vld [tilespmem:s12+$0x90];
	[tilespmem:s5+$0x100] =	vst v12;
	v10 =	vmul.f32 v10, v6  }
0x5a1: {  	v17 =	vld [tilespmem:s12+$0x10];
	[tilespmem:s5+$0xFFFFFE10] =	vst v13  }
0x5a2: {  	v13 =	vld [tilespmem:s12+$0x110];
	[tilespmem:s5+$0xFFFFFF90] =	vst v10;
	v12 =	vmul.f32 v15, v8  }
0x5a3: {  	v16 =	vmul.f32 v16, v7;
	v10 =	vld [tilespmem:s12+$0xFFFFFFA0]  }
0x5a4: {  	v15 =	vld [tilespmem:s12+$0xFFFFFE20];
	v11 =	vmul.f32 v11, v14;
	[tilespmem:s5+$0xFFFFFE90] =	vst v12  }
0x5a5: {  	v9 =	vmul.f32 v9, v4;
	[tilespmem:s5+$0xFFFFFF10] =	vst v16;
	v12 =	vld [tilespmem:s12+$0xFFFFFEA0]  }
0x5a6: {  	v16 =	vmul.f32 v17, v5;
	v17 =	vld [tilespmem:s12+$0xFFFFFF20];
	[tilespmem:s5+$0x1A0] =	vst v11  }
0x5a7: {  	[tilespmem:s5+$0x90] =	vst v9;
	v13 =	vmul.f32 v13, v2;
	v11 =	vld [tilespmem:s12+$0x1B0]  }
0x5a8: {  	v9 =	vld [tilespmem:s12+$0xA0];
	[tilespmem:s5+$0x10] =	vst v16;
	v10 =	vmul.f32 v10, v6  }
0x5a9: {  	v16 =	vld [tilespmem:s12+$0x20];
	[tilespmem:s5+$0x110] =	vst v13;
	v15 =	vmul.f32 v15, v3  }
0x5aa: {  	v13 =	vld [tilespmem:s12+$0x120];
	[tilespmem:s5+$0xFFFFFFA0] =	vst v10;
	v12 =	vmul.f32 v12, v8  }
0x5ab: {  	v17 =	vmul.f32 v17, v7;
	[tilespmem:s5+$0xFFFFFE20] =	vst v15;
	v10 =	vld [tilespmem:s12+$0xFFFFFFB0]  }
0x5ac: {  	v15 =	vld [tilespmem:s12+$0xFFFFFE30];
	v11 =	vmul.f32 v11, v14;
	[tilespmem:s5+$0xFFFFFEA0] =	vst v12  }
0x5ad: {  	v9 =	vmul.f32 v9, v4;
	[tilespmem:s5+$0xFFFFFF20] =	vst v17;
	v12 =	vld [tilespmem:s12+$0xFFFFFEB0]  }
0x5ae: {  	v16 =	vmul.f32 v16, v5;
	v17 =	vld [tilespmem:s12+$0xFFFFFF30];
	[tilespmem:s5+$0x1B0] =	vst v11  }
0x5af: {  	[tilespmem:s5+$0xA0] =	vst v9;
	v13 =	vmul.f32 v13, v2;
	v11 =	vld [tilespmem:s12+$0x1C0]  }
0x5b0: {  	v9 =	vld [tilespmem:s12+$0xB0];
	[tilespmem:s5+$0x20] =	vst v16;
	v10 =	vmul.f32 v10, v6  }
0x5b1: {  	v16 =	vld [tilespmem:s12+$0x30];
	[tilespmem:s5+$0x120] =	vst v13;
	v15 =	vmul.f32 v15, v3  }
0x5b2: {  	v13 =	vld [tilespmem:s12+$0x130];
	[tilespmem:s5+$0xFFFFFFB0] =	vst v10;
	v12 =	vmul.f32 v12, v8  }
0x5b3: {  	v17 =	vmul.f32 v17, v7;
	[tilespmem:s5+$0xFFFFFE30] =	vst v15;
	v10 =	vld [tilespmem:s12+$0xFFFFFFC0]  }
0x5b4: {  	v15 =	vld [tilespmem:s12+$0xFFFFFE40];
	v11 =	vmul.f32 v11, v14;
	[tilespmem:s5+$0xFFFFFEB0] =	vst v12  }
0x5b5: {  	v9 =	vmul.f32 v9, v4;
	[tilespmem:s5+$0xFFFFFF30] =	vst v17;
	v12 =	vld [tilespmem:s12+$0xFFFFFEC0]  }
0x5b6: {  	v16 =	vmul.f32 v16, v5;
	v17 =	vld [tilespmem:s12+$0xFFFFFF40];
	[tilespmem:s5+$0x1C0] =	vst v11  }
0x5b7: {  	[tilespmem:s5+$0xB0] =	vst v9;
	v13 =	vmul.f32 v13, v2;
	v11 =	vld [tilespmem:s12+$0x1D0]  }
0x5b8: {  	v9 =	vld [tilespmem:s12+$0xC0];
	[tilespmem:s5+$0x30] =	vst v16;
	v10 =	vmul.f32 v10, v6  }
0x5b9: {  	v16 =	vld [tilespmem:s12+$0x40];
	[tilespmem:s5+$0x130] =	vst v13;
	v15 =	vmul.f32 v15, v3  }
0x5ba: {  	v13 =	vld [tilespmem:s12+$0x140];
	[tilespmem:s5+$0xFFFFFFC0] =	vst v10;
	v12 =	vmul.f32 v12, v8  }
0x5bb: {  	v17 =	vmul.f32 v17, v7;
	[tilespmem:s5+$0xFFFFFE40] =	vst v15;
	v10 =	vld [tilespmem:s12+$0xFFFFFFD0]  }
0x5bc: {  	v15 =	vld [tilespmem:s12+$0xFFFFFE50];
	v11 =	vmul.f32 v11, v14;
	[tilespmem:s5+$0xFFFFFEC0] =	vst v12  }
0x5bd: {  	v9 =	vmul.f32 v9, v4;
	[tilespmem:s5+$0xFFFFFF40] =	vst v17;
	v12 =	vld [tilespmem:s12+$0xFFFFFED0]  }
0x5be: {  	v16 =	vmul.f32 v16, v5;
	v17 =	vld [tilespmem:s12+$0xFFFFFF50];
	[tilespmem:s5+$0x1D0] =	vst v11  }
0x5bf: {  	[tilespmem:s5+$0xC0] =	vst v9;
	v11 =	vld [tilespmem:s12+$0x1E0]  }
0x5c0: {  	v9 =	vld [tilespmem:s12+$0xD0];
	[tilespmem:s5+$0x40] =	vst v16;
	v13 =	vmul.f32 v13, v2  }
0x5c1: {  	v16 =	vld [tilespmem:s12+$0x50];
	v15 =	vmul.f32 v15, v3  }
0x5c2: {  	[tilespmem:s5+$0x140] =	vst v13;
	v12 =	vmul.f32 v12, v8  }
0x5c3: {  	v13 =	vld [tilespmem:s12+$0x150];
	v17 =	vmul.f32 v17, v7;
	[tilespmem:s5+$0xFFFFFE50] =	vst v15  }
0x5c4: {  	v15 =	vld [tilespmem:s12+$0xFFFFFE60];
	v11 =	vmul.f32 v11, v14;
	[tilespmem:s5+$0xFFFFFED0] =	vst v12  }
0x5c5: {  	v10 =	vmul.f32 v10, v6;
	[tilespmem:s5+$0xFFFFFF50] =	vst v17;
	v18 =	vld [tilespmem:s12+$0xFFFFFEE0]  }
0x5c6: {  	v9 =	vmul.f32 v9, v4;
	[tilespmem:s5+$0x1E0] =	vst v11;
	v11 =	vmul.f32 v16, v5;
	v16 =	vld [tilespmem:s12+$0xFFFFFF60]  }
0x5c7: {  	[tilespmem:s5+$0xFFFFFFD0] =	vst v10;
	v12 =	vld [tilespmem:s12+$0x1F0]  }
0x5c8: {  	[tilespmem:s5+$0xD0] =	vst v9;
	v10 =	vmul.f32 v13, v2  }
0x5c9: {  	v17 =	vld [tilespmem:s12+$0xFFFFFFE0];
	[tilespmem:s5+$0x50] =	vst v11;
	v13 =	vmul.f32 v15, v3  }
0x5ca: {  	[tilespmem:s5+$0x150] =	vst v10;
	v19 =	vld [tilespmem:s12+$0x60]  }
0x5cb: {  	v11 =	vld [tilespmem:s12+$0xE0];
	[tilespmem:s5+$0xFFFFFE60] =	vst v13;
	v13 =	vmul.f32 v16, v7  }
0x5cc: {  	v10 =	vld [tilespmem:s12+$0x160];
	v9 =	vmul.f32 v12, v14;
	v12 =	vmul.f32 v18, v8  }
0x5cd: {  	v15 =	vld [tilespmem:s18+$0x170];
	[tilespmem:s5+$0xFFFFFF60] =	vst v13  }
0x5ce: {  	v14 =	vld [tilespmem:s12+$0xFFFFFE70];
	[tilespmem:s5+$0xFFFFFEE0] =	vst v12;
	v12 =	vmul.f32 v17, v6  }
0x5cf: {  	s21 =	sadd.s32 $0x10, s2;
	s20 =	simm.s32 $0x18;
	s18 =	simm.s32 $0x17A00;
	[tilespmem:s5+$0x1F0] =	vst v9;
	v9 =	vmul.f32 v19, v5;
	v16 =	vld [tilespmem:s12+$0xFFFFFEF0]  }
.LBB2_33:
0x5d0: {  	p3 =	slt.u32 s20, $0x48;
	v13 =	vmov s21;
	s4 =	sadd.s32 $0x1, s21;
	s11 =	sadd.s32 $0x7, s21;
	v17 =	vld [tilespmem:s12+$0xFFFFFF70];
	[tilespmem:s5+$0xFFFFFFE0] =	vst v12;
	v11 =	vmul.f32 v11, v4  }
0x5d1: {  	s19 =	sadd.s32 $0x3, s21;
	s25 =	sadd.s32 $0x4, s21;
	v12 =	vmov s4;
	s4 =	sadd.s32 $0x2, s21;
	v18 =	vmov s11;
	v19 =	vld [tilespmem:s12+$0xFFFFFFF0];
	[tilespmem:s5+$0x60] =	vst v9;
	v9 =	vmul.f32 v10, v2  }
0x5d2: {  	v20 =	vmov s19;
	v21 =	vmov s25;
	s11 =	sadd.s32 $0x6, s21;
	v10 =	vmov s4;
	s4 =	sadd.s32 $0x5, s21;
	[tilespmem:s5+$0xE0] =	vst v11  }
0x5d3: {  	v22 =	vmov s11;
	v11 =	vmov s4;
	v23 =	vld [tilespmem:s12+$0x70];
	[tilespmem:s5+$0x160] =	vst v9;
	v9 =	vmul.f32 v15, v1;
	v1 =	vmovc v2  }
0x5d4: {  	v2 =	vmul.f32 v14, v3;
	v8 =	vmul.f32 v16, v8;
	v14 =	vld [tilespmem:s12+$0xF0]  }
0x5d5: {  	v3 =	vld.idx.msk [tilespmem:v13+s0+$0x0], $0xffff;
	v7 =	vmul.f32 v17, v7;
	[tilespmem:s3+$0x170] =	vst v9;
	s3 =	smov.u32 s5  }
0x5d6: {  	s12 =	sadd.s32 $0x400, s12;
	v9 =	vld.idx.msk [tilespmem:v18+s0+$0x0], $0xffff;
	[tilespmem:s5+$0xFFFFFEF0] =	vst v8;
	v6 =	vmul.f32 v19, v6  }
0x5d7: {  	v13 =	vld [tilespmem:s12+$0x180];
	[tilespmem:s5+$0xFFFFFF70] =	vst v7  }
0x5d8: {  	v8 =	vld.idx.msk [tilespmem:v12+s0+$0x0], $0xffff;
	[tilespmem:s5+$0xFFFFFFF0] =	vst v6;
	v5 =	vmul.f32 v23, v5  }
0x5d9: {  	v7 =	vld.idx.msk [tilespmem:v10+s0+$0x0], $0xffff;
	[tilespmem:s5+$0xFFFFFE70] =	vst v2;
	v2 =	vmul.f32 v14, v4  }
0x5da: {  	v6 =	vld.idx.msk [tilespmem:v20+s0+$0x0], $0xffff;
	[tilespmem:s5+$0x70] =	vst v5  }
0x5db: {  	v5 =	vld.idx.msk [tilespmem:v21+s0+$0x0], $0xffff;
	[tilespmem:s5+$0xF0] =	vst v2  }
0x5dc: {  	v4 =	vld.idx.msk [tilespmem:v11+s0+$0x0], $0xffff;
	v10 =	vmul.f32 v13, v9  }
0x5dd: {  	s5 =	sadd.s32 $0x400, s5;
	v2 =	vld.idx.msk [tilespmem:v22+s0+$0x0], $0xffff  }
0x5de: {  	v11 =	vld [tilespmem:s12+$0xFFFFFE00];
	[tilespmem:s5+$0x180] =	vst v10  }
0x5df: {  	v10 =	vld [tilespmem:s12+$0x190]  }
0x5e0: {  	v12 =	vld [tilespmem:s12+$0xFFFFFE80]  }
0x5e1: {  	v13 =	vld [tilespmem:s12+$0xFFFFFF00]  }
0x5e2: {  	v14 =	vld [tilespmem:s12+$0xFFFFFF80]  }
0x5e3: {  	v11 =	vmul.f32 v11, v3;
	v15 =	vld [tilespmem:s12+$0x0]  }
0x5e4: {  	v16 =	vld [tilespmem:s12+$0x80];
	v10 =	vmul.f32 v10, v9  }
0x5e5: {  	[tilespmem:s5+$0xFFFFFE00] =	vst v11;
	v11 =	vmul.f32 v12, v8;
	v12 =	vld [tilespmem:s12+$0x100]  }
0x5e6: {  	v17 =	vld [tilespmem:s12+$0xFFFFFE10];
	v13 =	vmul.f32 v13, v7;
	[tilespmem:s5+$0x190] =	vst v10  }
0x5e7: {  	[tilespmem:s5+$0xFFFFFE80] =	vst v11;
	v10 =	vmul.f32 v14, v6;
	v11 =	vld [tilespmem:s12+$0x1A0]  }
0x5e8: {  	v14 =	vld [tilespmem:s12+$0xFFFFFE90];
	[tilespmem:s5+$0xFFFFFF00] =	vst v13;
	v13 =	vmul.f32 v15, v5  }
0x5e9: {  	v15 =	vld [tilespmem:s12+$0xFFFFFF10];
	[tilespmem:s5+$0xFFFFFF80] =	vst v10;
	v10 =	vmul.f32 v16, v4  }
0x5ea: {  	v16 =	vld [tilespmem:s12+$0xFFFFFF90];
	[tilespmem:s5+$0x0] =	vst v13;
	v12 =	vmul.f32 v12, v2  }
0x5eb: {  	v13 =	vmul.f32 v17, v3;
	v17 =	vld [tilespmem:s12+$0x10];
	[tilespmem:s5+$0x80] =	vst v10  }
0x5ec: {  	v10 =	vld [tilespmem:s12+$0x90];
	[tilespmem:s5+$0x100] =	vst v12;
	v11 =	vmul.f32 v11, v9  }
0x5ed: {  	[tilespmem:s5+$0xFFFFFE10] =	vst v13;
	v12 =	vmul.f32 v14, v8;
	v13 =	vld [tilespmem:s12+$0x110]  }
0x5ee: {  	v14 =	vld [tilespmem:s12+$0xFFFFFE20];
	v15 =	vmul.f32 v15, v7;
	[tilespmem:s5+$0x1A0] =	vst v11  }
0x5ef: {  	[tilespmem:s5+$0xFFFFFE90] =	vst v12;
	v11 =	vmul.f32 v16, v6;
	v12 =	vld [tilespmem:s12+$0x1B0]  }
0x5f0: {  	v16 =	vld [tilespmem:s12+$0xFFFFFEA0];
	[tilespmem:s5+$0xFFFFFF10] =	vst v15;
	v15 =	vmul.f32 v17, v5  }
0x5f1: {  	v17 =	vld [tilespmem:s12+$0xFFFFFF20];
	[tilespmem:s5+$0xFFFFFF90] =	vst v11;
	v10 =	vmul.f32 v10, v4  }
0x5f2: {  	v11 =	vld [tilespmem:s12+$0xFFFFFFA0];
	[tilespmem:s5+$0x10] =	vst v15;
	v13 =	vmul.f32 v13, v2  }
0x5f3: {  	v14 =	vmul.f32 v14, v3;
	v15 =	vld [tilespmem:s12+$0x20];
	[tilespmem:s5+$0x90] =	vst v10  }
0x5f4: {  	v10 =	vld [tilespmem:s12+$0xA0];
	[tilespmem:s5+$0x110] =	vst v13;
	v12 =	vmul.f32 v12, v9  }
0x5f5: {  	[tilespmem:s5+$0xFFFFFE20] =	vst v14;
	v13 =	vmul.f32 v16, v8;
	v14 =	vld [tilespmem:s12+$0x120]  }
0x5f6: {  	v16 =	vld [tilespmem:s12+$0xFFFFFE30];
	v17 =	vmul.f32 v17, v7;
	[tilespmem:s5+$0x1B0] =	vst v12  }
0x5f7: {  	[tilespmem:s5+$0xFFFFFEA0] =	vst v13;
	v11 =	vmul.f32 v11, v6;
	v12 =	vld [tilespmem:s12+$0x1C0]  }
0x5f8: {  	v13 =	vld [tilespmem:s12+$0xFFFFFEB0];
	[tilespmem:s5+$0xFFFFFF20] =	vst v17;
	v15 =	vmul.f32 v15, v5  }
0x5f9: {  	v17 =	vld [tilespmem:s12+$0xFFFFFF30];
	[tilespmem:s5+$0xFFFFFFA0] =	vst v11;
	v10 =	vmul.f32 v10, v4  }
0x5fa: {  	v11 =	vld [tilespmem:s12+$0xFFFFFFB0];
	[tilespmem:s5+$0x20] =	vst v15;
	v14 =	vmul.f32 v14, v2  }
0x5fb: {  	v15 =	vmul.f32 v16, v3;
	v16 =	vld [tilespmem:s12+$0x30];
	[tilespmem:s5+$0xA0] =	vst v10  }
0x5fc: {  	v10 =	vld [tilespmem:s12+$0xB0];
	[tilespmem:s5+$0x120] =	vst v14;
	v12 =	vmul.f32 v12, v9  }
0x5fd: {  	[tilespmem:s5+$0xFFFFFE30] =	vst v15;
	v13 =	vmul.f32 v13, v8;
	v14 =	vld [tilespmem:s12+$0x130]  }
0x5fe: {  	v15 =	vld [tilespmem:s12+$0xFFFFFE40];
	v17 =	vmul.f32 v17, v7;
	[tilespmem:s5+$0x1C0] =	vst v12  }
0x5ff: {  	[tilespmem:s5+$0xFFFFFEB0] =	vst v13;
	v11 =	vmul.f32 v11, v6;
	v12 =	vld [tilespmem:s12+$0x1D0]  }
0x600: {  	v13 =	vld [tilespmem:s12+$0xFFFFFEC0];
	[tilespmem:s5+$0xFFFFFF30] =	vst v17;
	v16 =	vmul.f32 v16, v5  }
0x601: {  	v17 =	vld [tilespmem:s12+$0xFFFFFF40];
	[tilespmem:s5+$0xFFFFFFB0] =	vst v11;
	v10 =	vmul.f32 v10, v4  }
0x602: {  	v11 =	vld [tilespmem:s12+$0xFFFFFFC0];
	[tilespmem:s5+$0x30] =	vst v16;
	v14 =	vmul.f32 v14, v2  }
0x603: {  	v15 =	vmul.f32 v15, v3;
	v16 =	vld [tilespmem:s12+$0x40];
	[tilespmem:s5+$0xB0] =	vst v10  }
0x604: {  	v10 =	vld [tilespmem:s12+$0xC0];
	[tilespmem:s5+$0x130] =	vst v14;
	v12 =	vmul.f32 v12, v9  }
0x605: {  	[tilespmem:s5+$0xFFFFFE40] =	vst v15;
	v13 =	vmul.f32 v13, v8;
	v14 =	vld [tilespmem:s12+$0x140]  }
0x606: {  	v15 =	vld [tilespmem:s12+$0xFFFFFE50];
	v17 =	vmul.f32 v17, v7;
	[tilespmem:s5+$0x1D0] =	vst v12  }
0x607: {  	[tilespmem:s5+$0xFFFFFEC0] =	vst v13;
	v11 =	vmul.f32 v11, v6;
	v12 =	vld [tilespmem:s12+$0x1E0]  }
0x608: {  	v13 =	vld [tilespmem:s12+$0xFFFFFED0];
	[tilespmem:s5+$0xFFFFFF40] =	vst v17;
	v16 =	vmul.f32 v16, v5  }
0x609: {  	v17 =	vld [tilespmem:s12+$0xFFFFFF50];
	[tilespmem:s5+$0xFFFFFFC0] =	vst v11;
	v10 =	vmul.f32 v10, v4  }
0x60a: {  	v11 =	vld [tilespmem:s12+$0xFFFFFFD0];
	[tilespmem:s5+$0x40] =	vst v16;
	v14 =	vmul.f32 v14, v2  }
0x60b: {  	v15 =	vmul.f32 v15, v3;
	v16 =	vld [tilespmem:s12+$0x50];
	[tilespmem:s5+$0xC0] =	vst v10  }
0x60c: {  	v10 =	vld [tilespmem:s12+$0xD0];
	[tilespmem:s5+$0x140] =	vst v14;
	v12 =	vmul.f32 v12, v9  }
0x60d: {  	[tilespmem:s5+$0xFFFFFE50] =	vst v15;
	v13 =	vmul.f32 v13, v8;
	v14 =	vld [tilespmem:s12+$0x150]  }
0x60e: {  	v15 =	vld [tilespmem:s12+$0xFFFFFE60];
	v17 =	vmul.f32 v17, v7;
	[tilespmem:s5+$0x1E0] =	vst v12  }
0x60f: {  	[tilespmem:s5+$0xFFFFFED0] =	vst v13;
	v11 =	vmul.f32 v11, v6;
	v12 =	vld [tilespmem:s12+$0x1F0]  }
0x610: {  	v13 =	vld [tilespmem:s12+$0xFFFFFEE0];
	[tilespmem:s5+$0xFFFFFF50] =	vst v17;
	v16 =	vmul.f32 v16, v5  }
0x611: {  	v17 =	vld [tilespmem:s12+$0xFFFFFF60];
	[tilespmem:s5+$0xFFFFFFD0] =	vst v11;
	v10 =	vmul.f32 v10, v4  }
0x612: {  	v18 =	vld [tilespmem:s12+$0xFFFFFFE0];
	[tilespmem:s5+$0x50] =	vst v16;
	v14 =	vmul.f32 v14, v2  }
0x613: {  	v15 =	vmul.f32 v15, v3;
	v19 =	vld [tilespmem:s12+$0x60];
	[tilespmem:s5+$0xD0] =	vst v10  }
.Ltmp22:
0x614: {  	v11 =	vld [tilespmem:s12+$0xE0];
	[tilespmem:s5+$0x150] =	vst v14;
	v9 =	vmul.f32 v12, v9;
	(pc) =	sbr.rel @p3 .LBB2_33-.Ltmp22, $4  }
0x615: {  	[tilespmem:s5+$0xFFFFFE60] =	vst v15;
	v12 =	vmul.f32 v13, v8;
	v10 =	vld [tilespmem:s12+$0x160]  }
0x616: {  	v13 =	vmul.f32 v17, v7;
	[tilespmem:s5+$0x1F0] =	vst v9;
	v15 =	vld [tilespmem:s18+$0x170];
	s18 =	smov.u32 s12  }
0x617: {  	v14 =	vld [tilespmem:s12+$0xFFFFFE70];
	[tilespmem:s5+$0xFFFFFEE0] =	vst v12;
	v12 =	vmul.f32 v18, v6  }
0x618: {  	s21 =	sadd.s32 s2, s20;
	s20 =	sadd.s32 $0x8, s20;
	v16 =	vld [tilespmem:s12+$0xFFFFFEF0];
	[tilespmem:s5+$0xFFFFFF60] =	vst v13;
	v9 =	vmul.f32 v19, v5  }
0x619: {  	v17 =	vld [tilespmem:s12+$0xFFFFFF70];
	[tilespmem:s5+$0xFFFFFFE0] =	vst v12  }
0x61a: {  	s20 =	sadd.s32 $0x400, s12;
	v18 =	vld [tilespmem:s12+$0xFFFFFFF0]  }
0x61b: {  	v25 =	vld [tilespmem:s20+$0x180]  }
0x61c: {  	v48 =	vld [tilespmem:s20+$0xFFFFFE00]  }
0x61d: {  	v50 =	vld [tilespmem:s20+$0xFFFFFE80]  }
0x61e: {  	v51 =	vld [tilespmem:s20+$0xFFFFFF00]  }
0x61f: {  	v13 =	vmov s21;
	s4 =	sadd.s32 $0x7, s21;
	v52 =	vld [tilespmem:s20+$0xFFFFFF80]  }
0x620: {  	v11 =	vmul.f32 v11, v4;
	s25 =	sadd.s32 $0x1, s21;
	v45 =	vmov s4;
	v55 =	vld [tilespmem:s20+$0x0]  }
0x621: {  	s26 =	sadd.s32 $0x2, s21;
	[tilespmem:s5+$0x60] =	vst v9;
	v19 =	vmov s25;
	v57 =	vld [tilespmem:s20+$0x100]  }
0x622: {  	s11 =	sadd.s32 $0x3, s21;
	v46 =	vmov s26;
	v47 =	vmul.f32 v10, v2;
	[tilespmem:s5+$0xE0] =	vst v11;
	v20 =	vld [tilespmem:s12+$0x70]  }
0x623: {  	s31 =	sadd.s32 $0x4, s21;
	v22 =	vmov s11;
	v15 =	vmul.f32 v15, v1;
	v21 =	vld [tilespmem:s12+$0xF0]  }
0x624: {  	s19 =	sadd.s32 $0x5, s21;
	v23 =	vmov s31;
	[tilespmem:s5+$0x160] =	vst v47;
	v3 =	vmul.f32 v14, v3;
	v9 =	vld.idx.msk [tilespmem:v13+s0+$0x0], $0xffff  }
0x625: {  	s21 =	sadd.s32 $0x6, s21;
	v24 =	vmov s19;
	v16 =	vmul.f32 v16, v8;
	[tilespmem:s3+$0x170] =	vst v15;
	v13 =	vld.idx.msk [tilespmem:v45+s0+$0x0], $0xffff  }
0x626: {  	v26 =	vmov s21;
	v17 =	vmul.f32 v17, v7;
	[tilespmem:s5+$0xFFFFFE70] =	vst v3;
	v12 =	vld.idx.msk [tilespmem:v19+s0+$0x0], $0xffff  }
0x627: {  	v11 =	vld.idx.msk [tilespmem:v46+s0+$0x0], $0xffff;
	[tilespmem:s5+$0xFFFFFEF0] =	vst v16;
	v6 =	vmul.f32 v18, v6  }
0x628: {  	v10 =	vld.idx.msk [tilespmem:v22+s0+$0x0], $0xffff;
	[tilespmem:s5+$0xFFFFFF70] =	vst v17;
	v5 =	vmul.f32 v20, v5  }
0x629: {  	v1 =	vld.idx.msk [tilespmem:v23+s0+$0x0], $0xffff;
	[tilespmem:s5+$0xFFFFFFF0] =	vst v6;
	v3 =	vmul.f32 v21, v4  }
0x62a: {  	v8 =	vld.idx.msk [tilespmem:v24+s0+$0x0], $0xffff;
	[tilespmem:s5+$0x70] =	vst v5;
	v54 =	vmul.f32 v48, v9  }
0x62b: {  	s25 =	sadd.s32 $0x400, s5;
	v7 =	vld.idx.msk [tilespmem:v26+s0+$0x0], $0xffff;
	[tilespmem:s5+$0xF0] =	vst v3;
	v49 =	vmul.f32 v25, v13  }
0x62c: {  	v3 =	vld [tilespmem:s20+$0x80];
	v56 =	vmul.f32 v50, v12;
	[tilespmem:s25+$0xFFFFFE00] =	vst v54  }
0x62d: {  	v6 =	vmul.f32 v51, v11;
	[tilespmem:s25+$0x180] =	vst v49;
	v58 =	vld [tilespmem:s20+$0xFFFFFE10]  }
0x62e: {  	v14 =	vmul.f32 v52, v10;
	[tilespmem:s25+$0xFFFFFE80] =	vst v56;
	v53 =	vld [tilespmem:s20+$0x190]  }
0x62f: {  	v59 =	vmul.f32 v55, v1;
	[tilespmem:s25+$0xFFFFFF00] =	vst v6;
	v16 =	vld [tilespmem:s20+$0xFFFFFE90]  }
0x630: {  	v5 =	vmul.f32 v57, v7;
	[tilespmem:s25+$0xFFFFFF80] =	vst v14;
	v60 =	vld [tilespmem:s20+$0xFFFFFF10]  }
0x631: {  	[tilespmem:s25+$0x0] =	vst v59;
	v61 =	vld [tilespmem:s20+$0xFFFFFF90];
	v3 =	vmul.f32 v3, v8  }
0x632: {  	[tilespmem:s25+$0x100] =	vst v5;
	v21 =	vld [tilespmem:s20+$0x10];
	v20 =	vmul.f32 v58, v9  }
0x633: {  	v23 =	vld [tilespmem:s20+$0x110];
	[tilespmem:s25+$0x80] =	vst v3;
	v4 =	vmul.f32 v53, v13  }
0x634: {  	v3 =	vld [tilespmem:s20+$0x90];
	v22 =	vmul.f32 v16, v12;
	[tilespmem:s25+$0xFFFFFE10] =	vst v20  }
0x635: {  	v58 =	vld [tilespmem:s18+$0x170];
	v15 =	vmul.f32 v60, v11;
	[tilespmem:s25+$0x190] =	vst v4  }
0x636: {  	[tilespmem:s25+$0xFFFFFE90] =	vst v22;
	v4 =	vmul.f32 v61, v10;
	v62 =	vld [tilespmem:s20+$0x1A0]  }
0x637: {  	v27 =	vmul.f32 v21, v1;
	[tilespmem:s25+$0xFFFFFF10] =	vst v15;
	v26 =	vld [tilespmem:s20+$0xFFFFFEA0]  }
0x638: {  	v6 =	vmul.f32 v23, v7;
	v28 =	vld [tilespmem:s20+$0xFFFFFF20];
	[tilespmem:s25+$0xFFFFFF90] =	vst v4  }
0x639: {  	[tilespmem:s25+$0x10] =	vst v27;
	v3 =	vmul.f32 v3, v8;
	v4 =	vld [tilespmem:s20+$0xFFFFFFA0]  }
0x63a: {  	v24 =	vld [tilespmem:s20+$0xFFFFFE20];
	[tilespmem:s25+$0x110] =	vst v6;
	v2 =	vmul.f32 v58, v2  }
0x63b: {  	v30 =	vld [tilespmem:s20+$0x20];
	[tilespmem:s25+$0x90] =	vst v3;
	v25 =	vmul.f32 v62, v13  }
0x63c: {  	[tilespmem:s5+$0x170] =	vst v2;
	v3 =	vld [tilespmem:s20+$0xA0];
	v31 =	vmul.f32 v26, v12  }
0x63d: {  	v32 =	vld [tilespmem:s20+$0x120];
	v33 =	vmul.f32 v28, v11;
	[tilespmem:s25+$0x1A0] =	vst v25  }
0x63e: {  	[tilespmem:s25+$0xFFFFFEA0] =	vst v31;
	v4 =	vmul.f32 v4, v10;
	v5 =	vld [tilespmem:s20+$0x1B0]  }
0x63f: {  	v29 =	vmul.f32 v24, v9;
	[tilespmem:s25+$0xFFFFFF20] =	vst v33;
	v6 =	vld [tilespmem:s20+$0xFFFFFEB0]  }
0x640: {  	v35 =	vmul.f32 v30, v1;
	v36 =	vld [tilespmem:s20+$0xFFFFFF30];
	[tilespmem:s25+$0xFFFFFFA0] =	vst v4  }
0x641: {  	[tilespmem:s25+$0xFFFFFE20] =	vst v29;
	v3 =	vmul.f32 v3, v8;
	v4 =	vld [tilespmem:s20+$0xFFFFFFB0]  }
0x642: {  	v14 =	vmul.f32 v32, v7;
	v34 =	vld [tilespmem:s20+$0xFFFFFE30];
	[tilespmem:s25+$0x20] =	vst v35  }
0x643: {  	v38 =	vld [tilespmem:s20+$0x30];
	[tilespmem:s25+$0xA0] =	vst v3;
	v5 =	vmul.f32 v5, v13  }
0x644: {  	[tilespmem:s25+$0x120] =	vst v14;
	v3 =	vld [tilespmem:s20+$0xB0];
	v6 =	vmul.f32 v6, v12  }
0x645: {  	v14 =	vld [tilespmem:s20+$0x130];
	v39 =	vmul.f32 v36, v11;
	[tilespmem:s25+$0x1B0] =	vst v5  }
0x646: {  	[tilespmem:s25+$0xFFFFFEB0] =	vst v6;
	v4 =	vmul.f32 v4, v10;
	v5 =	vld [tilespmem:s20+$0x1C0]  }
0x647: {  	v37 =	vmul.f32 v34, v9;
	[tilespmem:s25+$0xFFFFFF30] =	vst v39;
	v6 =	vld [tilespmem:s20+$0xFFFFFEC0]  }
0x648: {  	v41 =	vmul.f32 v38, v1;
	v42 =	vld [tilespmem:s20+$0xFFFFFF40];
	[tilespmem:s25+$0xFFFFFFB0] =	vst v4  }
0x649: {  	[tilespmem:s25+$0xFFFFFE30] =	vst v37;
	v3 =	vmul.f32 v3, v8;
	v4 =	vld [tilespmem:s20+$0xFFFFFFC0]  }
0x64a: {  	v14 =	vmul.f32 v14, v7;
	v40 =	vld [tilespmem:s20+$0xFFFFFE40];
	[tilespmem:s25+$0x30] =	vst v41  }
0x64b: {  	v44 =	vld [tilespmem:s20+$0x40];
	[tilespmem:s25+$0xB0] =	vst v3;
	v5 =	vmul.f32 v5, v13  }
0x64c: {  	[tilespmem:s25+$0x130] =	vst v14;
	v3 =	vld [tilespmem:s20+$0xC0];
	v6 =	vmul.f32 v6, v12  }
0x64d: {  	v14 =	vld [tilespmem:s20+$0x140];
	v45 =	vmul.f32 v42, v11;
	[tilespmem:s25+$0x1C0] =	vst v5  }
0x64e: {  	[tilespmem:s25+$0xFFFFFEC0] =	vst v6;
	v4 =	vmul.f32 v4, v10;
	v5 =	vld [tilespmem:s20+$0x1D0]  }
0x64f: {  	v43 =	vmul.f32 v40, v9;
	[tilespmem:s25+$0xFFFFFF40] =	vst v45;
	v6 =	vld [tilespmem:s20+$0xFFFFFED0]  }
0x650: {  	v47 =	vmul.f32 v44, v1;
	v48 =	vld [tilespmem:s20+$0xFFFFFF50];
	[tilespmem:s25+$0xFFFFFFC0] =	vst v4  }
0x651: {  	[tilespmem:s25+$0xFFFFFE40] =	vst v43;
	v3 =	vmul.f32 v3, v8;
	v4 =	vld [tilespmem:s20+$0xFFFFFFD0]  }
0x652: {  	v14 =	vmul.f32 v14, v7;
	v46 =	vld [tilespmem:s20+$0xFFFFFE50];
	[tilespmem:s25+$0x40] =	vst v47  }
0x653: {  	v50 =	vld [tilespmem:s20+$0x50];
	[tilespmem:s25+$0xC0] =	vst v3;
	v5 =	vmul.f32 v5, v13  }
0x654: {  	[tilespmem:s25+$0x140] =	vst v14;
	v3 =	vld [tilespmem:s20+$0xD0];
	v6 =	vmul.f32 v6, v12  }
0x655: {  	v14 =	vld [tilespmem:s20+$0x150];
	v51 =	vmul.f32 v48, v11;
	[tilespmem:s25+$0x1D0] =	vst v5  }
0x656: {  	[tilespmem:s25+$0xFFFFFED0] =	vst v6;
	v4 =	vmul.f32 v4, v10;
	v5 =	vld [tilespmem:s20+$0x1E0]  }
0x657: {  	v49 =	vmul.f32 v46, v9;
	[tilespmem:s25+$0xFFFFFF50] =	vst v51;
	v6 =	vld [tilespmem:s20+$0xFFFFFEE0]  }
0x658: {  	v53 =	vmul.f32 v50, v1;
	v54 =	vld [tilespmem:s20+$0xFFFFFF60];
	[tilespmem:s25+$0xFFFFFFD0] =	vst v4  }
0x659: {  	[tilespmem:s25+$0xFFFFFE50] =	vst v49;
	v3 =	vmul.f32 v3, v8;
	v4 =	vld [tilespmem:s20+$0xFFFFFFE0]  }
0x65a: {  	v14 =	vmul.f32 v14, v7;
	v52 =	vld [tilespmem:s20+$0xFFFFFE60];
	[tilespmem:s25+$0x50] =	vst v53  }
0x65b: {  	v56 =	vld [tilespmem:s20+$0x60];
	[tilespmem:s25+$0xD0] =	vst v3;
	v5 =	vmul.f32 v5, v13  }
0x65c: {  	[tilespmem:s25+$0x150] =	vst v14;
	v3 =	vld [tilespmem:s20+$0xE0];
	v6 =	vmul.f32 v6, v12  }
0x65d: {  	v14 =	vld [tilespmem:s20+$0x160];
	v57 =	vmul.f32 v54, v11;
	[tilespmem:s25+$0x1E0] =	vst v5  }
0x65e: {  	[tilespmem:s25+$0xFFFFFEE0] =	vst v6;
	v4 =	vmul.f32 v4, v10;
	v5 =	vld [tilespmem:s20+$0x1F0]  }
0x65f: {  	v55 =	vmul.f32 v52, v9;
	[tilespmem:s25+$0xFFFFFF60] =	vst v57;
	v6 =	vld [tilespmem:s20+$0xFFFFFEF0]  }
0x660: {  	v59 =	vmul.f32 v56, v1;
	v15 =	vld [tilespmem:s20+$0xFFFFFF70];
	[tilespmem:s25+$0xFFFFFFE0] =	vst v4  }
0x661: {  	[tilespmem:s25+$0xFFFFFE60] =	vst v55;
	v3 =	vmul.f32 v3, v8;
	v4 =	vld [tilespmem:s20+$0xFFFFFFF0]  }
0x662: {  	v61 =	vmul.f32 v14, v7;
	v60 =	vld [tilespmem:s20+$0xFFFFFE70];
	[tilespmem:s25+$0x60] =	vst v59  }
0x663: {  	[tilespmem:s25+$0xE0] =	vst v3;
	v3 =	vld [tilespmem:s20+$0x70];
	v5 =	vmul.f32 v5, v13  }
0x664: {  	[tilespmem:s25+$0x160] =	vst v61;
	v62 =	vld [tilespmem:s20+$0xF0];
	v6 =	vmul.f32 v6, v12  }
0x665: {  	v2 =	vld [tilespmem:s20+$0x170];
	v11 =	vmul.f32 v15, v11;
	[tilespmem:s25+$0x1F0] =	vst v5  }
0x666: {  	[tilespmem:s25+$0xFFFFFEF0] =	vst v6;
	v4 =	vmul.f32 v4, v10  }
0x667: {  	v5 =	vmul.f32 v60, v9;
	[tilespmem:s25+$0xFFFFFF70] =	vst v11  }
0x668: {  	v1 =	vmul.f32 v3, v1;
	[tilespmem:s25+$0xFFFFFFF0] =	vst v4  }
.Ltmp23:
0x669: {  	[tilespmem:s25+$0xFFFFFE70] =	vst v5;
	v3 =	vmul.f32 v62, v8;
	(pc) =	sbr.rel @!p5 .LBB2_35-.Ltmp23, $4  }
0x66a: {  	[tilespmem:s25+$0x70] =	vst v1;
	v1 =	vmul.f32 v2, v7  }
0x66b: {  	[tilespmem:s25+$0xF0] =	vst v3  }
0x66c: {  	s26 =	sadd.s32 $0x13F00, s2;
	s31 =	simm.s32 $0x1C400;
	[tilespmem:s25+$0x170] =	vst v1  }
0x66d: {  	[spmem:s6] =	stream.indirect.scatter.add.f32 [tilespmem:s31], [sflag:$0x4], $0x80, s26, s17, $0xb8;
	v63 =	vld [tilespmem:$0x0]  }
.Ltmp24:
0x66e: {  	(pc) =	sbr.rel @!p4 .LBB2_38-.Ltmp24, $4  }
.Ltmp25:
0x66f: {  	(pc) =	sbr.rel @p4 .LBB2_37-.Ltmp25, $4  }
0x670: {  	_ = 	snop  }
0x671: {  	_ = 	snop  }
0x672: {  	s2 =	sld [smem:$0x7E9]  }
0x673: {  	_ = 	snop  }
.LBB2_28:
0x674: {  	p4 =	seq.s32 s29, $0x4  }
.Ltmp26:
0x675: {  	_ = 	snop;
	(pc) =	sbr.rel @!p4 .LBB2_29-.Ltmp26, $1  }
0x676: {  	_ =	sdelay $0x3  }
.Ltmp27:
0x677: {  	(pc) =	sbr.rel @p2 .LBB2_32-.Ltmp27, $4  }
.Ltmp28:
0x678: {  	(pc) =	sbr.rel @!p2 .LBB2_31-.Ltmp28, $4  }
0x679: {  	_ = 	snop  }
0x67a: {  	_ = 	snop  }
0x67b: {  	p4 =	por $0x0, $0x0;
	p5 =	por $0x1, $0x1;
	s2 =	smov.u32 s8  }
0x67c: {  	_ = 	snop  }
.LBB2_40:
0x67d: {  	_ =	sfence.sel $0x180000  }
0x67e: {  	[bflag:$0x0] =	sbarrier.arrive $0xFFFF  }
0x67f: {  	_ =	strace $0x9000004A  }
0x680: {  	s0 =	stileid.u32;
	[bflag:$0x2] =	sbarrier.arrive $0xFFFF  }
0x681: {  	p0 =	sne.s32 s0, $0x0;
	s0 =	rddreg [dreg:$0x6]  }
0x682: {  	s0 =	sadd.s32 @!p0 $0x100000, s0  }
0x683: {  	[sflag:s0] =	ssyncadd.tile.s32 @!p0 $0x1;
	_ =	shalt  }
.Lfunc_end2:
_tile_overlayer_lowered:
.L_overlay_start_2:
0x684: {  	(tag) =	ssettag $0x2  }
0x685: {  	s0 =	rddreg [dreg:$0x0];
	s2 =	stileid.u32  }
0x686: {  	s1 =	rddreg [dreg:$0x1];
	p0 =	sne.s32 s2, $0x0  }
0x687: {  	s3 =	rddreg [dreg:$0x2];
	[bflag:$0x3] =	sbarrier.arrive $0xFFFF;
	s2 =	simm.s32 @!p0 $0x1C05  }
0x688: {  	[timem:s3], [sflag:s2] =	dma.local @!p0 [hbm:s0], s1  }
0x689: {  	s0 =	simm.s32 @!p0 $0x5  }
0x68a: {  	_ =	swait.ge @!p0 [sflag:s0], s1  }
0x68b: {  	s1 =	ssub.s32 @!p0 $0x0, s1;
	[sflag:s0] =	ssyncset.done @!p0 $0x0  }
0x68c: {  	[sflag:s0] =	ssyncadd.s32 @!p0 s1  }
0x68d: {  	[bflag:$0x3] =	sbarrier.arrive $0xFFFF  }
0x68e: {  	_ =	shalt  }

</sc_bundles>
